<compile_context>
chip_gen: v7x
topology: tpu7x:2x2x1
jax: 0.10.2.dev20260603
libtpu: 0.0.44.dev20260713+nightly
codegen_flags: <defaults>
</compile_context>

<pallas_src>
import functools

import jax
import jax.numpy as jnp
from jax import lax
from jax.experimental import pallas as pl
from jax.experimental.pallas import tpu as pltpu
from jax.experimental.pallas import tpu_sc as plsc

N = 10000
D = 128
E = 320000
NT = 16
C = 80
EPT = E // NT
NCHUNK = EPT // C
IB = 10
NB = NCHUNK // IB
RCH = N // C
ROWS_BLK = 2000


def _make_sc_agg(W, split_deg=False):
  mesh = plsc.VectorSubcoreMesh(core_axis_name="c", subcore_axis_name="s")

  DW = 16
  if split_deg:
    out_type = (jax.ShapeDtypeStruct((2 * N, W), jnp.float32),
                jax.ShapeDtypeStruct((2 * N, DW), jnp.float32))
  else:
    out_type = jax.ShapeDtypeStruct((2 * N, W), jnp.float32)

  @functools.partial(
      pl.kernel,
      mesh=mesh,
      out_type=out_type,
      scratch_types=[
          pltpu.VMEM((2, IB, C), jnp.int32),
          pltpu.VMEM((2, IB, C), jnp.int32),
          pltpu.VMEM((C, W), jnp.float32),
          pltpu.VMEM((C, W), jnp.float32),
          pltpu.VMEM_SHARED((N, W), jnp.float32),
          pltpu.SemaphoreType.DMA,
          pltpu.SemaphoreType.DMA,
          pltpu.SemaphoreType.DMA,
          pltpu.SemaphoreType.DMA,
          pltpu.SemaphoreType.DMA,
          pltpu.SemaphoreType.DMA,
          pltpu.SemaphoreType.DMA,
      ] + ([
          pltpu.VMEM((C, DW), jnp.float32),
          pltpu.VMEM_SHARED((N, DW), jnp.float32),
          pltpu.SemaphoreType.DMA,
          pltpu.SemaphoreType.DMA,
      ] if split_deg else []),
      compiler_params=pltpu.CompilerParams(use_tc_tiling_on_sc=False),
  )
  def agg(x, src0, dst0, src1, dst1, *rest):
    if split_deg:
      (out, dout, sidx, didx, rows0, rows1, acc,
       gsem0, gsem1, ssem0, ssem1, sisem, disem, wsem,
       ones_buf, acc_deg, dsem0, dsem1) = rest
      dsem = (dsem0, dsem1)
    else:
      (out, sidx, didx, rows0, rows1, acc,
       gsem0, gsem1, ssem0, ssem1, sisem, disem, wsem) = rest
    cid = lax.axis_index("c")
    sid = lax.axis_index("s")

    z16 = jnp.zeros((16,), jnp.float32)

    def zrow(i, _):
      def zcol(j, _):
        rows0[i, pl.ds(j * 16, 16)] = z16
        return 0
      return lax.fori_loop(0, W // 16, zcol, 0)
    lax.fori_loop(0, C, zrow, 0)

    n_mine = (RCH - sid + NT - 1) // NT

    def zchunk(k, _):
      r = sid + k * NT
      pltpu.async_copy(rows0, acc.at[pl.ds(r * C, C)], wsem)
      return 0
    lax.fori_loop(0, n_mine, zchunk, 0)

    if split_deg:
      def zob(i, _):
        ones_buf[i, pl.ds(0, 16)] = z16
        return 0
      lax.fori_loop(0, C, zob, 0)

      def zdchunk(k, _):
        r = sid + k * NT
        pltpu.async_copy(ones_buf, acc_deg.at[pl.ds(r * C, C)], wsem)
        return 0
      lax.fori_loop(0, n_mine, zdchunk, 0)

    def zdrain(k, _):
      pltpu.make_async_copy(rows0, acc.at[pl.ds(sid * C, C)], wsem).wait()
      return 0
    lax.fori_loop(0, n_mine, zdrain, 0)

    if split_deg:
      def zddrain(k, _):
        pltpu.make_async_copy(ones_buf, acc_deg.at[pl.ds(sid * C, C)],
                              wsem).wait()
        return 0
      lax.fori_loop(0, n_mine, zddrain, 0)

      o16 = jnp.ones((16,), jnp.float32)

      def sob(i, _):
        ones_buf[i, pl.ds(0, 16)] = o16
        return 0
      lax.fori_loop(0, C, sob, 0)

    plsc.subcore_barrier()

    rows = (rows0, rows1)
    gsem = (gsem0, gsem1)
    ssem = (ssem0, ssem1)

    def run(src, dst):
      pltpu.async_copy(src.at[sid, pl.ds(0, IB)], sidx.at[0], sisem)
      pltpu.async_copy(dst.at[sid, pl.ds(0, IB)], didx.at[0], disem)

      def block(b, _):
        par = lax.rem(b, 2)
        par2 = lax.rem(b + 1, 2)
        pltpu.make_async_copy(src.at[sid, pl.ds(b * IB, IB)],
                              sidx.at[par], sisem).wait()
        pltpu.make_async_copy(dst.at[sid, pl.ds(b * IB, IB)],
                              didx.at[par], disem).wait()

        for rem in range(IB):
          buf = rem % 2
          if rem >= 2:
            pltpu.make_async_copy(
                rows[buf], acc.at[didx.at[par, rem - 2]], ssem[buf]).wait()
            if split_deg:
              pltpu.make_async_copy(
                  ones_buf, acc_deg.at[didx.at[par, rem - 2]],
                  dsem[buf]).wait()
          else:
            @pl.when(b > 0)
            def _(buf=buf, rem=rem, par2=par2):
              pltpu.make_async_copy(
                  rows[buf], acc.at[didx.at[par2, IB + rem - 2]],
                  ssem[buf]).wait()
              if split_deg:
                pltpu.make_async_copy(
                    ones_buf, acc_deg.at[didx.at[par2, IB + rem - 2]],
                    dsem[buf]).wait()
          pltpu.async_copy(x.at[sidx.at[par, rem]], rows[buf], gsem[buf])

          if rem == 3:
            @pl.when(b + 1 < NB)
            def _(par2=par2):
              pltpu.async_copy(src.at[sid, pl.ds((b + 1) * IB, IB)],
                               sidx.at[par2], sisem)
              pltpu.async_copy(dst.at[sid, pl.ds((b + 1) * IB, IB)],
                               didx.at[par2], disem)

          jbuf = 1 - buf
          if rem >= 1:
            pltpu.make_async_copy(
                x.at[sidx.at[par, rem - 1]], rows[jbuf], gsem[jbuf]).wait()
            pltpu.async_copy(rows[jbuf], acc.at[didx.at[par, rem - 1]],
                             ssem[jbuf], add=True)
            if split_deg:
              pltpu.async_copy(ones_buf, acc_deg.at[didx.at[par, rem - 1]],
                               dsem[jbuf], add=True)
          else:
            @pl.when(b > 0)
            def _(jbuf=jbuf, par2=par2):
              pltpu.make_async_copy(
                  x.at[sidx.at[par2, IB - 1]], rows[jbuf],
                  gsem[jbuf]).wait()
              pltpu.async_copy(rows[jbuf], acc.at[didx.at[par2, IB - 1]],
                               ssem[jbuf], add=True)
              if split_deg:
                pltpu.async_copy(ones_buf,
                                 acc_deg.at[didx.at[par2, IB - 1]],
                                 dsem[jbuf], add=True)
        return 0
      lax.fori_loop(0, NB, block, 0)

      lpar = (NB - 1) % 2
      pltpu.make_async_copy(x.at[sidx.at[lpar, IB - 1]], rows1,
                            gsem1).wait()
      pltpu.async_copy(rows1, acc.at[didx.at[lpar, IB - 1]], ssem1,
                       add=True)
      if split_deg:
        pltpu.async_copy(ones_buf, acc_deg.at[didx.at[lpar, IB - 1]],
                         dsem1, add=True)
      pltpu.make_async_copy(rows0, acc.at[didx.at[lpar, IB - 2]],
                            ssem0).wait()
      pltpu.make_async_copy(rows1, acc.at[didx.at[lpar, IB - 1]],
                            ssem1).wait()
      if split_deg:
        pltpu.make_async_copy(ones_buf, acc_deg.at[didx.at[lpar, IB - 2]],
                              dsem0).wait()
        pltpu.make_async_copy(ones_buf, acc_deg.at[didx.at[lpar, IB - 1]],
                              dsem1).wait()

    pl.when(cid == 0)(lambda: run(src0, dst0))
    pl.when(cid == 1)(lambda: run(src1, dst1))

    plsc.subcore_barrier()

    def wchunk(k, _):
      r = sid + k * NT
      pltpu.async_copy(acc.at[pl.ds(r * C, C)],
                       out.at[pl.ds(cid * N + r * C, C)], wsem)
      if split_deg:
        pltpu.async_copy(acc_deg.at[pl.ds(r * C, C)],
                         dout.at[pl.ds(cid * N + r * C, C)], wsem)
      return 0
    lax.fori_loop(0, n_mine, wchunk, 0)

    def wdrain(k, _):
      pltpu.make_async_copy(acc.at[pl.ds(sid * C, C)],
                            out.at[pl.ds(cid * N + sid * C, C)], wsem).wait()
      if split_deg:
        pltpu.make_async_copy(acc_deg.at[pl.ds(sid * C, C)],
                              dout.at[pl.ds(cid * N + sid * C, C)],
                              wsem).wait()
      return 0
    lax.fori_loop(0, n_mine, wdrain, 0)

  return agg


_sc_agg_deg = _make_sc_agg(D, split_deg=True)
_sc_agg_d = _make_sc_agg(D)


def _layer1_body(agg_ref, deg_ref, x_ref, wl_ref, bl_ref, wr_ref, o_ref):
  deg = jnp.maximum(deg_ref[...], 1.0)
  mean = agg_ref[...] / deg
  h = lax.dot_general(mean, wl_ref[...], (((1,), (1,)), ((), ())),
                      preferred_element_type=jnp.float32)
  h = h + bl_ref[...]
  h = h + lax.dot_general(x_ref[:, :D], wr_ref[...], (((1,), (1,)), ((), ())),
                          preferred_element_type=jnp.float32)
  o_ref[...] = jnp.maximum(h, 0.0)


def _layer2_body(agg_ref, deg_ref, h_ref, wl_ref, bl_ref, wr_ref, o_ref):
  deg = jnp.maximum(deg_ref[...], 1.0)
  mean = agg_ref[...] / deg
  g = lax.dot_general(mean, wl_ref[...], (((1,), (1,)), ((), ())),
                      preferred_element_type=jnp.float32)
  g = g + bl_ref[...]
  g = g + lax.dot_general(h_ref[...], wr_ref[...], (((1,), (1,)), ((), ())),
                          preferred_element_type=jnp.float32)
  nrm = jnp.sqrt(jnp.sum(g * g, axis=1, keepdims=True))
  o_ref[...] = g / jnp.maximum(nrm, 1e-12)


def _tc_layer1(agg, deg, xp, wl, bl, wr):
  m = agg.shape[0]
  grid = m // ROWS_BLK
  return pl.pallas_call(
      _layer1_body,
      grid=(grid,),
      in_specs=[
          pl.BlockSpec((ROWS_BLK, D), lambda i: (i, 0)),
          pl.BlockSpec((ROWS_BLK, 1), lambda i: (i, 0)),
          pl.BlockSpec((ROWS_BLK, D), lambda i: (i, 0)),
          pl.BlockSpec((D, D), lambda i: (0, 0)),
          pl.BlockSpec((1, D), lambda i: (0, 0)),
          pl.BlockSpec((D, D), lambda i: (0, 0)),
      ],
      out_specs=pl.BlockSpec((ROWS_BLK, D), lambda i: (i, 0)),
      out_shape=jax.ShapeDtypeStruct((m, D), jnp.float32),
  )(agg, deg, xp, wl, bl, wr)


def _tc_layer2(agg, deg, h, wl, bl, wr):
  m = agg.shape[0]
  grid = m // ROWS_BLK
  return pl.pallas_call(
      _layer2_body,
      grid=(grid,),
      in_specs=[
          pl.BlockSpec((ROWS_BLK, D), lambda i: (i, 0)),
          pl.BlockSpec((ROWS_BLK, 1), lambda i: (i, 0)),
          pl.BlockSpec((ROWS_BLK, D), lambda i: (i, 0)),
          pl.BlockSpec((D, D), lambda i: (0, 0)),
          pl.BlockSpec((1, D), lambda i: (0, 0)),
          pl.BlockSpec((D, D), lambda i: (0, 0)),
      ],
      out_specs=pl.BlockSpec((ROWS_BLK, D), lambda i: (i, 0)),
      out_shape=jax.ShapeDtypeStruct((m, D), jnp.float32),
  )(agg, deg, h, wl, bl, wr)


def kernel(x_orig, edge_index_orig, x_anon, edge_index_anon,
           Wl1, bl1, Wr1, Wl2, bl2, Wr2):
  src_o = edge_index_orig[0].astype(jnp.int32).reshape(NT, NB * IB, C)
  dst_o = edge_index_orig[1].astype(jnp.int32).reshape(NT, NB * IB, C)
  src_a = (edge_index_anon[0].astype(jnp.int32) + N).reshape(NT, NB * IB, C)
  dst_a = edge_index_anon[1].astype(jnp.int32).reshape(NT, NB * IB, C)

  x2 = jnp.concatenate([x_orig, x_anon], axis=0)

  agg1, degw = _sc_agg_deg(x2, src_o, dst_o, src_a, dst_a)
  deg = lax.slice(degw, (0, 0), (2 * N, 1))
  h = _tc_layer1(agg1, deg, x2, Wl1, bl1.reshape(1, D), Wr1)
  agg2 = _sc_agg_d(h, src_o, dst_o, src_a, dst_a)
  out = _tc_layer2(agg2, deg, h, Wl2, bl2.reshape(1, D), Wr2)
  return (out[:N], out[N:])

# --- scband reference (transcript-rebuilt; emitter-appended) ---
"""Pipeline reference for scband-graph-sage-88218628259971 (READ-ONLY COPY).

The authoritative reference and input builder live on the scoring server;
editing this copy changes nothing except your own understanding.
"""

import jax, jax.numpy as jnp
import numpy as np

N = 10000
E = 320000
D_IN = 128
D_HID = 128
D_OUT = 128


def setup_inputs(seed: int = 0) -> dict:
    key = jax.random.key(seed)
    ks = jax.random.split(key, 12)
    x_orig = jax.random.normal(ks[0], (N, D_IN), dtype=jnp.float32)
    x_anon = jax.random.normal(ks[1], (N, D_IN), dtype=jnp.float32)
    edge_index_orig = jax.random.randint(ks[2], (2, E), 0, N, dtype=jnp.int64)
    edge_index_anon = jax.random.randint(ks[3], (2, E), 0, N, dtype=jnp.int64)
    s1 = 1.0 / np.sqrt(D_IN)
    s2 = 1.0 / np.sqrt(D_HID)
    Wl1 = jax.random.uniform(ks[4], (D_HID, D_IN), minval=-s1, maxval=s1, dtype=jnp.float32)
    bl1 = jax.random.uniform(ks[5], (D_HID,), minval=-s1, maxval=s1, dtype=jnp.float32)
    Wr1 = jax.random.uniform(ks[6], (D_HID, D_IN), minval=-s1, maxval=s1, dtype=jnp.float32)
    Wl2 = jax.random.uniform(ks[7], (D_OUT, D_HID), minval=-s2, maxval=s2, dtype=jnp.float32)
    bl2 = jax.random.uniform(ks[8], (D_OUT,), minval=-s2, maxval=s2, dtype=jnp.float32)
    Wr2 = jax.random.uniform(ks[9], (D_OUT, D_HID), minval=-s2, maxval=s2, dtype=jnp.float32)
    return {
        "x_orig": x_orig,
        "edge_index_orig": edge_index_orig,
        "x_anon": x_anon,
        "edge_index_anon": edge_index_anon,
        "Wl1": Wl1, "bl1": bl1, "Wr1": Wr1,
        "Wl2": Wl2, "bl2": bl2, "Wr2": Wr2,
    }


def _sage_conv(x, edge_index, Wl, bl, Wr):
    # PyG SAGEConv with aggr='mean': out = lin_l(mean_{j in N(i)} x_j) + lin_r(x_i)
    src = edge_index[0]
    dst = edge_index[1]
    n = x.shape[0]
    msg = jnp.take(x, src, axis=0)                      # gather [E, d]
    agg = jax.ops.segment_sum(msg, dst, num_segments=n)  # scatter-add [N, d]
    deg = jax.ops.segment_sum(jnp.ones((edge_index.shape[1],), dtype=x.dtype), dst, num_segments=n)
    deg = jnp.maximum(deg, 1.0)
    agg = agg / deg[:, None]
    return agg @ Wl.T + bl + x @ Wr.T


def _forward_single(x, edge_index, Wl1, bl1, Wr1, Wl2, bl2, Wr2):
    h = _sage_conv(x, edge_index, Wl1, bl1, Wr1)
    h = jax.nn.relu(h)
    # dropout is identity in eval mode
    h = _sage_conv(h, edge_index, Wl2, bl2, Wr2)
    norm = jnp.linalg.norm(h, ord=2, axis=1, keepdims=True)
    h = h / jnp.maximum(norm, 1e-12)
    return h


def reference(x_orig, edge_index_orig, x_anon, edge_index_anon, Wl1, bl1, Wr1, Wl2, bl2, Wr2):
    emb_orig = _forward_single(x_orig, edge_index_orig, Wl1, bl1, Wr1, Wl2, bl2, Wr2)
    emb_anon = _forward_single(x_anon, edge_index_anon, Wl1, bl1, Wr1, Wl2, bl2, Wr2)
    return (emb_orig, emb_anon)

if __name__ == "__main__":
    import jax
    _d = setup_inputs()
    print(jax.jit(kernel)(*tuple(_d.values())))

</pallas_src>

<mosaic_0001>
#map = affine_map<(d0, d1) -> (0, 0)>
#map1 = affine_map<(d0, d1) -> (0, 0, 0)>
module attributes {stable_mosaic.version = 14 : i64} {
  func.func @agg(%arg0: i32, %arg1: i32, %arg2: memref<20000x128xf32, #tpu.memory_space<hbm>>, %arg3: memref<16x250x80xi32, #tpu.memory_space<hbm>>, %arg4: memref<16x250x80xi32, #tpu.memory_space<hbm>>, %arg5: memref<16x250x80xi32, #tpu.memory_space<hbm>>, %arg6: memref<16x250x80xi32, #tpu.memory_space<hbm>>, %arg7: memref<20000x128xf32, #tpu.memory_space<hbm>>, %arg8: memref<20000x16xf32, #tpu.memory_space<hbm>>, %arg9: memref<2x10x80xi32, #tpu.memory_space<vmem>>, %arg10: memref<2x10x80xi32, #tpu.memory_space<vmem>>, %arg11: memref<80x128xf32, #tpu.memory_space<vmem>>, %arg12: memref<80x128xf32, #tpu.memory_space<vmem>>, %arg13: memref<10000x128xf32, #tpu.memory_space<vmem_shared>>, %arg14: memref<!tpu.dma_semaphore, #tpu.memory_space<semaphore_mem>>, %arg15: memref<!tpu.dma_semaphore, #tpu.memory_space<semaphore_mem>>, %arg16: memref<!tpu.dma_semaphore, #tpu.memory_space<semaphore_mem>>, %arg17: memref<!tpu.dma_semaphore, #tpu.memory_space<semaphore_mem>>, %arg18: memref<!tpu.dma_semaphore, #tpu.memory_space<semaphore_mem>>, %arg19: memref<!tpu.dma_semaphore, #tpu.memory_space<semaphore_mem>>, %arg20: memref<!tpu.dma_semaphore, #tpu.memory_space<semaphore_mem>>, %arg21: memref<80x16xf32, #tpu.memory_space<vmem>>, %arg22: memref<10000x16xf32, #tpu.memory_space<vmem_shared>>, %arg23: memref<!tpu.dma_semaphore, #tpu.memory_space<semaphore_mem>>, %arg24: memref<!tpu.dma_semaphore, #tpu.memory_space<semaphore_mem>>) attributes {dimension_semantics = [#tpu.dimension_semantics<core_parallel>, #tpu.dimension_semantics<subcore_parallel>], iteration_bounds = array<i64: 2, 16>, scalar_prefetch = 0 : i64, scratch_operands = 16 : i64, tpu.core_type = #tpu.core_type<sc_vector_subcore>, window_params = [{transform_indices = #map}, {transform_indices = #map1}, {transform_indices = #map1}, {transform_indices = #map1}, {transform_indices = #map1}, {transform_indices = #map}, {transform_indices = #map}]} {
    %broadcast_in_dim3A = arith.constant 0.000000e+00 : f32
    %broadcast_in_dim3A_0 = vector.broadcast %broadcast_in_dim3A : f32 to vector<16xf32>
    %scan3A = arith.constant 0 : i32
    %scan3A_1 = arith.constant 0 : i32
    %scan3A_2 = arith.constant 80 : i32
    %scan3A_3 = arith.addi %scan3A_1, %scan3A_2 : i32
    %scan3A_4 = arith.constant 1 : i32
    %scan3A_5 = scf.for %scan3A_123 = %scan3A_1 to %scan3A_3 step %scan3A_4 iter_args(%scan3A_124 = %scan3A) -> (i32)  : i32 {
      %scan3A_125 = arith.constant 0 : i32
      %scan3A_126 = arith.constant 0 : i32
      %scan3A_127 = arith.constant 8 : i32
      %scan3A_128 = arith.addi %scan3A_126, %scan3A_127 : i32
      %scan3A_129 = arith.constant 1 : i32
      %scan3A_130 = scf.for %scan3A_132 = %scan3A_126 to %scan3A_128 step %scan3A_129 iter_args(%scan3A_133 = %scan3A_125) -> (i32)  : i32 {
        %mul3A = arith.constant 16 : i32
        %mul3A_134 = arith.muli %scan3A_132, %mul3A : i32
        %swap3A = arith.index_cast %scan3A_123 : i32 to index
        %swap3A_135 = arith.index_cast %mul3A_134 : i32 to index
        %swap3A_136 = tpu.vector_load %arg11[%swap3A, %swap3A_135] {strides = array<i32>} : memref<80x128xf32, #tpu.memory_space<vmem>>, vector<1x16xf32>,
        %swap3A_137 = vector.shape_cast %swap3A_136 : vector<1x16xf32> to vector<16xf32>
        %swap3A_138 = vector.shape_cast %broadcast_in_dim3A_0 : vector<16xf32> to vector<1x16xf32>
        tpu.vector_store %arg11[%swap3A, %swap3A_135], %swap3A_138 {strides = array<i32>} : memref<80x128xf32, #tpu.memory_space<vmem>>, vector<1x16xf32>,
        %scan3A_139 = arith.constant 0 : i32
        scf.yield %scan3A_139 : i32
      }
      %scan3A_131 = arith.constant 8 : i32
      scf.yield %scan3A_130 : i32
    }
    %scan3A_6 = arith.constant 80 : i32
    %sub3A = arith.constant 125 : i32
    %sub3A_7 = arith.subi %sub3A, %arg1 : i32
    %add3A = arith.constant 16 : i32
    %add3A_8 = arith.addi %sub3A_7, %add3A : i32
    %sub3A_9 = arith.constant 1 : i32
    %sub3A_10 = arith.subi %add3A_8, %sub3A_9 : i32
    %jit3A = arith.constant 16 : i32
    %div3A = arith.divsi %sub3A_10, %jit3A : i32
    %sign3A = arith.constant 0 : i32
    %sign3A_11 = arith.cmpi sgt, %sub3A_10, %sign3A : i32
    %sign3A_12 = arith.extui %sign3A_11 : i1 to i32
    %sign3A_13 = arith.constant 0 : i32
    %sign3A_14 = arith.cmpi slt, %sub3A_10, %sign3A_13 : i32
    %sign3A_15 = arith.extui %sign3A_14 : i1 to i32
    %sign3A_16 = arith.subi %sign3A_12, %sign3A_15 : i32
    %sign3A_17 = arith.constant 0 : i32
    %sign3A_18 = arith.cmpi sgt, %jit3A, %sign3A_17 : i32
    %sign3A_19 = arith.extui %sign3A_18 : i1 to i32
    %sign3A_20 = arith.constant 0 : i32
    %sign3A_21 = arith.cmpi slt, %jit3A, %sign3A_20 : i32
    %sign3A_22 = arith.extui %sign3A_21 : i1 to i32
    %sign3A_23 = arith.subi %sign3A_19, %sign3A_22 : i32
    %ne3A = arith.cmpi ne, %sign3A_16, %sign3A_23 : i32
    %rem3A = arith.remsi %sub3A_10, %jit3A : i32
    %ne3A_24 = arith.constant 0 : i32
    %ne3A_25 = arith.cmpi ne, %rem3A, %ne3A_24 : i32
    %and3A = arith.andi %ne3A, %ne3A_25 : i1
    %sub3A_26 = arith.constant 1 : i32
    %sub3A_27 = arith.subi %div3A, %sub3A_26 : i32
    %select_n3A = arith.select %and3A, %sub3A_27, %div3A : i32
    %while3A = arith.constant 0 : i32
    %while3A_28 = arith.constant 0 : i32
    %while3A_29 = arith.subi %select_n3A, %while3A : i32
    %while3A_30 = arith.addi %while3A, %while3A_29 : i32
    %while3A_31 = arith.constant 1 : i32
    %while3A_32 = arith.divsi %while3A_29, %while3A_31 : i32
    %while3A_33 = arith.muli %while3A_32, %while3A_31 : i32
    %while3A_34 = arith.addi %while3A, %while3A_33 : i32
    %while3A_35 = arith.constant 1 : i32
    %while3A_36 = scf.for %while3A_123 = %while3A to %while3A_34 step %while3A_35 iter_args(%while3A_124 = %while3A_28) -> (i32)  : i32 {
      %mul3A = arith.constant 16 : i32
      %mul3A_125 = arith.muli %while3A_123, %mul3A : i32
      %add3A_126 = arith.addi %arg1, %mul3A_125 : i32
      %mul3A_127 = arith.constant 80 : i32
      %mul3A_128 = arith.muli %add3A_126, %mul3A_127 : i32
      %dma_start3A = arith.constant 0 : i32
      %dma_start3A_129 = tpu.memref_slice %arg13[%mul3A_128, %dma_start3A] : memref<10000x128xf32, #tpu.memory_space<vmem_shared>> -> memref<80x128xf32, #tpu.memory_space<vmem_shared>>
      %dma_start3A_130 = arith.constant 0 : i32
      %dma_start3A_131 = tpu.memref_slice %arg13[%mul3A_128, %dma_start3A_130] : memref<10000x128xf32, #tpu.memory_space<vmem_shared>> -> memref<80x128xf32, #tpu.memory_space<vmem_shared>>
      tpu.enqueue_dma source(%arg11 : memref<80x128xf32, #tpu.memory_space<vmem>>) target(%dma_start3A_131 : memref<80x128xf32, #tpu.memory_space<vmem_shared>>) target_semaphore(%arg20 : memref<!tpu.dma_semaphore, #tpu.memory_space<semaphore_mem>>)
      %while3A_132 = arith.constant 0 : i32
      scf.yield %while3A_132 : i32
    }
    %while3A_37 = arith.constant 1 : i32
    %while3A_38 = scf.for %while3A_123 = %while3A_34 to %while3A_30 step %while3A_37 iter_args(%while3A_124 = %while3A_36) -> (i32)  : i32 {
      %mul3A = arith.constant 16 : i32
      %mul3A_125 = arith.muli %while3A_123, %mul3A : i32
      %add3A_126 = arith.addi %arg1, %mul3A_125 : i32
      %mul3A_127 = arith.constant 80 : i32
      %mul3A_128 = arith.muli %add3A_126, %mul3A_127 : i32
      %dma_start3A = arith.constant 0 : i32
      %dma_start3A_129 = tpu.memref_slice %arg13[%mul3A_128, %dma_start3A] : memref<10000x128xf32, #tpu.memory_space<vmem_shared>> -> memref<80x128xf32, #tpu.memory_space<vmem_shared>>
      %dma_start3A_130 = arith.constant 0 : i32
      %dma_start3A_131 = tpu.memref_slice %arg13[%mul3A_128, %dma_start3A_130] : memref<10000x128xf32, #tpu.memory_space<vmem_shared>> -> memref<80x128xf32, #tpu.memory_space<vmem_shared>>
      tpu.enqueue_dma source(%arg11 : memref<80x128xf32, #tpu.memory_space<vmem>>) target(%dma_start3A_131 : memref<80x128xf32, #tpu.memory_space<vmem_shared>>) target_semaphore(%arg20 : memref<!tpu.dma_semaphore, #tpu.memory_space<semaphore_mem>>)
      %while3A_132 = arith.constant 0 : i32
      scf.yield %while3A_132 : i32
    }
    %scan3A_39 = arith.constant 0 : i32
    %scan3A_40 = arith.constant 0 : i32
    %scan3A_41 = arith.constant 80 : i32
    %scan3A_42 = arith.addi %scan3A_40, %scan3A_41 : i32
    %scan3A_43 = arith.constant 1 : i32
    %scan3A_44 = scf.for %scan3A_123 = %scan3A_40 to %scan3A_42 step %scan3A_43 iter_args(%scan3A_124 = %scan3A_39) -> (i32)  : i32 {
      %swap3A = arith.index_cast %scan3A_123 : i32 to index
      %swap3A_125 = arith.constant 0 : index
      %swap3A_126 = tpu.vector_load %arg21[%swap3A, %swap3A_125] {strides = array<i32>} : memref<80x16xf32, #tpu.memory_space<vmem>>, vector<1x16xf32>,
      %swap3A_127 = vector.shape_cast %swap3A_126 : vector<1x16xf32> to vector<16xf32>
      %swap3A_128 = vector.shape_cast %broadcast_in_dim3A_0 : vector<16xf32> to vector<1x16xf32>
      tpu.vector_store %arg21[%swap3A, %swap3A_125], %swap3A_128 {strides = array<i32>} : memref<80x16xf32, #tpu.memory_space<vmem>>, vector<1x16xf32>,
      %scan3A_129 = arith.constant 0 : i32
      scf.yield %scan3A_129 : i32
    }
    %scan3A_45 = arith.constant 80 : i32
    %while3A_46 = arith.constant 0 : i32
    %while3A_47 = arith.constant 0 : i32
    %while3A_48 = arith.subi %select_n3A, %while3A_46 : i32
    %while3A_49 = arith.addi %while3A_46, %while3A_48 : i32
    %while3A_50 = arith.constant 1 : i32
    %while3A_51 = arith.divsi %while3A_48, %while3A_50 : i32
    %while3A_52 = arith.muli %while3A_51, %while3A_50 : i32
    %while3A_53 = arith.addi %while3A_46, %while3A_52 : i32
    %while3A_54 = arith.constant 1 : i32
    %while3A_55 = scf.for %while3A_123 = %while3A_46 to %while3A_53 step %while3A_54 iter_args(%while3A_124 = %while3A_47) -> (i32)  : i32 {
      %mul3A = arith.constant 16 : i32
      %mul3A_125 = arith.muli %while3A_123, %mul3A : i32
      %add3A_126 = arith.addi %arg1, %mul3A_125 : i32
      %mul3A_127 = arith.constant 80 : i32
      %mul3A_128 = arith.muli %add3A_126, %mul3A_127 : i32
      %dma_start3A = arith.constant 0 : i32
      %dma_start3A_129 = tpu.memref_slice %arg22[%mul3A_128, %dma_start3A] : memref<10000x16xf32, #tpu.memory_space<vmem_shared>> -> memref<80x16xf32, #tpu.memory_space<vmem_shared>>
      %dma_start3A_130 = arith.constant 0 : i32
      %dma_start3A_131 = tpu.memref_slice %arg22[%mul3A_128, %dma_start3A_130] : memref<10000x16xf32, #tpu.memory_space<vmem_shared>> -> memref<80x16xf32, #tpu.memory_space<vmem_shared>>
      tpu.enqueue_dma source(%arg21 : memref<80x16xf32, #tpu.memory_space<vmem>>) target(%dma_start3A_131 : memref<80x16xf32, #tpu.memory_space<vmem_shared>>) target_semaphore(%arg20 : memref<!tpu.dma_semaphore, #tpu.memory_space<semaphore_mem>>)
      %while3A_132 = arith.constant 0 : i32
      scf.yield %while3A_132 : i32
    }
    %while3A_56 = arith.constant 1 : i32
    %while3A_57 = scf.for %while3A_123 = %while3A_53 to %while3A_49 step %while3A_56 iter_args(%while3A_124 = %while3A_55) -> (i32)  : i32 {
      %mul3A = arith.constant 16 : i32
      %mul3A_125 = arith.muli %while3A_123, %mul3A : i32
      %add3A_126 = arith.addi %arg1, %mul3A_125 : i32
      %mul3A_127 = arith.constant 80 : i32
      %mul3A_128 = arith.muli %add3A_126, %mul3A_127 : i32
      %dma_start3A = arith.constant 0 : i32
      %dma_start3A_129 = tpu.memref_slice %arg22[%mul3A_128, %dma_start3A] : memref<10000x16xf32, #tpu.memory_space<vmem_shared>> -> memref<80x16xf32, #tpu.memory_space<vmem_shared>>
      %dma_start3A_130 = arith.constant 0 : i32
      %dma_start3A_131 = tpu.memref_slice %arg22[%mul3A_128, %dma_start3A_130] : memref<10000x16xf32, #tpu.memory_space<vmem_shared>> -> memref<80x16xf32, #tpu.memory_space<vmem_shared>>
      tpu.enqueue_dma source(%arg21 : memref<80x16xf32, #tpu.memory_space<vmem>>) target(%dma_start3A_131 : memref<80x16xf32, #tpu.memory_space<vmem_shared>>) target_semaphore(%arg20 : memref<!tpu.dma_semaphore, #tpu.memory_space<semaphore_mem>>)
      %while3A_132 = arith.constant 0 : i32
      scf.yield %while3A_132 : i32
    }
    %while3A_58 = arith.constant 0 : i32
    %while3A_59 = arith.constant 0 : i32
    %while3A_60 = arith.subi %select_n3A, %while3A_58 : i32
    %while3A_61 = arith.addi %while3A_58, %while3A_60 : i32
    %while3A_62 = arith.constant 1 : i32
    %while3A_63 = arith.divsi %while3A_60, %while3A_62 : i32
    %while3A_64 = arith.muli %while3A_63, %while3A_62 : i32
    %while3A_65 = arith.addi %while3A_58, %while3A_64 : i32
    %while3A_66 = arith.constant 1 : i32
    %while3A_67 = scf.for %while3A_123 = %while3A_58 to %while3A_65 step %while3A_66 iter_args(%while3A_124 = %while3A_59) -> (i32)  : i32 {
      %mul3A = arith.constant 80 : i32
      %mul3A_125 = arith.muli %arg1, %mul3A : i32
      %dma_wait3A = arith.constant 0 : i32
      %dma_wait3A_126 = tpu.memref_slice %arg13[%mul3A_125, %dma_wait3A] : memref<10000x128xf32, #tpu.memory_space<vmem_shared>> -> memref<80x128xf32, #tpu.memory_space<vmem_shared>>
      %dma_wait3A_127 = arith.constant 0 : i32
      %dma_wait3A_128 = tpu.memref_slice %arg13[%mul3A_125, %dma_wait3A_127] : memref<10000x128xf32, #tpu.memory_space<vmem_shared>> -> memref<80x128xf32, #tpu.memory_space<vmem_shared>>
      tpu.wait_dma2 semaphore(%arg20 : memref<!tpu.dma_semaphore, #tpu.memory_space<semaphore_mem>>) src(%arg11 : memref<80x128xf32, #tpu.memory_space<vmem>>) dst(%dma_wait3A_128 : memref<80x128xf32, #tpu.memory_space<vmem_shared>>)
      %while3A_129 = arith.constant 0 : i32
      scf.yield %while3A_129 : i32
    }
    %while3A_68 = arith.constant 1 : i32
    %while3A_69 = scf.for %while3A_123 = %while3A_65 to %while3A_61 step %while3A_68 iter_args(%while3A_124 = %while3A_67) -> (i32)  : i32 {
      %mul3A = arith.constant 80 : i32
      %mul3A_125 = arith.muli %arg1, %mul3A : i32
      %dma_wait3A = arith.constant 0 : i32
      %dma_wait3A_126 = tpu.memref_slice %arg13[%mul3A_125, %dma_wait3A] : memref<10000x128xf32, #tpu.memory_space<vmem_shared>> -> memref<80x128xf32, #tpu.memory_space<vmem_shared>>
      %dma_wait3A_127 = arith.constant 0 : i32
      %dma_wait3A_128 = tpu.memref_slice %arg13[%mul3A_125, %dma_wait3A_127] : memref<10000x128xf32, #tpu.memory_space<vmem_shared>> -> memref<80x128xf32, #tpu.memory_space<vmem_shared>>
      tpu.wait_dma2 semaphore(%arg20 : memref<!tpu.dma_semaphore, #tpu.memory_space<semaphore_mem>>) src(%arg11 : memref<80x128xf32, #tpu.memory_space<vmem>>) dst(%dma_wait3A_128 : memref<80x128xf32, #tpu.memory_space<vmem_shared>>)
      %while3A_129 = arith.constant 0 : i32
      scf.yield %while3A_129 : i32
    }
    %while3A_70 = arith.constant 0 : i32
    %while3A_71 = arith.constant 0 : i32
    %while3A_72 = arith.subi %select_n3A, %while3A_70 : i32
    %while3A_73 = arith.addi %while3A_70, %while3A_72 : i32
    %while3A_74 = arith.constant 1 : i32
    %while3A_75 = arith.divsi %while3A_72, %while3A_74 : i32
    %while3A_76 = arith.muli %while3A_75, %while3A_74 : i32
    %while3A_77 = arith.addi %while3A_70, %while3A_76 : i32
    %while3A_78 = arith.constant 1 : i32
    %while3A_79 = scf.for %while3A_123 = %while3A_70 to %while3A_77 step %while3A_78 iter_args(%while3A_124 = %while3A_71) -> (i32)  : i32 {
      %mul3A = arith.constant 80 : i32
      %mul3A_125 = arith.muli %arg1, %mul3A : i32
      %dma_wait3A = arith.constant 0 : i32
      %dma_wait3A_126 = tpu.memref_slice %arg22[%mul3A_125, %dma_wait3A] : memref<10000x16xf32, #tpu.memory_space<vmem_shared>> -> memref<80x16xf32, #tpu.memory_space<vmem_shared>>
      %dma_wait3A_127 = arith.constant 0 : i32
      %dma_wait3A_128 = tpu.memref_slice %arg22[%mul3A_125, %dma_wait3A_127] : memref<10000x16xf32, #tpu.memory_space<vmem_shared>> -> memref<80x16xf32, #tpu.memory_space<vmem_shared>>
      tpu.wait_dma2 semaphore(%arg20 : memref<!tpu.dma_semaphore, #tpu.memory_space<semaphore_mem>>) src(%arg21 : memref<80x16xf32, #tpu.memory_space<vmem>>) dst(%dma_wait3A_128 : memref<80x16xf32, #tpu.memory_space<vmem_shared>>)
      %while3A_129 = arith.constant 0 : i32
      scf.yield %while3A_129 : i32
    }
    %while3A_80 = arith.constant 1 : i32
    %while3A_81 = scf.for %while3A_123 = %while3A_77 to %while3A_73 step %while3A_80 iter_args(%while3A_124 = %while3A_79) -> (i32)  : i32 {
      %mul3A = arith.constant 80 : i32
      %mul3A_125 = arith.muli %arg1, %mul3A : i32
      %dma_wait3A = arith.constant 0 : i32
      %dma_wait3A_126 = tpu.memref_slice %arg22[%mul3A_125, %dma_wait3A] : memref<10000x16xf32, #tpu.memory_space<vmem_shared>> -> memref<80x16xf32, #tpu.memory_space<vmem_shared>>
      %dma_wait3A_127 = arith.constant 0 : i32
      %dma_wait3A_128 = tpu.memref_slice %arg22[%mul3A_125, %dma_wait3A_127] : memref<10000x16xf32, #tpu.memory_space<vmem_shared>> -> memref<80x16xf32, #tpu.memory_space<vmem_shared>>
      tpu.wait_dma2 semaphore(%arg20 : memref<!tpu.dma_semaphore, #tpu.memory_space<semaphore_mem>>) src(%arg21 : memref<80x16xf32, #tpu.memory_space<vmem>>) dst(%dma_wait3A_128 : memref<80x16xf32, #tpu.memory_space<vmem_shared>>)
      %while3A_129 = arith.constant 0 : i32
      scf.yield %while3A_129 : i32
    }
    %broadcast_in_dim3A_82 = arith.constant 1.000000e+00 : f32
    %broadcast_in_dim3A_83 = vector.broadcast %broadcast_in_dim3A_82 : f32 to vector<16xf32>
    %scan3A_84 = arith.constant 0 : i32
    %scan3A_85 = arith.constant 0 : i32
    %scan3A_86 = arith.constant 80 : i32
    %scan3A_87 = arith.addi %scan3A_85, %scan3A_86 : i32
    %scan3A_88 = arith.constant 1 : i32
    %scan3A_89 = scf.for %scan3A_123 = %scan3A_85 to %scan3A_87 step %scan3A_88 iter_args(%scan3A_124 = %scan3A_84) -> (i32)  : i32 {
      %swap3A = arith.index_cast %scan3A_123 : i32 to index
      %swap3A_125 = arith.constant 0 : index
      %swap3A_126 = tpu.vector_load %arg21[%swap3A, %swap3A_125] {strides = array<i32>} : memref<80x16xf32, #tpu.memory_space<vmem>>, vector<1x16xf32>,
      %swap3A_127 = vector.shape_cast %swap3A_126 : vector<1x16xf32> to vector<16xf32>
      %swap3A_128 = vector.shape_cast %broadcast_in_dim3A_83 : vector<16xf32> to vector<1x16xf32>
      tpu.vector_store %arg21[%swap3A, %swap3A_125], %swap3A_128 {strides = array<i32>} : memref<80x16xf32, #tpu.memory_space<vmem>>, vector<1x16xf32>,
      %scan3A_129 = arith.constant 0 : i32
      scf.yield %scan3A_129 : i32
    }
    %scan3A_90 = arith.constant 80 : i32
    %barrier3A = arith.constant 0 : index
    tpu.barrier barrier_id(%barrier3A)
    %eq3A = arith.constant 0 : i32
    %eq3A_91 = arith.cmpi eq, %arg0, %eq3A : i32
    %convert_element_type3A = arith.extui %eq3A_91 : i1 to i32
    %cond3A = arith.constant 0 : i32
    %cond3A_92 = arith.cmpi ne, %convert_element_type3A, %cond3A : i32
    scf.if %cond3A_92 {
      %dma_start3A = arith.constant 0 : i32
      %dma_start3A_123 = arith.constant 0 : i32
      %dma_start3A_124 = arith.constant 0 : i32
      %dma_start3A_125 = tpu.memref_slice %arg9[%dma_start3A, %dma_start3A_123, %dma_start3A_124] : memref<2x10x80xi32, #tpu.memory_space<vmem>> -> memref<1x10x80xi32, #tpu.memory_space<vmem>>
      %dma_start3A_126 = tpu.memref_squeeze %dma_start3A_125 : memref<1x10x80xi32, #tpu.memory_space<vmem>> -> memref<10x80xi32, #tpu.memory_space<vmem>>
      %dma_start3A_127 = arith.constant 0 : i32
      %dma_start3A_128 = arith.constant 0 : i32
      %dma_start3A_129 = tpu.memref_slice %arg3[%arg1, %dma_start3A_127, %dma_start3A_128] : memref<16x250x80xi32, #tpu.memory_space<hbm>> -> memref<1x10x80xi32, #tpu.memory_space<hbm>>
      %dma_start3A_130 = tpu.memref_squeeze %dma_start3A_129 : memref<1x10x80xi32, #tpu.memory_space<hbm>> -> memref<10x80xi32, #tpu.memory_space<hbm>>
      %dma_start3A_131 = arith.constant 0 : i32
      %dma_start3A_132 = arith.constant 0 : i32
      %dma_start3A_133 = tpu.memref_slice %arg9[%dma_start3A, %dma_start3A_131, %dma_start3A_132] : memref<2x10x80xi32, #tpu.memory_space<vmem>> -> memref<1x10x80xi32, #tpu.memory_space<vmem>>
      %dma_start3A_134 = tpu.memref_squeeze %dma_start3A_133 : memref<1x10x80xi32, #tpu.memory_space<vmem>> -> memref<10x80xi32, #tpu.memory_space<vmem>>
      %dma_start3A_135 = arith.constant 0 : i32
      %dma_start3A_136 = arith.constant 0 : i32
      %dma_start3A_137 = tpu.memref_slice %arg3[%arg1, %dma_start3A_135, %dma_start3A_136] : memref<16x250x80xi32, #tpu.memory_space<hbm>> -> memref<1x10x80xi32, #tpu.memory_space<hbm>>
      %dma_start3A_138 = tpu.memref_squeeze %dma_start3A_137 : memref<1x10x80xi32, #tpu.memory_space<hbm>> -> memref<10x80xi32, #tpu.memory_space<hbm>>
      tpu.enqueue_dma source(%dma_start3A_138 : memref<10x80xi32, #tpu.memory_space<hbm>>) target(%dma_start3A_134 : memref<10x80xi32, #tpu.memory_space<vmem>>) target_semaphore(%arg18 : memref<!tpu.dma_semaphore, #tpu.memory_space<semaphore_mem>>)
      %dma_start3A_139 = arith.constant 0 : i32
      %dma_start3A_140 = arith.constant 0 : i32
      %dma_start3A_141 = arith.constant 0 : i32
      %dma_start3A_142 = tpu.memref_slice %arg10[%dma_start3A_139, %dma_start3A_140, %dma_start3A_141] : memref<2x10x80xi32, #tpu.memory_space<vmem>> -> memref<1x10x80xi32, #tpu.memory_space<vmem>>
      %dma_start3A_143 = tpu.memref_squeeze %dma_start3A_142 : memref<1x10x80xi32, #tpu.memory_space<vmem>> -> memref<10x80xi32, #tpu.memory_space<vmem>>
      %dma_start3A_144 = arith.constant 0 : i32
      %dma_start3A_145 = arith.constant 0 : i32
      %dma_start3A_146 = tpu.memref_slice %arg4[%arg1, %dma_start3A_144, %dma_start3A_145] : memref<16x250x80xi32, #tpu.memory_space<hbm>> -> memref<1x10x80xi32, #tpu.memory_space<hbm>>
      %dma_start3A_147 = tpu.memref_squeeze %dma_start3A_146 : memref<1x10x80xi32, #tpu.memory_space<hbm>> -> memref<10x80xi32, #tpu.memory_space<hbm>>
      %dma_start3A_148 = arith.constant 0 : i32
      %dma_start3A_149 = arith.constant 0 : i32
      %dma_start3A_150 = tpu.memref_slice %arg10[%dma_start3A_139, %dma_start3A_148, %dma_start3A_149] : memref<2x10x80xi32, #tpu.memory_space<vmem>> -> memref<1x10x80xi32, #tpu.memory_space<vmem>>
      %dma_start3A_151 = tpu.memref_squeeze %dma_start3A_150 : memref<1x10x80xi32, #tpu.memory_space<vmem>> -> memref<10x80xi32, #tpu.memory_space<vmem>>
      %dma_start3A_152 = arith.constant 0 : i32
      %dma_start3A_153 = arith.constant 0 : i32
      %dma_start3A_154 = tpu.memref_slice %arg4[%arg1, %dma_start3A_152, %dma_start3A_153] : memref<16x250x80xi32, #tpu.memory_space<hbm>> -> memref<1x10x80xi32, #tpu.memory_space<hbm>>
      %dma_start3A_155 = tpu.memref_squeeze %dma_start3A_154 : memref<1x10x80xi32, #tpu.memory_space<hbm>> -> memref<10x80xi32, #tpu.memory_space<hbm>>
      tpu.enqueue_dma source(%dma_start3A_155 : memref<10x80xi32, #tpu.memory_space<hbm>>) target(%dma_start3A_151 : memref<10x80xi32, #tpu.memory_space<vmem>>) target_semaphore(%arg19 : memref<!tpu.dma_semaphore, #tpu.memory_space<semaphore_mem>>)
      %scan3A_156 = arith.constant 0 : i32
      %scan3A_157 = arith.constant 0 : i32
      %scan3A_158 = arith.constant 25 : i32
      %scan3A_159 = arith.addi %scan3A_157, %scan3A_158 : i32
      %scan3A_160 = arith.constant 1 : i32
      %scan3A_161 = scf.for %scan3A_218 = %scan3A_157 to %scan3A_159 step %scan3A_160 iter_args(%scan3A_219 = %scan3A_156) -> (i32)  : i32 {
        %rem3A_220 = arith.constant 2 : i32
        %rem3A_221 = arith.remsi %scan3A_218, %rem3A_220 : i32
        %add3A_222 = arith.constant 1 : i32
        %add3A_223 = arith.addi %scan3A_218, %add3A_222 : i32
        %rem3A_224 = arith.constant 2 : i32
        %rem3A_225 = arith.remsi %add3A_223, %rem3A_224 : i32
        %mul3A = arith.constant 10 : i32
        %mul3A_226 = arith.muli %scan3A_218, %mul3A : i32
        %dma_wait3A_227 = arith.constant 0 : i32
        %dma_wait3A_228 = arith.constant 0 : i32
        %dma_wait3A_229 = tpu.memref_slice %arg9[%rem3A_221, %dma_wait3A_227, %dma_wait3A_228] : memref<2x10x80xi32, #tpu.memory_space<vmem>> -> memref<1x10x80xi32, #tpu.memory_space<vmem>>
        %dma_wait3A_230 = tpu.memref_squeeze %dma_wait3A_229 : memref<1x10x80xi32, #tpu.memory_space<vmem>> -> memref<10x80xi32, #tpu.memory_space<vmem>>
        %dma_wait3A_231 = arith.constant 0 : i32
        %dma_wait3A_232 = tpu.memref_slice %arg3[%arg1, %mul3A_226, %dma_wait3A_231] : memref<16x250x80xi32, #tpu.memory_space<hbm>> -> memref<1x10x80xi32, #tpu.memory_space<hbm>>
        %dma_wait3A_233 = tpu.memref_squeeze %dma_wait3A_232 : memref<1x10x80xi32, #tpu.memory_space<hbm>> -> memref<10x80xi32, #tpu.memory_space<hbm>>
        %dma_wait3A_234 = arith.constant 0 : i32
        %dma_wait3A_235 = arith.constant 0 : i32
        %dma_wait3A_236 = tpu.memref_slice %arg9[%rem3A_221, %dma_wait3A_234, %dma_wait3A_235] : memref<2x10x80xi32, #tpu.memory_space<vmem>> -> memref<1x10x80xi32, #tpu.memory_space<vmem>>
        %dma_wait3A_237 = tpu.memref_squeeze %dma_wait3A_236 : memref<1x10x80xi32, #tpu.memory_space<vmem>> -> memref<10x80xi32, #tpu.memory_space<vmem>>
        %dma_wait3A_238 = arith.constant 0 : i32
        %dma_wait3A_239 = tpu.memref_slice %arg3[%arg1, %mul3A_226, %dma_wait3A_238] : memref<16x250x80xi32, #tpu.memory_space<hbm>> -> memref<1x10x80xi32, #tpu.memory_space<hbm>>
        %dma_wait3A_240 = tpu.memref_squeeze %dma_wait3A_239 : memref<1x10x80xi32, #tpu.memory_space<hbm>> -> memref<10x80xi32, #tpu.memory_space<hbm>>
        tpu.wait_dma2 semaphore(%arg18 : memref<!tpu.dma_semaphore, #tpu.memory_space<semaphore_mem>>) src(%dma_wait3A_240 : memref<10x80xi32, #tpu.memory_space<hbm>>) dst(%dma_wait3A_237 : memref<10x80xi32, #tpu.memory_space<vmem>>)
        %mul3A_241 = arith.constant 10 : i32
        %mul3A_242 = arith.muli %scan3A_218, %mul3A_241 : i32
        %dma_wait3A_243 = arith.constant 0 : i32
        %dma_wait3A_244 = arith.constant 0 : i32
        %dma_wait3A_245 = tpu.memref_slice %arg10[%rem3A_221, %dma_wait3A_243, %dma_wait3A_244] : memref<2x10x80xi32, #tpu.memory_space<vmem>> -> memref<1x10x80xi32, #tpu.memory_space<vmem>>
        %dma_wait3A_246 = tpu.memref_squeeze %dma_wait3A_245 : memref<1x10x80xi32, #tpu.memory_space<vmem>> -> memref<10x80xi32, #tpu.memory_space<vmem>>
        %dma_wait3A_247 = arith.constant 0 : i32
        %dma_wait3A_248 = tpu.memref_slice %arg4[%arg1, %mul3A_242, %dma_wait3A_247] : memref<16x250x80xi32, #tpu.memory_space<hbm>> -> memref<1x10x80xi32, #tpu.memory_space<hbm>>
        %dma_wait3A_249 = tpu.memref_squeeze %dma_wait3A_248 : memref<1x10x80xi32, #tpu.memory_space<hbm>> -> memref<10x80xi32, #tpu.memory_space<hbm>>
        %dma_wait3A_250 = arith.constant 0 : i32
        %dma_wait3A_251 = arith.constant 0 : i32
        %dma_wait3A_252 = tpu.memref_slice %arg10[%rem3A_221, %dma_wait3A_250, %dma_wait3A_251] : memref<2x10x80xi32, #tpu.memory_space<vmem>> -> memref<1x10x80xi32, #tpu.memory_space<vmem>>
        %dma_wait3A_253 = tpu.memref_squeeze %dma_wait3A_252 : memref<1x10x80xi32, #tpu.memory_space<vmem>> -> memref<10x80xi32, #tpu.memory_space<vmem>>
        %dma_wait3A_254 = arith.constant 0 : i32
        %dma_wait3A_255 = tpu.memref_slice %arg4[%arg1, %mul3A_242, %dma_wait3A_254] : memref<16x250x80xi32, #tpu.memory_space<hbm>> -> memref<1x10x80xi32, #tpu.memory_space<hbm>>
        %dma_wait3A_256 = tpu.memref_squeeze %dma_wait3A_255 : memref<1x10x80xi32, #tpu.memory_space<hbm>> -> memref<10x80xi32, #tpu.memory_space<hbm>>
        tpu.wait_dma2 semaphore(%arg19 : memref<!tpu.dma_semaphore, #tpu.memory_space<semaphore_mem>>) src(%dma_wait3A_256 : memref<10x80xi32, #tpu.memory_space<hbm>>) dst(%dma_wait3A_253 : memref<10x80xi32, #tpu.memory_space<vmem>>)
        %gt3A = arith.constant 0 : i32
        %gt3A_257 = arith.cmpi sgt, %scan3A_218, %gt3A : i32
        %convert_element_type3A_258 = arith.extui %gt3A_257 : i1 to i32
        %cond3A_259 = arith.constant 0 : i32
        %cond3A_260 = arith.cmpi ne, %convert_element_type3A_258, %cond3A_259 : i32
        scf.if %cond3A_260 {
          %dma_wait3A_649 = arith.constant 8 : i32
          %dma_wait3A_650 = arith.constant 0 : i32
          %dma_wait3A_651 = tpu.memref_slice %arg10[%rem3A_225, %dma_wait3A_649, %dma_wait3A_650] : memref<2x10x80xi32, #tpu.memory_space<vmem>> -> memref<1x1x80xi32, #tpu.memory_space<vmem>>
          %dma_wait3A_652 = tpu.memref_squeeze %dma_wait3A_651 : memref<1x1x80xi32, #tpu.memory_space<vmem>> -> memref<80xi32, #tpu.memory_space<vmem>>
          %dma_wait3A_653 = arith.constant 0 : i32
          %dma_wait3A_654 = arith.constant 0 : i32
          %dma_wait3A_655 = tpu.memref_slice %arg13[%dma_wait3A_653, %dma_wait3A_654] : memref<10000x128xf32, #tpu.memory_space<vmem_shared>> -> memref<10000x128xf32, #tpu.memory_space<vmem_shared>>
          tpu.wait_indirect_dma semaphore(%arg16 : memref<!tpu.dma_semaphore, #tpu.memory_space<semaphore_mem>>) src(%arg11 : memref<80x128xf32, #tpu.memory_space<vmem>>) dst(%dma_wait3A_655 : memref<10000x128xf32, #tpu.memory_space<vmem_shared>>)
          %dma_wait3A_656 = arith.constant 8 : i32
          %dma_wait3A_657 = arith.constant 0 : i32
          %dma_wait3A_658 = tpu.memref_slice %arg10[%rem3A_225, %dma_wait3A_656, %dma_wait3A_657] : memref<2x10x80xi32, #tpu.memory_space<vmem>> -> memref<1x1x80xi32, #tpu.memory_space<vmem>>
          %dma_wait3A_659 = tpu.memref_squeeze %dma_wait3A_658 : memref<1x1x80xi32, #tpu.memory_space<vmem>> -> memref<80xi32, #tpu.memory_space<vmem>>
          %dma_wait3A_660 = arith.constant 0 : i32
          %dma_wait3A_661 = arith.constant 0 : i32
          %dma_wait3A_662 = tpu.memref_slice %arg22[%dma_wait3A_660, %dma_wait3A_661] : memref<10000x16xf32, #tpu.memory_space<vmem_shared>> -> memref<10000x16xf32, #tpu.memory_space<vmem_shared>>
          tpu.wait_indirect_dma semaphore(%arg23 : memref<!tpu.dma_semaphore, #tpu.memory_space<semaphore_mem>>) src(%arg21 : memref<80x16xf32, #tpu.memory_space<vmem>>) dst(%dma_wait3A_662 : memref<10000x16xf32, #tpu.memory_space<vmem_shared>>)
        } else {
        }
        %dma_start3A_261 = arith.constant 0 : i32
        %dma_start3A_262 = arith.constant 0 : i32
        %dma_start3A_263 = tpu.memref_slice %arg9[%rem3A_221, %dma_start3A_261, %dma_start3A_262] : memref<2x10x80xi32, #tpu.memory_space<vmem>> -> memref<1x1x80xi32, #tpu.memory_space<vmem>>
        %dma_start3A_264 = tpu.memref_squeeze %dma_start3A_263 : memref<1x1x80xi32, #tpu.memory_space<vmem>> -> memref<80xi32, #tpu.memory_space<vmem>>
        %dma_start3A_265 = arith.constant 0 : i32
        %dma_start3A_266 = arith.constant 0 : i32
        %dma_start3A_267 = tpu.memref_slice %arg2[%dma_start3A_265, %dma_start3A_266] : memref<20000x128xf32, #tpu.memory_space<hbm>> -> memref<20000x128xf32, #tpu.memory_space<hbm>>
        tpu.enqueue_indirect_dma source(%dma_start3A_267 : memref<20000x128xf32, #tpu.memory_space<hbm>>) target(%arg11 : memref<80x128xf32, #tpu.memory_space<vmem>>) offsets(%dma_start3A_264 : memref<80xi32, #tpu.memory_space<vmem>>) semaphore(%arg14 : memref<!tpu.dma_semaphore, #tpu.memory_space<semaphore_mem>>)
        %gt3A_268 = arith.constant 0 : i32
        %gt3A_269 = arith.cmpi sgt, %scan3A_218, %gt3A_268 : i32
        %convert_element_type3A_270 = arith.extui %gt3A_269 : i1 to i32
        %cond3A_271 = arith.constant 0 : i32
        %cond3A_272 = arith.cmpi ne, %convert_element_type3A_270, %cond3A_271 : i32
        scf.if %cond3A_272 {
          %dma_wait3A_649 = arith.constant 9 : i32
          %dma_wait3A_650 = arith.constant 0 : i32
          %dma_wait3A_651 = tpu.memref_slice %arg9[%rem3A_225, %dma_wait3A_649, %dma_wait3A_650] : memref<2x10x80xi32, #tpu.memory_space<vmem>> -> memref<1x1x80xi32, #tpu.memory_space<vmem>>
          %dma_wait3A_652 = tpu.memref_squeeze %dma_wait3A_651 : memref<1x1x80xi32, #tpu.memory_space<vmem>> -> memref<80xi32, #tpu.memory_space<vmem>>
          %dma_wait3A_653 = arith.constant 0 : i32
          %dma_wait3A_654 = arith.constant 0 : i32
          %dma_wait3A_655 = tpu.memref_slice %arg2[%dma_wait3A_653, %dma_wait3A_654] : memref<20000x128xf32, #tpu.memory_space<hbm>> -> memref<20000x128xf32, #tpu.memory_space<hbm>>
          tpu.wait_indirect_dma semaphore(%arg15 : memref<!tpu.dma_semaphore, #tpu.memory_space<semaphore_mem>>) src(%dma_wait3A_655 : memref<20000x128xf32, #tpu.memory_space<hbm>>) dst(%arg12 : memref<80x128xf32, #tpu.memory_space<vmem>>)
          %dma_start3A_656 = arith.constant 9 : i32
          %dma_start3A_657 = arith.constant 0 : i32
          %dma_start3A_658 = tpu.memref_slice %arg10[%rem3A_225, %dma_start3A_656, %dma_start3A_657] : memref<2x10x80xi32, #tpu.memory_space<vmem>> -> memref<1x1x80xi32, #tpu.memory_space<vmem>>
          %dma_start3A_659 = tpu.memref_squeeze %dma_start3A_658 : memref<1x1x80xi32, #tpu.memory_space<vmem>> -> memref<80xi32, #tpu.memory_space<vmem>>
          %dma_start3A_660 = arith.constant 0 : i32
          %dma_start3A_661 = arith.constant 0 : i32
          %dma_start3A_662 = tpu.memref_slice %arg13[%dma_start3A_660, %dma_start3A_661] : memref<10000x128xf32, #tpu.memory_space<vmem_shared>> -> memref<10000x128xf32, #tpu.memory_space<vmem_shared>>
          tpu.enqueue_indirect_dma source(%arg12 : memref<80x128xf32, #tpu.memory_space<vmem>>) target(%dma_start3A_662 : memref<10000x128xf32, #tpu.memory_space<vmem_shared>>) offsets(%dma_start3A_659 : memref<80xi32, #tpu.memory_space<vmem>>) semaphore(%arg17 : memref<!tpu.dma_semaphore, #tpu.memory_space<semaphore_mem>>) {add = true}
          %dma_start3A_663 = arith.constant 9 : i32
          %dma_start3A_664 = arith.constant 0 : i32
          %dma_start3A_665 = tpu.memref_slice %arg10[%rem3A_225, %dma_start3A_663, %dma_start3A_664] : memref<2x10x80xi32, #tpu.memory_space<vmem>> -> memref<1x1x80xi32, #tpu.memory_space<vmem>>
          %dma_start3A_666 = tpu.memref_squeeze %dma_start3A_665 : memref<1x1x80xi32, #tpu.memory_space<vmem>> -> memref<80xi32, #tpu.memory_space<vmem>>
          %dma_start3A_667 = arith.constant 0 : i32
          %dma_start3A_668 = arith.constant 0 : i32
          %dma_start3A_669 = tpu.memref_slice %arg22[%dma_start3A_667, %dma_start3A_668] : memref<10000x16xf32, #tpu.memory_space<vmem_shared>> -> memref<10000x16xf32, #tpu.memory_space<vmem_shared>>
          tpu.enqueue_indirect_dma source(%arg21 : memref<80x16xf32, #tpu.memory_space<vmem>>) target(%dma_start3A_669 : memref<10000x16xf32, #tpu.memory_space<vmem_shared>>) offsets(%dma_start3A_666 : memref<80xi32, #tpu.memory_space<vmem>>) semaphore(%arg24 : memref<!tpu.dma_semaphore, #tpu.memory_space<semaphore_mem>>) {add = true}
        } else {
        }
        %gt3A_273 = arith.constant 0 : i32
        %gt3A_274 = arith.cmpi sgt, %scan3A_218, %gt3A_273 : i32
        %convert_element_type3A_275 = arith.extui %gt3A_274 : i1 to i32
        %cond3A_276 = arith.constant 0 : i32
        %cond3A_277 = arith.cmpi ne, %convert_element_type3A_275, %cond3A_276 : i32
        scf.if %cond3A_277 {
          %dma_wait3A_649 = arith.constant 9 : i32
          %dma_wait3A_650 = arith.constant 0 : i32
          %dma_wait3A_651 = tpu.memref_slice %arg10[%rem3A_225, %dma_wait3A_649, %dma_wait3A_650] : memref<2x10x80xi32, #tpu.memory_space<vmem>> -> memref<1x1x80xi32, #tpu.memory_space<vmem>>
          %dma_wait3A_652 = tpu.memref_squeeze %dma_wait3A_651 : memref<1x1x80xi32, #tpu.memory_space<vmem>> -> memref<80xi32, #tpu.memory_space<vmem>>
          %dma_wait3A_653 = arith.constant 0 : i32
          %dma_wait3A_654 = arith.constant 0 : i32
          %dma_wait3A_655 = tpu.memref_slice %arg13[%dma_wait3A_653, %dma_wait3A_654] : memref<10000x128xf32, #tpu.memory_space<vmem_shared>> -> memref<10000x128xf32, #tpu.memory_space<vmem_shared>>
          tpu.wait_indirect_dma semaphore(%arg17 : memref<!tpu.dma_semaphore, #tpu.memory_space<semaphore_mem>>) src(%arg12 : memref<80x128xf32, #tpu.memory_space<vmem>>) dst(%dma_wait3A_655 : memref<10000x128xf32, #tpu.memory_space<vmem_shared>>)
          %dma_wait3A_656 = arith.constant 9 : i32
          %dma_wait3A_657 = arith.constant 0 : i32
          %dma_wait3A_658 = tpu.memref_slice %arg10[%rem3A_225, %dma_wait3A_656, %dma_wait3A_657] : memref<2x10x80xi32, #tpu.memory_space<vmem>> -> memref<1x1x80xi32, #tpu.memory_space<vmem>>
          %dma_wait3A_659 = tpu.memref_squeeze %dma_wait3A_658 : memref<1x1x80xi32, #tpu.memory_space<vmem>> -> memref<80xi32, #tpu.memory_space<vmem>>
          %dma_wait3A_660 = arith.constant 0 : i32
          %dma_wait3A_661 = arith.constant 0 : i32
          %dma_wait3A_662 = tpu.memref_slice %arg22[%dma_wait3A_660, %dma_wait3A_661] : memref<10000x16xf32, #tpu.memory_space<vmem_shared>> -> memref<10000x16xf32, #tpu.memory_space<vmem_shared>>
          tpu.wait_indirect_dma semaphore(%arg24 : memref<!tpu.dma_semaphore, #tpu.memory_space<semaphore_mem>>) src(%arg21 : memref<80x16xf32, #tpu.memory_space<vmem>>) dst(%dma_wait3A_662 : memref<10000x16xf32, #tpu.memory_space<vmem_shared>>)
        } else {
        }
        %dma_start3A_278 = arith.constant 1 : i32
        %dma_start3A_279 = arith.constant 0 : i32
        %dma_start3A_280 = tpu.memref_slice %arg9[%rem3A_221, %dma_start3A_278, %dma_start3A_279] : memref<2x10x80xi32, #tpu.memory_space<vmem>> -> memref<1x1x80xi32, #tpu.memory_space<vmem>>
        %dma_start3A_281 = tpu.memref_squeeze %dma_start3A_280 : memref<1x1x80xi32, #tpu.memory_space<vmem>> -> memref<80xi32, #tpu.memory_space<vmem>>
        %dma_start3A_282 = arith.constant 0 : i32
        %dma_start3A_283 = arith.constant 0 : i32
        %dma_start3A_284 = tpu.memref_slice %arg2[%dma_start3A_282, %dma_start3A_283] : memref<20000x128xf32, #tpu.memory_space<hbm>> -> memref<20000x128xf32, #tpu.memory_space<hbm>>
        tpu.enqueue_indirect_dma source(%dma_start3A_284 : memref<20000x128xf32, #tpu.memory_space<hbm>>) target(%arg12 : memref<80x128xf32, #tpu.memory_space<vmem>>) offsets(%dma_start3A_281 : memref<80xi32, #tpu.memory_space<vmem>>) semaphore(%arg15 : memref<!tpu.dma_semaphore, #tpu.memory_space<semaphore_mem>>)
        %dma_wait3A_285 = arith.constant 0 : i32
        %dma_wait3A_286 = arith.constant 0 : i32
        %dma_wait3A_287 = tpu.memref_slice %arg9[%rem3A_221, %dma_wait3A_285, %dma_wait3A_286] : memref<2x10x80xi32, #tpu.memory_space<vmem>> -> memref<1x1x80xi32, #tpu.memory_space<vmem>>
        %dma_wait3A_288 = tpu.memref_squeeze %dma_wait3A_287 : memref<1x1x80xi32, #tpu.memory_space<vmem>> -> memref<80xi32, #tpu.memory_space<vmem>>
        %dma_wait3A_289 = arith.constant 0 : i32
        %dma_wait3A_290 = arith.constant 0 : i32
        %dma_wait3A_291 = tpu.memref_slice %arg2[%dma_wait3A_289, %dma_wait3A_290] : memref<20000x128xf32, #tpu.memory_space<hbm>> -> memref<20000x128xf32, #tpu.memory_space<hbm>>
        tpu.wait_indirect_dma semaphore(%arg14 : memref<!tpu.dma_semaphore, #tpu.memory_space<semaphore_mem>>) src(%dma_wait3A_291 : memref<20000x128xf32, #tpu.memory_space<hbm>>) dst(%arg11 : memref<80x128xf32, #tpu.memory_space<vmem>>)
        %dma_start3A_292 = arith.constant 0 : i32
        %dma_start3A_293 = arith.constant 0 : i32
        %dma_start3A_294 = tpu.memref_slice %arg10[%rem3A_221, %dma_start3A_292, %dma_start3A_293] : memref<2x10x80xi32, #tpu.memory_space<vmem>> -> memref<1x1x80xi32, #tpu.memory_space<vmem>>
        %dma_start3A_295 = tpu.memref_squeeze %dma_start3A_294 : memref<1x1x80xi32, #tpu.memory_space<vmem>> -> memref<80xi32, #tpu.memory_space<vmem>>
        %dma_start3A_296 = arith.constant 0 : i32
        %dma_start3A_297 = arith.constant 0 : i32
        %dma_start3A_298 = tpu.memref_slice %arg13[%dma_start3A_296, %dma_start3A_297] : memref<10000x128xf32, #tpu.memory_space<vmem_shared>> -> memref<10000x128xf32, #tpu.memory_space<vmem_shared>>
        tpu.enqueue_indirect_dma source(%arg11 : memref<80x128xf32, #tpu.memory_space<vmem>>) target(%dma_start3A_298 : memref<10000x128xf32, #tpu.memory_space<vmem_shared>>) offsets(%dma_start3A_295 : memref<80xi32, #tpu.memory_space<vmem>>) semaphore(%arg16 : memref<!tpu.dma_semaphore, #tpu.memory_space<semaphore_mem>>) {add = true}
        %dma_start3A_299 = arith.constant 0 : i32
        %dma_start3A_300 = arith.constant 0 : i32
        %dma_start3A_301 = tpu.memref_slice %arg10[%rem3A_221, %dma_start3A_299, %dma_start3A_300] : memref<2x10x80xi32, #tpu.memory_space<vmem>> -> memref<1x1x80xi32, #tpu.memory_space<vmem>>
        %dma_start3A_302 = tpu.memref_squeeze %dma_start3A_301 : memref<1x1x80xi32, #tpu.memory_space<vmem>> -> memref<80xi32, #tpu.memory_space<vmem>>
        %dma_start3A_303 = arith.constant 0 : i32
        %dma_start3A_304 = arith.constant 0 : i32
        %dma_start3A_305 = tpu.memref_slice %arg22[%dma_start3A_303, %dma_start3A_304] : memref<10000x16xf32, #tpu.memory_space<vmem_shared>> -> memref<10000x16xf32, #tpu.memory_space<vmem_shared>>
        tpu.enqueue_indirect_dma source(%arg21 : memref<80x16xf32, #tpu.memory_space<vmem>>) target(%dma_start3A_305 : memref<10000x16xf32, #tpu.memory_space<vmem_shared>>) offsets(%dma_start3A_302 : memref<80xi32, #tpu.memory_space<vmem>>) semaphore(%arg23 : memref<!tpu.dma_semaphore, #tpu.memory_space<semaphore_mem>>) {add = true}
        %dma_wait3A_306 = arith.constant 0 : i32
        %dma_wait3A_307 = arith.constant 0 : i32
        %dma_wait3A_308 = tpu.memref_slice %arg10[%rem3A_221, %dma_wait3A_306, %dma_wait3A_307] : memref<2x10x80xi32, #tpu.memory_space<vmem>> -> memref<1x1x80xi32, #tpu.memory_space<vmem>>
        %dma_wait3A_309 = tpu.memref_squeeze %dma_wait3A_308 : memref<1x1x80xi32, #tpu.memory_space<vmem>> -> memref<80xi32, #tpu.memory_space<vmem>>
        %dma_wait3A_310 = arith.constant 0 : i32
        %dma_wait3A_311 = arith.constant 0 : i32
        %dma_wait3A_312 = tpu.memref_slice %arg13[%dma_wait3A_310, %dma_wait3A_311] : memref<10000x128xf32, #tpu.memory_space<vmem_shared>> -> memref<10000x128xf32, #tpu.memory_space<vmem_shared>>
        tpu.wait_indirect_dma semaphore(%arg16 : memref<!tpu.dma_semaphore, #tpu.memory_space<semaphore_mem>>) src(%arg11 : memref<80x128xf32, #tpu.memory_space<vmem>>) dst(%dma_wait3A_312 : memref<10000x128xf32, #tpu.memory_space<vmem_shared>>)
        %dma_wait3A_313 = arith.constant 0 : i32
        %dma_wait3A_314 = arith.constant 0 : i32
        %dma_wait3A_315 = tpu.memref_slice %arg10[%rem3A_221, %dma_wait3A_313, %dma_wait3A_314] : memref<2x10x80xi32, #tpu.memory_space<vmem>> -> memref<1x1x80xi32, #tpu.memory_space<vmem>>
        %dma_wait3A_316 = tpu.memref_squeeze %dma_wait3A_315 : memref<1x1x80xi32, #tpu.memory_space<vmem>> -> memref<80xi32, #tpu.memory_space<vmem>>
        %dma_wait3A_317 = arith.constant 0 : i32
        %dma_wait3A_318 = arith.constant 0 : i32
        %dma_wait3A_319 = tpu.memref_slice %arg22[%dma_wait3A_317, %dma_wait3A_318] : memref<10000x16xf32, #tpu.memory_space<vmem_shared>> -> memref<10000x16xf32, #tpu.memory_space<vmem_shared>>
        tpu.wait_indirect_dma semaphore(%arg23 : memref<!tpu.dma_semaphore, #tpu.memory_space<semaphore_mem>>) src(%arg21 : memref<80x16xf32, #tpu.memory_space<vmem>>) dst(%dma_wait3A_319 : memref<10000x16xf32, #tpu.memory_space<vmem_shared>>)
        %dma_start3A_320 = arith.constant 2 : i32
        %dma_start3A_321 = arith.constant 0 : i32
        %dma_start3A_322 = tpu.memref_slice %arg9[%rem3A_221, %dma_start3A_320, %dma_start3A_321] : memref<2x10x80xi32, #tpu.memory_space<vmem>> -> memref<1x1x80xi32, #tpu.memory_space<vmem>>
        %dma_start3A_323 = tpu.memref_squeeze %dma_start3A_322 : memref<1x1x80xi32, #tpu.memory_space<vmem>> -> memref<80xi32, #tpu.memory_space<vmem>>
        %dma_start3A_324 = arith.constant 0 : i32
        %dma_start3A_325 = arith.constant 0 : i32
        %dma_start3A_326 = tpu.memref_slice %arg2[%dma_start3A_324, %dma_start3A_325] : memref<20000x128xf32, #tpu.memory_space<hbm>> -> memref<20000x128xf32, #tpu.memory_space<hbm>>
        tpu.enqueue_indirect_dma source(%dma_start3A_326 : memref<20000x128xf32, #tpu.memory_space<hbm>>) target(%arg11 : memref<80x128xf32, #tpu.memory_space<vmem>>) offsets(%dma_start3A_323 : memref<80xi32, #tpu.memory_space<vmem>>) semaphore(%arg14 : memref<!tpu.dma_semaphore, #tpu.memory_space<semaphore_mem>>)
        %dma_wait3A_327 = arith.constant 1 : i32
        %dma_wait3A_328 = arith.constant 0 : i32
        %dma_wait3A_329 = tpu.memref_slice %arg9[%rem3A_221, %dma_wait3A_327, %dma_wait3A_328] : memref<2x10x80xi32, #tpu.memory_space<vmem>> -> memref<1x1x80xi32, #tpu.memory_space<vmem>>
        %dma_wait3A_330 = tpu.memref_squeeze %dma_wait3A_329 : memref<1x1x80xi32, #tpu.memory_space<vmem>> -> memref<80xi32, #tpu.memory_space<vmem>>
        %dma_wait3A_331 = arith.constant 0 : i32
        %dma_wait3A_332 = arith.constant 0 : i32
        %dma_wait3A_333 = tpu.memref_slice %arg2[%dma_wait3A_331, %dma_wait3A_332] : memref<20000x128xf32, #tpu.memory_space<hbm>> -> memref<20000x128xf32, #tpu.memory_space<hbm>>
        tpu.wait_indirect_dma semaphore(%arg15 : memref<!tpu.dma_semaphore, #tpu.memory_space<semaphore_mem>>) src(%dma_wait3A_333 : memref<20000x128xf32, #tpu.memory_space<hbm>>) dst(%arg12 : memref<80x128xf32, #tpu.memory_space<vmem>>)
        %dma_start3A_334 = arith.constant 1 : i32
        %dma_start3A_335 = arith.constant 0 : i32
        %dma_start3A_336 = tpu.memref_slice %arg10[%rem3A_221, %dma_start3A_334, %dma_start3A_335] : memref<2x10x80xi32, #tpu.memory_space<vmem>> -> memref<1x1x80xi32, #tpu.memory_space<vmem>>
        %dma_start3A_337 = tpu.memref_squeeze %dma_start3A_336 : memref<1x1x80xi32, #tpu.memory_space<vmem>> -> memref<80xi32, #tpu.memory_space<vmem>>
        %dma_start3A_338 = arith.constant 0 : i32
        %dma_start3A_339 = arith.constant 0 : i32
        %dma_start3A_340 = tpu.memref_slice %arg13[%dma_start3A_338, %dma_start3A_339] : memref<10000x128xf32, #tpu.memory_space<vmem_shared>> -> memref<10000x128xf32, #tpu.memory_space<vmem_shared>>
        tpu.enqueue_indirect_dma source(%arg12 : memref<80x128xf32, #tpu.memory_space<vmem>>) target(%dma_start3A_340 : memref<10000x128xf32, #tpu.memory_space<vmem_shared>>) offsets(%dma_start3A_337 : memref<80xi32, #tpu.memory_space<vmem>>) semaphore(%arg17 : memref<!tpu.dma_semaphore, #tpu.memory_space<semaphore_mem>>) {add = true}
        %dma_start3A_341 = arith.constant 1 : i32
        %dma_start3A_342 = arith.constant 0 : i32
        %dma_start3A_343 = tpu.memref_slice %arg10[%rem3A_221, %dma_start3A_341, %dma_start3A_342] : memref<2x10x80xi32, #tpu.memory_space<vmem>> -> memref<1x1x80xi32, #tpu.memory_space<vmem>>
        %dma_start3A_344 = tpu.memref_squeeze %dma_start3A_343 : memref<1x1x80xi32, #tpu.memory_space<vmem>> -> memref<80xi32, #tpu.memory_space<vmem>>
        %dma_start3A_345 = arith.constant 0 : i32
        %dma_start3A_346 = arith.constant 0 : i32
        %dma_start3A_347 = tpu.memref_slice %arg22[%dma_start3A_345, %dma_start3A_346] : memref<10000x16xf32, #tpu.memory_space<vmem_shared>> -> memref<10000x16xf32, #tpu.memory_space<vmem_shared>>
        tpu.enqueue_indirect_dma source(%arg21 : memref<80x16xf32, #tpu.memory_space<vmem>>) target(%dma_start3A_347 : memref<10000x16xf32, #tpu.memory_space<vmem_shared>>) offsets(%dma_start3A_344 : memref<80xi32, #tpu.memory_space<vmem>>) semaphore(%arg24 : memref<!tpu.dma_semaphore, #tpu.memory_space<semaphore_mem>>) {add = true}
        %dma_wait3A_348 = arith.constant 1 : i32
        %dma_wait3A_349 = arith.constant 0 : i32
        %dma_wait3A_350 = tpu.memref_slice %arg10[%rem3A_221, %dma_wait3A_348, %dma_wait3A_349] : memref<2x10x80xi32, #tpu.memory_space<vmem>> -> memref<1x1x80xi32, #tpu.memory_space<vmem>>
        %dma_wait3A_351 = tpu.memref_squeeze %dma_wait3A_350 : memref<1x1x80xi32, #tpu.memory_space<vmem>> -> memref<80xi32, #tpu.memory_space<vmem>>
        %dma_wait3A_352 = arith.constant 0 : i32
        %dma_wait3A_353 = arith.constant 0 : i32
        %dma_wait3A_354 = tpu.memref_slice %arg13[%dma_wait3A_352, %dma_wait3A_353] : memref<10000x128xf32, #tpu.memory_space<vmem_shared>> -> memref<10000x128xf32, #tpu.memory_space<vmem_shared>>
        tpu.wait_indirect_dma semaphore(%arg17 : memref<!tpu.dma_semaphore, #tpu.memory_space<semaphore_mem>>) src(%arg12 : memref<80x128xf32, #tpu.memory_space<vmem>>) dst(%dma_wait3A_354 : memref<10000x128xf32, #tpu.memory_space<vmem_shared>>)
        %dma_wait3A_355 = arith.constant 1 : i32
        %dma_wait3A_356 = arith.constant 0 : i32
        %dma_wait3A_357 = tpu.memref_slice %arg10[%rem3A_221, %dma_wait3A_355, %dma_wait3A_356] : memref<2x10x80xi32, #tpu.memory_space<vmem>> -> memref<1x1x80xi32, #tpu.memory_space<vmem>>
        %dma_wait3A_358 = tpu.memref_squeeze %dma_wait3A_357 : memref<1x1x80xi32, #tpu.memory_space<vmem>> -> memref<80xi32, #tpu.memory_space<vmem>>
        %dma_wait3A_359 = arith.constant 0 : i32
        %dma_wait3A_360 = arith.constant 0 : i32
        %dma_wait3A_361 = tpu.memref_slice %arg22[%dma_wait3A_359, %dma_wait3A_360] : memref<10000x16xf32, #tpu.memory_space<vmem_shared>> -> memref<10000x16xf32, #tpu.memory_space<vmem_shared>>
        tpu.wait_indirect_dma semaphore(%arg24 : memref<!tpu.dma_semaphore, #tpu.memory_space<semaphore_mem>>) src(%arg21 : memref<80x16xf32, #tpu.memory_space<vmem>>) dst(%dma_wait3A_361 : memref<10000x16xf32, #tpu.memory_space<vmem_shared>>)
        %dma_start3A_362 = arith.constant 3 : i32
        %dma_start3A_363 = arith.constant 0 : i32
        %dma_start3A_364 = tpu.memref_slice %arg9[%rem3A_221, %dma_start3A_362, %dma_start3A_363] : memref<2x10x80xi32, #tpu.memory_space<vmem>> -> memref<1x1x80xi32, #tpu.memory_space<vmem>>
        %dma_start3A_365 = tpu.memref_squeeze %dma_start3A_364 : memref<1x1x80xi32, #tpu.memory_space<vmem>> -> memref<80xi32, #tpu.memory_space<vmem>>
        %dma_start3A_366 = arith.constant 0 : i32
        %dma_start3A_367 = arith.constant 0 : i32
        %dma_start3A_368 = tpu.memref_slice %arg2[%dma_start3A_366, %dma_start3A_367] : memref<20000x128xf32, #tpu.memory_space<hbm>> -> memref<20000x128xf32, #tpu.memory_space<hbm>>
        tpu.enqueue_indirect_dma source(%dma_start3A_368 : memref<20000x128xf32, #tpu.memory_space<hbm>>) target(%arg12 : memref<80x128xf32, #tpu.memory_space<vmem>>) offsets(%dma_start3A_365 : memref<80xi32, #tpu.memory_space<vmem>>) semaphore(%arg15 : memref<!tpu.dma_semaphore, #tpu.memory_space<semaphore_mem>>)
        %add3A_369 = arith.constant 1 : i32
        %add3A_370 = arith.addi %scan3A_218, %add3A_369 : i32
        %lt3A = arith.constant 25 : i32
        %lt3A_371 = arith.cmpi slt, %add3A_370, %lt3A : i32
        %convert_element_type3A_372 = arith.extui %lt3A_371 : i1 to i32
        %cond3A_373 = arith.constant 0 : i32
        %cond3A_374 = arith.cmpi ne, %convert_element_type3A_372, %cond3A_373 : i32
        scf.if %cond3A_374 {
          %add3A_649 = arith.constant 1 : i32
          %add3A_650 = arith.addi %scan3A_218, %add3A_649 : i32
          %mul3A_651 = arith.constant 10 : i32
          %mul3A_652 = arith.muli %add3A_650, %mul3A_651 : i32
          %dma_start3A_653 = arith.constant 0 : i32
          %dma_start3A_654 = arith.constant 0 : i32
          %dma_start3A_655 = tpu.memref_slice %arg9[%rem3A_225, %dma_start3A_653, %dma_start3A_654] : memref<2x10x80xi32, #tpu.memory_space<vmem>> -> memref<1x10x80xi32, #tpu.memory_space<vmem>>
          %dma_start3A_656 = tpu.memref_squeeze %dma_start3A_655 : memref<1x10x80xi32, #tpu.memory_space<vmem>> -> memref<10x80xi32, #tpu.memory_space<vmem>>
          %dma_start3A_657 = arith.constant 0 : i32
          %dma_start3A_658 = tpu.memref_slice %arg3[%arg1, %mul3A_652, %dma_start3A_657] : memref<16x250x80xi32, #tpu.memory_space<hbm>> -> memref<1x10x80xi32, #tpu.memory_space<hbm>>
          %dma_start3A_659 = tpu.memref_squeeze %dma_start3A_658 : memref<1x10x80xi32, #tpu.memory_space<hbm>> -> memref<10x80xi32, #tpu.memory_space<hbm>>
          %dma_start3A_660 = arith.constant 0 : i32
          %dma_start3A_661 = arith.constant 0 : i32
          %dma_start3A_662 = tpu.memref_slice %arg9[%rem3A_225, %dma_start3A_660, %dma_start3A_661] : memref<2x10x80xi32, #tpu.memory_space<vmem>> -> memref<1x10x80xi32, #tpu.memory_space<vmem>>
          %dma_start3A_663 = tpu.memref_squeeze %dma_start3A_662 : memref<1x10x80xi32, #tpu.memory_space<vmem>> -> memref<10x80xi32, #tpu.memory_space<vmem>>
          %dma_start3A_664 = arith.constant 0 : i32
          %dma_start3A_665 = tpu.memref_slice %arg3[%arg1, %mul3A_652, %dma_start3A_664] : memref<16x250x80xi32, #tpu.memory_space<hbm>> -> memref<1x10x80xi32, #tpu.memory_space<hbm>>
          %dma_start3A_666 = tpu.memref_squeeze %dma_start3A_665 : memref<1x10x80xi32, #tpu.memory_space<hbm>> -> memref<10x80xi32, #tpu.memory_space<hbm>>
          tpu.enqueue_dma source(%dma_start3A_666 : memref<10x80xi32, #tpu.memory_space<hbm>>) target(%dma_start3A_663 : memref<10x80xi32, #tpu.memory_space<vmem>>) target_semaphore(%arg18 : memref<!tpu.dma_semaphore, #tpu.memory_space<semaphore_mem>>)
          %add3A_667 = arith.constant 1 : i32
          %add3A_668 = arith.addi %scan3A_218, %add3A_667 : i32
          %mul3A_669 = arith.constant 10 : i32
          %mul3A_670 = arith.muli %add3A_668, %mul3A_669 : i32
          %dma_start3A_671 = arith.constant 0 : i32
          %dma_start3A_672 = arith.constant 0 : i32
          %dma_start3A_673 = tpu.memref_slice %arg10[%rem3A_225, %dma_start3A_671, %dma_start3A_672] : memref<2x10x80xi32, #tpu.memory_space<vmem>> -> memref<1x10x80xi32, #tpu.memory_space<vmem>>
          %dma_start3A_674 = tpu.memref_squeeze %dma_start3A_673 : memref<1x10x80xi32, #tpu.memory_space<vmem>> -> memref<10x80xi32, #tpu.memory_space<vmem>>
          %dma_start3A_675 = arith.constant 0 : i32
          %dma_start3A_676 = tpu.memref_slice %arg4[%arg1, %mul3A_670, %dma_start3A_675] : memref<16x250x80xi32, #tpu.memory_space<hbm>> -> memref<1x10x80xi32, #tpu.memory_space<hbm>>
          %dma_start3A_677 = tpu.memref_squeeze %dma_start3A_676 : memref<1x10x80xi32, #tpu.memory_space<hbm>> -> memref<10x80xi32, #tpu.memory_space<hbm>>
          %dma_start3A_678 = arith.constant 0 : i32
          %dma_start3A_679 = arith.constant 0 : i32
          %dma_start3A_680 = tpu.memref_slice %arg10[%rem3A_225, %dma_start3A_678, %dma_start3A_679] : memref<2x10x80xi32, #tpu.memory_space<vmem>> -> memref<1x10x80xi32, #tpu.memory_space<vmem>>
          %dma_start3A_681 = tpu.memref_squeeze %dma_start3A_680 : memref<1x10x80xi32, #tpu.memory_space<vmem>> -> memref<10x80xi32, #tpu.memory_space<vmem>>
          %dma_start3A_682 = arith.constant 0 : i32
          %dma_start3A_683 = tpu.memref_slice %arg4[%arg1, %mul3A_670, %dma_start3A_682] : memref<16x250x80xi32, #tpu.memory_space<hbm>> -> memref<1x10x80xi32, #tpu.memory_space<hbm>>
          %dma_start3A_684 = tpu.memref_squeeze %dma_start3A_683 : memref<1x10x80xi32, #tpu.memory_space<hbm>> -> memref<10x80xi32, #tpu.memory_space<hbm>>
          tpu.enqueue_dma source(%dma_start3A_684 : memref<10x80xi32, #tpu.memory_space<hbm>>) target(%dma_start3A_681 : memref<10x80xi32, #tpu.memory_space<vmem>>) target_semaphore(%arg19 : memref<!tpu.dma_semaphore, #tpu.memory_space<semaphore_mem>>)
        } else {
        }
        %dma_wait3A_375 = arith.constant 2 : i32
        %dma_wait3A_376 = arith.constant 0 : i32
        %dma_wait3A_377 = tpu.memref_slice %arg9[%rem3A_221, %dma_wait3A_375, %dma_wait3A_376] : memref<2x10x80xi32, #tpu.memory_space<vmem>> -> memref<1x1x80xi32, #tpu.memory_space<vmem>>
        %dma_wait3A_378 = tpu.memref_squeeze %dma_wait3A_377 : memref<1x1x80xi32, #tpu.memory_space<vmem>> -> memref<80xi32, #tpu.memory_space<vmem>>
        %dma_wait3A_379 = arith.constant 0 : i32
        %dma_wait3A_380 = arith.constant 0 : i32
        %dma_wait3A_381 = tpu.memref_slice %arg2[%dma_wait3A_379, %dma_wait3A_380] : memref<20000x128xf32, #tpu.memory_space<hbm>> -> memref<20000x128xf32, #tpu.memory_space<hbm>>
        tpu.wait_indirect_dma semaphore(%arg14 : memref<!tpu.dma_semaphore, #tpu.memory_space<semaphore_mem>>) src(%dma_wait3A_381 : memref<20000x128xf32, #tpu.memory_space<hbm>>) dst(%arg11 : memref<80x128xf32, #tpu.memory_space<vmem>>)
        %dma_start3A_382 = arith.constant 2 : i32
        %dma_start3A_383 = arith.constant 0 : i32
        %dma_start3A_384 = tpu.memref_slice %arg10[%rem3A_221, %dma_start3A_382, %dma_start3A_383] : memref<2x10x80xi32, #tpu.memory_space<vmem>> -> memref<1x1x80xi32, #tpu.memory_space<vmem>>
        %dma_start3A_385 = tpu.memref_squeeze %dma_start3A_384 : memref<1x1x80xi32, #tpu.memory_space<vmem>> -> memref<80xi32, #tpu.memory_space<vmem>>
        %dma_start3A_386 = arith.constant 0 : i32
        %dma_start3A_387 = arith.constant 0 : i32
        %dma_start3A_388 = tpu.memref_slice %arg13[%dma_start3A_386, %dma_start3A_387] : memref<10000x128xf32, #tpu.memory_space<vmem_shared>> -> memref<10000x128xf32, #tpu.memory_space<vmem_shared>>
        tpu.enqueue_indirect_dma source(%arg11 : memref<80x128xf32, #tpu.memory_space<vmem>>) target(%dma_start3A_388 : memref<10000x128xf32, #tpu.memory_space<vmem_shared>>) offsets(%dma_start3A_385 : memref<80xi32, #tpu.memory_space<vmem>>) semaphore(%arg16 : memref<!tpu.dma_semaphore, #tpu.memory_space<semaphore_mem>>) {add = true}
        %dma_start3A_389 = arith.constant 2 : i32
        %dma_start3A_390 = arith.constant 0 : i32
        %dma_start3A_391 = tpu.memref_slice %arg10[%rem3A_221, %dma_start3A_389, %dma_start3A_390] : memref<2x10x80xi32, #tpu.memory_space<vmem>> -> memref<1x1x80xi32, #tpu.memory_space<vmem>>
        %dma_start3A_392 = tpu.memref_squeeze %dma_start3A_391 : memref<1x1x80xi32, #tpu.memory_space<vmem>> -> memref<80xi32, #tpu.memory_space<vmem>>
        %dma_start3A_393 = arith.constant 0 : i32
        %dma_start3A_394 = arith.constant 0 : i32
        %dma_start3A_395 = tpu.memref_slice %arg22[%dma_start3A_393, %dma_start3A_394] : memref<10000x16xf32, #tpu.memory_space<vmem_shared>> -> memref<10000x16xf32, #tpu.memory_space<vmem_shared>>
        tpu.enqueue_indirect_dma source(%arg21 : memref<80x16xf32, #tpu.memory_space<vmem>>) target(%dma_start3A_395 : memref<10000x16xf32, #tpu.memory_space<vmem_shared>>) offsets(%dma_start3A_392 : memref<80xi32, #tpu.memory_space<vmem>>) semaphore(%arg23 : memref<!tpu.dma_semaphore, #tpu.memory_space<semaphore_mem>>) {add = true}
        %dma_wait3A_396 = arith.constant 2 : i32
        %dma_wait3A_397 = arith.constant 0 : i32
        %dma_wait3A_398 = tpu.memref_slice %arg10[%rem3A_221, %dma_wait3A_396, %dma_wait3A_397] : memref<2x10x80xi32, #tpu.memory_space<vmem>> -> memref<1x1x80xi32, #tpu.memory_space<vmem>>
        %dma_wait3A_399 = tpu.memref_squeeze %dma_wait3A_398 : memref<1x1x80xi32, #tpu.memory_space<vmem>> -> memref<80xi32, #tpu.memory_space<vmem>>
        %dma_wait3A_400 = arith.constant 0 : i32
        %dma_wait3A_401 = arith.constant 0 : i32
        %dma_wait3A_402 = tpu.memref_slice %arg13[%dma_wait3A_400, %dma_wait3A_401] : memref<10000x128xf32, #tpu.memory_space<vmem_shared>> -> memref<10000x128xf32, #tpu.memory_space<vmem_shared>>
        tpu.wait_indirect_dma semaphore(%arg16 : memref<!tpu.dma_semaphore, #tpu.memory_space<semaphore_mem>>) src(%arg11 : memref<80x128xf32, #tpu.memory_space<vmem>>) dst(%dma_wait3A_402 : memref<10000x128xf32, #tpu.memory_space<vmem_shared>>)
        %dma_wait3A_403 = arith.constant 2 : i32
        %dma_wait3A_404 = arith.constant 0 : i32
        %dma_wait3A_405 = tpu.memref_slice %arg10[%rem3A_221, %dma_wait3A_403, %dma_wait3A_404] : memref<2x10x80xi32, #tpu.memory_space<vmem>> -> memref<1x1x80xi32, #tpu.memory_space<vmem>>
        %dma_wait3A_406 = tpu.memref_squeeze %dma_wait3A_405 : memref<1x1x80xi32, #tpu.memory_space<vmem>> -> memref<80xi32, #tpu.memory_space<vmem>>
        %dma_wait3A_407 = arith.constant 0 : i32
        %dma_wait3A_408 = arith.constant 0 : i32
        %dma_wait3A_409 = tpu.memref_slice %arg22[%dma_wait3A_407, %dma_wait3A_408] : memref<10000x16xf32, #tpu.memory_space<vmem_shared>> -> memref<10000x16xf32, #tpu.memory_space<vmem_shared>>
        tpu.wait_indirect_dma semaphore(%arg23 : memref<!tpu.dma_semaphore, #tpu.memory_space<semaphore_mem>>) src(%arg21 : memref<80x16xf32, #tpu.memory_space<vmem>>) dst(%dma_wait3A_409 : memref<10000x16xf32, #tpu.memory_space<vmem_shared>>)
        %dma_start3A_410 = arith.constant 4 : i32
        %dma_start3A_411 = arith.constant 0 : i32
        %dma_start3A_412 = tpu.memref_slice %arg9[%rem3A_221, %dma_start3A_410, %dma_start3A_411] : memref<2x10x80xi32, #tpu.memory_space<vmem>> -> memref<1x1x80xi32, #tpu.memory_space<vmem>>
        %dma_start3A_413 = tpu.memref_squeeze %dma_start3A_412 : memref<1x1x80xi32, #tpu.memory_space<vmem>> -> memref<80xi32, #tpu.memory_space<vmem>>
        %dma_start3A_414 = arith.constant 0 : i32
        %dma_start3A_415 = arith.constant 0 : i32
        %dma_start3A_416 = tpu.memref_slice %arg2[%dma_start3A_414, %dma_start3A_415] : memref<20000x128xf32, #tpu.memory_space<hbm>> -> memref<20000x128xf32, #tpu.memory_space<hbm>>
        tpu.enqueue_indirect_dma source(%dma_start3A_416 : memref<20000x128xf32, #tpu.memory_space<hbm>>) target(%arg11 : memref<80x128xf32, #tpu.memory_space<vmem>>) offsets(%dma_start3A_413 : memref<80xi32, #tpu.memory_space<vmem>>) semaphore(%arg14 : memref<!tpu.dma_semaphore, #tpu.memory_space<semaphore_mem>>)
        %dma_wait3A_417 = arith.constant 3 : i32
        %dma_wait3A_418 = arith.constant 0 : i32
        %dma_wait3A_419 = tpu.memref_slice %arg9[%rem3A_221, %dma_wait3A_417, %dma_wait3A_418] : memref<2x10x80xi32, #tpu.memory_space<vmem>> -> memref<1x1x80xi32, #tpu.memory_space<vmem>>
        %dma_wait3A_420 = tpu.memref_squeeze %dma_wait3A_419 : memref<1x1x80xi32, #tpu.memory_space<vmem>> -> memref<80xi32, #tpu.memory_space<vmem>>
        %dma_wait3A_421 = arith.constant 0 : i32
        %dma_wait3A_422 = arith.constant 0 : i32
        %dma_wait3A_423 = tpu.memref_slice %arg2[%dma_wait3A_421, %dma_wait3A_422] : memref<20000x128xf32, #tpu.memory_space<hbm>> -> memref<20000x128xf32, #tpu.memory_space<hbm>>
        tpu.wait_indirect_dma semaphore(%arg15 : memref<!tpu.dma_semaphore, #tpu.memory_space<semaphore_mem>>) src(%dma_wait3A_423 : memref<20000x128xf32, #tpu.memory_space<hbm>>) dst(%arg12 : memref<80x128xf32, #tpu.memory_space<vmem>>)
        %dma_start3A_424 = arith.constant 3 : i32
        %dma_start3A_425 = arith.constant 0 : i32
        %dma_start3A_426 = tpu.memref_slice %arg10[%rem3A_221, %dma_start3A_424, %dma_start3A_425] : memref<2x10x80xi32, #tpu.memory_space<vmem>> -> memref<1x1x80xi32, #tpu.memory_space<vmem>>
        %dma_start3A_427 = tpu.memref_squeeze %dma_start3A_426 : memref<1x1x80xi32, #tpu.memory_space<vmem>> -> memref<80xi32, #tpu.memory_space<vmem>>
        %dma_start3A_428 = arith.constant 0 : i32
        %dma_start3A_429 = arith.constant 0 : i32
        %dma_start3A_430 = tpu.memref_slice %arg13[%dma_start3A_428, %dma_start3A_429] : memref<10000x128xf32, #tpu.memory_space<vmem_shared>> -> memref<10000x128xf32, #tpu.memory_space<vmem_shared>>
        tpu.enqueue_indirect_dma source(%arg12 : memref<80x128xf32, #tpu.memory_space<vmem>>) target(%dma_start3A_430 : memref<10000x128xf32, #tpu.memory_space<vmem_shared>>) offsets(%dma_start3A_427 : memref<80xi32, #tpu.memory_space<vmem>>) semaphore(%arg17 : memref<!tpu.dma_semaphore, #tpu.memory_space<semaphore_mem>>) {add = true}
        %dma_start3A_431 = arith.constant 3 : i32
        %dma_start3A_432 = arith.constant 0 : i32
        %dma_start3A_433 = tpu.memref_slice %arg10[%rem3A_221, %dma_start3A_431, %dma_start3A_432] : memref<2x10x80xi32, #tpu.memory_space<vmem>> -> memref<1x1x80xi32, #tpu.memory_space<vmem>>
        %dma_start3A_434 = tpu.memref_squeeze %dma_start3A_433 : memref<1x1x80xi32, #tpu.memory_space<vmem>> -> memref<80xi32, #tpu.memory_space<vmem>>
        %dma_start3A_435 = arith.constant 0 : i32
        %dma_start3A_436 = arith.constant 0 : i32
        %dma_start3A_437 = tpu.memref_slice %arg22[%dma_start3A_435, %dma_start3A_436] : memref<10000x16xf32, #tpu.memory_space<vmem_shared>> -> memref<10000x16xf32, #tpu.memory_space<vmem_shared>>
        tpu.enqueue_indirect_dma source(%arg21 : memref<80x16xf32, #tpu.memory_space<vmem>>) target(%dma_start3A_437 : memref<10000x16xf32, #tpu.memory_space<vmem_shared>>) offsets(%dma_start3A_434 : memref<80xi32, #tpu.memory_space<vmem>>) semaphore(%arg24 : memref<!tpu.dma_semaphore, #tpu.memory_space<semaphore_mem>>) {add = true}
        %dma_wait3A_438 = arith.constant 3 : i32
        %dma_wait3A_439 = arith.constant 0 : i32
        %dma_wait3A_440 = tpu.memref_slice %arg10[%rem3A_221, %dma_wait3A_438, %dma_wait3A_439] : memref<2x10x80xi32, #tpu.memory_space<vmem>> -> memref<1x1x80xi32, #tpu.memory_space<vmem>>
        %dma_wait3A_441 = tpu.memref_squeeze %dma_wait3A_440 : memref<1x1x80xi32, #tpu.memory_space<vmem>> -> memref<80xi32, #tpu.memory_space<vmem>>
        %dma_wait3A_442 = arith.constant 0 : i32
        %dma_wait3A_443 = arith.constant 0 : i32
        %dma_wait3A_444 = tpu.memref_slice %arg13[%dma_wait3A_442, %dma_wait3A_443] : memref<10000x128xf32, #tpu.memory_space<vmem_shared>> -> memref<10000x128xf32, #tpu.memory_space<vmem_shared>>
        tpu.wait_indirect_dma semaphore(%arg17 : memref<!tpu.dma_semaphore, #tpu.memory_space<semaphore_mem>>) src(%arg12 : memref<80x128xf32, #tpu.memory_space<vmem>>) dst(%dma_wait3A_444 : memref<10000x128xf32, #tpu.memory_space<vmem_shared>>)
        %dma_wait3A_445 = arith.constant 3 : i32
        %dma_wait3A_446 = arith.constant 0 : i32
        %dma_wait3A_447 = tpu.memref_slice %arg10[%rem3A_221, %dma_wait3A_445, %dma_wait3A_446] : memref<2x10x80xi32, #tpu.memory_space<vmem>> -> memref<1x1x80xi32, #tpu.memory_space<vmem>>
        %dma_wait3A_448 = tpu.memref_squeeze %dma_wait3A_447 : memref<1x1x80xi32, #tpu.memory_space<vmem>> -> memref<80xi32, #tpu.memory_space<vmem>>
        %dma_wait3A_449 = arith.constant 0 : i32
        %dma_wait3A_450 = arith.constant 0 : i32
        %dma_wait3A_451 = tpu.memref_slice %arg22[%dma_wait3A_449, %dma_wait3A_450] : memref<10000x16xf32, #tpu.memory_space<vmem_shared>> -> memref<10000x16xf32, #tpu.memory_space<vmem_shared>>
        tpu.wait_indirect_dma semaphore(%arg24 : memref<!tpu.dma_semaphore, #tpu.memory_space<semaphore_mem>>) src(%arg21 : memref<80x16xf32, #tpu.memory_space<vmem>>) dst(%dma_wait3A_451 : memref<10000x16xf32, #tpu.memory_space<vmem_shared>>)
        %dma_start3A_452 = arith.constant 5 : i32
        %dma_start3A_453 = arith.constant 0 : i32
        %dma_start3A_454 = tpu.memref_slice %arg9[%rem3A_221, %dma_start3A_452, %dma_start3A_453] : memref<2x10x80xi32, #tpu.memory_space<vmem>> -> memref<1x1x80xi32, #tpu.memory_space<vmem>>
        %dma_start3A_455 = tpu.memref_squeeze %dma_start3A_454 : memref<1x1x80xi32, #tpu.memory_space<vmem>> -> memref<80xi32, #tpu.memory_space<vmem>>
        %dma_start3A_456 = arith.constant 0 : i32
        %dma_start3A_457 = arith.constant 0 : i32
        %dma_start3A_458 = tpu.memref_slice %arg2[%dma_start3A_456, %dma_start3A_457] : memref<20000x128xf32, #tpu.memory_space<hbm>> -> memref<20000x128xf32, #tpu.memory_space<hbm>>
        tpu.enqueue_indirect_dma source(%dma_start3A_458 : memref<20000x128xf32, #tpu.memory_space<hbm>>) target(%arg12 : memref<80x128xf32, #tpu.memory_space<vmem>>) offsets(%dma_start3A_455 : memref<80xi32, #tpu.memory_space<vmem>>) semaphore(%arg15 : memref<!tpu.dma_semaphore, #tpu.memory_space<semaphore_mem>>)
        %dma_wait3A_459 = arith.constant 4 : i32
        %dma_wait3A_460 = arith.constant 0 : i32
        %dma_wait3A_461 = tpu.memref_slice %arg9[%rem3A_221, %dma_wait3A_459, %dma_wait3A_460] : memref<2x10x80xi32, #tpu.memory_space<vmem>> -> memref<1x1x80xi32, #tpu.memory_space<vmem>>
        %dma_wait3A_462 = tpu.memref_squeeze %dma_wait3A_461 : memref<1x1x80xi32, #tpu.memory_space<vmem>> -> memref<80xi32, #tpu.memory_space<vmem>>
        %dma_wait3A_463 = arith.constant 0 : i32
        %dma_wait3A_464 = arith.constant 0 : i32
        %dma_wait3A_465 = tpu.memref_slice %arg2[%dma_wait3A_463, %dma_wait3A_464] : memref<20000x128xf32, #tpu.memory_space<hbm>> -> memref<20000x128xf32, #tpu.memory_space<hbm>>
        tpu.wait_indirect_dma semaphore(%arg14 : memref<!tpu.dma_semaphore, #tpu.memory_space<semaphore_mem>>) src(%dma_wait3A_465 : memref<20000x128xf32, #tpu.memory_space<hbm>>) dst(%arg11 : memref<80x128xf32, #tpu.memory_space<vmem>>)
        %dma_start3A_466 = arith.constant 4 : i32
        %dma_start3A_467 = arith.constant 0 : i32
        %dma_start3A_468 = tpu.memref_slice %arg10[%rem3A_221, %dma_start3A_466, %dma_start3A_467] : memref<2x10x80xi32, #tpu.memory_space<vmem>> -> memref<1x1x80xi32, #tpu.memory_space<vmem>>
        %dma_start3A_469 = tpu.memref_squeeze %dma_start3A_468 : memref<1x1x80xi32, #tpu.memory_space<vmem>> -> memref<80xi32, #tpu.memory_space<vmem>>
        %dma_start3A_470 = arith.constant 0 : i32
        %dma_start3A_471 = arith.constant 0 : i32
        %dma_start3A_472 = tpu.memref_slice %arg13[%dma_start3A_470, %dma_start3A_471] : memref<10000x128xf32, #tpu.memory_space<vmem_shared>> -> memref<10000x128xf32, #tpu.memory_space<vmem_shared>>
        tpu.enqueue_indirect_dma source(%arg11 : memref<80x128xf32, #tpu.memory_space<vmem>>) target(%dma_start3A_472 : memref<10000x128xf32, #tpu.memory_space<vmem_shared>>) offsets(%dma_start3A_469 : memref<80xi32, #tpu.memory_space<vmem>>) semaphore(%arg16 : memref<!tpu.dma_semaphore, #tpu.memory_space<semaphore_mem>>) {add = true}
        %dma_start3A_473 = arith.constant 4 : i32
        %dma_start3A_474 = arith.constant 0 : i32
        %dma_start3A_475 = tpu.memref_slice %arg10[%rem3A_221, %dma_start3A_473, %dma_start3A_474] : memref<2x10x80xi32, #tpu.memory_space<vmem>> -> memref<1x1x80xi32, #tpu.memory_space<vmem>>
        %dma_start3A_476 = tpu.memref_squeeze %dma_start3A_475 : memref<1x1x80xi32, #tpu.memory_space<vmem>> -> memref<80xi32, #tpu.memory_space<vmem>>
        %dma_start3A_477 = arith.constant 0 : i32
        %dma_start3A_478 = arith.constant 0 : i32
        %dma_start3A_479 = tpu.memref_slice %arg22[%dma_start3A_477, %dma_start3A_478] : memref<10000x16xf32, #tpu.memory_space<vmem_shared>> -> memref<10000x16xf32, #tpu.memory_space<vmem_shared>>
        tpu.enqueue_indirect_dma source(%arg21 : memref<80x16xf32, #tpu.memory_space<vmem>>) target(%dma_start3A_479 : memref<10000x16xf32, #tpu.memory_space<vmem_shared>>) offsets(%dma_start3A_476 : memref<80xi32, #tpu.memory_space<vmem>>) semaphore(%arg23 : memref<!tpu.dma_semaphore, #tpu.memory_space<semaphore_mem>>) {add = true}
        %dma_wait3A_480 = arith.constant 4 : i32
        %dma_wait3A_481 = arith.constant 0 : i32
        %dma_wait3A_482 = tpu.memref_slice %arg10[%rem3A_221, %dma_wait3A_480, %dma_wait3A_481] : memref<2x10x80xi32, #tpu.memory_space<vmem>> -> memref<1x1x80xi32, #tpu.memory_space<vmem>>
        %dma_wait3A_483 = tpu.memref_squeeze %dma_wait3A_482 : memref<1x1x80xi32, #tpu.memory_space<vmem>> -> memref<80xi32, #tpu.memory_space<vmem>>
        %dma_wait3A_484 = arith.constant 0 : i32
        %dma_wait3A_485 = arith.constant 0 : i32
        %dma_wait3A_486 = tpu.memref_slice %arg13[%dma_wait3A_484, %dma_wait3A_485] : memref<10000x128xf32, #tpu.memory_space<vmem_shared>> -> memref<10000x128xf32, #tpu.memory_space<vmem_shared>>
        tpu.wait_indirect_dma semaphore(%arg16 : memref<!tpu.dma_semaphore, #tpu.memory_space<semaphore_mem>>) src(%arg11 : memref<80x128xf32, #tpu.memory_space<vmem>>) dst(%dma_wait3A_486 : memref<10000x128xf32, #tpu.memory_space<vmem_shared>>)
        %dma_wait3A_487 = arith.constant 4 : i32
        %dma_wait3A_488 = arith.constant 0 : i32
        %dma_wait3A_489 = tpu.memref_slice %arg10[%rem3A_221, %dma_wait3A_487, %dma_wait3A_488] : memref<2x10x80xi32, #tpu.memory_space<vmem>> -> memref<1x1x80xi32, #tpu.memory_space<vmem>>
        %dma_wait3A_490 = tpu.memref_squeeze %dma_wait3A_489 : memref<1x1x80xi32, #tpu.memory_space<vmem>> -> memref<80xi32, #tpu.memory_space<vmem>>
        %dma_wait3A_491 = arith.constant 0 : i32
        %dma_wait3A_492 = arith.constant 0 : i32
        %dma_wait3A_493 = tpu.memref_slice %arg22[%dma_wait3A_491, %dma_wait3A_492] : memref<10000x16xf32, #tpu.memory_space<vmem_shared>> -> memref<10000x16xf32, #tpu.memory_space<vmem_shared>>
        tpu.wait_indirect_dma semaphore(%arg23 : memref<!tpu.dma_semaphore, #tpu.memory_space<semaphore_mem>>) src(%arg21 : memref<80x16xf32, #tpu.memory_space<vmem>>) dst(%dma_wait3A_493 : memref<10000x16xf32, #tpu.memory_space<vmem_shared>>)
        %dma_start3A_494 = arith.constant 6 : i32
        %dma_start3A_495 = arith.constant 0 : i32
        %dma_start3A_496 = tpu.memref_slice %arg9[%rem3A_221, %dma_start3A_494, %dma_start3A_495] : memref<2x10x80xi32, #tpu.memory_space<vmem>> -> memref<1x1x80xi32, #tpu.memory_space<vmem>>
        %dma_start3A_497 = tpu.memref_squeeze %dma_start3A_496 : memref<1x1x80xi32, #tpu.memory_space<vmem>> -> memref<80xi32, #tpu.memory_space<vmem>>
        %dma_start3A_498 = arith.constant 0 : i32
        %dma_start3A_499 = arith.constant 0 : i32
        %dma_start3A_500 = tpu.memref_slice %arg2[%dma_start3A_498, %dma_start3A_499] : memref<20000x128xf32, #tpu.memory_space<hbm>> -> memref<20000x128xf32, #tpu.memory_space<hbm>>
        tpu.enqueue_indirect_dma source(%dma_start3A_500 : memref<20000x128xf32, #tpu.memory_space<hbm>>) target(%arg11 : memref<80x128xf32, #tpu.memory_space<vmem>>) offsets(%dma_start3A_497 : memref<80xi32, #tpu.memory_space<vmem>>) semaphore(%arg14 : memref<!tpu.dma_semaphore, #tpu.memory_space<semaphore_mem>>)
        %dma_wait3A_501 = arith.constant 5 : i32
        %dma_wait3A_502 = arith.constant 0 : i32
        %dma_wait3A_503 = tpu.memref_slice %arg9[%rem3A_221, %dma_wait3A_501, %dma_wait3A_502] : memref<2x10x80xi32, #tpu.memory_space<vmem>> -> memref<1x1x80xi32, #tpu.memory_space<vmem>>
        %dma_wait3A_504 = tpu.memref_squeeze %dma_wait3A_503 : memref<1x1x80xi32, #tpu.memory_space<vmem>> -> memref<80xi32, #tpu.memory_space<vmem>>
        %dma_wait3A_505 = arith.constant 0 : i32
        %dma_wait3A_506 = arith.constant 0 : i32
        %dma_wait3A_507 = tpu.memref_slice %arg2[%dma_wait3A_505, %dma_wait3A_506] : memref<20000x128xf32, #tpu.memory_space<hbm>> -> memref<20000x128xf32, #tpu.memory_space<hbm>>
        tpu.wait_indirect_dma semaphore(%arg15 : memref<!tpu.dma_semaphore, #tpu.memory_space<semaphore_mem>>) src(%dma_wait3A_507 : memref<20000x128xf32, #tpu.memory_space<hbm>>) dst(%arg12 : memref<80x128xf32, #tpu.memory_space<vmem>>)
        %dma_start3A_508 = arith.constant 5 : i32
        %dma_start3A_509 = arith.constant 0 : i32
        %dma_start3A_510 = tpu.memref_slice %arg10[%rem3A_221, %dma_start3A_508, %dma_start3A_509] : memref<2x10x80xi32, #tpu.memory_space<vmem>> -> memref<1x1x80xi32, #tpu.memory_space<vmem>>
        %dma_start3A_511 = tpu.memref_squeeze %dma_start3A_510 : memref<1x1x80xi32, #tpu.memory_space<vmem>> -> memref<80xi32, #tpu.memory_space<vmem>>
        %dma_start3A_512 = arith.constant 0 : i32
        %dma_start3A_513 = arith.constant 0 : i32
        %dma_start3A_514 = tpu.memref_slice %arg13[%dma_start3A_512, %dma_start3A_513] : memref<10000x128xf32, #tpu.memory_space<vmem_shared>> -> memref<10000x128xf32, #tpu.memory_space<vmem_shared>>
        tpu.enqueue_indirect_dma source(%arg12 : memref<80x128xf32, #tpu.memory_space<vmem>>) target(%dma_start3A_514 : memref<10000x128xf32, #tpu.memory_space<vmem_shared>>) offsets(%dma_start3A_511 : memref<80xi32, #tpu.memory_space<vmem>>) semaphore(%arg17 : memref<!tpu.dma_semaphore, #tpu.memory_space<semaphore_mem>>) {add = true}
        %dma_start3A_515 = arith.constant 5 : i32
        %dma_start3A_516 = arith.constant 0 : i32
        %dma_start3A_517 = tpu.memref_slice %arg10[%rem3A_221, %dma_start3A_515, %dma_start3A_516] : memref<2x10x80xi32, #tpu.memory_space<vmem>> -> memref<1x1x80xi32, #tpu.memory_space<vmem>>
        %dma_start3A_518 = tpu.memref_squeeze %dma_start3A_517 : memref<1x1x80xi32, #tpu.memory_space<vmem>> -> memref<80xi32, #tpu.memory_space<vmem>>
        %dma_start3A_519 = arith.constant 0 : i32
        %dma_start3A_520 = arith.constant 0 : i32
        %dma_start3A_521 = tpu.memref_slice %arg22[%dma_start3A_519, %dma_start3A_520] : memref<10000x16xf32, #tpu.memory_space<vmem_shared>> -> memref<10000x16xf32, #tpu.memory_space<vmem_shared>>
        tpu.enqueue_indirect_dma source(%arg21 : memref<80x16xf32, #tpu.memory_space<vmem>>) target(%dma_start3A_521 : memref<10000x16xf32, #tpu.memory_space<vmem_shared>>) offsets(%dma_start3A_518 : memref<80xi32, #tpu.memory_space<vmem>>) semaphore(%arg24 : memref<!tpu.dma_semaphore, #tpu.memory_space<semaphore_mem>>) {add = true}
        %dma_wait3A_522 = arith.constant 5 : i32
        %dma_wait3A_523 = arith.constant 0 : i32
        %dma_wait3A_524 = tpu.memref_slice %arg10[%rem3A_221, %dma_wait3A_522, %dma_wait3A_523] : memref<2x10x80xi32, #tpu.memory_space<vmem>> -> memref<1x1x80xi32, #tpu.memory_space<vmem>>
        %dma_wait3A_525 = tpu.memref_squeeze %dma_wait3A_524 : memref<1x1x80xi32, #tpu.memory_space<vmem>> -> memref<80xi32, #tpu.memory_space<vmem>>
        %dma_wait3A_526 = arith.constant 0 : i32
        %dma_wait3A_527 = arith.constant 0 : i32
        %dma_wait3A_528 = tpu.memref_slice %arg13[%dma_wait3A_526, %dma_wait3A_527] : memref<10000x128xf32, #tpu.memory_space<vmem_shared>> -> memref<10000x128xf32, #tpu.memory_space<vmem_shared>>
        tpu.wait_indirect_dma semaphore(%arg17 : memref<!tpu.dma_semaphore, #tpu.memory_space<semaphore_mem>>) src(%arg12 : memref<80x128xf32, #tpu.memory_space<vmem>>) dst(%dma_wait3A_528 : memref<10000x128xf32, #tpu.memory_space<vmem_shared>>)
        %dma_wait3A_529 = arith.constant 5 : i32
        %dma_wait3A_530 = arith.constant 0 : i32
        %dma_wait3A_531 = tpu.memref_slice %arg10[%rem3A_221, %dma_wait3A_529, %dma_wait3A_530] : memref<2x10x80xi32, #tpu.memory_space<vmem>> -> memref<1x1x80xi32, #tpu.memory_space<vmem>>
        %dma_wait3A_532 = tpu.memref_squeeze %dma_wait3A_531 : memref<1x1x80xi32, #tpu.memory_space<vmem>> -> memref<80xi32, #tpu.memory_space<vmem>>
        %dma_wait3A_533 = arith.constant 0 : i32
        %dma_wait3A_534 = arith.constant 0 : i32
        %dma_wait3A_535 = tpu.memref_slice %arg22[%dma_wait3A_533, %dma_wait3A_534] : memref<10000x16xf32, #tpu.memory_space<vmem_shared>> -> memref<10000x16xf32, #tpu.memory_space<vmem_shared>>
        tpu.wait_indirect_dma semaphore(%arg24 : memref<!tpu.dma_semaphore, #tpu.memory_space<semaphore_mem>>) src(%arg21 : memref<80x16xf32, #tpu.memory_space<vmem>>) dst(%dma_wait3A_535 : memref<10000x16xf32, #tpu.memory_space<vmem_shared>>)
        %dma_start3A_536 = arith.constant 7 : i32
        %dma_start3A_537 = arith.constant 0 : i32
        %dma_start3A_538 = tpu.memref_slice %arg9[%rem3A_221, %dma_start3A_536, %dma_start3A_537] : memref<2x10x80xi32, #tpu.memory_space<vmem>> -> memref<1x1x80xi32, #tpu.memory_space<vmem>>
        %dma_start3A_539 = tpu.memref_squeeze %dma_start3A_538 : memref<1x1x80xi32, #tpu.memory_space<vmem>> -> memref<80xi32, #tpu.memory_space<vmem>>
        %dma_start3A_540 = arith.constant 0 : i32
        %dma_start3A_541 = arith.constant 0 : i32
        %dma_start3A_542 = tpu.memref_slice %arg2[%dma_start3A_540, %dma_start3A_541] : memref<20000x128xf32, #tpu.memory_space<hbm>> -> memref<20000x128xf32, #tpu.memory_space<hbm>>
        tpu.enqueue_indirect_dma source(%dma_start3A_542 : memref<20000x128xf32, #tpu.memory_space<hbm>>) target(%arg12 : memref<80x128xf32, #tpu.memory_space<vmem>>) offsets(%dma_start3A_539 : memref<80xi32, #tpu.memory_space<vmem>>) semaphore(%arg15 : memref<!tpu.dma_semaphore, #tpu.memory_space<semaphore_mem>>)
        %dma_wait3A_543 = arith.constant 6 : i32
        %dma_wait3A_544 = arith.constant 0 : i32
        %dma_wait3A_545 = tpu.memref_slice %arg9[%rem3A_221, %dma_wait3A_543, %dma_wait3A_544] : memref<2x10x80xi32, #tpu.memory_space<vmem>> -> memref<1x1x80xi32, #tpu.memory_space<vmem>>
        %dma_wait3A_546 = tpu.memref_squeeze %dma_wait3A_545 : memref<1x1x80xi32, #tpu.memory_space<vmem>> -> memref<80xi32, #tpu.memory_space<vmem>>
        %dma_wait3A_547 = arith.constant 0 : i32
        %dma_wait3A_548 = arith.constant 0 : i32
        %dma_wait3A_549 = tpu.memref_slice %arg2[%dma_wait3A_547, %dma_wait3A_548] : memref<20000x128xf32, #tpu.memory_space<hbm>> -> memref<20000x128xf32, #tpu.memory_space<hbm>>
        tpu.wait_indirect_dma semaphore(%arg14 : memref<!tpu.dma_semaphore, #tpu.memory_space<semaphore_mem>>) src(%dma_wait3A_549 : memref<20000x128xf32, #tpu.memory_space<hbm>>) dst(%arg11 : memref<80x128xf32, #tpu.memory_space<vmem>>)
        %dma_start3A_550 = arith.constant 6 : i32
        %dma_start3A_551 = arith.constant 0 : i32
        %dma_start3A_552 = tpu.memref_slice %arg10[%rem3A_221, %dma_start3A_550, %dma_start3A_551] : memref<2x10x80xi32, #tpu.memory_space<vmem>> -> memref<1x1x80xi32, #tpu.memory_space<vmem>>
        %dma_start3A_553 = tpu.memref_squeeze %dma_start3A_552 : memref<1x1x80xi32, #tpu.memory_space<vmem>> -> memref<80xi32, #tpu.memory_space<vmem>>
        %dma_start3A_554 = arith.constant 0 : i32
        %dma_start3A_555 = arith.constant 0 : i32
        %dma_start3A_556 = tpu.memref_slice %arg13[%dma_start3A_554, %dma_start3A_555] : memref<10000x128xf32, #tpu.memory_space<vmem_shared>> -> memref<10000x128xf32, #tpu.memory_space<vmem_shared>>
        tpu.enqueue_indirect_dma source(%arg11 : memref<80x128xf32, #tpu.memory_space<vmem>>) target(%dma_start3A_556 : memref<10000x128xf32, #tpu.memory_space<vmem_shared>>) offsets(%dma_start3A_553 : memref<80xi32, #tpu.memory_space<vmem>>) semaphore(%arg16 : memref<!tpu.dma_semaphore, #tpu.memory_space<semaphore_mem>>) {add = true}
        %dma_start3A_557 = arith.constant 6 : i32
        %dma_start3A_558 = arith.constant 0 : i32
        %dma_start3A_559 = tpu.memref_slice %arg10[%rem3A_221, %dma_start3A_557, %dma_start3A_558] : memref<2x10x80xi32, #tpu.memory_space<vmem>> -> memref<1x1x80xi32, #tpu.memory_space<vmem>>
        %dma_start3A_560 = tpu.memref_squeeze %dma_start3A_559 : memref<1x1x80xi32, #tpu.memory_space<vmem>> -> memref<80xi32, #tpu.memory_space<vmem>>
        %dma_start3A_561 = arith.constant 0 : i32
        %dma_start3A_562 = arith.constant 0 : i32
        %dma_start3A_563 = tpu.memref_slice %arg22[%dma_start3A_561, %dma_start3A_562] : memref<10000x16xf32, #tpu.memory_space<vmem_shared>> -> memref<10000x16xf32, #tpu.memory_space<vmem_shared>>
        tpu.enqueue_indirect_dma source(%arg21 : memref<80x16xf32, #tpu.memory_space<vmem>>) target(%dma_start3A_563 : memref<10000x16xf32, #tpu.memory_space<vmem_shared>>) offsets(%dma_start3A_560 : memref<80xi32, #tpu.memory_space<vmem>>) semaphore(%arg23 : memref<!tpu.dma_semaphore, #tpu.memory_space<semaphore_mem>>) {add = true}
        %dma_wait3A_564 = arith.constant 6 : i32
        %dma_wait3A_565 = arith.constant 0 : i32
        %dma_wait3A_566 = tpu.memref_slice %arg10[%rem3A_221, %dma_wait3A_564, %dma_wait3A_565] : memref<2x10x80xi32, #tpu.memory_space<vmem>> -> memref<1x1x80xi32, #tpu.memory_space<vmem>>
        %dma_wait3A_567 = tpu.memref_squeeze %dma_wait3A_566 : memref<1x1x80xi32, #tpu.memory_space<vmem>> -> memref<80xi32, #tpu.memory_space<vmem>>
        %dma_wait3A_568 = arith.constant 0 : i32
        %dma_wait3A_569 = arith.constant 0 : i32
        %dma_wait3A_570 = tpu.memref_slice %arg13[%dma_wait3A_568, %dma_wait3A_569] : memref<10000x128xf32, #tpu.memory_space<vmem_shared>> -> memref<10000x128xf32, #tpu.memory_space<vmem_shared>>
        tpu.wait_indirect_dma semaphore(%arg16 : memref<!tpu.dma_semaphore, #tpu.memory_space<semaphore_mem>>) src(%arg11 : memref<80x128xf32, #tpu.memory_space<vmem>>) dst(%dma_wait3A_570 : memref<10000x128xf32, #tpu.memory_space<vmem_shared>>)
        %dma_wait3A_571 = arith.constant 6 : i32
        %dma_wait3A_572 = arith.constant 0 : i32
        %dma_wait3A_573 = tpu.memref_slice %arg10[%rem3A_221, %dma_wait3A_571, %dma_wait3A_572] : memref<2x10x80xi32, #tpu.memory_space<vmem>> -> memref<1x1x80xi32, #tpu.memory_space<vmem>>
        %dma_wait3A_574 = tpu.memref_squeeze %dma_wait3A_573 : memref<1x1x80xi32, #tpu.memory_space<vmem>> -> memref<80xi32, #tpu.memory_space<vmem>>
        %dma_wait3A_575 = arith.constant 0 : i32
        %dma_wait3A_576 = arith.constant 0 : i32
        %dma_wait3A_577 = tpu.memref_slice %arg22[%dma_wait3A_575, %dma_wait3A_576] : memref<10000x16xf32, #tpu.memory_space<vmem_shared>> -> memref<10000x16xf32, #tpu.memory_space<vmem_shared>>
        tpu.wait_indirect_dma semaphore(%arg23 : memref<!tpu.dma_semaphore, #tpu.memory_space<semaphore_mem>>) src(%arg21 : memref<80x16xf32, #tpu.memory_space<vmem>>) dst(%dma_wait3A_577 : memref<10000x16xf32, #tpu.memory_space<vmem_shared>>)
        %dma_start3A_578 = arith.constant 8 : i32
        %dma_start3A_579 = arith.constant 0 : i32
        %dma_start3A_580 = tpu.memref_slice %arg9[%rem3A_221, %dma_start3A_578, %dma_start3A_579] : memref<2x10x80xi32, #tpu.memory_space<vmem>> -> memref<1x1x80xi32, #tpu.memory_space<vmem>>
        %dma_start3A_581 = tpu.memref_squeeze %dma_start3A_580 : memref<1x1x80xi32, #tpu.memory_space<vmem>> -> memref<80xi32, #tpu.memory_space<vmem>>
        %dma_start3A_582 = arith.constant 0 : i32
        %dma_start3A_583 = arith.constant 0 : i32
        %dma_start3A_584 = tpu.memref_slice %arg2[%dma_start3A_582, %dma_start3A_583] : memref<20000x128xf32, #tpu.memory_space<hbm>> -> memref<20000x128xf32, #tpu.memory_space<hbm>>
        tpu.enqueue_indirect_dma source(%dma_start3A_584 : memref<20000x128xf32, #tpu.memory_space<hbm>>) target(%arg11 : memref<80x128xf32, #tpu.memory_space<vmem>>) offsets(%dma_start3A_581 : memref<80xi32, #tpu.memory_space<vmem>>) semaphore(%arg14 : memref<!tpu.dma_semaphore, #tpu.memory_space<semaphore_mem>>)
        %dma_wait3A_585 = arith.constant 7 : i32
        %dma_wait3A_586 = arith.constant 0 : i32
        %dma_wait3A_587 = tpu.memref_slice %arg9[%rem3A_221, %dma_wait3A_585, %dma_wait3A_586] : memref<2x10x80xi32, #tpu.memory_space<vmem>> -> memref<1x1x80xi32, #tpu.memory_space<vmem>>
        %dma_wait3A_588 = tpu.memref_squeeze %dma_wait3A_587 : memref<1x1x80xi32, #tpu.memory_space<vmem>> -> memref<80xi32, #tpu.memory_space<vmem>>
        %dma_wait3A_589 = arith.constant 0 : i32
        %dma_wait3A_590 = arith.constant 0 : i32
        %dma_wait3A_591 = tpu.memref_slice %arg2[%dma_wait3A_589, %dma_wait3A_590] : memref<20000x128xf32, #tpu.memory_space<hbm>> -> memref<20000x128xf32, #tpu.memory_space<hbm>>
        tpu.wait_indirect_dma semaphore(%arg15 : memref<!tpu.dma_semaphore, #tpu.memory_space<semaphore_mem>>) src(%dma_wait3A_591 : memref<20000x128xf32, #tpu.memory_space<hbm>>) dst(%arg12 : memref<80x128xf32, #tpu.memory_space<vmem>>)
        %dma_start3A_592 = arith.constant 7 : i32
        %dma_start3A_593 = arith.constant 0 : i32
        %dma_start3A_594 = tpu.memref_slice %arg10[%rem3A_221, %dma_start3A_592, %dma_start3A_593] : memref<2x10x80xi32, #tpu.memory_space<vmem>> -> memref<1x1x80xi32, #tpu.memory_space<vmem>>
        %dma_start3A_595 = tpu.memref_squeeze %dma_start3A_594 : memref<1x1x80xi32, #tpu.memory_space<vmem>> -> memref<80xi32, #tpu.memory_space<vmem>>
        %dma_start3A_596 = arith.constant 0 : i32
        %dma_start3A_597 = arith.constant 0 : i32
        %dma_start3A_598 = tpu.memref_slice %arg13[%dma_start3A_596, %dma_start3A_597] : memref<10000x128xf32, #tpu.memory_space<vmem_shared>> -> memref<10000x128xf32, #tpu.memory_space<vmem_shared>>
        tpu.enqueue_indirect_dma source(%arg12 : memref<80x128xf32, #tpu.memory_space<vmem>>) target(%dma_start3A_598 : memref<10000x128xf32, #tpu.memory_space<vmem_shared>>) offsets(%dma_start3A_595 : memref<80xi32, #tpu.memory_space<vmem>>) semaphore(%arg17 : memref<!tpu.dma_semaphore, #tpu.memory_space<semaphore_mem>>) {add = true}
        %dma_start3A_599 = arith.constant 7 : i32
        %dma_start3A_600 = arith.constant 0 : i32
        %dma_start3A_601 = tpu.memref_slice %arg10[%rem3A_221, %dma_start3A_599, %dma_start3A_600] : memref<2x10x80xi32, #tpu.memory_space<vmem>> -> memref<1x1x80xi32, #tpu.memory_space<vmem>>
        %dma_start3A_602 = tpu.memref_squeeze %dma_start3A_601 : memref<1x1x80xi32, #tpu.memory_space<vmem>> -> memref<80xi32, #tpu.memory_space<vmem>>
        %dma_start3A_603 = arith.constant 0 : i32
        %dma_start3A_604 = arith.constant 0 : i32
        %dma_start3A_605 = tpu.memref_slice %arg22[%dma_start3A_603, %dma_start3A_604] : memref<10000x16xf32, #tpu.memory_space<vmem_shared>> -> memref<10000x16xf32, #tpu.memory_space<vmem_shared>>
        tpu.enqueue_indirect_dma source(%arg21 : memref<80x16xf32, #tpu.memory_space<vmem>>) target(%dma_start3A_605 : memref<10000x16xf32, #tpu.memory_space<vmem_shared>>) offsets(%dma_start3A_602 : memref<80xi32, #tpu.memory_space<vmem>>) semaphore(%arg24 : memref<!tpu.dma_semaphore, #tpu.memory_space<semaphore_mem>>) {add = true}
        %dma_wait3A_606 = arith.constant 7 : i32
        %dma_wait3A_607 = arith.constant 0 : i32
        %dma_wait3A_608 = tpu.memref_slice %arg10[%rem3A_221, %dma_wait3A_606, %dma_wait3A_607] : memref<2x10x80xi32, #tpu.memory_space<vmem>> -> memref<1x1x80xi32, #tpu.memory_space<vmem>>
        %dma_wait3A_609 = tpu.memref_squeeze %dma_wait3A_608 : memref<1x1x80xi32, #tpu.memory_space<vmem>> -> memref<80xi32, #tpu.memory_space<vmem>>
        %dma_wait3A_610 = arith.constant 0 : i32
        %dma_wait3A_611 = arith.constant 0 : i32
        %dma_wait3A_612 = tpu.memref_slice %arg13[%dma_wait3A_610, %dma_wait3A_611] : memref<10000x128xf32, #tpu.memory_space<vmem_shared>> -> memref<10000x128xf32, #tpu.memory_space<vmem_shared>>
        tpu.wait_indirect_dma semaphore(%arg17 : memref<!tpu.dma_semaphore, #tpu.memory_space<semaphore_mem>>) src(%arg12 : memref<80x128xf32, #tpu.memory_space<vmem>>) dst(%dma_wait3A_612 : memref<10000x128xf32, #tpu.memory_space<vmem_shared>>)
        %dma_wait3A_613 = arith.constant 7 : i32
        %dma_wait3A_614 = arith.constant 0 : i32
        %dma_wait3A_615 = tpu.memref_slice %arg10[%rem3A_221, %dma_wait3A_613, %dma_wait3A_614] : memref<2x10x80xi32, #tpu.memory_space<vmem>> -> memref<1x1x80xi32, #tpu.memory_space<vmem>>
        %dma_wait3A_616 = tpu.memref_squeeze %dma_wait3A_615 : memref<1x1x80xi32, #tpu.memory_space<vmem>> -> memref<80xi32, #tpu.memory_space<vmem>>
        %dma_wait3A_617 = arith.constant 0 : i32
        %dma_wait3A_618 = arith.constant 0 : i32
        %dma_wait3A_619 = tpu.memref_slice %arg22[%dma_wait3A_617, %dma_wait3A_618] : memref<10000x16xf32, #tpu.memory_space<vmem_shared>> -> memref<10000x16xf32, #tpu.memory_space<vmem_shared>>
        tpu.wait_indirect_dma semaphore(%arg24 : memref<!tpu.dma_semaphore, #tpu.memory_space<semaphore_mem>>) src(%arg21 : memref<80x16xf32, #tpu.memory_space<vmem>>) dst(%dma_wait3A_619 : memref<10000x16xf32, #tpu.memory_space<vmem_shared>>)
        %dma_start3A_620 = arith.constant 9 : i32
        %dma_start3A_621 = arith.constant 0 : i32
        %dma_start3A_622 = tpu.memref_slice %arg9[%rem3A_221, %dma_start3A_620, %dma_start3A_621] : memref<2x10x80xi32, #tpu.memory_space<vmem>> -> memref<1x1x80xi32, #tpu.memory_space<vmem>>
        %dma_start3A_623 = tpu.memref_squeeze %dma_start3A_622 : memref<1x1x80xi32, #tpu.memory_space<vmem>> -> memref<80xi32, #tpu.memory_space<vmem>>
        %dma_start3A_624 = arith.constant 0 : i32
        %dma_start3A_625 = arith.constant 0 : i32
        %dma_start3A_626 = tpu.memref_slice %arg2[%dma_start3A_624, %dma_start3A_625] : memref<20000x128xf32, #tpu.memory_space<hbm>> -> memref<20000x128xf32, #tpu.memory_space<hbm>>
        tpu.enqueue_indirect_dma source(%dma_start3A_626 : memref<20000x128xf32, #tpu.memory_space<hbm>>) target(%arg12 : memref<80x128xf32, #tpu.memory_space<vmem>>) offsets(%dma_start3A_623 : memref<80xi32, #tpu.memory_space<vmem>>) semaphore(%arg15 : memref<!tpu.dma_semaphore, #tpu.memory_space<semaphore_mem>>)
        %dma_wait3A_627 = arith.constant 8 : i32
        %dma_wait3A_628 = arith.constant 0 : i32
        %dma_wait3A_629 = tpu.memref_slice %arg9[%rem3A_221, %dma_wait3A_627, %dma_wait3A_628] : memref<2x10x80xi32, #tpu.memory_space<vmem>> -> memref<1x1x80xi32, #tpu.memory_space<vmem>>
        %dma_wait3A_630 = tpu.memref_squeeze %dma_wait3A_629 : memref<1x1x80xi32, #tpu.memory_space<vmem>> -> memref<80xi32, #tpu.memory_space<vmem>>
        %dma_wait3A_631 = arith.constant 0 : i32
        %dma_wait3A_632 = arith.constant 0 : i32
        %dma_wait3A_633 = tpu.memref_slice %arg2[%dma_wait3A_631, %dma_wait3A_632] : memref<20000x128xf32, #tpu.memory_space<hbm>> -> memref<20000x128xf32, #tpu.memory_space<hbm>>
        tpu.wait_indirect_dma semaphore(%arg14 : memref<!tpu.dma_semaphore, #tpu.memory_space<semaphore_mem>>) src(%dma_wait3A_633 : memref<20000x128xf32, #tpu.memory_space<hbm>>) dst(%arg11 : memref<80x128xf32, #tpu.memory_space<vmem>>)
        %dma_start3A_634 = arith.constant 8 : i32
        %dma_start3A_635 = arith.constant 0 : i32
        %dma_start3A_636 = tpu.memref_slice %arg10[%rem3A_221, %dma_start3A_634, %dma_start3A_635] : memref<2x10x80xi32, #tpu.memory_space<vmem>> -> memref<1x1x80xi32, #tpu.memory_space<vmem>>
        %dma_start3A_637 = tpu.memref_squeeze %dma_start3A_636 : memref<1x1x80xi32, #tpu.memory_space<vmem>> -> memref<80xi32, #tpu.memory_space<vmem>>
        %dma_start3A_638 = arith.constant 0 : i32
        %dma_start3A_639 = arith.constant 0 : i32
        %dma_start3A_640 = tpu.memref_slice %arg13[%dma_start3A_638, %dma_start3A_639] : memref<10000x128xf32, #tpu.memory_space<vmem_shared>> -> memref<10000x128xf32, #tpu.memory_space<vmem_shared>>
        tpu.enqueue_indirect_dma source(%arg11 : memref<80x128xf32, #tpu.memory_space<vmem>>) target(%dma_start3A_640 : memref<10000x128xf32, #tpu.memory_space<vmem_shared>>) offsets(%dma_start3A_637 : memref<80xi32, #tpu.memory_space<vmem>>) semaphore(%arg16 : memref<!tpu.dma_semaphore, #tpu.memory_space<semaphore_mem>>) {add = true}
        %dma_start3A_641 = arith.constant 8 : i32
        %dma_start3A_642 = arith.constant 0 : i32
        %dma_start3A_643 = tpu.memref_slice %arg10[%rem3A_221, %dma_start3A_641, %dma_start3A_642] : memref<2x10x80xi32, #tpu.memory_space<vmem>> -> memref<1x1x80xi32, #tpu.memory_space<vmem>>
        %dma_start3A_644 = tpu.memref_squeeze %dma_start3A_643 : memref<1x1x80xi32, #tpu.memory_space<vmem>> -> memref<80xi32, #tpu.memory_space<vmem>>
        %dma_start3A_645 = arith.constant 0 : i32
        %dma_start3A_646 = arith.constant 0 : i32
        %dma_start3A_647 = tpu.memref_slice %arg22[%dma_start3A_645, %dma_start3A_646] : memref<10000x16xf32, #tpu.memory_space<vmem_shared>> -> memref<10000x16xf32, #tpu.memory_space<vmem_shared>>
        tpu.enqueue_indirect_dma source(%arg21 : memref<80x16xf32, #tpu.memory_space<vmem>>) target(%dma_start3A_647 : memref<10000x16xf32, #tpu.memory_space<vmem_shared>>) offsets(%dma_start3A_644 : memref<80xi32, #tpu.memory_space<vmem>>) semaphore(%arg23 : memref<!tpu.dma_semaphore, #tpu.memory_space<semaphore_mem>>) {add = true}
        %scan3A_648 = arith.constant 0 : i32
        scf.yield %scan3A_648 : i32
      }
      %scan3A_162 = arith.constant 25 : i32
      %dma_wait3A = arith.constant 0 : i32
      %dma_wait3A_163 = arith.constant 9 : i32
      %dma_wait3A_164 = arith.constant 0 : i32
      %dma_wait3A_165 = tpu.memref_slice %arg9[%dma_wait3A, %dma_wait3A_163, %dma_wait3A_164] : memref<2x10x80xi32, #tpu.memory_space<vmem>> -> memref<1x1x80xi32, #tpu.memory_space<vmem>>
      %dma_wait3A_166 = tpu.memref_squeeze %dma_wait3A_165 : memref<1x1x80xi32, #tpu.memory_space<vmem>> -> memref<80xi32, #tpu.memory_space<vmem>>
      %dma_wait3A_167 = arith.constant 0 : i32
      %dma_wait3A_168 = arith.constant 0 : i32
      %dma_wait3A_169 = tpu.memref_slice %arg2[%dma_wait3A_167, %dma_wait3A_168] : memref<20000x128xf32, #tpu.memory_space<hbm>> -> memref<20000x128xf32, #tpu.memory_space<hbm>>
      tpu.wait_indirect_dma semaphore(%arg15 : memref<!tpu.dma_semaphore, #tpu.memory_space<semaphore_mem>>) src(%dma_wait3A_169 : memref<20000x128xf32, #tpu.memory_space<hbm>>) dst(%arg12 : memref<80x128xf32, #tpu.memory_space<vmem>>)
      %dma_start3A_170 = arith.constant 0 : i32
      %dma_start3A_171 = arith.constant 9 : i32
      %dma_start3A_172 = arith.constant 0 : i32
      %dma_start3A_173 = tpu.memref_slice %arg10[%dma_start3A_170, %dma_start3A_171, %dma_start3A_172] : memref<2x10x80xi32, #tpu.memory_space<vmem>> -> memref<1x1x80xi32, #tpu.memory_space<vmem>>
      %dma_start3A_174 = tpu.memref_squeeze %dma_start3A_173 : memref<1x1x80xi32, #tpu.memory_space<vmem>> -> memref<80xi32, #tpu.memory_space<vmem>>
      %dma_start3A_175 = arith.constant 0 : i32
      %dma_start3A_176 = arith.constant 0 : i32
      %dma_start3A_177 = tpu.memref_slice %arg13[%dma_start3A_175, %dma_start3A_176] : memref<10000x128xf32, #tpu.memory_space<vmem_shared>> -> memref<10000x128xf32, #tpu.memory_space<vmem_shared>>
      tpu.enqueue_indirect_dma source(%arg12 : memref<80x128xf32, #tpu.memory_space<vmem>>) target(%dma_start3A_177 : memref<10000x128xf32, #tpu.memory_space<vmem_shared>>) offsets(%dma_start3A_174 : memref<80xi32, #tpu.memory_space<vmem>>) semaphore(%arg17 : memref<!tpu.dma_semaphore, #tpu.memory_space<semaphore_mem>>) {add = true}
      %dma_start3A_178 = arith.constant 0 : i32
      %dma_start3A_179 = arith.constant 9 : i32
      %dma_start3A_180 = arith.constant 0 : i32
      %dma_start3A_181 = tpu.memref_slice %arg10[%dma_start3A_178, %dma_start3A_179, %dma_start3A_180] : memref<2x10x80xi32, #tpu.memory_space<vmem>> -> memref<1x1x80xi32, #tpu.memory_space<vmem>>
      %dma_start3A_182 = tpu.memref_squeeze %dma_start3A_181 : memref<1x1x80xi32, #tpu.memory_space<vmem>> -> memref<80xi32, #tpu.memory_space<vmem>>
      %dma_start3A_183 = arith.constant 0 : i32
      %dma_start3A_184 = arith.constant 0 : i32
      %dma_start3A_185 = tpu.memref_slice %arg22[%dma_start3A_183, %dma_start3A_184] : memref<10000x16xf32, #tpu.memory_space<vmem_shared>> -> memref<10000x16xf32, #tpu.memory_space<vmem_shared>>
      tpu.enqueue_indirect_dma source(%arg21 : memref<80x16xf32, #tpu.memory_space<vmem>>) target(%dma_start3A_185 : memref<10000x16xf32, #tpu.memory_space<vmem_shared>>) offsets(%dma_start3A_182 : memref<80xi32, #tpu.memory_space<vmem>>) semaphore(%arg24 : memref<!tpu.dma_semaphore, #tpu.memory_space<semaphore_mem>>) {add = true}
      %dma_wait3A_186 = arith.constant 0 : i32
      %dma_wait3A_187 = arith.constant 8 : i32
      %dma_wait3A_188 = arith.constant 0 : i32
      %dma_wait3A_189 = tpu.memref_slice %arg10[%dma_wait3A_186, %dma_wait3A_187, %dma_wait3A_188] : memref<2x10x80xi32, #tpu.memory_space<vmem>> -> memref<1x1x80xi32, #tpu.memory_space<vmem>>
      %dma_wait3A_190 = tpu.memref_squeeze %dma_wait3A_189 : memref<1x1x80xi32, #tpu.memory_space<vmem>> -> memref<80xi32, #tpu.memory_space<vmem>>
      %dma_wait3A_191 = arith.constant 0 : i32
      %dma_wait3A_192 = arith.constant 0 : i32
      %dma_wait3A_193 = tpu.memref_slice %arg13[%dma_wait3A_191, %dma_wait3A_192] : memref<10000x128xf32, #tpu.memory_space<vmem_shared>> -> memref<10000x128xf32, #tpu.memory_space<vmem_shared>>
      tpu.wait_indirect_dma semaphore(%arg16 : memref<!tpu.dma_semaphore, #tpu.memory_space<semaphore_mem>>) src(%arg11 : memref<80x128xf32, #tpu.memory_space<vmem>>) dst(%dma_wait3A_193 : memref<10000x128xf32, #tpu.memory_space<vmem_shared>>)
      %dma_wait3A_194 = arith.constant 0 : i32
      %dma_wait3A_195 = arith.constant 9 : i32
      %dma_wait3A_196 = arith.constant 0 : i32
      %dma_wait3A_197 = tpu.memref_slice %arg10[%dma_wait3A_194, %dma_wait3A_195, %dma_wait3A_196] : memref<2x10x80xi32, #tpu.memory_space<vmem>> -> memref<1x1x80xi32, #tpu.memory_space<vmem>>
      %dma_wait3A_198 = tpu.memref_squeeze %dma_wait3A_197 : memref<1x1x80xi32, #tpu.memory_space<vmem>> -> memref<80xi32, #tpu.memory_space<vmem>>
      %dma_wait3A_199 = arith.constant 0 : i32
      %dma_wait3A_200 = arith.constant 0 : i32
      %dma_wait3A_201 = tpu.memref_slice %arg13[%dma_wait3A_199, %dma_wait3A_200] : memref<10000x128xf32, #tpu.memory_space<vmem_shared>> -> memref<10000x128xf32, #tpu.memory_space<vmem_shared>>
      tpu.wait_indirect_dma semaphore(%arg17 : memref<!tpu.dma_semaphore, #tpu.memory_space<semaphore_mem>>) src(%arg12 : memref<80x128xf32, #tpu.memory_space<vmem>>) dst(%dma_wait3A_201 : memref<10000x128xf32, #tpu.memory_space<vmem_shared>>)
      %dma_wait3A_202 = arith.constant 0 : i32
      %dma_wait3A_203 = arith.constant 8 : i32
      %dma_wait3A_204 = arith.constant 0 : i32
      %dma_wait3A_205 = tpu.memref_slice %arg10[%dma_wait3A_202, %dma_wait3A_203, %dma_wait3A_204] : memref<2x10x80xi32, #tpu.memory_space<vmem>> -> memref<1x1x80xi32, #tpu.memory_space<vmem>>
      %dma_wait3A_206 = tpu.memref_squeeze %dma_wait3A_205 : memref<1x1x80xi32, #tpu.memory_space<vmem>> -> memref<80xi32, #tpu.memory_space<vmem>>
      %dma_wait3A_207 = arith.constant 0 : i32
      %dma_wait3A_208 = arith.constant 0 : i32
      %dma_wait3A_209 = tpu.memref_slice %arg22[%dma_wait3A_207, %dma_wait3A_208] : memref<10000x16xf32, #tpu.memory_space<vmem_shared>> -> memref<10000x16xf32, #tpu.memory_space<vmem_shared>>
      tpu.wait_indirect_dma semaphore(%arg23 : memref<!tpu.dma_semaphore, #tpu.memory_space<semaphore_mem>>) src(%arg21 : memref<80x16xf32, #tpu.memory_space<vmem>>) dst(%dma_wait3A_209 : memref<10000x16xf32, #tpu.memory_space<vmem_shared>>)
      %dma_wait3A_210 = arith.constant 0 : i32
      %dma_wait3A_211 = arith.constant 9 : i32
      %dma_wait3A_212 = arith.constant 0 : i32
      %dma_wait3A_213 = tpu.memref_slice %arg10[%dma_wait3A_210, %dma_wait3A_211, %dma_wait3A_212] : memref<2x10x80xi32, #tpu.memory_space<vmem>> -> memref<1x1x80xi32, #tpu.memory_space<vmem>>
      %dma_wait3A_214 = tpu.memref_squeeze %dma_wait3A_213 : memref<1x1x80xi32, #tpu.memory_space<vmem>> -> memref<80xi32, #tpu.memory_space<vmem>>
      %dma_wait3A_215 = arith.constant 0 : i32
      %dma_wait3A_216 = arith.constant 0 : i32
      %dma_wait3A_217 = tpu.memref_slice %arg22[%dma_wait3A_215, %dma_wait3A_216] : memref<10000x16xf32, #tpu.memory_space<vmem_shared>> -> memref<10000x16xf32, #tpu.memory_space<vmem_shared>>
      tpu.wait_indirect_dma semaphore(%arg24 : memref<!tpu.dma_semaphore, #tpu.memory_space<semaphore_mem>>) src(%arg21 : memref<80x16xf32, #tpu.memory_space<vmem>>) dst(%dma_wait3A_217 : memref<10000x16xf32, #tpu.memory_space<vmem_shared>>)
    } else {
    }
    %eq3A_93 = arith.constant 1 : i32
    %eq3A_94 = arith.cmpi eq, %arg0, %eq3A_93 : i32
    %convert_element_type3A_95 = arith.extui %eq3A_94 : i1 to i32
    %cond3A_96 = arith.constant 0 : i32
    %cond3A_97 = arith.cmpi ne, %convert_element_type3A_95, %cond3A_96 : i32
    scf.if %cond3A_97 {
      %dma_start3A = arith.constant 0 : i32
      %dma_start3A_123 = arith.constant 0 : i32
      %dma_start3A_124 = arith.constant 0 : i32
      %dma_start3A_125 = tpu.memref_slice %arg9[%dma_start3A, %dma_start3A_123, %dma_start3A_124] : memref<2x10x80xi32, #tpu.memory_space<vmem>> -> memref<1x10x80xi32, #tpu.memory_space<vmem>>
      %dma_start3A_126 = tpu.memref_squeeze %dma_start3A_125 : memref<1x10x80xi32, #tpu.memory_space<vmem>> -> memref<10x80xi32, #tpu.memory_space<vmem>>
      %dma_start3A_127 = arith.constant 0 : i32
      %dma_start3A_128 = arith.constant 0 : i32
      %dma_start3A_129 = tpu.memref_slice %arg5[%arg1, %dma_start3A_127, %dma_start3A_128] : memref<16x250x80xi32, #tpu.memory_space<hbm>> -> memref<1x10x80xi32, #tpu.memory_space<hbm>>
      %dma_start3A_130 = tpu.memref_squeeze %dma_start3A_129 : memref<1x10x80xi32, #tpu.memory_space<hbm>> -> memref<10x80xi32, #tpu.memory_space<hbm>>
      %dma_start3A_131 = arith.constant 0 : i32
      %dma_start3A_132 = arith.constant 0 : i32
      %dma_start3A_133 = tpu.memref_slice %arg9[%dma_start3A, %dma_start3A_131, %dma_start3A_132] : memref<2x10x80xi32, #tpu.memory_space<vmem>> -> memref<1x10x80xi32, #tpu.memory_space<vmem>>
      %dma_start3A_134 = tpu.memref_squeeze %dma_start3A_133 : memref<1x10x80xi32, #tpu.memory_space<vmem>> -> memref<10x80xi32, #tpu.memory_space<vmem>>
      %dma_start3A_135 = arith.constant 0 : i32
      %dma_start3A_136 = arith.constant 0 : i32
      %dma_start3A_137 = tpu.memref_slice %arg5[%arg1, %dma_start3A_135, %dma_start3A_136] : memref<16x250x80xi32, #tpu.memory_space<hbm>> -> memref<1x10x80xi32, #tpu.memory_space<hbm>>
      %dma_start3A_138 = tpu.memref_squeeze %dma_start3A_137 : memref<1x10x80xi32, #tpu.memory_space<hbm>> -> memref<10x80xi32, #tpu.memory_space<hbm>>
      tpu.enqueue_dma source(%dma_start3A_138 : memref<10x80xi32, #tpu.memory_space<hbm>>) target(%dma_start3A_134 : memref<10x80xi32, #tpu.memory_space<vmem>>) target_semaphore(%arg18 : memref<!tpu.dma_semaphore, #tpu.memory_space<semaphore_mem>>)
      %dma_start3A_139 = arith.constant 0 : i32
      %dma_start3A_140 = arith.constant 0 : i32
      %dma_start3A_141 = arith.constant 0 : i32
      %dma_start3A_142 = tpu.memref_slice %arg10[%dma_start3A_139, %dma_start3A_140, %dma_start3A_141] : memref<2x10x80xi32, #tpu.memory_space<vmem>> -> memref<1x10x80xi32, #tpu.memory_space<vmem>>
      %dma_start3A_143 = tpu.memref_squeeze %dma_start3A_142 : memref<1x10x80xi32, #tpu.memory_space<vmem>> -> memref<10x80xi32, #tpu.memory_space<vmem>>
      %dma_start3A_144 = arith.constant 0 : i32
      %dma_start3A_145 = arith.constant 0 : i32
      %dma_start3A_146 = tpu.memref_slice %arg6[%arg1, %dma_start3A_144, %dma_start3A_145] : memref<16x250x80xi32, #tpu.memory_space<hbm>> -> memref<1x10x80xi32, #tpu.memory_space<hbm>>
      %dma_start3A_147 = tpu.memref_squeeze %dma_start3A_146 : memref<1x10x80xi32, #tpu.memory_space<hbm>> -> memref<10x80xi32, #tpu.memory_space<hbm>>
      %dma_start3A_148 = arith.constant 0 : i32
      %dma_start3A_149 = arith.constant 0 : i32
      %dma_start3A_150 = tpu.memref_slice %arg10[%dma_start3A_139, %dma_start3A_148, %dma_start3A_149] : memref<2x10x80xi32, #tpu.memory_space<vmem>> -> memref<1x10x80xi32, #tpu.memory_space<vmem>>
      %dma_start3A_151 = tpu.memref_squeeze %dma_start3A_150 : memref<1x10x80xi32, #tpu.memory_space<vmem>> -> memref<10x80xi32, #tpu.memory_space<vmem>>
      %dma_start3A_152 = arith.constant 0 : i32
      %dma_start3A_153 = arith.constant 0 : i32
      %dma_start3A_154 = tpu.memref_slice %arg6[%arg1, %dma_start3A_152, %dma_start3A_153] : memref<16x250x80xi32, #tpu.memory_space<hbm>> -> memref<1x10x80xi32, #tpu.memory_space<hbm>>
      %dma_start3A_155 = tpu.memref_squeeze %dma_start3A_154 : memref<1x10x80xi32, #tpu.memory_space<hbm>> -> memref<10x80xi32, #tpu.memory_space<hbm>>
      tpu.enqueue_dma source(%dma_start3A_155 : memref<10x80xi32, #tpu.memory_space<hbm>>) target(%dma_start3A_151 : memref<10x80xi32, #tpu.memory_space<vmem>>) target_semaphore(%arg19 : memref<!tpu.dma_semaphore, #tpu.memory_space<semaphore_mem>>)
      %scan3A_156 = arith.constant 0 : i32
      %scan3A_157 = arith.constant 0 : i32
      %scan3A_158 = arith.constant 25 : i32
      %scan3A_159 = arith.addi %scan3A_157, %scan3A_158 : i32
      %scan3A_160 = arith.constant 1 : i32
      %scan3A_161 = scf.for %scan3A_218 = %scan3A_157 to %scan3A_159 step %scan3A_160 iter_args(%scan3A_219 = %scan3A_156) -> (i32)  : i32 {
        %rem3A_220 = arith.constant 2 : i32
        %rem3A_221 = arith.remsi %scan3A_218, %rem3A_220 : i32
        %add3A_222 = arith.constant 1 : i32
        %add3A_223 = arith.addi %scan3A_218, %add3A_222 : i32
        %rem3A_224 = arith.constant 2 : i32
        %rem3A_225 = arith.remsi %add3A_223, %rem3A_224 : i32
        %mul3A = arith.constant 10 : i32
        %mul3A_226 = arith.muli %scan3A_218, %mul3A : i32
        %dma_wait3A_227 = arith.constant 0 : i32
        %dma_wait3A_228 = arith.constant 0 : i32
        %dma_wait3A_229 = tpu.memref_slice %arg9[%rem3A_221, %dma_wait3A_227, %dma_wait3A_228] : memref<2x10x80xi32, #tpu.memory_space<vmem>> -> memref<1x10x80xi32, #tpu.memory_space<vmem>>
        %dma_wait3A_230 = tpu.memref_squeeze %dma_wait3A_229 : memref<1x10x80xi32, #tpu.memory_space<vmem>> -> memref<10x80xi32, #tpu.memory_space<vmem>>
        %dma_wait3A_231 = arith.constant 0 : i32
        %dma_wait3A_232 = tpu.memref_slice %arg5[%arg1, %mul3A_226, %dma_wait3A_231] : memref<16x250x80xi32, #tpu.memory_space<hbm>> -> memref<1x10x80xi32, #tpu.memory_space<hbm>>
        %dma_wait3A_233 = tpu.memref_squeeze %dma_wait3A_232 : memref<1x10x80xi32, #tpu.memory_space<hbm>> -> memref<10x80xi32, #tpu.memory_space<hbm>>
        %dma_wait3A_234 = arith.constant 0 : i32
        %dma_wait3A_235 = arith.constant 0 : i32
        %dma_wait3A_236 = tpu.memref_slice %arg9[%rem3A_221, %dma_wait3A_234, %dma_wait3A_235] : memref<2x10x80xi32, #tpu.memory_space<vmem>> -> memref<1x10x80xi32, #tpu.memory_space<vmem>>
        %dma_wait3A_237 = tpu.memref_squeeze %dma_wait3A_236 : memref<1x10x80xi32, #tpu.memory_space<vmem>> -> memref<10x80xi32, #tpu.memory_space<vmem>>
        %dma_wait3A_238 = arith.constant 0 : i32
        %dma_wait3A_239 = tpu.memref_slice %arg5[%arg1, %mul3A_226, %dma_wait3A_238] : memref<16x250x80xi32, #tpu.memory_space<hbm>> -> memref<1x10x80xi32, #tpu.memory_space<hbm>>
        %dma_wait3A_240 = tpu.memref_squeeze %dma_wait3A_239 : memref<1x10x80xi32, #tpu.memory_space<hbm>> -> memref<10x80xi32, #tpu.memory_space<hbm>>
        tpu.wait_dma2 semaphore(%arg18 : memref<!tpu.dma_semaphore, #tpu.memory_space<semaphore_mem>>) src(%dma_wait3A_240 : memref<10x80xi32, #tpu.memory_space<hbm>>) dst(%dma_wait3A_237 : memref<10x80xi32, #tpu.memory_space<vmem>>)
        %mul3A_241 = arith.constant 10 : i32
        %mul3A_242 = arith.muli %scan3A_218, %mul3A_241 : i32
        %dma_wait3A_243 = arith.constant 0 : i32
        %dma_wait3A_244 = arith.constant 0 : i32
        %dma_wait3A_245 = tpu.memref_slice %arg10[%rem3A_221, %dma_wait3A_243, %dma_wait3A_244] : memref<2x10x80xi32, #tpu.memory_space<vmem>> -> memref<1x10x80xi32, #tpu.memory_space<vmem>>
        %dma_wait3A_246 = tpu.memref_squeeze %dma_wait3A_245 : memref<1x10x80xi32, #tpu.memory_space<vmem>> -> memref<10x80xi32, #tpu.memory_space<vmem>>
        %dma_wait3A_247 = arith.constant 0 : i32
        %dma_wait3A_248 = tpu.memref_slice %arg6[%arg1, %mul3A_242, %dma_wait3A_247] : memref<16x250x80xi32, #tpu.memory_space<hbm>> -> memref<1x10x80xi32, #tpu.memory_space<hbm>>
        %dma_wait3A_249 = tpu.memref_squeeze %dma_wait3A_248 : memref<1x10x80xi32, #tpu.memory_space<hbm>> -> memref<10x80xi32, #tpu.memory_space<hbm>>
        %dma_wait3A_250 = arith.constant 0 : i32
        %dma_wait3A_251 = arith.constant 0 : i32
        %dma_wait3A_252 = tpu.memref_slice %arg10[%rem3A_221, %dma_wait3A_250, %dma_wait3A_251] : memref<2x10x80xi32, #tpu.memory_space<vmem>> -> memref<1x10x80xi32, #tpu.memory_space<vmem>>
        %dma_wait3A_253 = tpu.memref_squeeze %dma_wait3A_252 : memref<1x10x80xi32, #tpu.memory_space<vmem>> -> memref<10x80xi32, #tpu.memory_space<vmem>>
        %dma_wait3A_254 = arith.constant 0 : i32
        %dma_wait3A_255 = tpu.memref_slice %arg6[%arg1, %mul3A_242, %dma_wait3A_254] : memref<16x250x80xi32, #tpu.memory_space<hbm>> -> memref<1x10x80xi32, #tpu.memory_space<hbm>>
        %dma_wait3A_256 = tpu.memref_squeeze %dma_wait3A_255 : memref<1x10x80xi32, #tpu.memory_space<hbm>> -> memref<10x80xi32, #tpu.memory_space<hbm>>
        tpu.wait_dma2 semaphore(%arg19 : memref<!tpu.dma_semaphore, #tpu.memory_space<semaphore_mem>>) src(%dma_wait3A_256 : memref<10x80xi32, #tpu.memory_space<hbm>>) dst(%dma_wait3A_253 : memref<10x80xi32, #tpu.memory_space<vmem>>)
        %gt3A = arith.constant 0 : i32
        %gt3A_257 = arith.cmpi sgt, %scan3A_218, %gt3A : i32
        %convert_element_type3A_258 = arith.extui %gt3A_257 : i1 to i32
        %cond3A_259 = arith.constant 0 : i32
        %cond3A_260 = arith.cmpi ne, %convert_element_type3A_258, %cond3A_259 : i32
        scf.if %cond3A_260 {
          %dma_wait3A_649 = arith.constant 8 : i32
          %dma_wait3A_650 = arith.constant 0 : i32
          %dma_wait3A_651 = tpu.memref_slice %arg10[%rem3A_225, %dma_wait3A_649, %dma_wait3A_650] : memref<2x10x80xi32, #tpu.memory_space<vmem>> -> memref<1x1x80xi32, #tpu.memory_space<vmem>>
          %dma_wait3A_652 = tpu.memref_squeeze %dma_wait3A_651 : memref<1x1x80xi32, #tpu.memory_space<vmem>> -> memref<80xi32, #tpu.memory_space<vmem>>
          %dma_wait3A_653 = arith.constant 0 : i32
          %dma_wait3A_654 = arith.constant 0 : i32
          %dma_wait3A_655 = tpu.memref_slice %arg13[%dma_wait3A_653, %dma_wait3A_654] : memref<10000x128xf32, #tpu.memory_space<vmem_shared>> -> memref<10000x128xf32, #tpu.memory_space<vmem_shared>>
          tpu.wait_indirect_dma semaphore(%arg16 : memref<!tpu.dma_semaphore, #tpu.memory_space<semaphore_mem>>) src(%arg11 : memref<80x128xf32, #tpu.memory_space<vmem>>) dst(%dma_wait3A_655 : memref<10000x128xf32, #tpu.memory_space<vmem_shared>>)
          %dma_wait3A_656 = arith.constant 8 : i32
          %dma_wait3A_657 = arith.constant 0 : i32
          %dma_wait3A_658 = tpu.memref_slice %arg10[%rem3A_225, %dma_wait3A_656, %dma_wait3A_657] : memref<2x10x80xi32, #tpu.memory_space<vmem>> -> memref<1x1x80xi32, #tpu.memory_space<vmem>>
          %dma_wait3A_659 = tpu.memref_squeeze %dma_wait3A_658 : memref<1x1x80xi32, #tpu.memory_space<vmem>> -> memref<80xi32, #tpu.memory_space<vmem>>
          %dma_wait3A_660 = arith.constant 0 : i32
          %dma_wait3A_661 = arith.constant 0 : i32
          %dma_wait3A_662 = tpu.memref_slice %arg22[%dma_wait3A_660, %dma_wait3A_661] : memref<10000x16xf32, #tpu.memory_space<vmem_shared>> -> memref<10000x16xf32, #tpu.memory_space<vmem_shared>>
          tpu.wait_indirect_dma semaphore(%arg23 : memref<!tpu.dma_semaphore, #tpu.memory_space<semaphore_mem>>) src(%arg21 : memref<80x16xf32, #tpu.memory_space<vmem>>) dst(%dma_wait3A_662 : memref<10000x16xf32, #tpu.memory_space<vmem_shared>>)
        } else {
        }
        %dma_start3A_261 = arith.constant 0 : i32
        %dma_start3A_262 = arith.constant 0 : i32
        %dma_start3A_263 = tpu.memref_slice %arg9[%rem3A_221, %dma_start3A_261, %dma_start3A_262] : memref<2x10x80xi32, #tpu.memory_space<vmem>> -> memref<1x1x80xi32, #tpu.memory_space<vmem>>
        %dma_start3A_264 = tpu.memref_squeeze %dma_start3A_263 : memref<1x1x80xi32, #tpu.memory_space<vmem>> -> memref<80xi32, #tpu.memory_space<vmem>>
        %dma_start3A_265 = arith.constant 0 : i32
        %dma_start3A_266 = arith.constant 0 : i32
        %dma_start3A_267 = tpu.memref_slice %arg2[%dma_start3A_265, %dma_start3A_266] : memref<20000x128xf32, #tpu.memory_space<hbm>> -> memref<20000x128xf32, #tpu.memory_space<hbm>>
        tpu.enqueue_indirect_dma source(%dma_start3A_267 : memref<20000x128xf32, #tpu.memory_space<hbm>>) target(%arg11 : memref<80x128xf32, #tpu.memory_space<vmem>>) offsets(%dma_start3A_264 : memref<80xi32, #tpu.memory_space<vmem>>) semaphore(%arg14 : memref<!tpu.dma_semaphore, #tpu.memory_space<semaphore_mem>>)
        %gt3A_268 = arith.constant 0 : i32
        %gt3A_269 = arith.cmpi sgt, %scan3A_218, %gt3A_268 : i32
        %convert_element_type3A_270 = arith.extui %gt3A_269 : i1 to i32
        %cond3A_271 = arith.constant 0 : i32
        %cond3A_272 = arith.cmpi ne, %convert_element_type3A_270, %cond3A_271 : i32
        scf.if %cond3A_272 {
          %dma_wait3A_649 = arith.constant 9 : i32
          %dma_wait3A_650 = arith.constant 0 : i32
          %dma_wait3A_651 = tpu.memref_slice %arg9[%rem3A_225, %dma_wait3A_649, %dma_wait3A_650] : memref<2x10x80xi32, #tpu.memory_space<vmem>> -> memref<1x1x80xi32, #tpu.memory_space<vmem>>
          %dma_wait3A_652 = tpu.memref_squeeze %dma_wait3A_651 : memref<1x1x80xi32, #tpu.memory_space<vmem>> -> memref<80xi32, #tpu.memory_space<vmem>>
          %dma_wait3A_653 = arith.constant 0 : i32
          %dma_wait3A_654 = arith.constant 0 : i32
          %dma_wait3A_655 = tpu.memref_slice %arg2[%dma_wait3A_653, %dma_wait3A_654] : memref<20000x128xf32, #tpu.memory_space<hbm>> -> memref<20000x128xf32, #tpu.memory_space<hbm>>
          tpu.wait_indirect_dma semaphore(%arg15 : memref<!tpu.dma_semaphore, #tpu.memory_space<semaphore_mem>>) src(%dma_wait3A_655 : memref<20000x128xf32, #tpu.memory_space<hbm>>) dst(%arg12 : memref<80x128xf32, #tpu.memory_space<vmem>>)
          %dma_start3A_656 = arith.constant 9 : i32
          %dma_start3A_657 = arith.constant 0 : i32
          %dma_start3A_658 = tpu.memref_slice %arg10[%rem3A_225, %dma_start3A_656, %dma_start3A_657] : memref<2x10x80xi32, #tpu.memory_space<vmem>> -> memref<1x1x80xi32, #tpu.memory_space<vmem>>
          %dma_start3A_659 = tpu.memref_squeeze %dma_start3A_658 : memref<1x1x80xi32, #tpu.memory_space<vmem>> -> memref<80xi32, #tpu.memory_space<vmem>>
          %dma_start3A_660 = arith.constant 0 : i32
          %dma_start3A_661 = arith.constant 0 : i32
          %dma_start3A_662 = tpu.memref_slice %arg13[%dma_start3A_660, %dma_start3A_661] : memref<10000x128xf32, #tpu.memory_space<vmem_shared>> -> memref<10000x128xf32, #tpu.memory_space<vmem_shared>>
          tpu.enqueue_indirect_dma source(%arg12 : memref<80x128xf32, #tpu.memory_space<vmem>>) target(%dma_start3A_662 : memref<10000x128xf32, #tpu.memory_space<vmem_shared>>) offsets(%dma_start3A_659 : memref<80xi32, #tpu.memory_space<vmem>>) semaphore(%arg17 : memref<!tpu.dma_semaphore, #tpu.memory_space<semaphore_mem>>) {add = true}
          %dma_start3A_663 = arith.constant 9 : i32
          %dma_start3A_664 = arith.constant 0 : i32
          %dma_start3A_665 = tpu.memref_slice %arg10[%rem3A_225, %dma_start3A_663, %dma_start3A_664] : memref<2x10x80xi32, #tpu.memory_space<vmem>> -> memref<1x1x80xi32, #tpu.memory_space<vmem>>
          %dma_start3A_666 = tpu.memref_squeeze %dma_start3A_665 : memref<1x1x80xi32, #tpu.memory_space<vmem>> -> memref<80xi32, #tpu.memory_space<vmem>>
          %dma_start3A_667 = arith.constant 0 : i32
          %dma_start3A_668 = arith.constant 0 : i32
          %dma_start3A_669 = tpu.memref_slice %arg22[%dma_start3A_667, %dma_start3A_668] : memref<10000x16xf32, #tpu.memory_space<vmem_shared>> -> memref<10000x16xf32, #tpu.memory_space<vmem_shared>>
          tpu.enqueue_indirect_dma source(%arg21 : memref<80x16xf32, #tpu.memory_space<vmem>>) target(%dma_start3A_669 : memref<10000x16xf32, #tpu.memory_space<vmem_shared>>) offsets(%dma_start3A_666 : memref<80xi32, #tpu.memory_space<vmem>>) semaphore(%arg24 : memref<!tpu.dma_semaphore, #tpu.memory_space<semaphore_mem>>) {add = true}
        } else {
        }
        %gt3A_273 = arith.constant 0 : i32
        %gt3A_274 = arith.cmpi sgt, %scan3A_218, %gt3A_273 : i32
        %convert_element_type3A_275 = arith.extui %gt3A_274 : i1 to i32
        %cond3A_276 = arith.constant 0 : i32
        %cond3A_277 = arith.cmpi ne, %convert_element_type3A_275, %cond3A_276 : i32
        scf.if %cond3A_277 {
          %dma_wait3A_649 = arith.constant 9 : i32
          %dma_wait3A_650 = arith.constant 0 : i32
          %dma_wait3A_651 = tpu.memref_slice %arg10[%rem3A_225, %dma_wait3A_649, %dma_wait3A_650] : memref<2x10x80xi32, #tpu.memory_space<vmem>> -> memref<1x1x80xi32, #tpu.memory_space<vmem>>
          %dma_wait3A_652 = tpu.memref_squeeze %dma_wait3A_651 : memref<1x1x80xi32, #tpu.memory_space<vmem>> -> memref<80xi32, #tpu.memory_space<vmem>>
          %dma_wait3A_653 = arith.constant 0 : i32
          %dma_wait3A_654 = arith.constant 0 : i32
          %dma_wait3A_655 = tpu.memref_slice %arg13[%dma_wait3A_653, %dma_wait3A_654] : memref<10000x128xf32, #tpu.memory_space<vmem_shared>> -> memref<10000x128xf32, #tpu.memory_space<vmem_shared>>
          tpu.wait_indirect_dma semaphore(%arg17 : memref<!tpu.dma_semaphore, #tpu.memory_space<semaphore_mem>>) src(%arg12 : memref<80x128xf32, #tpu.memory_space<vmem>>) dst(%dma_wait3A_655 : memref<10000x128xf32, #tpu.memory_space<vmem_shared>>)
          %dma_wait3A_656 = arith.constant 9 : i32
          %dma_wait3A_657 = arith.constant 0 : i32
          %dma_wait3A_658 = tpu.memref_slice %arg10[%rem3A_225, %dma_wait3A_656, %dma_wait3A_657] : memref<2x10x80xi32, #tpu.memory_space<vmem>> -> memref<1x1x80xi32, #tpu.memory_space<vmem>>
          %dma_wait3A_659 = tpu.memref_squeeze %dma_wait3A_658 : memref<1x1x80xi32, #tpu.memory_space<vmem>> -> memref<80xi32, #tpu.memory_space<vmem>>
          %dma_wait3A_660 = arith.constant 0 : i32
          %dma_wait3A_661 = arith.constant 0 : i32
          %dma_wait3A_662 = tpu.memref_slice %arg22[%dma_wait3A_660, %dma_wait3A_661] : memref<10000x16xf32, #tpu.memory_space<vmem_shared>> -> memref<10000x16xf32, #tpu.memory_space<vmem_shared>>
          tpu.wait_indirect_dma semaphore(%arg24 : memref<!tpu.dma_semaphore, #tpu.memory_space<semaphore_mem>>) src(%arg21 : memref<80x16xf32, #tpu.memory_space<vmem>>) dst(%dma_wait3A_662 : memref<10000x16xf32, #tpu.memory_space<vmem_shared>>)
        } else {
        }
        %dma_start3A_278 = arith.constant 1 : i32
        %dma_start3A_279 = arith.constant 0 : i32
        %dma_start3A_280 = tpu.memref_slice %arg9[%rem3A_221, %dma_start3A_278, %dma_start3A_279] : memref<2x10x80xi32, #tpu.memory_space<vmem>> -> memref<1x1x80xi32, #tpu.memory_space<vmem>>
        %dma_start3A_281 = tpu.memref_squeeze %dma_start3A_280 : memref<1x1x80xi32, #tpu.memory_space<vmem>> -> memref<80xi32, #tpu.memory_space<vmem>>
        %dma_start3A_282 = arith.constant 0 : i32
        %dma_start3A_283 = arith.constant 0 : i32
        %dma_start3A_284 = tpu.memref_slice %arg2[%dma_start3A_282, %dma_start3A_283] : memref<20000x128xf32, #tpu.memory_space<hbm>> -> memref<20000x128xf32, #tpu.memory_space<hbm>>
        tpu.enqueue_indirect_dma source(%dma_start3A_284 : memref<20000x128xf32, #tpu.memory_space<hbm>>) target(%arg12 : memref<80x128xf32, #tpu.memory_space<vmem>>) offsets(%dma_start3A_281 : memref<80xi32, #tpu.memory_space<vmem>>) semaphore(%arg15 : memref<!tpu.dma_semaphore, #tpu.memory_space<semaphore_mem>>)
        %dma_wait3A_285 = arith.constant 0 : i32
        %dma_wait3A_286 = arith.constant 0 : i32
        %dma_wait3A_287 = tpu.memref_slice %arg9[%rem3A_221, %dma_wait3A_285, %dma_wait3A_286] : memref<2x10x80xi32, #tpu.memory_space<vmem>> -> memref<1x1x80xi32, #tpu.memory_space<vmem>>
        %dma_wait3A_288 = tpu.memref_squeeze %dma_wait3A_287 : memref<1x1x80xi32, #tpu.memory_space<vmem>> -> memref<80xi32, #tpu.memory_space<vmem>>
        %dma_wait3A_289 = arith.constant 0 : i32
        %dma_wait3A_290 = arith.constant 0 : i32
        %dma_wait3A_291 = tpu.memref_slice %arg2[%dma_wait3A_289, %dma_wait3A_290] : memref<20000x128xf32, #tpu.memory_space<hbm>> -> memref<20000x128xf32, #tpu.memory_space<hbm>>
        tpu.wait_indirect_dma semaphore(%arg14 : memref<!tpu.dma_semaphore, #tpu.memory_space<semaphore_mem>>) src(%dma_wait3A_291 : memref<20000x128xf32, #tpu.memory_space<hbm>>) dst(%arg11 : memref<80x128xf32, #tpu.memory_space<vmem>>)
        %dma_start3A_292 = arith.constant 0 : i32
        %dma_start3A_293 = arith.constant 0 : i32
        %dma_start3A_294 = tpu.memref_slice %arg10[%rem3A_221, %dma_start3A_292, %dma_start3A_293] : memref<2x10x80xi32, #tpu.memory_space<vmem>> -> memref<1x1x80xi32, #tpu.memory_space<vmem>>
        %dma_start3A_295 = tpu.memref_squeeze %dma_start3A_294 : memref<1x1x80xi32, #tpu.memory_space<vmem>> -> memref<80xi32, #tpu.memory_space<vmem>>
        %dma_start3A_296 = arith.constant 0 : i32
        %dma_start3A_297 = arith.constant 0 : i32
        %dma_start3A_298 = tpu.memref_slice %arg13[%dma_start3A_296, %dma_start3A_297] : memref<10000x128xf32, #tpu.memory_space<vmem_shared>> -> memref<10000x128xf32, #tpu.memory_space<vmem_shared>>
        tpu.enqueue_indirect_dma source(%arg11 : memref<80x128xf32, #tpu.memory_space<vmem>>) target(%dma_start3A_298 : memref<10000x128xf32, #tpu.memory_space<vmem_shared>>) offsets(%dma_start3A_295 : memref<80xi32, #tpu.memory_space<vmem>>) semaphore(%arg16 : memref<!tpu.dma_semaphore, #tpu.memory_space<semaphore_mem>>) {add = true}
        %dma_start3A_299 = arith.constant 0 : i32
        %dma_start3A_300 = arith.constant 0 : i32
        %dma_start3A_301 = tpu.memref_slice %arg10[%rem3A_221, %dma_start3A_299, %dma_start3A_300] : memref<2x10x80xi32, #tpu.memory_space<vmem>> -> memref<1x1x80xi32, #tpu.memory_space<vmem>>
        %dma_start3A_302 = tpu.memref_squeeze %dma_start3A_301 : memref<1x1x80xi32, #tpu.memory_space<vmem>> -> memref<80xi32, #tpu.memory_space<vmem>>
        %dma_start3A_303 = arith.constant 0 : i32
        %dma_start3A_304 = arith.constant 0 : i32
        %dma_start3A_305 = tpu.memref_slice %arg22[%dma_start3A_303, %dma_start3A_304] : memref<10000x16xf32, #tpu.memory_space<vmem_shared>> -> memref<10000x16xf32, #tpu.memory_space<vmem_shared>>
        tpu.enqueue_indirect_dma source(%arg21 : memref<80x16xf32, #tpu.memory_space<vmem>>) target(%dma_start3A_305 : memref<10000x16xf32, #tpu.memory_space<vmem_shared>>) offsets(%dma_start3A_302 : memref<80xi32, #tpu.memory_space<vmem>>) semaphore(%arg23 : memref<!tpu.dma_semaphore, #tpu.memory_space<semaphore_mem>>) {add = true}
        %dma_wait3A_306 = arith.constant 0 : i32
        %dma_wait3A_307 = arith.constant 0 : i32
        %dma_wait3A_308 = tpu.memref_slice %arg10[%rem3A_221, %dma_wait3A_306, %dma_wait3A_307] : memref<2x10x80xi32, #tpu.memory_space<vmem>> -> memref<1x1x80xi32, #tpu.memory_space<vmem>>
        %dma_wait3A_309 = tpu.memref_squeeze %dma_wait3A_308 : memref<1x1x80xi32, #tpu.memory_space<vmem>> -> memref<80xi32, #tpu.memory_space<vmem>>
        %dma_wait3A_310 = arith.constant 0 : i32
        %dma_wait3A_311 = arith.constant 0 : i32
        %dma_wait3A_312 = tpu.memref_slice %arg13[%dma_wait3A_310, %dma_wait3A_311] : memref<10000x128xf32, #tpu.memory_space<vmem_shared>> -> memref<10000x128xf32, #tpu.memory_space<vmem_shared>>
        tpu.wait_indirect_dma semaphore(%arg16 : memref<!tpu.dma_semaphore, #tpu.memory_space<semaphore_mem>>) src(%arg11 : memref<80x128xf32, #tpu.memory_space<vmem>>) dst(%dma_wait3A_312 : memref<10000x128xf32, #tpu.memory_space<vmem_shared>>)
        %dma_wait3A_313 = arith.constant 0 : i32
        %dma_wait3A_314 = arith.constant 0 : i32
        %dma_wait3A_315 = tpu.memref_slice %arg10[%rem3A_221, %dma_wait3A_313, %dma_wait3A_314] : memref<2x10x80xi32, #tpu.memory_space<vmem>> -> memref<1x1x80xi32, #tpu.memory_space<vmem>>
        %dma_wait3A_316 = tpu.memref_squeeze %dma_wait3A_315 : memref<1x1x80xi32, #tpu.memory_space<vmem>> -> memref<80xi32, #tpu.memory_space<vmem>>
        %dma_wait3A_317 = arith.constant 0 : i32
        %dma_wait3A_318 = arith.constant 0 : i32
        %dma_wait3A_319 = tpu.memref_slice %arg22[%dma_wait3A_317, %dma_wait3A_318] : memref<10000x16xf32, #tpu.memory_space<vmem_shared>> -> memref<10000x16xf32, #tpu.memory_space<vmem_shared>>
        tpu.wait_indirect_dma semaphore(%arg23 : memref<!tpu.dma_semaphore, #tpu.memory_space<semaphore_mem>>) src(%arg21 : memref<80x16xf32, #tpu.memory_space<vmem>>) dst(%dma_wait3A_319 : memref<10000x16xf32, #tpu.memory_space<vmem_shared>>)
        %dma_start3A_320 = arith.constant 2 : i32
        %dma_start3A_321 = arith.constant 0 : i32
        %dma_start3A_322 = tpu.memref_slice %arg9[%rem3A_221, %dma_start3A_320, %dma_start3A_321] : memref<2x10x80xi32, #tpu.memory_space<vmem>> -> memref<1x1x80xi32, #tpu.memory_space<vmem>>
        %dma_start3A_323 = tpu.memref_squeeze %dma_start3A_322 : memref<1x1x80xi32, #tpu.memory_space<vmem>> -> memref<80xi32, #tpu.memory_space<vmem>>
        %dma_start3A_324 = arith.constant 0 : i32
        %dma_start3A_325 = arith.constant 0 : i32
        %dma_start3A_326 = tpu.memref_slice %arg2[%dma_start3A_324, %dma_start3A_325] : memref<20000x128xf32, #tpu.memory_space<hbm>> -> memref<20000x128xf32, #tpu.memory_space<hbm>>
        tpu.enqueue_indirect_dma source(%dma_start3A_326 : memref<20000x128xf32, #tpu.memory_space<hbm>>) target(%arg11 : memref<80x128xf32, #tpu.memory_space<vmem>>) offsets(%dma_start3A_323 : memref<80xi32, #tpu.memory_space<vmem>>) semaphore(%arg14 : memref<!tpu.dma_semaphore, #tpu.memory_space<semaphore_mem>>)
        %dma_wait3A_327 = arith.constant 1 : i32
        %dma_wait3A_328 = arith.constant 0 : i32
        %dma_wait3A_329 = tpu.memref_slice %arg9[%rem3A_221, %dma_wait3A_327, %dma_wait3A_328] : memref<2x10x80xi32, #tpu.memory_space<vmem>> -> memref<1x1x80xi32, #tpu.memory_space<vmem>>
        %dma_wait3A_330 = tpu.memref_squeeze %dma_wait3A_329 : memref<1x1x80xi32, #tpu.memory_space<vmem>> -> memref<80xi32, #tpu.memory_space<vmem>>
        %dma_wait3A_331 = arith.constant 0 : i32
        %dma_wait3A_332 = arith.constant 0 : i32
        %dma_wait3A_333 = tpu.memref_slice %arg2[%dma_wait3A_331, %dma_wait3A_332] : memref<20000x128xf32, #tpu.memory_space<hbm>> -> memref<20000x128xf32, #tpu.memory_space<hbm>>
        tpu.wait_indirect_dma semaphore(%arg15 : memref<!tpu.dma_semaphore, #tpu.memory_space<semaphore_mem>>) src(%dma_wait3A_333 : memref<20000x128xf32, #tpu.memory_space<hbm>>) dst(%arg12 : memref<80x128xf32, #tpu.memory_space<vmem>>)
        %dma_start3A_334 = arith.constant 1 : i32
        %dma_start3A_335 = arith.constant 0 : i32
        %dma_start3A_336 = tpu.memref_slice %arg10[%rem3A_221, %dma_start3A_334, %dma_start3A_335] : memref<2x10x80xi32, #tpu.memory_space<vmem>> -> memref<1x1x80xi32, #tpu.memory_space<vmem>>
        %dma_start3A_337 = tpu.memref_squeeze %dma_start3A_336 : memref<1x1x80xi32, #tpu.memory_space<vmem>> -> memref<80xi32, #tpu.memory_space<vmem>>
        %dma_start3A_338 = arith.constant 0 : i32
        %dma_start3A_339 = arith.constant 0 : i32
        %dma_start3A_340 = tpu.memref_slice %arg13[%dma_start3A_338, %dma_start3A_339] : memref<10000x128xf32, #tpu.memory_space<vmem_shared>> -> memref<10000x128xf32, #tpu.memory_space<vmem_shared>>
        tpu.enqueue_indirect_dma source(%arg12 : memref<80x128xf32, #tpu.memory_space<vmem>>) target(%dma_start3A_340 : memref<10000x128xf32, #tpu.memory_space<vmem_shared>>) offsets(%dma_start3A_337 : memref<80xi32, #tpu.memory_space<vmem>>) semaphore(%arg17 : memref<!tpu.dma_semaphore, #tpu.memory_space<semaphore_mem>>) {add = true}
        %dma_start3A_341 = arith.constant 1 : i32
        %dma_start3A_342 = arith.constant 0 : i32
        %dma_start3A_343 = tpu.memref_slice %arg10[%rem3A_221, %dma_start3A_341, %dma_start3A_342] : memref<2x10x80xi32, #tpu.memory_space<vmem>> -> memref<1x1x80xi32, #tpu.memory_space<vmem>>
        %dma_start3A_344 = tpu.memref_squeeze %dma_start3A_343 : memref<1x1x80xi32, #tpu.memory_space<vmem>> -> memref<80xi32, #tpu.memory_space<vmem>>
        %dma_start3A_345 = arith.constant 0 : i32
        %dma_start3A_346 = arith.constant 0 : i32
        %dma_start3A_347 = tpu.memref_slice %arg22[%dma_start3A_345, %dma_start3A_346] : memref<10000x16xf32, #tpu.memory_space<vmem_shared>> -> memref<10000x16xf32, #tpu.memory_space<vmem_shared>>
        tpu.enqueue_indirect_dma source(%arg21 : memref<80x16xf32, #tpu.memory_space<vmem>>) target(%dma_start3A_347 : memref<10000x16xf32, #tpu.memory_space<vmem_shared>>) offsets(%dma_start3A_344 : memref<80xi32, #tpu.memory_space<vmem>>) semaphore(%arg24 : memref<!tpu.dma_semaphore, #tpu.memory_space<semaphore_mem>>) {add = true}
        %dma_wait3A_348 = arith.constant 1 : i32
        %dma_wait3A_349 = arith.constant 0 : i32
        %dma_wait3A_350 = tpu.memref_slice %arg10[%rem3A_221, %dma_wait3A_348, %dma_wait3A_349] : memref<2x10x80xi32, #tpu.memory_space<vmem>> -> memref<1x1x80xi32, #tpu.memory_space<vmem>>
        %dma_wait3A_351 = tpu.memref_squeeze %dma_wait3A_350 : memref<1x1x80xi32, #tpu.memory_space<vmem>> -> memref<80xi32, #tpu.memory_space<vmem>>
        %dma_wait3A_352 = arith.constant 0 : i32
        %dma_wait3A_353 = arith.constant 0 : i32
        %dma_wait3A_354 = tpu.memref_slice %arg13[%dma_wait3A_352, %dma_wait3A_353] : memref<10000x128xf32, #tpu.memory_space<vmem_shared>> -> memref<10000x128xf32, #tpu.memory_space<vmem_shared>>
        tpu.wait_indirect_dma semaphore(%arg17 : memref<!tpu.dma_semaphore, #tpu.memory_space<semaphore_mem>>) src(%arg12 : memref<80x128xf32, #tpu.memory_space<vmem>>) dst(%dma_wait3A_354 : memref<10000x128xf32, #tpu.memory_space<vmem_shared>>)
        %dma_wait3A_355 = arith.constant 1 : i32
        %dma_wait3A_356 = arith.constant 0 : i32
        %dma_wait3A_357 = tpu.memref_slice %arg10[%rem3A_221, %dma_wait3A_355, %dma_wait3A_356] : memref<2x10x80xi32, #tpu.memory_space<vmem>> -> memref<1x1x80xi32, #tpu.memory_space<vmem>>
        %dma_wait3A_358 = tpu.memref_squeeze %dma_wait3A_357 : memref<1x1x80xi32, #tpu.memory_space<vmem>> -> memref<80xi32, #tpu.memory_space<vmem>>
        %dma_wait3A_359 = arith.constant 0 : i32
        %dma_wait3A_360 = arith.constant 0 : i32
        %dma_wait3A_361 = tpu.memref_slice %arg22[%dma_wait3A_359, %dma_wait3A_360] : memref<10000x16xf32, #tpu.memory_space<vmem_shared>> -> memref<10000x16xf32, #tpu.memory_space<vmem_shared>>
        tpu.wait_indirect_dma semaphore(%arg24 : memref<!tpu.dma_semaphore, #tpu.memory_space<semaphore_mem>>) src(%arg21 : memref<80x16xf32, #tpu.memory_space<vmem>>) dst(%dma_wait3A_361 : memref<10000x16xf32, #tpu.memory_space<vmem_shared>>)
        %dma_start3A_362 = arith.constant 3 : i32
        %dma_start3A_363 = arith.constant 0 : i32
        %dma_start3A_364 = tpu.memref_slice %arg9[%rem3A_221, %dma_start3A_362, %dma_start3A_363] : memref<2x10x80xi32, #tpu.memory_space<vmem>> -> memref<1x1x80xi32, #tpu.memory_space<vmem>>
        %dma_start3A_365 = tpu.memref_squeeze %dma_start3A_364 : memref<1x1x80xi32, #tpu.memory_space<vmem>> -> memref<80xi32, #tpu.memory_space<vmem>>
        %dma_start3A_366 = arith.constant 0 : i32
        %dma_start3A_367 = arith.constant 0 : i32
        %dma_start3A_368 = tpu.memref_slice %arg2[%dma_start3A_366, %dma_start3A_367] : memref<20000x128xf32, #tpu.memory_space<hbm>> -> memref<20000x128xf32, #tpu.memory_space<hbm>>
        tpu.enqueue_indirect_dma source(%dma_start3A_368 : memref<20000x128xf32, #tpu.memory_space<hbm>>) target(%arg12 : memref<80x128xf32, #tpu.memory_space<vmem>>) offsets(%dma_start3A_365 : memref<80xi32, #tpu.memory_space<vmem>>) semaphore(%arg15 : memref<!tpu.dma_semaphore, #tpu.memory_space<semaphore_mem>>)
        %add3A_369 = arith.constant 1 : i32
        %add3A_370 = arith.addi %scan3A_218, %add3A_369 : i32
        %lt3A = arith.constant 25 : i32
        %lt3A_371 = arith.cmpi slt, %add3A_370, %lt3A : i32
        %convert_element_type3A_372 = arith.extui %lt3A_371 : i1 to i32
        %cond3A_373 = arith.constant 0 : i32
        %cond3A_374 = arith.cmpi ne, %convert_element_type3A_372, %cond3A_373 : i32
        scf.if %cond3A_374 {
          %add3A_649 = arith.constant 1 : i32
          %add3A_650 = arith.addi %scan3A_218, %add3A_649 : i32
          %mul3A_651 = arith.constant 10 : i32
          %mul3A_652 = arith.muli %add3A_650, %mul3A_651 : i32
          %dma_start3A_653 = arith.constant 0 : i32
          %dma_start3A_654 = arith.constant 0 : i32
          %dma_start3A_655 = tpu.memref_slice %arg9[%rem3A_225, %dma_start3A_653, %dma_start3A_654] : memref<2x10x80xi32, #tpu.memory_space<vmem>> -> memref<1x10x80xi32, #tpu.memory_space<vmem>>
          %dma_start3A_656 = tpu.memref_squeeze %dma_start3A_655 : memref<1x10x80xi32, #tpu.memory_space<vmem>> -> memref<10x80xi32, #tpu.memory_space<vmem>>
          %dma_start3A_657 = arith.constant 0 : i32
          %dma_start3A_658 = tpu.memref_slice %arg5[%arg1, %mul3A_652, %dma_start3A_657] : memref<16x250x80xi32, #tpu.memory_space<hbm>> -> memref<1x10x80xi32, #tpu.memory_space<hbm>>
          %dma_start3A_659 = tpu.memref_squeeze %dma_start3A_658 : memref<1x10x80xi32, #tpu.memory_space<hbm>> -> memref<10x80xi32, #tpu.memory_space<hbm>>
          %dma_start3A_660 = arith.constant 0 : i32
          %dma_start3A_661 = arith.constant 0 : i32
          %dma_start3A_662 = tpu.memref_slice %arg9[%rem3A_225, %dma_start3A_660, %dma_start3A_661] : memref<2x10x80xi32, #tpu.memory_space<vmem>> -> memref<1x10x80xi32, #tpu.memory_space<vmem>>
          %dma_start3A_663 = tpu.memref_squeeze %dma_start3A_662 : memref<1x10x80xi32, #tpu.memory_space<vmem>> -> memref<10x80xi32, #tpu.memory_space<vmem>>
          %dma_start3A_664 = arith.constant 0 : i32
          %dma_start3A_665 = tpu.memref_slice %arg5[%arg1, %mul3A_652, %dma_start3A_664] : memref<16x250x80xi32, #tpu.memory_space<hbm>> -> memref<1x10x80xi32, #tpu.memory_space<hbm>>
          %dma_start3A_666 = tpu.memref_squeeze %dma_start3A_665 : memref<1x10x80xi32, #tpu.memory_space<hbm>> -> memref<10x80xi32, #tpu.memory_space<hbm>>
          tpu.enqueue_dma source(%dma_start3A_666 : memref<10x80xi32, #tpu.memory_space<hbm>>) target(%dma_start3A_663 : memref<10x80xi32, #tpu.memory_space<vmem>>) target_semaphore(%arg18 : memref<!tpu.dma_semaphore, #tpu.memory_space<semaphore_mem>>)
          %add3A_667 = arith.constant 1 : i32
          %add3A_668 = arith.addi %scan3A_218, %add3A_667 : i32
          %mul3A_669 = arith.constant 10 : i32
          %mul3A_670 = arith.muli %add3A_668, %mul3A_669 : i32
          %dma_start3A_671 = arith.constant 0 : i32
          %dma_start3A_672 = arith.constant 0 : i32
          %dma_start3A_673 = tpu.memref_slice %arg10[%rem3A_225, %dma_start3A_671, %dma_start3A_672] : memref<2x10x80xi32, #tpu.memory_space<vmem>> -> memref<1x10x80xi32, #tpu.memory_space<vmem>>
          %dma_start3A_674 = tpu.memref_squeeze %dma_start3A_673 : memref<1x10x80xi32, #tpu.memory_space<vmem>> -> memref<10x80xi32, #tpu.memory_space<vmem>>
          %dma_start3A_675 = arith.constant 0 : i32
          %dma_start3A_676 = tpu.memref_slice %arg6[%arg1, %mul3A_670, %dma_start3A_675] : memref<16x250x80xi32, #tpu.memory_space<hbm>> -> memref<1x10x80xi32, #tpu.memory_space<hbm>>
          %dma_start3A_677 = tpu.memref_squeeze %dma_start3A_676 : memref<1x10x80xi32, #tpu.memory_space<hbm>> -> memref<10x80xi32, #tpu.memory_space<hbm>>
          %dma_start3A_678 = arith.constant 0 : i32
          %dma_start3A_679 = arith.constant 0 : i32
          %dma_start3A_680 = tpu.memref_slice %arg10[%rem3A_225, %dma_start3A_678, %dma_start3A_679] : memref<2x10x80xi32, #tpu.memory_space<vmem>> -> memref<1x10x80xi32, #tpu.memory_space<vmem>>
          %dma_start3A_681 = tpu.memref_squeeze %dma_start3A_680 : memref<1x10x80xi32, #tpu.memory_space<vmem>> -> memref<10x80xi32, #tpu.memory_space<vmem>>
          %dma_start3A_682 = arith.constant 0 : i32
          %dma_start3A_683 = tpu.memref_slice %arg6[%arg1, %mul3A_670, %dma_start3A_682] : memref<16x250x80xi32, #tpu.memory_space<hbm>> -> memref<1x10x80xi32, #tpu.memory_space<hbm>>
          %dma_start3A_684 = tpu.memref_squeeze %dma_start3A_683 : memref<1x10x80xi32, #tpu.memory_space<hbm>> -> memref<10x80xi32, #tpu.memory_space<hbm>>
          tpu.enqueue_dma source(%dma_start3A_684 : memref<10x80xi32, #tpu.memory_space<hbm>>) target(%dma_start3A_681 : memref<10x80xi32, #tpu.memory_space<vmem>>) target_semaphore(%arg19 : memref<!tpu.dma_semaphore, #tpu.memory_space<semaphore_mem>>)
        } else {
        }
        %dma_wait3A_375 = arith.constant 2 : i32
        %dma_wait3A_376 = arith.constant 0 : i32
        %dma_wait3A_377 = tpu.memref_slice %arg9[%rem3A_221, %dma_wait3A_375, %dma_wait3A_376] : memref<2x10x80xi32, #tpu.memory_space<vmem>> -> memref<1x1x80xi32, #tpu.memory_space<vmem>>
        %dma_wait3A_378 = tpu.memref_squeeze %dma_wait3A_377 : memref<1x1x80xi32, #tpu.memory_space<vmem>> -> memref<80xi32, #tpu.memory_space<vmem>>
        %dma_wait3A_379 = arith.constant 0 : i32
        %dma_wait3A_380 = arith.constant 0 : i32
        %dma_wait3A_381 = tpu.memref_slice %arg2[%dma_wait3A_379, %dma_wait3A_380] : memref<20000x128xf32, #tpu.memory_space<hbm>> -> memref<20000x128xf32, #tpu.memory_space<hbm>>
        tpu.wait_indirect_dma semaphore(%arg14 : memref<!tpu.dma_semaphore, #tpu.memory_space<semaphore_mem>>) src(%dma_wait3A_381 : memref<20000x128xf32, #tpu.memory_space<hbm>>) dst(%arg11 : memref<80x128xf32, #tpu.memory_space<vmem>>)
        %dma_start3A_382 = arith.constant 2 : i32
        %dma_start3A_383 = arith.constant 0 : i32
        %dma_start3A_384 = tpu.memref_slice %arg10[%rem3A_221, %dma_start3A_382, %dma_start3A_383] : memref<2x10x80xi32, #tpu.memory_space<vmem>> -> memref<1x1x80xi32, #tpu.memory_space<vmem>>
        %dma_start3A_385 = tpu.memref_squeeze %dma_start3A_384 : memref<1x1x80xi32, #tpu.memory_space<vmem>> -> memref<80xi32, #tpu.memory_space<vmem>>
        %dma_start3A_386 = arith.constant 0 : i32
        %dma_start3A_387 = arith.constant 0 : i32
        %dma_start3A_388 = tpu.memref_slice %arg13[%dma_start3A_386, %dma_start3A_387] : memref<10000x128xf32, #tpu.memory_space<vmem_shared>> -> memref<10000x128xf32, #tpu.memory_space<vmem_shared>>
        tpu.enqueue_indirect_dma source(%arg11 : memref<80x128xf32, #tpu.memory_space<vmem>>) target(%dma_start3A_388 : memref<10000x128xf32, #tpu.memory_space<vmem_shared>>) offsets(%dma_start3A_385 : memref<80xi32, #tpu.memory_space<vmem>>) semaphore(%arg16 : memref<!tpu.dma_semaphore, #tpu.memory_space<semaphore_mem>>) {add = true}
        %dma_start3A_389 = arith.constant 2 : i32
        %dma_start3A_390 = arith.constant 0 : i32
        %dma_start3A_391 = tpu.memref_slice %arg10[%rem3A_221, %dma_start3A_389, %dma_start3A_390] : memref<2x10x80xi32, #tpu.memory_space<vmem>> -> memref<1x1x80xi32, #tpu.memory_space<vmem>>
        %dma_start3A_392 = tpu.memref_squeeze %dma_start3A_391 : memref<1x1x80xi32, #tpu.memory_space<vmem>> -> memref<80xi32, #tpu.memory_space<vmem>>
        %dma_start3A_393 = arith.constant 0 : i32
        %dma_start3A_394 = arith.constant 0 : i32
        %dma_start3A_395 = tpu.memref_slice %arg22[%dma_start3A_393, %dma_start3A_394] : memref<10000x16xf32, #tpu.memory_space<vmem_shared>> -> memref<10000x16xf32, #tpu.memory_space<vmem_shared>>
        tpu.enqueue_indirect_dma source(%arg21 : memref<80x16xf32, #tpu.memory_space<vmem>>) target(%dma_start3A_395 : memref<10000x16xf32, #tpu.memory_space<vmem_shared>>) offsets(%dma_start3A_392 : memref<80xi32, #tpu.memory_space<vmem>>) semaphore(%arg23 : memref<!tpu.dma_semaphore, #tpu.memory_space<semaphore_mem>>) {add = true}
        %dma_wait3A_396 = arith.constant 2 : i32
        %dma_wait3A_397 = arith.constant 0 : i32
        %dma_wait3A_398 = tpu.memref_slice %arg10[%rem3A_221, %dma_wait3A_396, %dma_wait3A_397] : memref<2x10x80xi32, #tpu.memory_space<vmem>> -> memref<1x1x80xi32, #tpu.memory_space<vmem>>
        %dma_wait3A_399 = tpu.memref_squeeze %dma_wait3A_398 : memref<1x1x80xi32, #tpu.memory_space<vmem>> -> memref<80xi32, #tpu.memory_space<vmem>>
        %dma_wait3A_400 = arith.constant 0 : i32
        %dma_wait3A_401 = arith.constant 0 : i32
        %dma_wait3A_402 = tpu.memref_slice %arg13[%dma_wait3A_400, %dma_wait3A_401] : memref<10000x128xf32, #tpu.memory_space<vmem_shared>> -> memref<10000x128xf32, #tpu.memory_space<vmem_shared>>
        tpu.wait_indirect_dma semaphore(%arg16 : memref<!tpu.dma_semaphore, #tpu.memory_space<semaphore_mem>>) src(%arg11 : memref<80x128xf32, #tpu.memory_space<vmem>>) dst(%dma_wait3A_402 : memref<10000x128xf32, #tpu.memory_space<vmem_shared>>)
        %dma_wait3A_403 = arith.constant 2 : i32
        %dma_wait3A_404 = arith.constant 0 : i32
        %dma_wait3A_405 = tpu.memref_slice %arg10[%rem3A_221, %dma_wait3A_403, %dma_wait3A_404] : memref<2x10x80xi32, #tpu.memory_space<vmem>> -> memref<1x1x80xi32, #tpu.memory_space<vmem>>
        %dma_wait3A_406 = tpu.memref_squeeze %dma_wait3A_405 : memref<1x1x80xi32, #tpu.memory_space<vmem>> -> memref<80xi32, #tpu.memory_space<vmem>>
        %dma_wait3A_407 = arith.constant 0 : i32
        %dma_wait3A_408 = arith.constant 0 : i32
        %dma_wait3A_409 = tpu.memref_slice %arg22[%dma_wait3A_407, %dma_wait3A_408] : memref<10000x16xf32, #tpu.memory_space<vmem_shared>> -> memref<10000x16xf32, #tpu.memory_space<vmem_shared>>
        tpu.wait_indirect_dma semaphore(%arg23 : memref<!tpu.dma_semaphore, #tpu.memory_space<semaphore_mem>>) src(%arg21 : memref<80x16xf32, #tpu.memory_space<vmem>>) dst(%dma_wait3A_409 : memref<10000x16xf32, #tpu.memory_space<vmem_shared>>)
        %dma_start3A_410 = arith.constant 4 : i32
        %dma_start3A_411 = arith.constant 0 : i32
        %dma_start3A_412 = tpu.memref_slice %arg9[%rem3A_221, %dma_start3A_410, %dma_start3A_411] : memref<2x10x80xi32, #tpu.memory_space<vmem>> -> memref<1x1x80xi32, #tpu.memory_space<vmem>>
        %dma_start3A_413 = tpu.memref_squeeze %dma_start3A_412 : memref<1x1x80xi32, #tpu.memory_space<vmem>> -> memref<80xi32, #tpu.memory_space<vmem>>
        %dma_start3A_414 = arith.constant 0 : i32
        %dma_start3A_415 = arith.constant 0 : i32
        %dma_start3A_416 = tpu.memref_slice %arg2[%dma_start3A_414, %dma_start3A_415] : memref<20000x128xf32, #tpu.memory_space<hbm>> -> memref<20000x128xf32, #tpu.memory_space<hbm>>
        tpu.enqueue_indirect_dma source(%dma_start3A_416 : memref<20000x128xf32, #tpu.memory_space<hbm>>) target(%arg11 : memref<80x128xf32, #tpu.memory_space<vmem>>) offsets(%dma_start3A_413 : memref<80xi32, #tpu.memory_space<vmem>>) semaphore(%arg14 : memref<!tpu.dma_semaphore, #tpu.memory_space<semaphore_mem>>)
        %dma_wait3A_417 = arith.constant 3 : i32
        %dma_wait3A_418 = arith.constant 0 : i32
        %dma_wait3A_419 = tpu.memref_slice %arg9[%rem3A_221, %dma_wait3A_417, %dma_wait3A_418] : memref<2x10x80xi32, #tpu.memory_space<vmem>> -> memref<1x1x80xi32, #tpu.memory_space<vmem>>
        %dma_wait3A_420 = tpu.memref_squeeze %dma_wait3A_419 : memref<1x1x80xi32, #tpu.memory_space<vmem>> -> memref<80xi32, #tpu.memory_space<vmem>>
        %dma_wait3A_421 = arith.constant 0 : i32
        %dma_wait3A_422 = arith.constant 0 : i32
        %dma_wait3A_423 = tpu.memref_slice %arg2[%dma_wait3A_421, %dma_wait3A_422] : memref<20000x128xf32, #tpu.memory_space<hbm>> -> memref<20000x128xf32, #tpu.memory_space<hbm>>
        tpu.wait_indirect_dma semaphore(%arg15 : memref<!tpu.dma_semaphore, #tpu.memory_space<semaphore_mem>>) src(%dma_wait3A_423 : memref<20000x128xf32, #tpu.memory_space<hbm>>) dst(%arg12 : memref<80x128xf32, #tpu.memory_space<vmem>>)
        %dma_start3A_424 = arith.constant 3 : i32
        %dma_start3A_425 = arith.constant 0 : i32
        %dma_start3A_426 = tpu.memref_slice %arg10[%rem3A_221, %dma_start3A_424, %dma_start3A_425] : memref<2x10x80xi32, #tpu.memory_space<vmem>> -> memref<1x1x80xi32, #tpu.memory_space<vmem>>
        %dma_start3A_427 = tpu.memref_squeeze %dma_start3A_426 : memref<1x1x80xi32, #tpu.memory_space<vmem>> -> memref<80xi32, #tpu.memory_space<vmem>>
        %dma_start3A_428 = arith.constant 0 : i32
        %dma_start3A_429 = arith.constant 0 : i32
        %dma_start3A_430 = tpu.memref_slice %arg13[%dma_start3A_428, %dma_start3A_429] : memref<10000x128xf32, #tpu.memory_space<vmem_shared>> -> memref<10000x128xf32, #tpu.memory_space<vmem_shared>>
        tpu.enqueue_indirect_dma source(%arg12 : memref<80x128xf32, #tpu.memory_space<vmem>>) target(%dma_start3A_430 : memref<10000x128xf32, #tpu.memory_space<vmem_shared>>) offsets(%dma_start3A_427 : memref<80xi32, #tpu.memory_space<vmem>>) semaphore(%arg17 : memref<!tpu.dma_semaphore, #tpu.memory_space<semaphore_mem>>) {add = true}
        %dma_start3A_431 = arith.constant 3 : i32
        %dma_start3A_432 = arith.constant 0 : i32
        %dma_start3A_433 = tpu.memref_slice %arg10[%rem3A_221, %dma_start3A_431, %dma_start3A_432] : memref<2x10x80xi32, #tpu.memory_space<vmem>> -> memref<1x1x80xi32, #tpu.memory_space<vmem>>
        %dma_start3A_434 = tpu.memref_squeeze %dma_start3A_433 : memref<1x1x80xi32, #tpu.memory_space<vmem>> -> memref<80xi32, #tpu.memory_space<vmem>>
        %dma_start3A_435 = arith.constant 0 : i32
        %dma_start3A_436 = arith.constant 0 : i32
        %dma_start3A_437 = tpu.memref_slice %arg22[%dma_start3A_435, %dma_start3A_436] : memref<10000x16xf32, #tpu.memory_space<vmem_shared>> -> memref<10000x16xf32, #tpu.memory_space<vmem_shared>>
        tpu.enqueue_indirect_dma source(%arg21 : memref<80x16xf32, #tpu.memory_space<vmem>>) target(%dma_start3A_437 : memref<10000x16xf32, #tpu.memory_space<vmem_shared>>) offsets(%dma_start3A_434 : memref<80xi32, #tpu.memory_space<vmem>>) semaphore(%arg24 : memref<!tpu.dma_semaphore, #tpu.memory_space<semaphore_mem>>) {add = true}
        %dma_wait3A_438 = arith.constant 3 : i32
        %dma_wait3A_439 = arith.constant 0 : i32
        %dma_wait3A_440 = tpu.memref_slice %arg10[%rem3A_221, %dma_wait3A_438, %dma_wait3A_439] : memref<2x10x80xi32, #tpu.memory_space<vmem>> -> memref<1x1x80xi32, #tpu.memory_space<vmem>>
        %dma_wait3A_441 = tpu.memref_squeeze %dma_wait3A_440 : memref<1x1x80xi32, #tpu.memory_space<vmem>> -> memref<80xi32, #tpu.memory_space<vmem>>
        %dma_wait3A_442 = arith.constant 0 : i32
        %dma_wait3A_443 = arith.constant 0 : i32
        %dma_wait3A_444 = tpu.memref_slice %arg13[%dma_wait3A_442, %dma_wait3A_443] : memref<10000x128xf32, #tpu.memory_space<vmem_shared>> -> memref<10000x128xf32, #tpu.memory_space<vmem_shared>>
        tpu.wait_indirect_dma semaphore(%arg17 : memref<!tpu.dma_semaphore, #tpu.memory_space<semaphore_mem>>) src(%arg12 : memref<80x128xf32, #tpu.memory_space<vmem>>) dst(%dma_wait3A_444 : memref<10000x128xf32, #tpu.memory_space<vmem_shared>>)
        %dma_wait3A_445 = arith.constant 3 : i32
        %dma_wait3A_446 = arith.constant 0 : i32
        %dma_wait3A_447 = tpu.memref_slice %arg10[%rem3A_221, %dma_wait3A_445, %dma_wait3A_446] : memref<2x10x80xi32, #tpu.memory_space<vmem>> -> memref<1x1x80xi32, #tpu.memory_space<vmem>>
        %dma_wait3A_448 = tpu.memref_squeeze %dma_wait3A_447 : memref<1x1x80xi32, #tpu.memory_space<vmem>> -> memref<80xi32, #tpu.memory_space<vmem>>
        %dma_wait3A_449 = arith.constant 0 : i32
        %dma_wait3A_450 = arith.constant 0 : i32
        %dma_wait3A_451 = tpu.memref_slice %arg22[%dma_wait3A_449, %dma_wait3A_450] : memref<10000x16xf32, #tpu.memory_space<vmem_shared>> -> memref<10000x16xf32, #tpu.memory_space<vmem_shared>>
        tpu.wait_indirect_dma semaphore(%arg24 : memref<!tpu.dma_semaphore, #tpu.memory_space<semaphore_mem>>) src(%arg21 : memref<80x16xf32, #tpu.memory_space<vmem>>) dst(%dma_wait3A_451 : memref<10000x16xf32, #tpu.memory_space<vmem_shared>>)
        %dma_start3A_452 = arith.constant 5 : i32
        %dma_start3A_453 = arith.constant 0 : i32
        %dma_start3A_454 = tpu.memref_slice %arg9[%rem3A_221, %dma_start3A_452, %dma_start3A_453] : memref<2x10x80xi32, #tpu.memory_space<vmem>> -> memref<1x1x80xi32, #tpu.memory_space<vmem>>
        %dma_start3A_455 = tpu.memref_squeeze %dma_start3A_454 : memref<1x1x80xi32, #tpu.memory_space<vmem>> -> memref<80xi32, #tpu.memory_space<vmem>>
        %dma_start3A_456 = arith.constant 0 : i32
        %dma_start3A_457 = arith.constant 0 : i32
        %dma_start3A_458 = tpu.memref_slice %arg2[%dma_start3A_456, %dma_start3A_457] : memref<20000x128xf32, #tpu.memory_space<hbm>> -> memref<20000x128xf32, #tpu.memory_space<hbm>>
        tpu.enqueue_indirect_dma source(%dma_start3A_458 : memref<20000x128xf32, #tpu.memory_space<hbm>>) target(%arg12 : memref<80x128xf32, #tpu.memory_space<vmem>>) offsets(%dma_start3A_455 : memref<80xi32, #tpu.memory_space<vmem>>) semaphore(%arg15 : memref<!tpu.dma_semaphore, #tpu.memory_space<semaphore_mem>>)
        %dma_wait3A_459 = arith.constant 4 : i32
        %dma_wait3A_460 = arith.constant 0 : i32
        %dma_wait3A_461 = tpu.memref_slice %arg9[%rem3A_221, %dma_wait3A_459, %dma_wait3A_460] : memref<2x10x80xi32, #tpu.memory_space<vmem>> -> memref<1x1x80xi32, #tpu.memory_space<vmem>>
        %dma_wait3A_462 = tpu.memref_squeeze %dma_wait3A_461 : memref<1x1x80xi32, #tpu.memory_space<vmem>> -> memref<80xi32, #tpu.memory_space<vmem>>
        %dma_wait3A_463 = arith.constant 0 : i32
        %dma_wait3A_464 = arith.constant 0 : i32
        %dma_wait3A_465 = tpu.memref_slice %arg2[%dma_wait3A_463, %dma_wait3A_464] : memref<20000x128xf32, #tpu.memory_space<hbm>> -> memref<20000x128xf32, #tpu.memory_space<hbm>>
        tpu.wait_indirect_dma semaphore(%arg14 : memref<!tpu.dma_semaphore, #tpu.memory_space<semaphore_mem>>) src(%dma_wait3A_465 : memref<20000x128xf32, #tpu.memory_space<hbm>>) dst(%arg11 : memref<80x128xf32, #tpu.memory_space<vmem>>)
        %dma_start3A_466 = arith.constant 4 : i32
        %dma_start3A_467 = arith.constant 0 : i32
        %dma_start3A_468 = tpu.memref_slice %arg10[%rem3A_221, %dma_start3A_466, %dma_start3A_467] : memref<2x10x80xi32, #tpu.memory_space<vmem>> -> memref<1x1x80xi32, #tpu.memory_space<vmem>>
        %dma_start3A_469 = tpu.memref_squeeze %dma_start3A_468 : memref<1x1x80xi32, #tpu.memory_space<vmem>> -> memref<80xi32, #tpu.memory_space<vmem>>
        %dma_start3A_470 = arith.constant 0 : i32
        %dma_start3A_471 = arith.constant 0 : i32
        %dma_start3A_472 = tpu.memref_slice %arg13[%dma_start3A_470, %dma_start3A_471] : memref<10000x128xf32, #tpu.memory_space<vmem_shared>> -> memref<10000x128xf32, #tpu.memory_space<vmem_shared>>
        tpu.enqueue_indirect_dma source(%arg11 : memref<80x128xf32, #tpu.memory_space<vmem>>) target(%dma_start3A_472 : memref<10000x128xf32, #tpu.memory_space<vmem_shared>>) offsets(%dma_start3A_469 : memref<80xi32, #tpu.memory_space<vmem>>) semaphore(%arg16 : memref<!tpu.dma_semaphore, #tpu.memory_space<semaphore_mem>>) {add = true}
        %dma_start3A_473 = arith.constant 4 : i32
        %dma_start3A_474 = arith.constant 0 : i32
        %dma_start3A_475 = tpu.memref_slice %arg10[%rem3A_221, %dma_start3A_473, %dma_start3A_474] : memref<2x10x80xi32, #tpu.memory_space<vmem>> -> memref<1x1x80xi32, #tpu.memory_space<vmem>>
        %dma_start3A_476 = tpu.memref_squeeze %dma_start3A_475 : memref<1x1x80xi32, #tpu.memory_space<vmem>> -> memref<80xi32, #tpu.memory_space<vmem>>
        %dma_start3A_477 = arith.constant 0 : i32
        %dma_start3A_478 = arith.constant 0 : i32
        %dma_start3A_479 = tpu.memref_slice %arg22[%dma_start3A_477, %dma_start3A_478] : memref<10000x16xf32, #tpu.memory_space<vmem_shared>> -> memref<10000x16xf32, #tpu.memory_space<vmem_shared>>
        tpu.enqueue_indirect_dma source(%arg21 : memref<80x16xf32, #tpu.memory_space<vmem>>) target(%dma_start3A_479 : memref<10000x16xf32, #tpu.memory_space<vmem_shared>>) offsets(%dma_start3A_476 : memref<80xi32, #tpu.memory_space<vmem>>) semaphore(%arg23 : memref<!tpu.dma_semaphore, #tpu.memory_space<semaphore_mem>>) {add = true}
        %dma_wait3A_480 = arith.constant 4 : i32
        %dma_wait3A_481 = arith.constant 0 : i32
        %dma_wait3A_482 = tpu.memref_slice %arg10[%rem3A_221, %dma_wait3A_480, %dma_wait3A_481] : memref<2x10x80xi32, #tpu.memory_space<vmem>> -> memref<1x1x80xi32, #tpu.memory_space<vmem>>
        %dma_wait3A_483 = tpu.memref_squeeze %dma_wait3A_482 : memref<1x1x80xi32, #tpu.memory_space<vmem>> -> memref<80xi32, #tpu.memory_space<vmem>>
        %dma_wait3A_484 = arith.constant 0 : i32
        %dma_wait3A_485 = arith.constant 0 : i32
        %dma_wait3A_486 = tpu.memref_slice %arg13[%dma_wait3A_484, %dma_wait3A_485] : memref<10000x128xf32, #tpu.memory_space<vmem_shared>> -> memref<10000x128xf32, #tpu.memory_space<vmem_shared>>
        tpu.wait_indirect_dma semaphore(%arg16 : memref<!tpu.dma_semaphore, #tpu.memory_space<semaphore_mem>>) src(%arg11 : memref<80x128xf32, #tpu.memory_space<vmem>>) dst(%dma_wait3A_486 : memref<10000x128xf32, #tpu.memory_space<vmem_shared>>)
        %dma_wait3A_487 = arith.constant 4 : i32
        %dma_wait3A_488 = arith.constant 0 : i32
        %dma_wait3A_489 = tpu.memref_slice %arg10[%rem3A_221, %dma_wait3A_487, %dma_wait3A_488] : memref<2x10x80xi32, #tpu.memory_space<vmem>> -> memref<1x1x80xi32, #tpu.memory_space<vmem>>
        %dma_wait3A_490 = tpu.memref_squeeze %dma_wait3A_489 : memref<1x1x80xi32, #tpu.memory_space<vmem>> -> memref<80xi32, #tpu.memory_space<vmem>>
        %dma_wait3A_491 = arith.constant 0 : i32
        %dma_wait3A_492 = arith.constant 0 : i32
        %dma_wait3A_493 = tpu.memref_slice %arg22[%dma_wait3A_491, %dma_wait3A_492] : memref<10000x16xf32, #tpu.memory_space<vmem_shared>> -> memref<10000x16xf32, #tpu.memory_space<vmem_shared>>
        tpu.wait_indirect_dma semaphore(%arg23 : memref<!tpu.dma_semaphore, #tpu.memory_space<semaphore_mem>>) src(%arg21 : memref<80x16xf32, #tpu.memory_space<vmem>>) dst(%dma_wait3A_493 : memref<10000x16xf32, #tpu.memory_space<vmem_shared>>)
        %dma_start3A_494 = arith.constant 6 : i32
        %dma_start3A_495 = arith.constant 0 : i32
        %dma_start3A_496 = tpu.memref_slice %arg9[%rem3A_221, %dma_start3A_494, %dma_start3A_495] : memref<2x10x80xi32, #tpu.memory_space<vmem>> -> memref<1x1x80xi32, #tpu.memory_space<vmem>>
        %dma_start3A_497 = tpu.memref_squeeze %dma_start3A_496 : memref<1x1x80xi32, #tpu.memory_space<vmem>> -> memref<80xi32, #tpu.memory_space<vmem>>
        %dma_start3A_498 = arith.constant 0 : i32
        %dma_start3A_499 = arith.constant 0 : i32
        %dma_start3A_500 = tpu.memref_slice %arg2[%dma_start3A_498, %dma_start3A_499] : memref<20000x128xf32, #tpu.memory_space<hbm>> -> memref<20000x128xf32, #tpu.memory_space<hbm>>
        tpu.enqueue_indirect_dma source(%dma_start3A_500 : memref<20000x128xf32, #tpu.memory_space<hbm>>) target(%arg11 : memref<80x128xf32, #tpu.memory_space<vmem>>) offsets(%dma_start3A_497 : memref<80xi32, #tpu.memory_space<vmem>>) semaphore(%arg14 : memref<!tpu.dma_semaphore, #tpu.memory_space<semaphore_mem>>)
        %dma_wait3A_501 = arith.constant 5 : i32
        %dma_wait3A_502 = arith.constant 0 : i32
        %dma_wait3A_503 = tpu.memref_slice %arg9[%rem3A_221, %dma_wait3A_501, %dma_wait3A_502] : memref<2x10x80xi32, #tpu.memory_space<vmem>> -> memref<1x1x80xi32, #tpu.memory_space<vmem>>
        %dma_wait3A_504 = tpu.memref_squeeze %dma_wait3A_503 : memref<1x1x80xi32, #tpu.memory_space<vmem>> -> memref<80xi32, #tpu.memory_space<vmem>>
        %dma_wait3A_505 = arith.constant 0 : i32
        %dma_wait3A_506 = arith.constant 0 : i32
        %dma_wait3A_507 = tpu.memref_slice %arg2[%dma_wait3A_505, %dma_wait3A_506] : memref<20000x128xf32, #tpu.memory_space<hbm>> -> memref<20000x128xf32, #tpu.memory_space<hbm>>
        tpu.wait_indirect_dma semaphore(%arg15 : memref<!tpu.dma_semaphore, #tpu.memory_space<semaphore_mem>>) src(%dma_wait3A_507 : memref<20000x128xf32, #tpu.memory_space<hbm>>) dst(%arg12 : memref<80x128xf32, #tpu.memory_space<vmem>>)
        %dma_start3A_508 = arith.constant 5 : i32
        %dma_start3A_509 = arith.constant 0 : i32
        %dma_start3A_510 = tpu.memref_slice %arg10[%rem3A_221, %dma_start3A_508, %dma_start3A_509] : memref<2x10x80xi32, #tpu.memory_space<vmem>> -> memref<1x1x80xi32, #tpu.memory_space<vmem>>
        %dma_start3A_511 = tpu.memref_squeeze %dma_start3A_510 : memref<1x1x80xi32, #tpu.memory_space<vmem>> -> memref<80xi32, #tpu.memory_space<vmem>>
        %dma_start3A_512 = arith.constant 0 : i32
        %dma_start3A_513 = arith.constant 0 : i32
        %dma_start3A_514 = tpu.memref_slice %arg13[%dma_start3A_512, %dma_start3A_513] : memref<10000x128xf32, #tpu.memory_space<vmem_shared>> -> memref<10000x128xf32, #tpu.memory_space<vmem_shared>>
        tpu.enqueue_indirect_dma source(%arg12 : memref<80x128xf32, #tpu.memory_space<vmem>>) target(%dma_start3A_514 : memref<10000x128xf32, #tpu.memory_space<vmem_shared>>) offsets(%dma_start3A_511 : memref<80xi32, #tpu.memory_space<vmem>>) semaphore(%arg17 : memref<!tpu.dma_semaphore, #tpu.memory_space<semaphore_mem>>) {add = true}
        %dma_start3A_515 = arith.constant 5 : i32
        %dma_start3A_516 = arith.constant 0 : i32
        %dma_start3A_517 = tpu.memref_slice %arg10[%rem3A_221, %dma_start3A_515, %dma_start3A_516] : memref<2x10x80xi32, #tpu.memory_space<vmem>> -> memref<1x1x80xi32, #tpu.memory_space<vmem>>
        %dma_start3A_518 = tpu.memref_squeeze %dma_start3A_517 : memref<1x1x80xi32, #tpu.memory_space<vmem>> -> memref<80xi32, #tpu.memory_space<vmem>>
        %dma_start3A_519 = arith.constant 0 : i32
        %dma_start3A_520 = arith.constant 0 : i32
        %dma_start3A_521 = tpu.memref_slice %arg22[%dma_start3A_519, %dma_start3A_520] : memref<10000x16xf32, #tpu.memory_space<vmem_shared>> -> memref<10000x16xf32, #tpu.memory_space<vmem_shared>>
        tpu.enqueue_indirect_dma source(%arg21 : memref<80x16xf32, #tpu.memory_space<vmem>>) target(%dma_start3A_521 : memref<10000x16xf32, #tpu.memory_space<vmem_shared>>) offsets(%dma_start3A_518 : memref<80xi32, #tpu.memory_space<vmem>>) semaphore(%arg24 : memref<!tpu.dma_semaphore, #tpu.memory_space<semaphore_mem>>) {add = true}
        %dma_wait3A_522 = arith.constant 5 : i32
        %dma_wait3A_523 = arith.constant 0 : i32
        %dma_wait3A_524 = tpu.memref_slice %arg10[%rem3A_221, %dma_wait3A_522, %dma_wait3A_523] : memref<2x10x80xi32, #tpu.memory_space<vmem>> -> memref<1x1x80xi32, #tpu.memory_space<vmem>>
        %dma_wait3A_525 = tpu.memref_squeeze %dma_wait3A_524 : memref<1x1x80xi32, #tpu.memory_space<vmem>> -> memref<80xi32, #tpu.memory_space<vmem>>
        %dma_wait3A_526 = arith.constant 0 : i32
        %dma_wait3A_527 = arith.constant 0 : i32
        %dma_wait3A_528 = tpu.memref_slice %arg13[%dma_wait3A_526, %dma_wait3A_527] : memref<10000x128xf32, #tpu.memory_space<vmem_shared>> -> memref<10000x128xf32, #tpu.memory_space<vmem_shared>>
        tpu.wait_indirect_dma semaphore(%arg17 : memref<!tpu.dma_semaphore, #tpu.memory_space<semaphore_mem>>) src(%arg12 : memref<80x128xf32, #tpu.memory_space<vmem>>) dst(%dma_wait3A_528 : memref<10000x128xf32, #tpu.memory_space<vmem_shared>>)
        %dma_wait3A_529 = arith.constant 5 : i32
        %dma_wait3A_530 = arith.constant 0 : i32
        %dma_wait3A_531 = tpu.memref_slice %arg10[%rem3A_221, %dma_wait3A_529, %dma_wait3A_530] : memref<2x10x80xi32, #tpu.memory_space<vmem>> -> memref<1x1x80xi32, #tpu.memory_space<vmem>>
        %dma_wait3A_532 = tpu.memref_squeeze %dma_wait3A_531 : memref<1x1x80xi32, #tpu.memory_space<vmem>> -> memref<80xi32, #tpu.memory_space<vmem>>
        %dma_wait3A_533 = arith.constant 0 : i32
        %dma_wait3A_534 = arith.constant 0 : i32
        %dma_wait3A_535 = tpu.memref_slice %arg22[%dma_wait3A_533, %dma_wait3A_534] : memref<10000x16xf32, #tpu.memory_space<vmem_shared>> -> memref<10000x16xf32, #tpu.memory_space<vmem_shared>>
        tpu.wait_indirect_dma semaphore(%arg24 : memref<!tpu.dma_semaphore, #tpu.memory_space<semaphore_mem>>) src(%arg21 : memref<80x16xf32, #tpu.memory_space<vmem>>) dst(%dma_wait3A_535 : memref<10000x16xf32, #tpu.memory_space<vmem_shared>>)
        %dma_start3A_536 = arith.constant 7 : i32
        %dma_start3A_537 = arith.constant 0 : i32
        %dma_start3A_538 = tpu.memref_slice %arg9[%rem3A_221, %dma_start3A_536, %dma_start3A_537] : memref<2x10x80xi32, #tpu.memory_space<vmem>> -> memref<1x1x80xi32, #tpu.memory_space<vmem>>
        %dma_start3A_539 = tpu.memref_squeeze %dma_start3A_538 : memref<1x1x80xi32, #tpu.memory_space<vmem>> -> memref<80xi32, #tpu.memory_space<vmem>>
        %dma_start3A_540 = arith.constant 0 : i32
        %dma_start3A_541 = arith.constant 0 : i32
        %dma_start3A_542 = tpu.memref_slice %arg2[%dma_start3A_540, %dma_start3A_541] : memref<20000x128xf32, #tpu.memory_space<hbm>> -> memref<20000x128xf32, #tpu.memory_space<hbm>>
        tpu.enqueue_indirect_dma source(%dma_start3A_542 : memref<20000x128xf32, #tpu.memory_space<hbm>>) target(%arg12 : memref<80x128xf32, #tpu.memory_space<vmem>>) offsets(%dma_start3A_539 : memref<80xi32, #tpu.memory_space<vmem>>) semaphore(%arg15 : memref<!tpu.dma_semaphore, #tpu.memory_space<semaphore_mem>>)
        %dma_wait3A_543 = arith.constant 6 : i32
        %dma_wait3A_544 = arith.constant 0 : i32
        %dma_wait3A_545 = tpu.memref_slice %arg9[%rem3A_221, %dma_wait3A_543, %dma_wait3A_544] : memref<2x10x80xi32, #tpu.memory_space<vmem>> -> memref<1x1x80xi32, #tpu.memory_space<vmem>>
        %dma_wait3A_546 = tpu.memref_squeeze %dma_wait3A_545 : memref<1x1x80xi32, #tpu.memory_space<vmem>> -> memref<80xi32, #tpu.memory_space<vmem>>
        %dma_wait3A_547 = arith.constant 0 : i32
        %dma_wait3A_548 = arith.constant 0 : i32
        %dma_wait3A_549 = tpu.memref_slice %arg2[%dma_wait3A_547, %dma_wait3A_548] : memref<20000x128xf32, #tpu.memory_space<hbm>> -> memref<20000x128xf32, #tpu.memory_space<hbm>>
        tpu.wait_indirect_dma semaphore(%arg14 : memref<!tpu.dma_semaphore, #tpu.memory_space<semaphore_mem>>) src(%dma_wait3A_549 : memref<20000x128xf32, #tpu.memory_space<hbm>>) dst(%arg11 : memref<80x128xf32, #tpu.memory_space<vmem>>)
        %dma_start3A_550 = arith.constant 6 : i32
        %dma_start3A_551 = arith.constant 0 : i32
        %dma_start3A_552 = tpu.memref_slice %arg10[%rem3A_221, %dma_start3A_550, %dma_start3A_551] : memref<2x10x80xi32, #tpu.memory_space<vmem>> -> memref<1x1x80xi32, #tpu.memory_space<vmem>>
        %dma_start3A_553 = tpu.memref_squeeze %dma_start3A_552 : memref<1x1x80xi32, #tpu.memory_space<vmem>> -> memref<80xi32, #tpu.memory_space<vmem>>
        %dma_start3A_554 = arith.constant 0 : i32
        %dma_start3A_555 = arith.constant 0 : i32
        %dma_start3A_556 = tpu.memref_slice %arg13[%dma_start3A_554, %dma_start3A_555] : memref<10000x128xf32, #tpu.memory_space<vmem_shared>> -> memref<10000x128xf32, #tpu.memory_space<vmem_shared>>
        tpu.enqueue_indirect_dma source(%arg11 : memref<80x128xf32, #tpu.memory_space<vmem>>) target(%dma_start3A_556 : memref<10000x128xf32, #tpu.memory_space<vmem_shared>>) offsets(%dma_start3A_553 : memref<80xi32, #tpu.memory_space<vmem>>) semaphore(%arg16 : memref<!tpu.dma_semaphore, #tpu.memory_space<semaphore_mem>>) {add = true}
        %dma_start3A_557 = arith.constant 6 : i32
        %dma_start3A_558 = arith.constant 0 : i32
        %dma_start3A_559 = tpu.memref_slice %arg10[%rem3A_221, %dma_start3A_557, %dma_start3A_558] : memref<2x10x80xi32, #tpu.memory_space<vmem>> -> memref<1x1x80xi32, #tpu.memory_space<vmem>>
        %dma_start3A_560 = tpu.memref_squeeze %dma_start3A_559 : memref<1x1x80xi32, #tpu.memory_space<vmem>> -> memref<80xi32, #tpu.memory_space<vmem>>
        %dma_start3A_561 = arith.constant 0 : i32
        %dma_start3A_562 = arith.constant 0 : i32
        %dma_start3A_563 = tpu.memref_slice %arg22[%dma_start3A_561, %dma_start3A_562] : memref<10000x16xf32, #tpu.memory_space<vmem_shared>> -> memref<10000x16xf32, #tpu.memory_space<vmem_shared>>
        tpu.enqueue_indirect_dma source(%arg21 : memref<80x16xf32, #tpu.memory_space<vmem>>) target(%dma_start3A_563 : memref<10000x16xf32, #tpu.memory_space<vmem_shared>>) offsets(%dma_start3A_560 : memref<80xi32, #tpu.memory_space<vmem>>) semaphore(%arg23 : memref<!tpu.dma_semaphore, #tpu.memory_space<semaphore_mem>>) {add = true}
        %dma_wait3A_564 = arith.constant 6 : i32
        %dma_wait3A_565 = arith.constant 0 : i32
        %dma_wait3A_566 = tpu.memref_slice %arg10[%rem3A_221, %dma_wait3A_564, %dma_wait3A_565] : memref<2x10x80xi32, #tpu.memory_space<vmem>> -> memref<1x1x80xi32, #tpu.memory_space<vmem>>
        %dma_wait3A_567 = tpu.memref_squeeze %dma_wait3A_566 : memref<1x1x80xi32, #tpu.memory_space<vmem>> -> memref<80xi32, #tpu.memory_space<vmem>>
        %dma_wait3A_568 = arith.constant 0 : i32
        %dma_wait3A_569 = arith.constant 0 : i32
        %dma_wait3A_570 = tpu.memref_slice %arg13[%dma_wait3A_568, %dma_wait3A_569] : memref<10000x128xf32, #tpu.memory_space<vmem_shared>> -> memref<10000x128xf32, #tpu.memory_space<vmem_shared>>
        tpu.wait_indirect_dma semaphore(%arg16 : memref<!tpu.dma_semaphore, #tpu.memory_space<semaphore_mem>>) src(%arg11 : memref<80x128xf32, #tpu.memory_space<vmem>>) dst(%dma_wait3A_570 : memref<10000x128xf32, #tpu.memory_space<vmem_shared>>)
        %dma_wait3A_571 = arith.constant 6 : i32
        %dma_wait3A_572 = arith.constant 0 : i32
        %dma_wait3A_573 = tpu.memref_slice %arg10[%rem3A_221, %dma_wait3A_571, %dma_wait3A_572] : memref<2x10x80xi32, #tpu.memory_space<vmem>> -> memref<1x1x80xi32, #tpu.memory_space<vmem>>
        %dma_wait3A_574 = tpu.memref_squeeze %dma_wait3A_573 : memref<1x1x80xi32, #tpu.memory_space<vmem>> -> memref<80xi32, #tpu.memory_space<vmem>>
        %dma_wait3A_575 = arith.constant 0 : i32
        %dma_wait3A_576 = arith.constant 0 : i32
        %dma_wait3A_577 = tpu.memref_slice %arg22[%dma_wait3A_575, %dma_wait3A_576] : memref<10000x16xf32, #tpu.memory_space<vmem_shared>> -> memref<10000x16xf32, #tpu.memory_space<vmem_shared>>
        tpu.wait_indirect_dma semaphore(%arg23 : memref<!tpu.dma_semaphore, #tpu.memory_space<semaphore_mem>>) src(%arg21 : memref<80x16xf32, #tpu.memory_space<vmem>>) dst(%dma_wait3A_577 : memref<10000x16xf32, #tpu.memory_space<vmem_shared>>)
        %dma_start3A_578 = arith.constant 8 : i32
        %dma_start3A_579 = arith.constant 0 : i32
        %dma_start3A_580 = tpu.memref_slice %arg9[%rem3A_221, %dma_start3A_578, %dma_start3A_579] : memref<2x10x80xi32, #tpu.memory_space<vmem>> -> memref<1x1x80xi32, #tpu.memory_space<vmem>>
        %dma_start3A_581 = tpu.memref_squeeze %dma_start3A_580 : memref<1x1x80xi32, #tpu.memory_space<vmem>> -> memref<80xi32, #tpu.memory_space<vmem>>
        %dma_start3A_582 = arith.constant 0 : i32
        %dma_start3A_583 = arith.constant 0 : i32
        %dma_start3A_584 = tpu.memref_slice %arg2[%dma_start3A_582, %dma_start3A_583] : memref<20000x128xf32, #tpu.memory_space<hbm>> -> memref<20000x128xf32, #tpu.memory_space<hbm>>
        tpu.enqueue_indirect_dma source(%dma_start3A_584 : memref<20000x128xf32, #tpu.memory_space<hbm>>) target(%arg11 : memref<80x128xf32, #tpu.memory_space<vmem>>) offsets(%dma_start3A_581 : memref<80xi32, #tpu.memory_space<vmem>>) semaphore(%arg14 : memref<!tpu.dma_semaphore, #tpu.memory_space<semaphore_mem>>)
        %dma_wait3A_585 = arith.constant 7 : i32
        %dma_wait3A_586 = arith.constant 0 : i32
        %dma_wait3A_587 = tpu.memref_slice %arg9[%rem3A_221, %dma_wait3A_585, %dma_wait3A_586] : memref<2x10x80xi32, #tpu.memory_space<vmem>> -> memref<1x1x80xi32, #tpu.memory_space<vmem>>
        %dma_wait3A_588 = tpu.memref_squeeze %dma_wait3A_587 : memref<1x1x80xi32, #tpu.memory_space<vmem>> -> memref<80xi32, #tpu.memory_space<vmem>>
        %dma_wait3A_589 = arith.constant 0 : i32
        %dma_wait3A_590 = arith.constant 0 : i32
        %dma_wait3A_591 = tpu.memref_slice %arg2[%dma_wait3A_589, %dma_wait3A_590] : memref<20000x128xf32, #tpu.memory_space<hbm>> -> memref<20000x128xf32, #tpu.memory_space<hbm>>
        tpu.wait_indirect_dma semaphore(%arg15 : memref<!tpu.dma_semaphore, #tpu.memory_space<semaphore_mem>>) src(%dma_wait3A_591 : memref<20000x128xf32, #tpu.memory_space<hbm>>) dst(%arg12 : memref<80x128xf32, #tpu.memory_space<vmem>>)
        %dma_start3A_592 = arith.constant 7 : i32
        %dma_start3A_593 = arith.constant 0 : i32
        %dma_start3A_594 = tpu.memref_slice %arg10[%rem3A_221, %dma_start3A_592, %dma_start3A_593] : memref<2x10x80xi32, #tpu.memory_space<vmem>> -> memref<1x1x80xi32, #tpu.memory_space<vmem>>
        %dma_start3A_595 = tpu.memref_squeeze %dma_start3A_594 : memref<1x1x80xi32, #tpu.memory_space<vmem>> -> memref<80xi32, #tpu.memory_space<vmem>>
        %dma_start3A_596 = arith.constant 0 : i32
        %dma_start3A_597 = arith.constant 0 : i32
        %dma_start3A_598 = tpu.memref_slice %arg13[%dma_start3A_596, %dma_start3A_597] : memref<10000x128xf32, #tpu.memory_space<vmem_shared>> -> memref<10000x128xf32, #tpu.memory_space<vmem_shared>>
        tpu.enqueue_indirect_dma source(%arg12 : memref<80x128xf32, #tpu.memory_space<vmem>>) target(%dma_start3A_598 : memref<10000x128xf32, #tpu.memory_space<vmem_shared>>) offsets(%dma_start3A_595 : memref<80xi32, #tpu.memory_space<vmem>>) semaphore(%arg17 : memref<!tpu.dma_semaphore, #tpu.memory_space<semaphore_mem>>) {add = true}
        %dma_start3A_599 = arith.constant 7 : i32
        %dma_start3A_600 = arith.constant 0 : i32
        %dma_start3A_601 = tpu.memref_slice %arg10[%rem3A_221, %dma_start3A_599, %dma_start3A_600] : memref<2x10x80xi32, #tpu.memory_space<vmem>> -> memref<1x1x80xi32, #tpu.memory_space<vmem>>
        %dma_start3A_602 = tpu.memref_squeeze %dma_start3A_601 : memref<1x1x80xi32, #tpu.memory_space<vmem>> -> memref<80xi32, #tpu.memory_space<vmem>>
        %dma_start3A_603 = arith.constant 0 : i32
        %dma_start3A_604 = arith.constant 0 : i32
        %dma_start3A_605 = tpu.memref_slice %arg22[%dma_start3A_603, %dma_start3A_604] : memref<10000x16xf32, #tpu.memory_space<vmem_shared>> -> memref<10000x16xf32, #tpu.memory_space<vmem_shared>>
        tpu.enqueue_indirect_dma source(%arg21 : memref<80x16xf32, #tpu.memory_space<vmem>>) target(%dma_start3A_605 : memref<10000x16xf32, #tpu.memory_space<vmem_shared>>) offsets(%dma_start3A_602 : memref<80xi32, #tpu.memory_space<vmem>>) semaphore(%arg24 : memref<!tpu.dma_semaphore, #tpu.memory_space<semaphore_mem>>) {add = true}
        %dma_wait3A_606 = arith.constant 7 : i32
        %dma_wait3A_607 = arith.constant 0 : i32
        %dma_wait3A_608 = tpu.memref_slice %arg10[%rem3A_221, %dma_wait3A_606, %dma_wait3A_607] : memref<2x10x80xi32, #tpu.memory_space<vmem>> -> memref<1x1x80xi32, #tpu.memory_space<vmem>>
        %dma_wait3A_609 = tpu.memref_squeeze %dma_wait3A_608 : memref<1x1x80xi32, #tpu.memory_space<vmem>> -> memref<80xi32, #tpu.memory_space<vmem>>
        %dma_wait3A_610 = arith.constant 0 : i32
        %dma_wait3A_611 = arith.constant 0 : i32
        %dma_wait3A_612 = tpu.memref_slice %arg13[%dma_wait3A_610, %dma_wait3A_611] : memref<10000x128xf32, #tpu.memory_space<vmem_shared>> -> memref<10000x128xf32, #tpu.memory_space<vmem_shared>>
        tpu.wait_indirect_dma semaphore(%arg17 : memref<!tpu.dma_semaphore, #tpu.memory_space<semaphore_mem>>) src(%arg12 : memref<80x128xf32, #tpu.memory_space<vmem>>) dst(%dma_wait3A_612 : memref<10000x128xf32, #tpu.memory_space<vmem_shared>>)
        %dma_wait3A_613 = arith.constant 7 : i32
        %dma_wait3A_614 = arith.constant 0 : i32
        %dma_wait3A_615 = tpu.memref_slice %arg10[%rem3A_221, %dma_wait3A_613, %dma_wait3A_614] : memref<2x10x80xi32, #tpu.memory_space<vmem>> -> memref<1x1x80xi32, #tpu.memory_space<vmem>>
        %dma_wait3A_616 = tpu.memref_squeeze %dma_wait3A_615 : memref<1x1x80xi32, #tpu.memory_space<vmem>> -> memref<80xi32, #tpu.memory_space<vmem>>
        %dma_wait3A_617 = arith.constant 0 : i32
        %dma_wait3A_618 = arith.constant 0 : i32
        %dma_wait3A_619 = tpu.memref_slice %arg22[%dma_wait3A_617, %dma_wait3A_618] : memref<10000x16xf32, #tpu.memory_space<vmem_shared>> -> memref<10000x16xf32, #tpu.memory_space<vmem_shared>>
        tpu.wait_indirect_dma semaphore(%arg24 : memref<!tpu.dma_semaphore, #tpu.memory_space<semaphore_mem>>) src(%arg21 : memref<80x16xf32, #tpu.memory_space<vmem>>) dst(%dma_wait3A_619 : memref<10000x16xf32, #tpu.memory_space<vmem_shared>>)
        %dma_start3A_620 = arith.constant 9 : i32
        %dma_start3A_621 = arith.constant 0 : i32
        %dma_start3A_622 = tpu.memref_slice %arg9[%rem3A_221, %dma_start3A_620, %dma_start3A_621] : memref<2x10x80xi32, #tpu.memory_space<vmem>> -> memref<1x1x80xi32, #tpu.memory_space<vmem>>
        %dma_start3A_623 = tpu.memref_squeeze %dma_start3A_622 : memref<1x1x80xi32, #tpu.memory_space<vmem>> -> memref<80xi32, #tpu.memory_space<vmem>>
        %dma_start3A_624 = arith.constant 0 : i32
        %dma_start3A_625 = arith.constant 0 : i32
        %dma_start3A_626 = tpu.memref_slice %arg2[%dma_start3A_624, %dma_start3A_625] : memref<20000x128xf32, #tpu.memory_space<hbm>> -> memref<20000x128xf32, #tpu.memory_space<hbm>>
        tpu.enqueue_indirect_dma source(%dma_start3A_626 : memref<20000x128xf32, #tpu.memory_space<hbm>>) target(%arg12 : memref<80x128xf32, #tpu.memory_space<vmem>>) offsets(%dma_start3A_623 : memref<80xi32, #tpu.memory_space<vmem>>) semaphore(%arg15 : memref<!tpu.dma_semaphore, #tpu.memory_space<semaphore_mem>>)
        %dma_wait3A_627 = arith.constant 8 : i32
        %dma_wait3A_628 = arith.constant 0 : i32
        %dma_wait3A_629 = tpu.memref_slice %arg9[%rem3A_221, %dma_wait3A_627, %dma_wait3A_628] : memref<2x10x80xi32, #tpu.memory_space<vmem>> -> memref<1x1x80xi32, #tpu.memory_space<vmem>>
        %dma_wait3A_630 = tpu.memref_squeeze %dma_wait3A_629 : memref<1x1x80xi32, #tpu.memory_space<vmem>> -> memref<80xi32, #tpu.memory_space<vmem>>
        %dma_wait3A_631 = arith.constant 0 : i32
        %dma_wait3A_632 = arith.constant 0 : i32
        %dma_wait3A_633 = tpu.memref_slice %arg2[%dma_wait3A_631, %dma_wait3A_632] : memref<20000x128xf32, #tpu.memory_space<hbm>> -> memref<20000x128xf32, #tpu.memory_space<hbm>>
        tpu.wait_indirect_dma semaphore(%arg14 : memref<!tpu.dma_semaphore, #tpu.memory_space<semaphore_mem>>) src(%dma_wait3A_633 : memref<20000x128xf32, #tpu.memory_space<hbm>>) dst(%arg11 : memref<80x128xf32, #tpu.memory_space<vmem>>)
        %dma_start3A_634 = arith.constant 8 : i32
        %dma_start3A_635 = arith.constant 0 : i32
        %dma_start3A_636 = tpu.memref_slice %arg10[%rem3A_221, %dma_start3A_634, %dma_start3A_635] : memref<2x10x80xi32, #tpu.memory_space<vmem>> -> memref<1x1x80xi32, #tpu.memory_space<vmem>>
        %dma_start3A_637 = tpu.memref_squeeze %dma_start3A_636 : memref<1x1x80xi32, #tpu.memory_space<vmem>> -> memref<80xi32, #tpu.memory_space<vmem>>
        %dma_start3A_638 = arith.constant 0 : i32
        %dma_start3A_639 = arith.constant 0 : i32
        %dma_start3A_640 = tpu.memref_slice %arg13[%dma_start3A_638, %dma_start3A_639] : memref<10000x128xf32, #tpu.memory_space<vmem_shared>> -> memref<10000x128xf32, #tpu.memory_space<vmem_shared>>
        tpu.enqueue_indirect_dma source(%arg11 : memref<80x128xf32, #tpu.memory_space<vmem>>) target(%dma_start3A_640 : memref<10000x128xf32, #tpu.memory_space<vmem_shared>>) offsets(%dma_start3A_637 : memref<80xi32, #tpu.memory_space<vmem>>) semaphore(%arg16 : memref<!tpu.dma_semaphore, #tpu.memory_space<semaphore_mem>>) {add = true}
        %dma_start3A_641 = arith.constant 8 : i32
        %dma_start3A_642 = arith.constant 0 : i32
        %dma_start3A_643 = tpu.memref_slice %arg10[%rem3A_221, %dma_start3A_641, %dma_start3A_642] : memref<2x10x80xi32, #tpu.memory_space<vmem>> -> memref<1x1x80xi32, #tpu.memory_space<vmem>>
        %dma_start3A_644 = tpu.memref_squeeze %dma_start3A_643 : memref<1x1x80xi32, #tpu.memory_space<vmem>> -> memref<80xi32, #tpu.memory_space<vmem>>
        %dma_start3A_645 = arith.constant 0 : i32
        %dma_start3A_646 = arith.constant 0 : i32
        %dma_start3A_647 = tpu.memref_slice %arg22[%dma_start3A_645, %dma_start3A_646] : memref<10000x16xf32, #tpu.memory_space<vmem_shared>> -> memref<10000x16xf32, #tpu.memory_space<vmem_shared>>
        tpu.enqueue_indirect_dma source(%arg21 : memref<80x16xf32, #tpu.memory_space<vmem>>) target(%dma_start3A_647 : memref<10000x16xf32, #tpu.memory_space<vmem_shared>>) offsets(%dma_start3A_644 : memref<80xi32, #tpu.memory_space<vmem>>) semaphore(%arg23 : memref<!tpu.dma_semaphore, #tpu.memory_space<semaphore_mem>>) {add = true}
        %scan3A_648 = arith.constant 0 : i32
        scf.yield %scan3A_648 : i32
      }
      %scan3A_162 = arith.constant 25 : i32
      %dma_wait3A = arith.constant 0 : i32
      %dma_wait3A_163 = arith.constant 9 : i32
      %dma_wait3A_164 = arith.constant 0 : i32
      %dma_wait3A_165 = tpu.memref_slice %arg9[%dma_wait3A, %dma_wait3A_163, %dma_wait3A_164] : memref<2x10x80xi32, #tpu.memory_space<vmem>> -> memref<1x1x80xi32, #tpu.memory_space<vmem>>
      %dma_wait3A_166 = tpu.memref_squeeze %dma_wait3A_165 : memref<1x1x80xi32, #tpu.memory_space<vmem>> -> memref<80xi32, #tpu.memory_space<vmem>>
      %dma_wait3A_167 = arith.constant 0 : i32
      %dma_wait3A_168 = arith.constant 0 : i32
      %dma_wait3A_169 = tpu.memref_slice %arg2[%dma_wait3A_167, %dma_wait3A_168] : memref<20000x128xf32, #tpu.memory_space<hbm>> -> memref<20000x128xf32, #tpu.memory_space<hbm>>
      tpu.wait_indirect_dma semaphore(%arg15 : memref<!tpu.dma_semaphore, #tpu.memory_space<semaphore_mem>>) src(%dma_wait3A_169 : memref<20000x128xf32, #tpu.memory_space<hbm>>) dst(%arg12 : memref<80x128xf32, #tpu.memory_space<vmem>>)
      %dma_start3A_170 = arith.constant 0 : i32
      %dma_start3A_171 = arith.constant 9 : i32
      %dma_start3A_172 = arith.constant 0 : i32
      %dma_start3A_173 = tpu.memref_slice %arg10[%dma_start3A_170, %dma_start3A_171, %dma_start3A_172] : memref<2x10x80xi32, #tpu.memory_space<vmem>> -> memref<1x1x80xi32, #tpu.memory_space<vmem>>
      %dma_start3A_174 = tpu.memref_squeeze %dma_start3A_173 : memref<1x1x80xi32, #tpu.memory_space<vmem>> -> memref<80xi32, #tpu.memory_space<vmem>>
      %dma_start3A_175 = arith.constant 0 : i32
      %dma_start3A_176 = arith.constant 0 : i32
      %dma_start3A_177 = tpu.memref_slice %arg13[%dma_start3A_175, %dma_start3A_176] : memref<10000x128xf32, #tpu.memory_space<vmem_shared>> -> memref<10000x128xf32, #tpu.memory_space<vmem_shared>>
      tpu.enqueue_indirect_dma source(%arg12 : memref<80x128xf32, #tpu.memory_space<vmem>>) target(%dma_start3A_177 : memref<10000x128xf32, #tpu.memory_space<vmem_shared>>) offsets(%dma_start3A_174 : memref<80xi32, #tpu.memory_space<vmem>>) semaphore(%arg17 : memref<!tpu.dma_semaphore, #tpu.memory_space<semaphore_mem>>) {add = true}
      %dma_start3A_178 = arith.constant 0 : i32
      %dma_start3A_179 = arith.constant 9 : i32
      %dma_start3A_180 = arith.constant 0 : i32
      %dma_start3A_181 = tpu.memref_slice %arg10[%dma_start3A_178, %dma_start3A_179, %dma_start3A_180] : memref<2x10x80xi32, #tpu.memory_space<vmem>> -> memref<1x1x80xi32, #tpu.memory_space<vmem>>
      %dma_start3A_182 = tpu.memref_squeeze %dma_start3A_181 : memref<1x1x80xi32, #tpu.memory_space<vmem>> -> memref<80xi32, #tpu.memory_space<vmem>>
      %dma_start3A_183 = arith.constant 0 : i32
      %dma_start3A_184 = arith.constant 0 : i32
      %dma_start3A_185 = tpu.memref_slice %arg22[%dma_start3A_183, %dma_start3A_184] : memref<10000x16xf32, #tpu.memory_space<vmem_shared>> -> memref<10000x16xf32, #tpu.memory_space<vmem_shared>>
      tpu.enqueue_indirect_dma source(%arg21 : memref<80x16xf32, #tpu.memory_space<vmem>>) target(%dma_start3A_185 : memref<10000x16xf32, #tpu.memory_space<vmem_shared>>) offsets(%dma_start3A_182 : memref<80xi32, #tpu.memory_space<vmem>>) semaphore(%arg24 : memref<!tpu.dma_semaphore, #tpu.memory_space<semaphore_mem>>) {add = true}
      %dma_wait3A_186 = arith.constant 0 : i32
      %dma_wait3A_187 = arith.constant 8 : i32
      %dma_wait3A_188 = arith.constant 0 : i32
      %dma_wait3A_189 = tpu.memref_slice %arg10[%dma_wait3A_186, %dma_wait3A_187, %dma_wait3A_188] : memref<2x10x80xi32, #tpu.memory_space<vmem>> -> memref<1x1x80xi32, #tpu.memory_space<vmem>>
      %dma_wait3A_190 = tpu.memref_squeeze %dma_wait3A_189 : memref<1x1x80xi32, #tpu.memory_space<vmem>> -> memref<80xi32, #tpu.memory_space<vmem>>
      %dma_wait3A_191 = arith.constant 0 : i32
      %dma_wait3A_192 = arith.constant 0 : i32
      %dma_wait3A_193 = tpu.memref_slice %arg13[%dma_wait3A_191, %dma_wait3A_192] : memref<10000x128xf32, #tpu.memory_space<vmem_shared>> -> memref<10000x128xf32, #tpu.memory_space<vmem_shared>>
      tpu.wait_indirect_dma semaphore(%arg16 : memref<!tpu.dma_semaphore, #tpu.memory_space<semaphore_mem>>) src(%arg11 : memref<80x128xf32, #tpu.memory_space<vmem>>) dst(%dma_wait3A_193 : memref<10000x128xf32, #tpu.memory_space<vmem_shared>>)
      %dma_wait3A_194 = arith.constant 0 : i32
      %dma_wait3A_195 = arith.constant 9 : i32
      %dma_wait3A_196 = arith.constant 0 : i32
      %dma_wait3A_197 = tpu.memref_slice %arg10[%dma_wait3A_194, %dma_wait3A_195, %dma_wait3A_196] : memref<2x10x80xi32, #tpu.memory_space<vmem>> -> memref<1x1x80xi32, #tpu.memory_space<vmem>>
      %dma_wait3A_198 = tpu.memref_squeeze %dma_wait3A_197 : memref<1x1x80xi32, #tpu.memory_space<vmem>> -> memref<80xi32, #tpu.memory_space<vmem>>
      %dma_wait3A_199 = arith.constant 0 : i32
      %dma_wait3A_200 = arith.constant 0 : i32
      %dma_wait3A_201 = tpu.memref_slice %arg13[%dma_wait3A_199, %dma_wait3A_200] : memref<10000x128xf32, #tpu.memory_space<vmem_shared>> -> memref<10000x128xf32, #tpu.memory_space<vmem_shared>>
      tpu.wait_indirect_dma semaphore(%arg17 : memref<!tpu.dma_semaphore, #tpu.memory_space<semaphore_mem>>) src(%arg12 : memref<80x128xf32, #tpu.memory_space<vmem>>) dst(%dma_wait3A_201 : memref<10000x128xf32, #tpu.memory_space<vmem_shared>>)
      %dma_wait3A_202 = arith.constant 0 : i32
      %dma_wait3A_203 = arith.constant 8 : i32
      %dma_wait3A_204 = arith.constant 0 : i32
      %dma_wait3A_205 = tpu.memref_slice %arg10[%dma_wait3A_202, %dma_wait3A_203, %dma_wait3A_204] : memref<2x10x80xi32, #tpu.memory_space<vmem>> -> memref<1x1x80xi32, #tpu.memory_space<vmem>>
      %dma_wait3A_206 = tpu.memref_squeeze %dma_wait3A_205 : memref<1x1x80xi32, #tpu.memory_space<vmem>> -> memref<80xi32, #tpu.memory_space<vmem>>
      %dma_wait3A_207 = arith.constant 0 : i32
      %dma_wait3A_208 = arith.constant 0 : i32
      %dma_wait3A_209 = tpu.memref_slice %arg22[%dma_wait3A_207, %dma_wait3A_208] : memref<10000x16xf32, #tpu.memory_space<vmem_shared>> -> memref<10000x16xf32, #tpu.memory_space<vmem_shared>>
      tpu.wait_indirect_dma semaphore(%arg23 : memref<!tpu.dma_semaphore, #tpu.memory_space<semaphore_mem>>) src(%arg21 : memref<80x16xf32, #tpu.memory_space<vmem>>) dst(%dma_wait3A_209 : memref<10000x16xf32, #tpu.memory_space<vmem_shared>>)
      %dma_wait3A_210 = arith.constant 0 : i32
      %dma_wait3A_211 = arith.constant 9 : i32
      %dma_wait3A_212 = arith.constant 0 : i32
      %dma_wait3A_213 = tpu.memref_slice %arg10[%dma_wait3A_210, %dma_wait3A_211, %dma_wait3A_212] : memref<2x10x80xi32, #tpu.memory_space<vmem>> -> memref<1x1x80xi32, #tpu.memory_space<vmem>>
      %dma_wait3A_214 = tpu.memref_squeeze %dma_wait3A_213 : memref<1x1x80xi32, #tpu.memory_space<vmem>> -> memref<80xi32, #tpu.memory_space<vmem>>
      %dma_wait3A_215 = arith.constant 0 : i32
      %dma_wait3A_216 = arith.constant 0 : i32
      %dma_wait3A_217 = tpu.memref_slice %arg22[%dma_wait3A_215, %dma_wait3A_216] : memref<10000x16xf32, #tpu.memory_space<vmem_shared>> -> memref<10000x16xf32, #tpu.memory_space<vmem_shared>>
      tpu.wait_indirect_dma semaphore(%arg24 : memref<!tpu.dma_semaphore, #tpu.memory_space<semaphore_mem>>) src(%arg21 : memref<80x16xf32, #tpu.memory_space<vmem>>) dst(%dma_wait3A_217 : memref<10000x16xf32, #tpu.memory_space<vmem_shared>>)
    } else {
    }
    %barrier3A_98 = arith.constant 0 : index
    tpu.barrier barrier_id(%barrier3A_98)
    %while3A_99 = arith.constant 0 : i32
    %while3A_100 = arith.constant 0 : i32
    %while3A_101 = arith.subi %select_n3A, %while3A_99 : i32
    %while3A_102 = arith.addi %while3A_99, %while3A_101 : i32
    %while3A_103 = arith.constant 1 : i32
    %while3A_104 = arith.divsi %while3A_101, %while3A_103 : i32
    %while3A_105 = arith.muli %while3A_104, %while3A_103 : i32
    %while3A_106 = arith.addi %while3A_99, %while3A_105 : i32
    %while3A_107 = arith.constant 1 : i32
    %while3A_108 = scf.for %while3A_123 = %while3A_99 to %while3A_106 step %while3A_107 iter_args(%while3A_124 = %while3A_100) -> (i32)  : i32 {
      %mul3A = arith.constant 16 : i32
      %mul3A_125 = arith.muli %while3A_123, %mul3A : i32
      %add3A_126 = arith.addi %arg1, %mul3A_125 : i32
      %mul3A_127 = arith.constant 80 : i32
      %mul3A_128 = arith.muli %add3A_126, %mul3A_127 : i32
      %mul3A_129 = arith.constant 10000 : i32
      %mul3A_130 = arith.muli %arg0, %mul3A_129 : i32
      %mul3A_131 = arith.constant 80 : i32
      %mul3A_132 = arith.muli %add3A_126, %mul3A_131 : i32
      %add3A_133 = arith.addi %mul3A_130, %mul3A_132 : i32
      %dma_start3A = arith.constant 0 : i32
      %dma_start3A_134 = tpu.memref_slice %arg7[%add3A_133, %dma_start3A] : memref<20000x128xf32, #tpu.memory_space<hbm>> -> memref<80x128xf32, #tpu.memory_space<hbm>>
      %dma_start3A_135 = arith.constant 0 : i32
      %dma_start3A_136 = tpu.memref_slice %arg13[%mul3A_128, %dma_start3A_135] : memref<10000x128xf32, #tpu.memory_space<vmem_shared>> -> memref<80x128xf32, #tpu.memory_space<vmem_shared>>
      tpu.enqueue_dma source(%dma_start3A_136 : memref<80x128xf32, #tpu.memory_space<vmem_shared>>) target(%dma_start3A_134 : memref<80x128xf32, #tpu.memory_space<hbm>>) target_semaphore(%arg20 : memref<!tpu.dma_semaphore, #tpu.memory_space<semaphore_mem>>)
      %mul3A_137 = arith.constant 80 : i32
      %mul3A_138 = arith.muli %add3A_126, %mul3A_137 : i32
      %mul3A_139 = arith.constant 10000 : i32
      %mul3A_140 = arith.muli %arg0, %mul3A_139 : i32
      %mul3A_141 = arith.constant 80 : i32
      %mul3A_142 = arith.muli %add3A_126, %mul3A_141 : i32
      %add3A_143 = arith.addi %mul3A_140, %mul3A_142 : i32
      %dma_start3A_144 = arith.constant 0 : i32
      %dma_start3A_145 = tpu.memref_slice %arg8[%add3A_143, %dma_start3A_144] : memref<20000x16xf32, #tpu.memory_space<hbm>> -> memref<80x16xf32, #tpu.memory_space<hbm>>
      %dma_start3A_146 = arith.constant 0 : i32
      %dma_start3A_147 = tpu.memref_slice %arg22[%mul3A_138, %dma_start3A_146] : memref<10000x16xf32, #tpu.memory_space<vmem_shared>> -> memref<80x16xf32, #tpu.memory_space<vmem_shared>>
      tpu.enqueue_dma source(%dma_start3A_147 : memref<80x16xf32, #tpu.memory_space<vmem_shared>>) target(%dma_start3A_145 : memref<80x16xf32, #tpu.memory_space<hbm>>) target_semaphore(%arg20 : memref<!tpu.dma_semaphore, #tpu.memory_space<semaphore_mem>>)
      %while3A_148 = arith.constant 0 : i32
      scf.yield %while3A_148 : i32
    }
    %while3A_109 = arith.constant 1 : i32
    %while3A_110 = scf.for %while3A_123 = %while3A_106 to %while3A_102 step %while3A_109 iter_args(%while3A_124 = %while3A_108) -> (i32)  : i32 {
      %mul3A = arith.constant 16 : i32
      %mul3A_125 = arith.muli %while3A_123, %mul3A : i32
      %add3A_126 = arith.addi %arg1, %mul3A_125 : i32
      %mul3A_127 = arith.constant 80 : i32
      %mul3A_128 = arith.muli %add3A_126, %mul3A_127 : i32
      %mul3A_129 = arith.constant 10000 : i32
      %mul3A_130 = arith.muli %arg0, %mul3A_129 : i32
      %mul3A_131 = arith.constant 80 : i32
      %mul3A_132 = arith.muli %add3A_126, %mul3A_131 : i32
      %add3A_133 = arith.addi %mul3A_130, %mul3A_132 : i32
      %dma_start3A = arith.constant 0 : i32
      %dma_start3A_134 = tpu.memref_slice %arg7[%add3A_133, %dma_start3A] : memref<20000x128xf32, #tpu.memory_space<hbm>> -> memref<80x128xf32, #tpu.memory_space<hbm>>
      %dma_start3A_135 = arith.constant 0 : i32
      %dma_start3A_136 = tpu.memref_slice %arg13[%mul3A_128, %dma_start3A_135] : memref<10000x128xf32, #tpu.memory_space<vmem_shared>> -> memref<80x128xf32, #tpu.memory_space<vmem_shared>>
      tpu.enqueue_dma source(%dma_start3A_136 : memref<80x128xf32, #tpu.memory_space<vmem_shared>>) target(%dma_start3A_134 : memref<80x128xf32, #tpu.memory_space<hbm>>) target_semaphore(%arg20 : memref<!tpu.dma_semaphore, #tpu.memory_space<semaphore_mem>>)
      %mul3A_137 = arith.constant 80 : i32
      %mul3A_138 = arith.muli %add3A_126, %mul3A_137 : i32
      %mul3A_139 = arith.constant 10000 : i32
      %mul3A_140 = arith.muli %arg0, %mul3A_139 : i32
      %mul3A_141 = arith.constant 80 : i32
      %mul3A_142 = arith.muli %add3A_126, %mul3A_141 : i32
      %add3A_143 = arith.addi %mul3A_140, %mul3A_142 : i32
      %dma_start3A_144 = arith.constant 0 : i32
      %dma_start3A_145 = tpu.memref_slice %arg8[%add3A_143, %dma_start3A_144] : memref<20000x16xf32, #tpu.memory_space<hbm>> -> memref<80x16xf32, #tpu.memory_space<hbm>>
      %dma_start3A_146 = arith.constant 0 : i32
      %dma_start3A_147 = tpu.memref_slice %arg22[%mul3A_138, %dma_start3A_146] : memref<10000x16xf32, #tpu.memory_space<vmem_shared>> -> memref<80x16xf32, #tpu.memory_space<vmem_shared>>
      tpu.enqueue_dma source(%dma_start3A_147 : memref<80x16xf32, #tpu.memory_space<vmem_shared>>) target(%dma_start3A_145 : memref<80x16xf32, #tpu.memory_space<hbm>>) target_semaphore(%arg20 : memref<!tpu.dma_semaphore, #tpu.memory_space<semaphore_mem>>)
      %while3A_148 = arith.constant 0 : i32
      scf.yield %while3A_148 : i32
    }
    %while3A_111 = arith.constant 0 : i32
    %while3A_112 = arith.constant 0 : i32
    %while3A_113 = arith.subi %select_n3A, %while3A_111 : i32
    %while3A_114 = arith.addi %while3A_111, %while3A_113 : i32
    %while3A_115 = arith.constant 1 : i32
    %while3A_116 = arith.divsi %while3A_113, %while3A_115 : i32
    %while3A_117 = arith.muli %while3A_116, %while3A_115 : i32
    %while3A_118 = arith.addi %while3A_111, %while3A_117 : i32
    %while3A_119 = arith.constant 1 : i32
    %while3A_120 = scf.for %while3A_123 = %while3A_111 to %while3A_118 step %while3A_119 iter_args(%while3A_124 = %while3A_112) -> (i32)  : i32 {
      %mul3A = arith.constant 80 : i32
      %mul3A_125 = arith.muli %arg1, %mul3A : i32
      %mul3A_126 = arith.constant 10000 : i32
      %mul3A_127 = arith.muli %arg0, %mul3A_126 : i32
      %mul3A_128 = arith.constant 80 : i32
      %mul3A_129 = arith.muli %arg1, %mul3A_128 : i32
      %add3A_130 = arith.addi %mul3A_127, %mul3A_129 : i32
      %dma_wait3A = arith.constant 0 : i32
      %dma_wait3A_131 = tpu.memref_slice %arg7[%add3A_130, %dma_wait3A] : memref<20000x128xf32, #tpu.memory_space<hbm>> -> memref<80x128xf32, #tpu.memory_space<hbm>>
      %dma_wait3A_132 = arith.constant 0 : i32
      %dma_wait3A_133 = tpu.memref_slice %arg13[%mul3A_125, %dma_wait3A_132] : memref<10000x128xf32, #tpu.memory_space<vmem_shared>> -> memref<80x128xf32, #tpu.memory_space<vmem_shared>>
      tpu.wait_dma2 semaphore(%arg20 : memref<!tpu.dma_semaphore, #tpu.memory_space<semaphore_mem>>) src(%dma_wait3A_133 : memref<80x128xf32, #tpu.memory_space<vmem_shared>>) dst(%dma_wait3A_131 : memref<80x128xf32, #tpu.memory_space<hbm>>)
      %mul3A_134 = arith.constant 80 : i32
      %mul3A_135 = arith.muli %arg1, %mul3A_134 : i32
      %mul3A_136 = arith.constant 10000 : i32
      %mul3A_137 = arith.muli %arg0, %mul3A_136 : i32
      %mul3A_138 = arith.constant 80 : i32
      %mul3A_139 = arith.muli %arg1, %mul3A_138 : i32
      %add3A_140 = arith.addi %mul3A_137, %mul3A_139 : i32
      %dma_wait3A_141 = arith.constant 0 : i32
      %dma_wait3A_142 = tpu.memref_slice %arg8[%add3A_140, %dma_wait3A_141] : memref<20000x16xf32, #tpu.memory_space<hbm>> -> memref<80x16xf32, #tpu.memory_space<hbm>>
      %dma_wait3A_143 = arith.constant 0 : i32
      %dma_wait3A_144 = tpu.memref_slice %arg22[%mul3A_135, %dma_wait3A_143] : memref<10000x16xf32, #tpu.memory_space<vmem_shared>> -> memref<80x16xf32, #tpu.memory_space<vmem_shared>>
      tpu.wait_dma2 semaphore(%arg20 : memref<!tpu.dma_semaphore, #tpu.memory_space<semaphore_mem>>) src(%dma_wait3A_144 : memref<80x16xf32, #tpu.memory_space<vmem_shared>>) dst(%dma_wait3A_142 : memref<80x16xf32, #tpu.memory_space<hbm>>)
      %while3A_145 = arith.constant 0 : i32
      scf.yield %while3A_145 : i32
    }
    %while3A_121 = arith.constant 1 : i32
    %while3A_122 = scf.for %while3A_123 = %while3A_118 to %while3A_114 step %while3A_121 iter_args(%while3A_124 = %while3A_120) -> (i32)  : i32 {
      %mul3A = arith.constant 80 : i32
      %mul3A_125 = arith.muli %arg1, %mul3A : i32
      %mul3A_126 = arith.constant 10000 : i32
      %mul3A_127 = arith.muli %arg0, %mul3A_126 : i32
      %mul3A_128 = arith.constant 80 : i32
      %mul3A_129 = arith.muli %arg1, %mul3A_128 : i32
      %add3A_130 = arith.addi %mul3A_127, %mul3A_129 : i32
      %dma_wait3A = arith.constant 0 : i32
      %dma_wait3A_131 = tpu.memref_slice %arg7[%add3A_130, %dma_wait3A] : memref<20000x128xf32, #tpu.memory_space<hbm>> -> memref<80x128xf32, #tpu.memory_space<hbm>>
      %dma_wait3A_132 = arith.constant 0 : i32
      %dma_wait3A_133 = tpu.memref_slice %arg13[%mul3A_125, %dma_wait3A_132] : memref<10000x128xf32, #tpu.memory_space<vmem_shared>> -> memref<80x128xf32, #tpu.memory_space<vmem_shared>>
      tpu.wait_dma2 semaphore(%arg20 : memref<!tpu.dma_semaphore, #tpu.memory_space<semaphore_mem>>) src(%dma_wait3A_133 : memref<80x128xf32, #tpu.memory_space<vmem_shared>>) dst(%dma_wait3A_131 : memref<80x128xf32, #tpu.memory_space<hbm>>)
      %mul3A_134 = arith.constant 80 : i32
      %mul3A_135 = arith.muli %arg1, %mul3A_134 : i32
      %mul3A_136 = arith.constant 10000 : i32
      %mul3A_137 = arith.muli %arg0, %mul3A_136 : i32
      %mul3A_138 = arith.constant 80 : i32
      %mul3A_139 = arith.muli %arg1, %mul3A_138 : i32
      %add3A_140 = arith.addi %mul3A_137, %mul3A_139 : i32
      %dma_wait3A_141 = arith.constant 0 : i32
      %dma_wait3A_142 = tpu.memref_slice %arg8[%add3A_140, %dma_wait3A_141] : memref<20000x16xf32, #tpu.memory_space<hbm>> -> memref<80x16xf32, #tpu.memory_space<hbm>>
      %dma_wait3A_143 = arith.constant 0 : i32
      %dma_wait3A_144 = tpu.memref_slice %arg22[%mul3A_135, %dma_wait3A_143] : memref<10000x16xf32, #tpu.memory_space<vmem_shared>> -> memref<80x16xf32, #tpu.memory_space<vmem_shared>>
      tpu.wait_dma2 semaphore(%arg20 : memref<!tpu.dma_semaphore, #tpu.memory_space<semaphore_mem>>) src(%dma_wait3A_144 : memref<80x16xf32, #tpu.memory_space<vmem_shared>>) dst(%dma_wait3A_142 : memref<80x16xf32, #tpu.memory_space<hbm>>)
      %while3A_145 = arith.constant 0 : i32
      scf.yield %while3A_145 : i32
    }
    return
  }
}

#map = affine_map<(d0, d1) -> (0, 0)>
#map1 = affine_map<(d0, d1) -> (0, 0, 0)>
module attributes {stable_mosaic.version = 14 : i64} {
  func.func @agg(%arg0: i32, %arg1: i32, %arg2: memref<20000x128xf32, #tpu.memory_space<hbm>>, %arg3: memref<16x250x80xi32, #tpu.memory_space<hbm>>, %arg4: memref<16x250x80xi32, #tpu.memory_space<hbm>>, %arg5: memref<16x250x80xi32, #tpu.memory_space<hbm>>, %arg6: memref<16x250x80xi32, #tpu.memory_space<hbm>>, %arg7: memref<20000x128xf32, #tpu.memory_space<hbm>>, %arg8: memref<2x10x80xi32, #tpu.memory_space<vmem>>, %arg9: memref<2x10x80xi32, #tpu.memory_space<vmem>>, %arg10: memref<80x128xf32, #tpu.memory_space<vmem>>, %arg11: memref<80x128xf32, #tpu.memory_space<vmem>>, %arg12: memref<10000x128xf32, #tpu.memory_space<vmem_shared>>, %arg13: memref<!tpu.dma_semaphore, #tpu.memory_space<semaphore_mem>>, %arg14: memref<!tpu.dma_semaphore, #tpu.memory_space<semaphore_mem>>, %arg15: memref<!tpu.dma_semaphore, #tpu.memory_space<semaphore_mem>>, %arg16: memref<!tpu.dma_semaphore, #tpu.memory_space<semaphore_mem>>, %arg17: memref<!tpu.dma_semaphore, #tpu.memory_space<semaphore_mem>>, %arg18: memref<!tpu.dma_semaphore, #tpu.memory_space<semaphore_mem>>, %arg19: memref<!tpu.dma_semaphore, #tpu.memory_space<semaphore_mem>>) attributes {dimension_semantics = [#tpu.dimension_semantics<core_parallel>, #tpu.dimension_semantics<subcore_parallel>], iteration_bounds = array<i64: 2, 16>, scalar_prefetch = 0 : i64, scratch_operands = 12 : i64, tpu.core_type = #tpu.core_type<sc_vector_subcore>, window_params = [{transform_indices = #map}, {transform_indices = #map1}, {transform_indices = #map1}, {transform_indices = #map1}, {transform_indices = #map1}, {transform_indices = #map}]} {
    %broadcast_in_dim3A = arith.constant 0.000000e+00 : f32
    %broadcast_in_dim3A_0 = vector.broadcast %broadcast_in_dim3A : f32 to vector<16xf32>
    %scan3A = arith.constant 0 : i32
    %scan3A_1 = arith.constant 0 : i32
    %scan3A_2 = arith.constant 80 : i32
    %scan3A_3 = arith.addi %scan3A_1, %scan3A_2 : i32
    %scan3A_4 = arith.constant 1 : i32
    %scan3A_5 = scf.for %scan3A_83 = %scan3A_1 to %scan3A_3 step %scan3A_4 iter_args(%scan3A_84 = %scan3A) -> (i32)  : i32 {
      %scan3A_85 = arith.constant 0 : i32
      %scan3A_86 = arith.constant 0 : i32
      %scan3A_87 = arith.constant 8 : i32
      %scan3A_88 = arith.addi %scan3A_86, %scan3A_87 : i32
      %scan3A_89 = arith.constant 1 : i32
      %scan3A_90 = scf.for %scan3A_92 = %scan3A_86 to %scan3A_88 step %scan3A_89 iter_args(%scan3A_93 = %scan3A_85) -> (i32)  : i32 {
        %mul3A = arith.constant 16 : i32
        %mul3A_94 = arith.muli %scan3A_92, %mul3A : i32
        %swap3A = arith.index_cast %scan3A_83 : i32 to index
        %swap3A_95 = arith.index_cast %mul3A_94 : i32 to index
        %swap3A_96 = tpu.vector_load %arg10[%swap3A, %swap3A_95] {strides = array<i32>} : memref<80x128xf32, #tpu.memory_space<vmem>>, vector<1x16xf32>,
        %swap3A_97 = vector.shape_cast %swap3A_96 : vector<1x16xf32> to vector<16xf32>
        %swap3A_98 = vector.shape_cast %broadcast_in_dim3A_0 : vector<16xf32> to vector<1x16xf32>
        tpu.vector_store %arg10[%swap3A, %swap3A_95], %swap3A_98 {strides = array<i32>} : memref<80x128xf32, #tpu.memory_space<vmem>>, vector<1x16xf32>,
        %scan3A_99 = arith.constant 0 : i32
        scf.yield %scan3A_99 : i32
      }
      %scan3A_91 = arith.constant 8 : i32
      scf.yield %scan3A_90 : i32
    }
    %scan3A_6 = arith.constant 80 : i32
    %sub3A = arith.constant 125 : i32
    %sub3A_7 = arith.subi %sub3A, %arg1 : i32
    %add3A = arith.constant 16 : i32
    %add3A_8 = arith.addi %sub3A_7, %add3A : i32
    %sub3A_9 = arith.constant 1 : i32
    %sub3A_10 = arith.subi %add3A_8, %sub3A_9 : i32
    %jit3A = arith.constant 16 : i32
    %div3A = arith.divsi %sub3A_10, %jit3A : i32
    %sign3A = arith.constant 0 : i32
    %sign3A_11 = arith.cmpi sgt, %sub3A_10, %sign3A : i32
    %sign3A_12 = arith.extui %sign3A_11 : i1 to i32
    %sign3A_13 = arith.constant 0 : i32
    %sign3A_14 = arith.cmpi slt, %sub3A_10, %sign3A_13 : i32
    %sign3A_15 = arith.extui %sign3A_14 : i1 to i32
    %sign3A_16 = arith.subi %sign3A_12, %sign3A_15 : i32
    %sign3A_17 = arith.constant 0 : i32
    %sign3A_18 = arith.cmpi sgt, %jit3A, %sign3A_17 : i32
    %sign3A_19 = arith.extui %sign3A_18 : i1 to i32
    %sign3A_20 = arith.constant 0 : i32
    %sign3A_21 = arith.cmpi slt, %jit3A, %sign3A_20 : i32
    %sign3A_22 = arith.extui %sign3A_21 : i1 to i32
    %sign3A_23 = arith.subi %sign3A_19, %sign3A_22 : i32
    %ne3A = arith.cmpi ne, %sign3A_16, %sign3A_23 : i32
    %rem3A = arith.remsi %sub3A_10, %jit3A : i32
    %ne3A_24 = arith.constant 0 : i32
    %ne3A_25 = arith.cmpi ne, %rem3A, %ne3A_24 : i32
    %and3A = arith.andi %ne3A, %ne3A_25 : i1
    %sub3A_26 = arith.constant 1 : i32
    %sub3A_27 = arith.subi %div3A, %sub3A_26 : i32
    %select_n3A = arith.select %and3A, %sub3A_27, %div3A : i32
    %while3A = arith.constant 0 : i32
    %while3A_28 = arith.constant 0 : i32
    %while3A_29 = arith.subi %select_n3A, %while3A : i32
    %while3A_30 = arith.addi %while3A, %while3A_29 : i32
    %while3A_31 = arith.constant 1 : i32
    %while3A_32 = arith.divsi %while3A_29, %while3A_31 : i32
    %while3A_33 = arith.muli %while3A_32, %while3A_31 : i32
    %while3A_34 = arith.addi %while3A, %while3A_33 : i32
    %while3A_35 = arith.constant 1 : i32
    %while3A_36 = scf.for %while3A_83 = %while3A to %while3A_34 step %while3A_35 iter_args(%while3A_84 = %while3A_28) -> (i32)  : i32 {
      %mul3A = arith.constant 16 : i32
      %mul3A_85 = arith.muli %while3A_83, %mul3A : i32
      %add3A_86 = arith.addi %arg1, %mul3A_85 : i32
      %mul3A_87 = arith.constant 80 : i32
      %mul3A_88 = arith.muli %add3A_86, %mul3A_87 : i32
      %dma_start3A = arith.constant 0 : i32
      %dma_start3A_89 = tpu.memref_slice %arg12[%mul3A_88, %dma_start3A] : memref<10000x128xf32, #tpu.memory_space<vmem_shared>> -> memref<80x128xf32, #tpu.memory_space<vmem_shared>>
      %dma_start3A_90 = arith.constant 0 : i32
      %dma_start3A_91 = tpu.memref_slice %arg12[%mul3A_88, %dma_start3A_90] : memref<10000x128xf32, #tpu.memory_space<vmem_shared>> -> memref<80x128xf32, #tpu.memory_space<vmem_shared>>
      tpu.enqueue_dma source(%arg10 : memref<80x128xf32, #tpu.memory_space<vmem>>) target(%dma_start3A_91 : memref<80x128xf32, #tpu.memory_space<vmem_shared>>) target_semaphore(%arg19 : memref<!tpu.dma_semaphore, #tpu.memory_space<semaphore_mem>>)
      %while3A_92 = arith.constant 0 : i32
      scf.yield %while3A_92 : i32
    }
    %while3A_37 = arith.constant 1 : i32
    %while3A_38 = scf.for %while3A_83 = %while3A_34 to %while3A_30 step %while3A_37 iter_args(%while3A_84 = %while3A_36) -> (i32)  : i32 {
      %mul3A = arith.constant 16 : i32
      %mul3A_85 = arith.muli %while3A_83, %mul3A : i32
      %add3A_86 = arith.addi %arg1, %mul3A_85 : i32
      %mul3A_87 = arith.constant 80 : i32
      %mul3A_88 = arith.muli %add3A_86, %mul3A_87 : i32
      %dma_start3A = arith.constant 0 : i32
      %dma_start3A_89 = tpu.memref_slice %arg12[%mul3A_88, %dma_start3A] : memref<10000x128xf32, #tpu.memory_space<vmem_shared>> -> memref<80x128xf32, #tpu.memory_space<vmem_shared>>
      %dma_start3A_90 = arith.constant 0 : i32
      %dma_start3A_91 = tpu.memref_slice %arg12[%mul3A_88, %dma_start3A_90] : memref<10000x128xf32, #tpu.memory_space<vmem_shared>> -> memref<80x128xf32, #tpu.memory_space<vmem_shared>>
      tpu.enqueue_dma source(%arg10 : memref<80x128xf32, #tpu.memory_space<vmem>>) target(%dma_start3A_91 : memref<80x128xf32, #tpu.memory_space<vmem_shared>>) target_semaphore(%arg19 : memref<!tpu.dma_semaphore, #tpu.memory_space<semaphore_mem>>)
      %while3A_92 = arith.constant 0 : i32
      scf.yield %while3A_92 : i32
    }
    %while3A_39 = arith.constant 0 : i32
    %while3A_40 = arith.constant 0 : i32
    %while3A_41 = arith.subi %select_n3A, %while3A_39 : i32
    %while3A_42 = arith.addi %while3A_39, %while3A_41 : i32
    %while3A_43 = arith.constant 1 : i32
    %while3A_44 = arith.divsi %while3A_41, %while3A_43 : i32
    %while3A_45 = arith.muli %while3A_44, %while3A_43 : i32
    %while3A_46 = arith.addi %while3A_39, %while3A_45 : i32
    %while3A_47 = arith.constant 1 : i32
    %while3A_48 = scf.for %while3A_83 = %while3A_39 to %while3A_46 step %while3A_47 iter_args(%while3A_84 = %while3A_40) -> (i32)  : i32 {
      %mul3A = arith.constant 80 : i32
      %mul3A_85 = arith.muli %arg1, %mul3A : i32
      %dma_wait3A = arith.constant 0 : i32
      %dma_wait3A_86 = tpu.memref_slice %arg12[%mul3A_85, %dma_wait3A] : memref<10000x128xf32, #tpu.memory_space<vmem_shared>> -> memref<80x128xf32, #tpu.memory_space<vmem_shared>>
      %dma_wait3A_87 = arith.constant 0 : i32
      %dma_wait3A_88 = tpu.memref_slice %arg12[%mul3A_85, %dma_wait3A_87] : memref<10000x128xf32, #tpu.memory_space<vmem_shared>> -> memref<80x128xf32, #tpu.memory_space<vmem_shared>>
      tpu.wait_dma2 semaphore(%arg19 : memref<!tpu.dma_semaphore, #tpu.memory_space<semaphore_mem>>) src(%arg10 : memref<80x128xf32, #tpu.memory_space<vmem>>) dst(%dma_wait3A_88 : memref<80x128xf32, #tpu.memory_space<vmem_shared>>)
      %while3A_89 = arith.constant 0 : i32
      scf.yield %while3A_89 : i32
    }
    %while3A_49 = arith.constant 1 : i32
    %while3A_50 = scf.for %while3A_83 = %while3A_46 to %while3A_42 step %while3A_49 iter_args(%while3A_84 = %while3A_48) -> (i32)  : i32 {
      %mul3A = arith.constant 80 : i32
      %mul3A_85 = arith.muli %arg1, %mul3A : i32
      %dma_wait3A = arith.constant 0 : i32
      %dma_wait3A_86 = tpu.memref_slice %arg12[%mul3A_85, %dma_wait3A] : memref<10000x128xf32, #tpu.memory_space<vmem_shared>> -> memref<80x128xf32, #tpu.memory_space<vmem_shared>>
      %dma_wait3A_87 = arith.constant 0 : i32
      %dma_wait3A_88 = tpu.memref_slice %arg12[%mul3A_85, %dma_wait3A_87] : memref<10000x128xf32, #tpu.memory_space<vmem_shared>> -> memref<80x128xf32, #tpu.memory_space<vmem_shared>>
      tpu.wait_dma2 semaphore(%arg19 : memref<!tpu.dma_semaphore, #tpu.memory_space<semaphore_mem>>) src(%arg10 : memref<80x128xf32, #tpu.memory_space<vmem>>) dst(%dma_wait3A_88 : memref<80x128xf32, #tpu.memory_space<vmem_shared>>)
      %while3A_89 = arith.constant 0 : i32
      scf.yield %while3A_89 : i32
    }
    %barrier3A = arith.constant 0 : index
    tpu.barrier barrier_id(%barrier3A)
    %eq3A = arith.constant 0 : i32
    %eq3A_51 = arith.cmpi eq, %arg0, %eq3A : i32
    %convert_element_type3A = arith.extui %eq3A_51 : i1 to i32
    %cond3A = arith.constant 0 : i32
    %cond3A_52 = arith.cmpi ne, %convert_element_type3A, %cond3A : i32
    scf.if %cond3A_52 {
      %dma_start3A = arith.constant 0 : i32
      %dma_start3A_83 = arith.constant 0 : i32
      %dma_start3A_84 = arith.constant 0 : i32
      %dma_start3A_85 = tpu.memref_slice %arg8[%dma_start3A, %dma_start3A_83, %dma_start3A_84] : memref<2x10x80xi32, #tpu.memory_space<vmem>> -> memref<1x10x80xi32, #tpu.memory_space<vmem>>
      %dma_start3A_86 = tpu.memref_squeeze %dma_start3A_85 : memref<1x10x80xi32, #tpu.memory_space<vmem>> -> memref<10x80xi32, #tpu.memory_space<vmem>>
      %dma_start3A_87 = arith.constant 0 : i32
      %dma_start3A_88 = arith.constant 0 : i32
      %dma_start3A_89 = tpu.memref_slice %arg3[%arg1, %dma_start3A_87, %dma_start3A_88] : memref<16x250x80xi32, #tpu.memory_space<hbm>> -> memref<1x10x80xi32, #tpu.memory_space<hbm>>
      %dma_start3A_90 = tpu.memref_squeeze %dma_start3A_89 : memref<1x10x80xi32, #tpu.memory_space<hbm>> -> memref<10x80xi32, #tpu.memory_space<hbm>>
      %dma_start3A_91 = arith.constant 0 : i32
      %dma_start3A_92 = arith.constant 0 : i32
      %dma_start3A_93 = tpu.memref_slice %arg8[%dma_start3A, %dma_start3A_91, %dma_start3A_92] : memref<2x10x80xi32, #tpu.memory_space<vmem>> -> memref<1x10x80xi32, #tpu.memory_space<vmem>>
      %dma_start3A_94 = tpu.memref_squeeze %dma_start3A_93 : memref<1x10x80xi32, #tpu.memory_space<vmem>> -> memref<10x80xi32, #tpu.memory_space<vmem>>
      %dma_start3A_95 = arith.constant 0 : i32
      %dma_start3A_96 = arith.constant 0 : i32
      %dma_start3A_97 = tpu.memref_slice %arg3[%arg1, %dma_start3A_95, %dma_start3A_96] : memref<16x250x80xi32, #tpu.memory_space<hbm>> -> memref<1x10x80xi32, #tpu.memory_space<hbm>>
      %dma_start3A_98 = tpu.memref_squeeze %dma_start3A_97 : memref<1x10x80xi32, #tpu.memory_space<hbm>> -> memref<10x80xi32, #tpu.memory_space<hbm>>
      tpu.enqueue_dma source(%dma_start3A_98 : memref<10x80xi32, #tpu.memory_space<hbm>>) target(%dma_start3A_94 : memref<10x80xi32, #tpu.memory_space<vmem>>) target_semaphore(%arg17 : memref<!tpu.dma_semaphore, #tpu.memory_space<semaphore_mem>>)
      %dma_start3A_99 = arith.constant 0 : i32
      %dma_start3A_100 = arith.constant 0 : i32
      %dma_start3A_101 = arith.constant 0 : i32
      %dma_start3A_102 = tpu.memref_slice %arg9[%dma_start3A_99, %dma_start3A_100, %dma_start3A_101] : memref<2x10x80xi32, #tpu.memory_space<vmem>> -> memref<1x10x80xi32, #tpu.memory_space<vmem>>
      %dma_start3A_103 = tpu.memref_squeeze %dma_start3A_102 : memref<1x10x80xi32, #tpu.memory_space<vmem>> -> memref<10x80xi32, #tpu.memory_space<vmem>>
      %dma_start3A_104 = arith.constant 0 : i32
      %dma_start3A_105 = arith.constant 0 : i32
      %dma_start3A_106 = tpu.memref_slice %arg4[%arg1, %dma_start3A_104, %dma_start3A_105] : memref<16x250x80xi32, #tpu.memory_space<hbm>> -> memref<1x10x80xi32, #tpu.memory_space<hbm>>
      %dma_start3A_107 = tpu.memref_squeeze %dma_start3A_106 : memref<1x10x80xi32, #tpu.memory_space<hbm>> -> memref<10x80xi32, #tpu.memory_space<hbm>>
      %dma_start3A_108 = arith.constant 0 : i32
      %dma_start3A_109 = arith.constant 0 : i32
      %dma_start3A_110 = tpu.memref_slice %arg9[%dma_start3A_99, %dma_start3A_108, %dma_start3A_109] : memref<2x10x80xi32, #tpu.memory_space<vmem>> -> memref<1x10x80xi32, #tpu.memory_space<vmem>>
      %dma_start3A_111 = tpu.memref_squeeze %dma_start3A_110 : memref<1x10x80xi32, #tpu.memory_space<vmem>> -> memref<10x80xi32, #tpu.memory_space<vmem>>
      %dma_start3A_112 = arith.constant 0 : i32
      %dma_start3A_113 = arith.constant 0 : i32
      %dma_start3A_114 = tpu.memref_slice %arg4[%arg1, %dma_start3A_112, %dma_start3A_113] : memref<16x250x80xi32, #tpu.memory_space<hbm>> -> memref<1x10x80xi32, #tpu.memory_space<hbm>>
      %dma_start3A_115 = tpu.memref_squeeze %dma_start3A_114 : memref<1x10x80xi32, #tpu.memory_space<hbm>> -> memref<10x80xi32, #tpu.memory_space<hbm>>
      tpu.enqueue_dma source(%dma_start3A_115 : memref<10x80xi32, #tpu.memory_space<hbm>>) target(%dma_start3A_111 : memref<10x80xi32, #tpu.memory_space<vmem>>) target_semaphore(%arg18 : memref<!tpu.dma_semaphore, #tpu.memory_space<semaphore_mem>>)
      %scan3A_116 = arith.constant 0 : i32
      %scan3A_117 = arith.constant 0 : i32
      %scan3A_118 = arith.constant 25 : i32
      %scan3A_119 = arith.addi %scan3A_117, %scan3A_118 : i32
      %scan3A_120 = arith.constant 1 : i32
      %scan3A_121 = scf.for %scan3A_154 = %scan3A_117 to %scan3A_119 step %scan3A_120 iter_args(%scan3A_155 = %scan3A_116) -> (i32)  : i32 {
        %rem3A_156 = arith.constant 2 : i32
        %rem3A_157 = arith.remsi %scan3A_154, %rem3A_156 : i32
        %add3A_158 = arith.constant 1 : i32
        %add3A_159 = arith.addi %scan3A_154, %add3A_158 : i32
        %rem3A_160 = arith.constant 2 : i32
        %rem3A_161 = arith.remsi %add3A_159, %rem3A_160 : i32
        %mul3A = arith.constant 10 : i32
        %mul3A_162 = arith.muli %scan3A_154, %mul3A : i32
        %dma_wait3A_163 = arith.constant 0 : i32
        %dma_wait3A_164 = arith.constant 0 : i32
        %dma_wait3A_165 = tpu.memref_slice %arg8[%rem3A_157, %dma_wait3A_163, %dma_wait3A_164] : memref<2x10x80xi32, #tpu.memory_space<vmem>> -> memref<1x10x80xi32, #tpu.memory_space<vmem>>
        %dma_wait3A_166 = tpu.memref_squeeze %dma_wait3A_165 : memref<1x10x80xi32, #tpu.memory_space<vmem>> -> memref<10x80xi32, #tpu.memory_space<vmem>>
        %dma_wait3A_167 = arith.constant 0 : i32
        %dma_wait3A_168 = tpu.memref_slice %arg3[%arg1, %mul3A_162, %dma_wait3A_167] : memref<16x250x80xi32, #tpu.memory_space<hbm>> -> memref<1x10x80xi32, #tpu.memory_space<hbm>>
        %dma_wait3A_169 = tpu.memref_squeeze %dma_wait3A_168 : memref<1x10x80xi32, #tpu.memory_space<hbm>> -> memref<10x80xi32, #tpu.memory_space<hbm>>
        %dma_wait3A_170 = arith.constant 0 : i32
        %dma_wait3A_171 = arith.constant 0 : i32
        %dma_wait3A_172 = tpu.memref_slice %arg8[%rem3A_157, %dma_wait3A_170, %dma_wait3A_171] : memref<2x10x80xi32, #tpu.memory_space<vmem>> -> memref<1x10x80xi32, #tpu.memory_space<vmem>>
        %dma_wait3A_173 = tpu.memref_squeeze %dma_wait3A_172 : memref<1x10x80xi32, #tpu.memory_space<vmem>> -> memref<10x80xi32, #tpu.memory_space<vmem>>
        %dma_wait3A_174 = arith.constant 0 : i32
        %dma_wait3A_175 = tpu.memref_slice %arg3[%arg1, %mul3A_162, %dma_wait3A_174] : memref<16x250x80xi32, #tpu.memory_space<hbm>> -> memref<1x10x80xi32, #tpu.memory_space<hbm>>
        %dma_wait3A_176 = tpu.memref_squeeze %dma_wait3A_175 : memref<1x10x80xi32, #tpu.memory_space<hbm>> -> memref<10x80xi32, #tpu.memory_space<hbm>>
        tpu.wait_dma2 semaphore(%arg17 : memref<!tpu.dma_semaphore, #tpu.memory_space<semaphore_mem>>) src(%dma_wait3A_176 : memref<10x80xi32, #tpu.memory_space<hbm>>) dst(%dma_wait3A_173 : memref<10x80xi32, #tpu.memory_space<vmem>>)
        %mul3A_177 = arith.constant 10 : i32
        %mul3A_178 = arith.muli %scan3A_154, %mul3A_177 : i32
        %dma_wait3A_179 = arith.constant 0 : i32
        %dma_wait3A_180 = arith.constant 0 : i32
        %dma_wait3A_181 = tpu.memref_slice %arg9[%rem3A_157, %dma_wait3A_179, %dma_wait3A_180] : memref<2x10x80xi32, #tpu.memory_space<vmem>> -> memref<1x10x80xi32, #tpu.memory_space<vmem>>
        %dma_wait3A_182 = tpu.memref_squeeze %dma_wait3A_181 : memref<1x10x80xi32, #tpu.memory_space<vmem>> -> memref<10x80xi32, #tpu.memory_space<vmem>>
        %dma_wait3A_183 = arith.constant 0 : i32
        %dma_wait3A_184 = tpu.memref_slice %arg4[%arg1, %mul3A_178, %dma_wait3A_183] : memref<16x250x80xi32, #tpu.memory_space<hbm>> -> memref<1x10x80xi32, #tpu.memory_space<hbm>>
        %dma_wait3A_185 = tpu.memref_squeeze %dma_wait3A_184 : memref<1x10x80xi32, #tpu.memory_space<hbm>> -> memref<10x80xi32, #tpu.memory_space<hbm>>
        %dma_wait3A_186 = arith.constant 0 : i32
        %dma_wait3A_187 = arith.constant 0 : i32
        %dma_wait3A_188 = tpu.memref_slice %arg9[%rem3A_157, %dma_wait3A_186, %dma_wait3A_187] : memref<2x10x80xi32, #tpu.memory_space<vmem>> -> memref<1x10x80xi32, #tpu.memory_space<vmem>>
        %dma_wait3A_189 = tpu.memref_squeeze %dma_wait3A_188 : memref<1x10x80xi32, #tpu.memory_space<vmem>> -> memref<10x80xi32, #tpu.memory_space<vmem>>
        %dma_wait3A_190 = arith.constant 0 : i32
        %dma_wait3A_191 = tpu.memref_slice %arg4[%arg1, %mul3A_178, %dma_wait3A_190] : memref<16x250x80xi32, #tpu.memory_space<hbm>> -> memref<1x10x80xi32, #tpu.memory_space<hbm>>
        %dma_wait3A_192 = tpu.memref_squeeze %dma_wait3A_191 : memref<1x10x80xi32, #tpu.memory_space<hbm>> -> memref<10x80xi32, #tpu.memory_space<hbm>>
        tpu.wait_dma2 semaphore(%arg18 : memref<!tpu.dma_semaphore, #tpu.memory_space<semaphore_mem>>) src(%dma_wait3A_192 : memref<10x80xi32, #tpu.memory_space<hbm>>) dst(%dma_wait3A_189 : memref<10x80xi32, #tpu.memory_space<vmem>>)
        %gt3A = arith.constant 0 : i32
        %gt3A_193 = arith.cmpi sgt, %scan3A_154, %gt3A : i32
        %convert_element_type3A_194 = arith.extui %gt3A_193 : i1 to i32
        %cond3A_195 = arith.constant 0 : i32
        %cond3A_196 = arith.cmpi ne, %convert_element_type3A_194, %cond3A_195 : i32
        scf.if %cond3A_196 {
          %dma_wait3A_466 = arith.constant 8 : i32
          %dma_wait3A_467 = arith.constant 0 : i32
          %dma_wait3A_468 = tpu.memref_slice %arg9[%rem3A_161, %dma_wait3A_466, %dma_wait3A_467] : memref<2x10x80xi32, #tpu.memory_space<vmem>> -> memref<1x1x80xi32, #tpu.memory_space<vmem>>
          %dma_wait3A_469 = tpu.memref_squeeze %dma_wait3A_468 : memref<1x1x80xi32, #tpu.memory_space<vmem>> -> memref<80xi32, #tpu.memory_space<vmem>>
          %dma_wait3A_470 = arith.constant 0 : i32
          %dma_wait3A_471 = arith.constant 0 : i32
          %dma_wait3A_472 = tpu.memref_slice %arg12[%dma_wait3A_470, %dma_wait3A_471] : memref<10000x128xf32, #tpu.memory_space<vmem_shared>> -> memref<10000x128xf32, #tpu.memory_space<vmem_shared>>
          tpu.wait_indirect_dma semaphore(%arg15 : memref<!tpu.dma_semaphore, #tpu.memory_space<semaphore_mem>>) src(%arg10 : memref<80x128xf32, #tpu.memory_space<vmem>>) dst(%dma_wait3A_472 : memref<10000x128xf32, #tpu.memory_space<vmem_shared>>)
        } else {
        }
        %dma_start3A_197 = arith.constant 0 : i32
        %dma_start3A_198 = arith.constant 0 : i32
        %dma_start3A_199 = tpu.memref_slice %arg8[%rem3A_157, %dma_start3A_197, %dma_start3A_198] : memref<2x10x80xi32, #tpu.memory_space<vmem>> -> memref<1x1x80xi32, #tpu.memory_space<vmem>>
        %dma_start3A_200 = tpu.memref_squeeze %dma_start3A_199 : memref<1x1x80xi32, #tpu.memory_space<vmem>> -> memref<80xi32, #tpu.memory_space<vmem>>
        %dma_start3A_201 = arith.constant 0 : i32
        %dma_start3A_202 = arith.constant 0 : i32
        %dma_start3A_203 = tpu.memref_slice %arg2[%dma_start3A_201, %dma_start3A_202] : memref<20000x128xf32, #tpu.memory_space<hbm>> -> memref<20000x128xf32, #tpu.memory_space<hbm>>
        tpu.enqueue_indirect_dma source(%dma_start3A_203 : memref<20000x128xf32, #tpu.memory_space<hbm>>) target(%arg10 : memref<80x128xf32, #tpu.memory_space<vmem>>) offsets(%dma_start3A_200 : memref<80xi32, #tpu.memory_space<vmem>>) semaphore(%arg13 : memref<!tpu.dma_semaphore, #tpu.memory_space<semaphore_mem>>)
        %gt3A_204 = arith.constant 0 : i32
        %gt3A_205 = arith.cmpi sgt, %scan3A_154, %gt3A_204 : i32
        %convert_element_type3A_206 = arith.extui %gt3A_205 : i1 to i32
        %cond3A_207 = arith.constant 0 : i32
        %cond3A_208 = arith.cmpi ne, %convert_element_type3A_206, %cond3A_207 : i32
        scf.if %cond3A_208 {
          %dma_wait3A_466 = arith.constant 9 : i32
          %dma_wait3A_467 = arith.constant 0 : i32
          %dma_wait3A_468 = tpu.memref_slice %arg8[%rem3A_161, %dma_wait3A_466, %dma_wait3A_467] : memref<2x10x80xi32, #tpu.memory_space<vmem>> -> memref<1x1x80xi32, #tpu.memory_space<vmem>>
          %dma_wait3A_469 = tpu.memref_squeeze %dma_wait3A_468 : memref<1x1x80xi32, #tpu.memory_space<vmem>> -> memref<80xi32, #tpu.memory_space<vmem>>
          %dma_wait3A_470 = arith.constant 0 : i32
          %dma_wait3A_471 = arith.constant 0 : i32
          %dma_wait3A_472 = tpu.memref_slice %arg2[%dma_wait3A_470, %dma_wait3A_471] : memref<20000x128xf32, #tpu.memory_space<hbm>> -> memref<20000x128xf32, #tpu.memory_space<hbm>>
          tpu.wait_indirect_dma semaphore(%arg14 : memref<!tpu.dma_semaphore, #tpu.memory_space<semaphore_mem>>) src(%dma_wait3A_472 : memref<20000x128xf32, #tpu.memory_space<hbm>>) dst(%arg11 : memref<80x128xf32, #tpu.memory_space<vmem>>)
          %dma_start3A_473 = arith.constant 9 : i32
          %dma_start3A_474 = arith.constant 0 : i32
          %dma_start3A_475 = tpu.memref_slice %arg9[%rem3A_161, %dma_start3A_473, %dma_start3A_474] : memref<2x10x80xi32, #tpu.memory_space<vmem>> -> memref<1x1x80xi32, #tpu.memory_space<vmem>>
          %dma_start3A_476 = tpu.memref_squeeze %dma_start3A_475 : memref<1x1x80xi32, #tpu.memory_space<vmem>> -> memref<80xi32, #tpu.memory_space<vmem>>
          %dma_start3A_477 = arith.constant 0 : i32
          %dma_start3A_478 = arith.constant 0 : i32
          %dma_start3A_479 = tpu.memref_slice %arg12[%dma_start3A_477, %dma_start3A_478] : memref<10000x128xf32, #tpu.memory_space<vmem_shared>> -> memref<10000x128xf32, #tpu.memory_space<vmem_shared>>
          tpu.enqueue_indirect_dma source(%arg11 : memref<80x128xf32, #tpu.memory_space<vmem>>) target(%dma_start3A_479 : memref<10000x128xf32, #tpu.memory_space<vmem_shared>>) offsets(%dma_start3A_476 : memref<80xi32, #tpu.memory_space<vmem>>) semaphore(%arg16 : memref<!tpu.dma_semaphore, #tpu.memory_space<semaphore_mem>>) {add = true}
        } else {
        }
        %gt3A_209 = arith.constant 0 : i32
        %gt3A_210 = arith.cmpi sgt, %scan3A_154, %gt3A_209 : i32
        %convert_element_type3A_211 = arith.extui %gt3A_210 : i1 to i32
        %cond3A_212 = arith.constant 0 : i32
        %cond3A_213 = arith.cmpi ne, %convert_element_type3A_211, %cond3A_212 : i32
        scf.if %cond3A_213 {
          %dma_wait3A_466 = arith.constant 9 : i32
          %dma_wait3A_467 = arith.constant 0 : i32
          %dma_wait3A_468 = tpu.memref_slice %arg9[%rem3A_161, %dma_wait3A_466, %dma_wait3A_467] : memref<2x10x80xi32, #tpu.memory_space<vmem>> -> memref<1x1x80xi32, #tpu.memory_space<vmem>>
          %dma_wait3A_469 = tpu.memref_squeeze %dma_wait3A_468 : memref<1x1x80xi32, #tpu.memory_space<vmem>> -> memref<80xi32, #tpu.memory_space<vmem>>
          %dma_wait3A_470 = arith.constant 0 : i32
          %dma_wait3A_471 = arith.constant 0 : i32
          %dma_wait3A_472 = tpu.memref_slice %arg12[%dma_wait3A_470, %dma_wait3A_471] : memref<10000x128xf32, #tpu.memory_space<vmem_shared>> -> memref<10000x128xf32, #tpu.memory_space<vmem_shared>>
          tpu.wait_indirect_dma semaphore(%arg16 : memref<!tpu.dma_semaphore, #tpu.memory_space<semaphore_mem>>) src(%arg11 : memref<80x128xf32, #tpu.memory_space<vmem>>) dst(%dma_wait3A_472 : memref<10000x128xf32, #tpu.memory_space<vmem_shared>>)
        } else {
        }
        %dma_start3A_214 = arith.constant 1 : i32
        %dma_start3A_215 = arith.constant 0 : i32
        %dma_start3A_216 = tpu.memref_slice %arg8[%rem3A_157, %dma_start3A_214, %dma_start3A_215] : memref<2x10x80xi32, #tpu.memory_space<vmem>> -> memref<1x1x80xi32, #tpu.memory_space<vmem>>
        %dma_start3A_217 = tpu.memref_squeeze %dma_start3A_216 : memref<1x1x80xi32, #tpu.memory_space<vmem>> -> memref<80xi32, #tpu.memory_space<vmem>>
        %dma_start3A_218 = arith.constant 0 : i32
        %dma_start3A_219 = arith.constant 0 : i32
        %dma_start3A_220 = tpu.memref_slice %arg2[%dma_start3A_218, %dma_start3A_219] : memref<20000x128xf32, #tpu.memory_space<hbm>> -> memref<20000x128xf32, #tpu.memory_space<hbm>>
        tpu.enqueue_indirect_dma source(%dma_start3A_220 : memref<20000x128xf32, #tpu.memory_space<hbm>>) target(%arg11 : memref<80x128xf32, #tpu.memory_space<vmem>>) offsets(%dma_start3A_217 : memref<80xi32, #tpu.memory_space<vmem>>) semaphore(%arg14 : memref<!tpu.dma_semaphore, #tpu.memory_space<semaphore_mem>>)
        %dma_wait3A_221 = arith.constant 0 : i32
        %dma_wait3A_222 = arith.constant 0 : i32
        %dma_wait3A_223 = tpu.memref_slice %arg8[%rem3A_157, %dma_wait3A_221, %dma_wait3A_222] : memref<2x10x80xi32, #tpu.memory_space<vmem>> -> memref<1x1x80xi32, #tpu.memory_space<vmem>>
        %dma_wait3A_224 = tpu.memref_squeeze %dma_wait3A_223 : memref<1x1x80xi32, #tpu.memory_space<vmem>> -> memref<80xi32, #tpu.memory_space<vmem>>
        %dma_wait3A_225 = arith.constant 0 : i32
        %dma_wait3A_226 = arith.constant 0 : i32
        %dma_wait3A_227 = tpu.memref_slice %arg2[%dma_wait3A_225, %dma_wait3A_226] : memref<20000x128xf32, #tpu.memory_space<hbm>> -> memref<20000x128xf32, #tpu.memory_space<hbm>>
        tpu.wait_indirect_dma semaphore(%arg13 : memref<!tpu.dma_semaphore, #tpu.memory_space<semaphore_mem>>) src(%dma_wait3A_227 : memref<20000x128xf32, #tpu.memory_space<hbm>>) dst(%arg10 : memref<80x128xf32, #tpu.memory_space<vmem>>)
        %dma_start3A_228 = arith.constant 0 : i32
        %dma_start3A_229 = arith.constant 0 : i32
        %dma_start3A_230 = tpu.memref_slice %arg9[%rem3A_157, %dma_start3A_228, %dma_start3A_229] : memref<2x10x80xi32, #tpu.memory_space<vmem>> -> memref<1x1x80xi32, #tpu.memory_space<vmem>>
        %dma_start3A_231 = tpu.memref_squeeze %dma_start3A_230 : memref<1x1x80xi32, #tpu.memory_space<vmem>> -> memref<80xi32, #tpu.memory_space<vmem>>
        %dma_start3A_232 = arith.constant 0 : i32
        %dma_start3A_233 = arith.constant 0 : i32
        %dma_start3A_234 = tpu.memref_slice %arg12[%dma_start3A_232, %dma_start3A_233] : memref<10000x128xf32, #tpu.memory_space<vmem_shared>> -> memref<10000x128xf32, #tpu.memory_space<vmem_shared>>
        tpu.enqueue_indirect_dma source(%arg10 : memref<80x128xf32, #tpu.memory_space<vmem>>) target(%dma_start3A_234 : memref<10000x128xf32, #tpu.memory_space<vmem_shared>>) offsets(%dma_start3A_231 : memref<80xi32, #tpu.memory_space<vmem>>) semaphore(%arg15 : memref<!tpu.dma_semaphore, #tpu.memory_space<semaphore_mem>>) {add = true}
        %dma_wait3A_235 = arith.constant 0 : i32
        %dma_wait3A_236 = arith.constant 0 : i32
        %dma_wait3A_237 = tpu.memref_slice %arg9[%rem3A_157, %dma_wait3A_235, %dma_wait3A_236] : memref<2x10x80xi32, #tpu.memory_space<vmem>> -> memref<1x1x80xi32, #tpu.memory_space<vmem>>
        %dma_wait3A_238 = tpu.memref_squeeze %dma_wait3A_237 : memref<1x1x80xi32, #tpu.memory_space<vmem>> -> memref<80xi32, #tpu.memory_space<vmem>>
        %dma_wait3A_239 = arith.constant 0 : i32
        %dma_wait3A_240 = arith.constant 0 : i32
        %dma_wait3A_241 = tpu.memref_slice %arg12[%dma_wait3A_239, %dma_wait3A_240] : memref<10000x128xf32, #tpu.memory_space<vmem_shared>> -> memref<10000x128xf32, #tpu.memory_space<vmem_shared>>
        tpu.wait_indirect_dma semaphore(%arg15 : memref<!tpu.dma_semaphore, #tpu.memory_space<semaphore_mem>>) src(%arg10 : memref<80x128xf32, #tpu.memory_space<vmem>>) dst(%dma_wait3A_241 : memref<10000x128xf32, #tpu.memory_space<vmem_shared>>)
        %dma_start3A_242 = arith.constant 2 : i32
        %dma_start3A_243 = arith.constant 0 : i32
        %dma_start3A_244 = tpu.memref_slice %arg8[%rem3A_157, %dma_start3A_242, %dma_start3A_243] : memref<2x10x80xi32, #tpu.memory_space<vmem>> -> memref<1x1x80xi32, #tpu.memory_space<vmem>>
        %dma_start3A_245 = tpu.memref_squeeze %dma_start3A_244 : memref<1x1x80xi32, #tpu.memory_space<vmem>> -> memref<80xi32, #tpu.memory_space<vmem>>
        %dma_start3A_246 = arith.constant 0 : i32
        %dma_start3A_247 = arith.constant 0 : i32
        %dma_start3A_248 = tpu.memref_slice %arg2[%dma_start3A_246, %dma_start3A_247] : memref<20000x128xf32, #tpu.memory_space<hbm>> -> memref<20000x128xf32, #tpu.memory_space<hbm>>
        tpu.enqueue_indirect_dma source(%dma_start3A_248 : memref<20000x128xf32, #tpu.memory_space<hbm>>) target(%arg10 : memref<80x128xf32, #tpu.memory_space<vmem>>) offsets(%dma_start3A_245 : memref<80xi32, #tpu.memory_space<vmem>>) semaphore(%arg13 : memref<!tpu.dma_semaphore, #tpu.memory_space<semaphore_mem>>)
        %dma_wait3A_249 = arith.constant 1 : i32
        %dma_wait3A_250 = arith.constant 0 : i32
        %dma_wait3A_251 = tpu.memref_slice %arg8[%rem3A_157, %dma_wait3A_249, %dma_wait3A_250] : memref<2x10x80xi32, #tpu.memory_space<vmem>> -> memref<1x1x80xi32, #tpu.memory_space<vmem>>
        %dma_wait3A_252 = tpu.memref_squeeze %dma_wait3A_251 : memref<1x1x80xi32, #tpu.memory_space<vmem>> -> memref<80xi32, #tpu.memory_space<vmem>>
        %dma_wait3A_253 = arith.constant 0 : i32
        %dma_wait3A_254 = arith.constant 0 : i32
        %dma_wait3A_255 = tpu.memref_slice %arg2[%dma_wait3A_253, %dma_wait3A_254] : memref<20000x128xf32, #tpu.memory_space<hbm>> -> memref<20000x128xf32, #tpu.memory_space<hbm>>
        tpu.wait_indirect_dma semaphore(%arg14 : memref<!tpu.dma_semaphore, #tpu.memory_space<semaphore_mem>>) src(%dma_wait3A_255 : memref<20000x128xf32, #tpu.memory_space<hbm>>) dst(%arg11 : memref<80x128xf32, #tpu.memory_space<vmem>>)
        %dma_start3A_256 = arith.constant 1 : i32
        %dma_start3A_257 = arith.constant 0 : i32
        %dma_start3A_258 = tpu.memref_slice %arg9[%rem3A_157, %dma_start3A_256, %dma_start3A_257] : memref<2x10x80xi32, #tpu.memory_space<vmem>> -> memref<1x1x80xi32, #tpu.memory_space<vmem>>
        %dma_start3A_259 = tpu.memref_squeeze %dma_start3A_258 : memref<1x1x80xi32, #tpu.memory_space<vmem>> -> memref<80xi32, #tpu.memory_space<vmem>>
        %dma_start3A_260 = arith.constant 0 : i32
        %dma_start3A_261 = arith.constant 0 : i32
        %dma_start3A_262 = tpu.memref_slice %arg12[%dma_start3A_260, %dma_start3A_261] : memref<10000x128xf32, #tpu.memory_space<vmem_shared>> -> memref<10000x128xf32, #tpu.memory_space<vmem_shared>>
        tpu.enqueue_indirect_dma source(%arg11 : memref<80x128xf32, #tpu.memory_space<vmem>>) target(%dma_start3A_262 : memref<10000x128xf32, #tpu.memory_space<vmem_shared>>) offsets(%dma_start3A_259 : memref<80xi32, #tpu.memory_space<vmem>>) semaphore(%arg16 : memref<!tpu.dma_semaphore, #tpu.memory_space<semaphore_mem>>) {add = true}
        %dma_wait3A_263 = arith.constant 1 : i32
        %dma_wait3A_264 = arith.constant 0 : i32
        %dma_wait3A_265 = tpu.memref_slice %arg9[%rem3A_157, %dma_wait3A_263, %dma_wait3A_264] : memref<2x10x80xi32, #tpu.memory_space<vmem>> -> memref<1x1x80xi32, #tpu.memory_space<vmem>>
        %dma_wait3A_266 = tpu.memref_squeeze %dma_wait3A_265 : memref<1x1x80xi32, #tpu.memory_space<vmem>> -> memref<80xi32, #tpu.memory_space<vmem>>
        %dma_wait3A_267 = arith.constant 0 : i32
        %dma_wait3A_268 = arith.constant 0 : i32
        %dma_wait3A_269 = tpu.memref_slice %arg12[%dma_wait3A_267, %dma_wait3A_268] : memref<10000x128xf32, #tpu.memory_space<vmem_shared>> -> memref<10000x128xf32, #tpu.memory_space<vmem_shared>>
        tpu.wait_indirect_dma semaphore(%arg16 : memref<!tpu.dma_semaphore, #tpu.memory_space<semaphore_mem>>) src(%arg11 : memref<80x128xf32, #tpu.memory_space<vmem>>) dst(%dma_wait3A_269 : memref<10000x128xf32, #tpu.memory_space<vmem_shared>>)
        %dma_start3A_270 = arith.constant 3 : i32
        %dma_start3A_271 = arith.constant 0 : i32
        %dma_start3A_272 = tpu.memref_slice %arg8[%rem3A_157, %dma_start3A_270, %dma_start3A_271] : memref<2x10x80xi32, #tpu.memory_space<vmem>> -> memref<1x1x80xi32, #tpu.memory_space<vmem>>
        %dma_start3A_273 = tpu.memref_squeeze %dma_start3A_272 : memref<1x1x80xi32, #tpu.memory_space<vmem>> -> memref<80xi32, #tpu.memory_space<vmem>>
        %dma_start3A_274 = arith.constant 0 : i32
        %dma_start3A_275 = arith.constant 0 : i32
        %dma_start3A_276 = tpu.memref_slice %arg2[%dma_start3A_274, %dma_start3A_275] : memref<20000x128xf32, #tpu.memory_space<hbm>> -> memref<20000x128xf32, #tpu.memory_space<hbm>>
        tpu.enqueue_indirect_dma source(%dma_start3A_276 : memref<20000x128xf32, #tpu.memory_space<hbm>>) target(%arg11 : memref<80x128xf32, #tpu.memory_space<vmem>>) offsets(%dma_start3A_273 : memref<80xi32, #tpu.memory_space<vmem>>) semaphore(%arg14 : memref<!tpu.dma_semaphore, #tpu.memory_space<semaphore_mem>>)
        %add3A_277 = arith.constant 1 : i32
        %add3A_278 = arith.addi %scan3A_154, %add3A_277 : i32
        %lt3A = arith.constant 25 : i32
        %lt3A_279 = arith.cmpi slt, %add3A_278, %lt3A : i32
        %convert_element_type3A_280 = arith.extui %lt3A_279 : i1 to i32
        %cond3A_281 = arith.constant 0 : i32
        %cond3A_282 = arith.cmpi ne, %convert_element_type3A_280, %cond3A_281 : i32
        scf.if %cond3A_282 {
          %add3A_466 = arith.constant 1 : i32
          %add3A_467 = arith.addi %scan3A_154, %add3A_466 : i32
          %mul3A_468 = arith.constant 10 : i32
          %mul3A_469 = arith.muli %add3A_467, %mul3A_468 : i32
          %dma_start3A_470 = arith.constant 0 : i32
          %dma_start3A_471 = arith.constant 0 : i32
          %dma_start3A_472 = tpu.memref_slice %arg8[%rem3A_161, %dma_start3A_470, %dma_start3A_471] : memref<2x10x80xi32, #tpu.memory_space<vmem>> -> memref<1x10x80xi32, #tpu.memory_space<vmem>>
          %dma_start3A_473 = tpu.memref_squeeze %dma_start3A_472 : memref<1x10x80xi32, #tpu.memory_space<vmem>> -> memref<10x80xi32, #tpu.memory_space<vmem>>
          %dma_start3A_474 = arith.constant 0 : i32
          %dma_start3A_475 = tpu.memref_slice %arg3[%arg1, %mul3A_469, %dma_start3A_474] : memref<16x250x80xi32, #tpu.memory_space<hbm>> -> memref<1x10x80xi32, #tpu.memory_space<hbm>>
          %dma_start3A_476 = tpu.memref_squeeze %dma_start3A_475 : memref<1x10x80xi32, #tpu.memory_space<hbm>> -> memref<10x80xi32, #tpu.memory_space<hbm>>
          %dma_start3A_477 = arith.constant 0 : i32
          %dma_start3A_478 = arith.constant 0 : i32
          %dma_start3A_479 = tpu.memref_slice %arg8[%rem3A_161, %dma_start3A_477, %dma_start3A_478] : memref<2x10x80xi32, #tpu.memory_space<vmem>> -> memref<1x10x80xi32, #tpu.memory_space<vmem>>
          %dma_start3A_480 = tpu.memref_squeeze %dma_start3A_479 : memref<1x10x80xi32, #tpu.memory_space<vmem>> -> memref<10x80xi32, #tpu.memory_space<vmem>>
          %dma_start3A_481 = arith.constant 0 : i32
          %dma_start3A_482 = tpu.memref_slice %arg3[%arg1, %mul3A_469, %dma_start3A_481] : memref<16x250x80xi32, #tpu.memory_space<hbm>> -> memref<1x10x80xi32, #tpu.memory_space<hbm>>
          %dma_start3A_483 = tpu.memref_squeeze %dma_start3A_482 : memref<1x10x80xi32, #tpu.memory_space<hbm>> -> memref<10x80xi32, #tpu.memory_space<hbm>>
          tpu.enqueue_dma source(%dma_start3A_483 : memref<10x80xi32, #tpu.memory_space<hbm>>) target(%dma_start3A_480 : memref<10x80xi32, #tpu.memory_space<vmem>>) target_semaphore(%arg17 : memref<!tpu.dma_semaphore, #tpu.memory_space<semaphore_mem>>)
          %add3A_484 = arith.constant 1 : i32
          %add3A_485 = arith.addi %scan3A_154, %add3A_484 : i32
          %mul3A_486 = arith.constant 10 : i32
          %mul3A_487 = arith.muli %add3A_485, %mul3A_486 : i32
          %dma_start3A_488 = arith.constant 0 : i32
          %dma_start3A_489 = arith.constant 0 : i32
          %dma_start3A_490 = tpu.memref_slice %arg9[%rem3A_161, %dma_start3A_488, %dma_start3A_489] : memref<2x10x80xi32, #tpu.memory_space<vmem>> -> memref<1x10x80xi32, #tpu.memory_space<vmem>>
          %dma_start3A_491 = tpu.memref_squeeze %dma_start3A_490 : memref<1x10x80xi32, #tpu.memory_space<vmem>> -> memref<10x80xi32, #tpu.memory_space<vmem>>
          %dma_start3A_492 = arith.constant 0 : i32
          %dma_start3A_493 = tpu.memref_slice %arg4[%arg1, %mul3A_487, %dma_start3A_492] : memref<16x250x80xi32, #tpu.memory_space<hbm>> -> memref<1x10x80xi32, #tpu.memory_space<hbm>>
          %dma_start3A_494 = tpu.memref_squeeze %dma_start3A_493 : memref<1x10x80xi32, #tpu.memory_space<hbm>> -> memref<10x80xi32, #tpu.memory_space<hbm>>
          %dma_start3A_495 = arith.constant 0 : i32
          %dma_start3A_496 = arith.constant 0 : i32
          %dma_start3A_497 = tpu.memref_slice %arg9[%rem3A_161, %dma_start3A_495, %dma_start3A_496] : memref<2x10x80xi32, #tpu.memory_space<vmem>> -> memref<1x10x80xi32, #tpu.memory_space<vmem>>
          %dma_start3A_498 = tpu.memref_squeeze %dma_start3A_497 : memref<1x10x80xi32, #tpu.memory_space<vmem>> -> memref<10x80xi32, #tpu.memory_space<vmem>>
          %dma_start3A_499 = arith.constant 0 : i32
          %dma_start3A_500 = tpu.memref_slice %arg4[%arg1, %mul3A_487, %dma_start3A_499] : memref<16x250x80xi32, #tpu.memory_space<hbm>> -> memref<1x10x80xi32, #tpu.memory_space<hbm>>
          %dma_start3A_501 = tpu.memref_squeeze %dma_start3A_500 : memref<1x10x80xi32, #tpu.memory_space<hbm>> -> memref<10x80xi32, #tpu.memory_space<hbm>>
          tpu.enqueue_dma source(%dma_start3A_501 : memref<10x80xi32, #tpu.memory_space<hbm>>) target(%dma_start3A_498 : memref<10x80xi32, #tpu.memory_space<vmem>>) target_semaphore(%arg18 : memref<!tpu.dma_semaphore, #tpu.memory_space<semaphore_mem>>)
        } else {
        }
        %dma_wait3A_283 = arith.constant 2 : i32
        %dma_wait3A_284 = arith.constant 0 : i32
        %dma_wait3A_285 = tpu.memref_slice %arg8[%rem3A_157, %dma_wait3A_283, %dma_wait3A_284] : memref<2x10x80xi32, #tpu.memory_space<vmem>> -> memref<1x1x80xi32, #tpu.memory_space<vmem>>
        %dma_wait3A_286 = tpu.memref_squeeze %dma_wait3A_285 : memref<1x1x80xi32, #tpu.memory_space<vmem>> -> memref<80xi32, #tpu.memory_space<vmem>>
        %dma_wait3A_287 = arith.constant 0 : i32
        %dma_wait3A_288 = arith.constant 0 : i32
        %dma_wait3A_289 = tpu.memref_slice %arg2[%dma_wait3A_287, %dma_wait3A_288] : memref<20000x128xf32, #tpu.memory_space<hbm>> -> memref<20000x128xf32, #tpu.memory_space<hbm>>
        tpu.wait_indirect_dma semaphore(%arg13 : memref<!tpu.dma_semaphore, #tpu.memory_space<semaphore_mem>>) src(%dma_wait3A_289 : memref<20000x128xf32, #tpu.memory_space<hbm>>) dst(%arg10 : memref<80x128xf32, #tpu.memory_space<vmem>>)
        %dma_start3A_290 = arith.constant 2 : i32
        %dma_start3A_291 = arith.constant 0 : i32
        %dma_start3A_292 = tpu.memref_slice %arg9[%rem3A_157, %dma_start3A_290, %dma_start3A_291] : memref<2x10x80xi32, #tpu.memory_space<vmem>> -> memref<1x1x80xi32, #tpu.memory_space<vmem>>
        %dma_start3A_293 = tpu.memref_squeeze %dma_start3A_292 : memref<1x1x80xi32, #tpu.memory_space<vmem>> -> memref<80xi32, #tpu.memory_space<vmem>>
        %dma_start3A_294 = arith.constant 0 : i32
        %dma_start3A_295 = arith.constant 0 : i32
        %dma_start3A_296 = tpu.memref_slice %arg12[%dma_start3A_294, %dma_start3A_295] : memref<10000x128xf32, #tpu.memory_space<vmem_shared>> -> memref<10000x128xf32, #tpu.memory_space<vmem_shared>>
        tpu.enqueue_indirect_dma source(%arg10 : memref<80x128xf32, #tpu.memory_space<vmem>>) target(%dma_start3A_296 : memref<10000x128xf32, #tpu.memory_space<vmem_shared>>) offsets(%dma_start3A_293 : memref<80xi32, #tpu.memory_space<vmem>>) semaphore(%arg15 : memref<!tpu.dma_semaphore, #tpu.memory_space<semaphore_mem>>) {add = true}
        %dma_wait3A_297 = arith.constant 2 : i32
        %dma_wait3A_298 = arith.constant 0 : i32
        %dma_wait3A_299 = tpu.memref_slice %arg9[%rem3A_157, %dma_wait3A_297, %dma_wait3A_298] : memref<2x10x80xi32, #tpu.memory_space<vmem>> -> memref<1x1x80xi32, #tpu.memory_space<vmem>>
        %dma_wait3A_300 = tpu.memref_squeeze %dma_wait3A_299 : memref<1x1x80xi32, #tpu.memory_space<vmem>> -> memref<80xi32, #tpu.memory_space<vmem>>
        %dma_wait3A_301 = arith.constant 0 : i32
        %dma_wait3A_302 = arith.constant 0 : i32
        %dma_wait3A_303 = tpu.memref_slice %arg12[%dma_wait3A_301, %dma_wait3A_302] : memref<10000x128xf32, #tpu.memory_space<vmem_shared>> -> memref<10000x128xf32, #tpu.memory_space<vmem_shared>>
        tpu.wait_indirect_dma semaphore(%arg15 : memref<!tpu.dma_semaphore, #tpu.memory_space<semaphore_mem>>) src(%arg10 : memref<80x128xf32, #tpu.memory_space<vmem>>) dst(%dma_wait3A_303 : memref<10000x128xf32, #tpu.memory_space<vmem_shared>>)
        %dma_start3A_304 = arith.constant 4 : i32
        %dma_start3A_305 = arith.constant 0 : i32
        %dma_start3A_306 = tpu.memref_slice %arg8[%rem3A_157, %dma_start3A_304, %dma_start3A_305] : memref<2x10x80xi32, #tpu.memory_space<vmem>> -> memref<1x1x80xi32, #tpu.memory_space<vmem>>
        %dma_start3A_307 = tpu.memref_squeeze %dma_start3A_306 : memref<1x1x80xi32, #tpu.memory_space<vmem>> -> memref<80xi32, #tpu.memory_space<vmem>>
        %dma_start3A_308 = arith.constant 0 : i32
        %dma_start3A_309 = arith.constant 0 : i32
        %dma_start3A_310 = tpu.memref_slice %arg2[%dma_start3A_308, %dma_start3A_309] : memref<20000x128xf32, #tpu.memory_space<hbm>> -> memref<20000x128xf32, #tpu.memory_space<hbm>>
        tpu.enqueue_indirect_dma source(%dma_start3A_310 : memref<20000x128xf32, #tpu.memory_space<hbm>>) target(%arg10 : memref<80x128xf32, #tpu.memory_space<vmem>>) offsets(%dma_start3A_307 : memref<80xi32, #tpu.memory_space<vmem>>) semaphore(%arg13 : memref<!tpu.dma_semaphore, #tpu.memory_space<semaphore_mem>>)
        %dma_wait3A_311 = arith.constant 3 : i32
        %dma_wait3A_312 = arith.constant 0 : i32
        %dma_wait3A_313 = tpu.memref_slice %arg8[%rem3A_157, %dma_wait3A_311, %dma_wait3A_312] : memref<2x10x80xi32, #tpu.memory_space<vmem>> -> memref<1x1x80xi32, #tpu.memory_space<vmem>>
        %dma_wait3A_314 = tpu.memref_squeeze %dma_wait3A_313 : memref<1x1x80xi32, #tpu.memory_space<vmem>> -> memref<80xi32, #tpu.memory_space<vmem>>
        %dma_wait3A_315 = arith.constant 0 : i32
        %dma_wait3A_316 = arith.constant 0 : i32
        %dma_wait3A_317 = tpu.memref_slice %arg2[%dma_wait3A_315, %dma_wait3A_316] : memref<20000x128xf32, #tpu.memory_space<hbm>> -> memref<20000x128xf32, #tpu.memory_space<hbm>>
        tpu.wait_indirect_dma semaphore(%arg14 : memref<!tpu.dma_semaphore, #tpu.memory_space<semaphore_mem>>) src(%dma_wait3A_317 : memref<20000x128xf32, #tpu.memory_space<hbm>>) dst(%arg11 : memref<80x128xf32, #tpu.memory_space<vmem>>)
        %dma_start3A_318 = arith.constant 3 : i32
        %dma_start3A_319 = arith.constant 0 : i32
        %dma_start3A_320 = tpu.memref_slice %arg9[%rem3A_157, %dma_start3A_318, %dma_start3A_319] : memref<2x10x80xi32, #tpu.memory_space<vmem>> -> memref<1x1x80xi32, #tpu.memory_space<vmem>>
        %dma_start3A_321 = tpu.memref_squeeze %dma_start3A_320 : memref<1x1x80xi32, #tpu.memory_space<vmem>> -> memref<80xi32, #tpu.memory_space<vmem>>
        %dma_start3A_322 = arith.constant 0 : i32
        %dma_start3A_323 = arith.constant 0 : i32
        %dma_start3A_324 = tpu.memref_slice %arg12[%dma_start3A_322, %dma_start3A_323] : memref<10000x128xf32, #tpu.memory_space<vmem_shared>> -> memref<10000x128xf32, #tpu.memory_space<vmem_shared>>
        tpu.enqueue_indirect_dma source(%arg11 : memref<80x128xf32, #tpu.memory_space<vmem>>) target(%dma_start3A_324 : memref<10000x128xf32, #tpu.memory_space<vmem_shared>>) offsets(%dma_start3A_321 : memref<80xi32, #tpu.memory_space<vmem>>) semaphore(%arg16 : memref<!tpu.dma_semaphore, #tpu.memory_space<semaphore_mem>>) {add = true}
        %dma_wait3A_325 = arith.constant 3 : i32
        %dma_wait3A_326 = arith.constant 0 : i32
        %dma_wait3A_327 = tpu.memref_slice %arg9[%rem3A_157, %dma_wait3A_325, %dma_wait3A_326] : memref<2x10x80xi32, #tpu.memory_space<vmem>> -> memref<1x1x80xi32, #tpu.memory_space<vmem>>
        %dma_wait3A_328 = tpu.memref_squeeze %dma_wait3A_327 : memref<1x1x80xi32, #tpu.memory_space<vmem>> -> memref<80xi32, #tpu.memory_space<vmem>>
        %dma_wait3A_329 = arith.constant 0 : i32
        %dma_wait3A_330 = arith.constant 0 : i32
        %dma_wait3A_331 = tpu.memref_slice %arg12[%dma_wait3A_329, %dma_wait3A_330] : memref<10000x128xf32, #tpu.memory_space<vmem_shared>> -> memref<10000x128xf32, #tpu.memory_space<vmem_shared>>
        tpu.wait_indirect_dma semaphore(%arg16 : memref<!tpu.dma_semaphore, #tpu.memory_space<semaphore_mem>>) src(%arg11 : memref<80x128xf32, #tpu.memory_space<vmem>>) dst(%dma_wait3A_331 : memref<10000x128xf32, #tpu.memory_space<vmem_shared>>)
        %dma_start3A_332 = arith.constant 5 : i32
        %dma_start3A_333 = arith.constant 0 : i32
        %dma_start3A_334 = tpu.memref_slice %arg8[%rem3A_157, %dma_start3A_332, %dma_start3A_333] : memref<2x10x80xi32, #tpu.memory_space<vmem>> -> memref<1x1x80xi32, #tpu.memory_space<vmem>>
        %dma_start3A_335 = tpu.memref_squeeze %dma_start3A_334 : memref<1x1x80xi32, #tpu.memory_space<vmem>> -> memref<80xi32, #tpu.memory_space<vmem>>
        %dma_start3A_336 = arith.constant 0 : i32
        %dma_start3A_337 = arith.constant 0 : i32
        %dma_start3A_338 = tpu.memref_slice %arg2[%dma_start3A_336, %dma_start3A_337] : memref<20000x128xf32, #tpu.memory_space<hbm>> -> memref<20000x128xf32, #tpu.memory_space<hbm>>
        tpu.enqueue_indirect_dma source(%dma_start3A_338 : memref<20000x128xf32, #tpu.memory_space<hbm>>) target(%arg11 : memref<80x128xf32, #tpu.memory_space<vmem>>) offsets(%dma_start3A_335 : memref<80xi32, #tpu.memory_space<vmem>>) semaphore(%arg14 : memref<!tpu.dma_semaphore, #tpu.memory_space<semaphore_mem>>)
        %dma_wait3A_339 = arith.constant 4 : i32
        %dma_wait3A_340 = arith.constant 0 : i32
        %dma_wait3A_341 = tpu.memref_slice %arg8[%rem3A_157, %dma_wait3A_339, %dma_wait3A_340] : memref<2x10x80xi32, #tpu.memory_space<vmem>> -> memref<1x1x80xi32, #tpu.memory_space<vmem>>
        %dma_wait3A_342 = tpu.memref_squeeze %dma_wait3A_341 : memref<1x1x80xi32, #tpu.memory_space<vmem>> -> memref<80xi32, #tpu.memory_space<vmem>>
        %dma_wait3A_343 = arith.constant 0 : i32
        %dma_wait3A_344 = arith.constant 0 : i32
        %dma_wait3A_345 = tpu.memref_slice %arg2[%dma_wait3A_343, %dma_wait3A_344] : memref<20000x128xf32, #tpu.memory_space<hbm>> -> memref<20000x128xf32, #tpu.memory_space<hbm>>
        tpu.wait_indirect_dma semaphore(%arg13 : memref<!tpu.dma_semaphore, #tpu.memory_space<semaphore_mem>>) src(%dma_wait3A_345 : memref<20000x128xf32, #tpu.memory_space<hbm>>) dst(%arg10 : memref<80x128xf32, #tpu.memory_space<vmem>>)
        %dma_start3A_346 = arith.constant 4 : i32
        %dma_start3A_347 = arith.constant 0 : i32
        %dma_start3A_348 = tpu.memref_slice %arg9[%rem3A_157, %dma_start3A_346, %dma_start3A_347] : memref<2x10x80xi32, #tpu.memory_space<vmem>> -> memref<1x1x80xi32, #tpu.memory_space<vmem>>
        %dma_start3A_349 = tpu.memref_squeeze %dma_start3A_348 : memref<1x1x80xi32, #tpu.memory_space<vmem>> -> memref<80xi32, #tpu.memory_space<vmem>>
        %dma_start3A_350 = arith.constant 0 : i32
        %dma_start3A_351 = arith.constant 0 : i32
        %dma_start3A_352 = tpu.memref_slice %arg12[%dma_start3A_350, %dma_start3A_351] : memref<10000x128xf32, #tpu.memory_space<vmem_shared>> -> memref<10000x128xf32, #tpu.memory_space<vmem_shared>>
        tpu.enqueue_indirect_dma source(%arg10 : memref<80x128xf32, #tpu.memory_space<vmem>>) target(%dma_start3A_352 : memref<10000x128xf32, #tpu.memory_space<vmem_shared>>) offsets(%dma_start3A_349 : memref<80xi32, #tpu.memory_space<vmem>>) semaphore(%arg15 : memref<!tpu.dma_semaphore, #tpu.memory_space<semaphore_mem>>) {add = true}
        %dma_wait3A_353 = arith.constant 4 : i32
        %dma_wait3A_354 = arith.constant 0 : i32
        %dma_wait3A_355 = tpu.memref_slice %arg9[%rem3A_157, %dma_wait3A_353, %dma_wait3A_354] : memref<2x10x80xi32, #tpu.memory_space<vmem>> -> memref<1x1x80xi32, #tpu.memory_space<vmem>>
        %dma_wait3A_356 = tpu.memref_squeeze %dma_wait3A_355 : memref<1x1x80xi32, #tpu.memory_space<vmem>> -> memref<80xi32, #tpu.memory_space<vmem>>
        %dma_wait3A_357 = arith.constant 0 : i32
        %dma_wait3A_358 = arith.constant 0 : i32
        %dma_wait3A_359 = tpu.memref_slice %arg12[%dma_wait3A_357, %dma_wait3A_358] : memref<10000x128xf32, #tpu.memory_space<vmem_shared>> -> memref<10000x128xf32, #tpu.memory_space<vmem_shared>>
        tpu.wait_indirect_dma semaphore(%arg15 : memref<!tpu.dma_semaphore, #tpu.memory_space<semaphore_mem>>) src(%arg10 : memref<80x128xf32, #tpu.memory_space<vmem>>) dst(%dma_wait3A_359 : memref<10000x128xf32, #tpu.memory_space<vmem_shared>>)
        %dma_start3A_360 = arith.constant 6 : i32
        %dma_start3A_361 = arith.constant 0 : i32
        %dma_start3A_362 = tpu.memref_slice %arg8[%rem3A_157, %dma_start3A_360, %dma_start3A_361] : memref<2x10x80xi32, #tpu.memory_space<vmem>> -> memref<1x1x80xi32, #tpu.memory_space<vmem>>
        %dma_start3A_363 = tpu.memref_squeeze %dma_start3A_362 : memref<1x1x80xi32, #tpu.memory_space<vmem>> -> memref<80xi32, #tpu.memory_space<vmem>>
        %dma_start3A_364 = arith.constant 0 : i32
        %dma_start3A_365 = arith.constant 0 : i32
        %dma_start3A_366 = tpu.memref_slice %arg2[%dma_start3A_364, %dma_start3A_365] : memref<20000x128xf32, #tpu.memory_space<hbm>> -> memref<20000x128xf32, #tpu.memory_space<hbm>>
        tpu.enqueue_indirect_dma source(%dma_start3A_366 : memref<20000x128xf32, #tpu.memory_space<hbm>>) target(%arg10 : memref<80x128xf32, #tpu.memory_space<vmem>>) offsets(%dma_start3A_363 : memref<80xi32, #tpu.memory_space<vmem>>) semaphore(%arg13 : memref<!tpu.dma_semaphore, #tpu.memory_space<semaphore_mem>>)
        %dma_wait3A_367 = arith.constant 5 : i32
        %dma_wait3A_368 = arith.constant 0 : i32
        %dma_wait3A_369 = tpu.memref_slice %arg8[%rem3A_157, %dma_wait3A_367, %dma_wait3A_368] : memref<2x10x80xi32, #tpu.memory_space<vmem>> -> memref<1x1x80xi32, #tpu.memory_space<vmem>>
        %dma_wait3A_370 = tpu.memref_squeeze %dma_wait3A_369 : memref<1x1x80xi32, #tpu.memory_space<vmem>> -> memref<80xi32, #tpu.memory_space<vmem>>
        %dma_wait3A_371 = arith.constant 0 : i32
        %dma_wait3A_372 = arith.constant 0 : i32
        %dma_wait3A_373 = tpu.memref_slice %arg2[%dma_wait3A_371, %dma_wait3A_372] : memref<20000x128xf32, #tpu.memory_space<hbm>> -> memref<20000x128xf32, #tpu.memory_space<hbm>>
        tpu.wait_indirect_dma semaphore(%arg14 : memref<!tpu.dma_semaphore, #tpu.memory_space<semaphore_mem>>) src(%dma_wait3A_373 : memref<20000x128xf32, #tpu.memory_space<hbm>>) dst(%arg11 : memref<80x128xf32, #tpu.memory_space<vmem>>)
        %dma_start3A_374 = arith.constant 5 : i32
        %dma_start3A_375 = arith.constant 0 : i32
        %dma_start3A_376 = tpu.memref_slice %arg9[%rem3A_157, %dma_start3A_374, %dma_start3A_375] : memref<2x10x80xi32, #tpu.memory_space<vmem>> -> memref<1x1x80xi32, #tpu.memory_space<vmem>>
        %dma_start3A_377 = tpu.memref_squeeze %dma_start3A_376 : memref<1x1x80xi32, #tpu.memory_space<vmem>> -> memref<80xi32, #tpu.memory_space<vmem>>
        %dma_start3A_378 = arith.constant 0 : i32
        %dma_start3A_379 = arith.constant 0 : i32
        %dma_start3A_380 = tpu.memref_slice %arg12[%dma_start3A_378, %dma_start3A_379] : memref<10000x128xf32, #tpu.memory_space<vmem_shared>> -> memref<10000x128xf32, #tpu.memory_space<vmem_shared>>
        tpu.enqueue_indirect_dma source(%arg11 : memref<80x128xf32, #tpu.memory_space<vmem>>) target(%dma_start3A_380 : memref<10000x128xf32, #tpu.memory_space<vmem_shared>>) offsets(%dma_start3A_377 : memref<80xi32, #tpu.memory_space<vmem>>) semaphore(%arg16 : memref<!tpu.dma_semaphore, #tpu.memory_space<semaphore_mem>>) {add = true}
        %dma_wait3A_381 = arith.constant 5 : i32
        %dma_wait3A_382 = arith.constant 0 : i32
        %dma_wait3A_383 = tpu.memref_slice %arg9[%rem3A_157, %dma_wait3A_381, %dma_wait3A_382] : memref<2x10x80xi32, #tpu.memory_space<vmem>> -> memref<1x1x80xi32, #tpu.memory_space<vmem>>
        %dma_wait3A_384 = tpu.memref_squeeze %dma_wait3A_383 : memref<1x1x80xi32, #tpu.memory_space<vmem>> -> memref<80xi32, #tpu.memory_space<vmem>>
        %dma_wait3A_385 = arith.constant 0 : i32
        %dma_wait3A_386 = arith.constant 0 : i32
        %dma_wait3A_387 = tpu.memref_slice %arg12[%dma_wait3A_385, %dma_wait3A_386] : memref<10000x128xf32, #tpu.memory_space<vmem_shared>> -> memref<10000x128xf32, #tpu.memory_space<vmem_shared>>
        tpu.wait_indirect_dma semaphore(%arg16 : memref<!tpu.dma_semaphore, #tpu.memory_space<semaphore_mem>>) src(%arg11 : memref<80x128xf32, #tpu.memory_space<vmem>>) dst(%dma_wait3A_387 : memref<10000x128xf32, #tpu.memory_space<vmem_shared>>)
        %dma_start3A_388 = arith.constant 7 : i32
        %dma_start3A_389 = arith.constant 0 : i32
        %dma_start3A_390 = tpu.memref_slice %arg8[%rem3A_157, %dma_start3A_388, %dma_start3A_389] : memref<2x10x80xi32, #tpu.memory_space<vmem>> -> memref<1x1x80xi32, #tpu.memory_space<vmem>>
        %dma_start3A_391 = tpu.memref_squeeze %dma_start3A_390 : memref<1x1x80xi32, #tpu.memory_space<vmem>> -> memref<80xi32, #tpu.memory_space<vmem>>
        %dma_start3A_392 = arith.constant 0 : i32
        %dma_start3A_393 = arith.constant 0 : i32
        %dma_start3A_394 = tpu.memref_slice %arg2[%dma_start3A_392, %dma_start3A_393] : memref<20000x128xf32, #tpu.memory_space<hbm>> -> memref<20000x128xf32, #tpu.memory_space<hbm>>
        tpu.enqueue_indirect_dma source(%dma_start3A_394 : memref<20000x128xf32, #tpu.memory_space<hbm>>) target(%arg11 : memref<80x128xf32, #tpu.memory_space<vmem>>) offsets(%dma_start3A_391 : memref<80xi32, #tpu.memory_space<vmem>>) semaphore(%arg14 : memref<!tpu.dma_semaphore, #tpu.memory_space<semaphore_mem>>)
        %dma_wait3A_395 = arith.constant 6 : i32
        %dma_wait3A_396 = arith.constant 0 : i32
        %dma_wait3A_397 = tpu.memref_slice %arg8[%rem3A_157, %dma_wait3A_395, %dma_wait3A_396] : memref<2x10x80xi32, #tpu.memory_space<vmem>> -> memref<1x1x80xi32, #tpu.memory_space<vmem>>
        %dma_wait3A_398 = tpu.memref_squeeze %dma_wait3A_397 : memref<1x1x80xi32, #tpu.memory_space<vmem>> -> memref<80xi32, #tpu.memory_space<vmem>>
        %dma_wait3A_399 = arith.constant 0 : i32
        %dma_wait3A_400 = arith.constant 0 : i32
        %dma_wait3A_401 = tpu.memref_slice %arg2[%dma_wait3A_399, %dma_wait3A_400] : memref<20000x128xf32, #tpu.memory_space<hbm>> -> memref<20000x128xf32, #tpu.memory_space<hbm>>
        tpu.wait_indirect_dma semaphore(%arg13 : memref<!tpu.dma_semaphore, #tpu.memory_space<semaphore_mem>>) src(%dma_wait3A_401 : memref<20000x128xf32, #tpu.memory_space<hbm>>) dst(%arg10 : memref<80x128xf32, #tpu.memory_space<vmem>>)
        %dma_start3A_402 = arith.constant 6 : i32
        %dma_start3A_403 = arith.constant 0 : i32
        %dma_start3A_404 = tpu.memref_slice %arg9[%rem3A_157, %dma_start3A_402, %dma_start3A_403] : memref<2x10x80xi32, #tpu.memory_space<vmem>> -> memref<1x1x80xi32, #tpu.memory_space<vmem>>
        %dma_start3A_405 = tpu.memref_squeeze %dma_start3A_404 : memref<1x1x80xi32, #tpu.memory_space<vmem>> -> memref<80xi32, #tpu.memory_space<vmem>>
        %dma_start3A_406 = arith.constant 0 : i32
        %dma_start3A_407 = arith.constant 0 : i32
        %dma_start3A_408 = tpu.memref_slice %arg12[%dma_start3A_406, %dma_start3A_407] : memref<10000x128xf32, #tpu.memory_space<vmem_shared>> -> memref<10000x128xf32, #tpu.memory_space<vmem_shared>>
        tpu.enqueue_indirect_dma source(%arg10 : memref<80x128xf32, #tpu.memory_space<vmem>>) target(%dma_start3A_408 : memref<10000x128xf32, #tpu.memory_space<vmem_shared>>) offsets(%dma_start3A_405 : memref<80xi32, #tpu.memory_space<vmem>>) semaphore(%arg15 : memref<!tpu.dma_semaphore, #tpu.memory_space<semaphore_mem>>) {add = true}
        %dma_wait3A_409 = arith.constant 6 : i32
        %dma_wait3A_410 = arith.constant 0 : i32
        %dma_wait3A_411 = tpu.memref_slice %arg9[%rem3A_157, %dma_wait3A_409, %dma_wait3A_410] : memref<2x10x80xi32, #tpu.memory_space<vmem>> -> memref<1x1x80xi32, #tpu.memory_space<vmem>>
        %dma_wait3A_412 = tpu.memref_squeeze %dma_wait3A_411 : memref<1x1x80xi32, #tpu.memory_space<vmem>> -> memref<80xi32, #tpu.memory_space<vmem>>
        %dma_wait3A_413 = arith.constant 0 : i32
        %dma_wait3A_414 = arith.constant 0 : i32
        %dma_wait3A_415 = tpu.memref_slice %arg12[%dma_wait3A_413, %dma_wait3A_414] : memref<10000x128xf32, #tpu.memory_space<vmem_shared>> -> memref<10000x128xf32, #tpu.memory_space<vmem_shared>>
        tpu.wait_indirect_dma semaphore(%arg15 : memref<!tpu.dma_semaphore, #tpu.memory_space<semaphore_mem>>) src(%arg10 : memref<80x128xf32, #tpu.memory_space<vmem>>) dst(%dma_wait3A_415 : memref<10000x128xf32, #tpu.memory_space<vmem_shared>>)
        %dma_start3A_416 = arith.constant 8 : i32
        %dma_start3A_417 = arith.constant 0 : i32
        %dma_start3A_418 = tpu.memref_slice %arg8[%rem3A_157, %dma_start3A_416, %dma_start3A_417] : memref<2x10x80xi32, #tpu.memory_space<vmem>> -> memref<1x1x80xi32, #tpu.memory_space<vmem>>
        %dma_start3A_419 = tpu.memref_squeeze %dma_start3A_418 : memref<1x1x80xi32, #tpu.memory_space<vmem>> -> memref<80xi32, #tpu.memory_space<vmem>>
        %dma_start3A_420 = arith.constant 0 : i32
        %dma_start3A_421 = arith.constant 0 : i32
        %dma_start3A_422 = tpu.memref_slice %arg2[%dma_start3A_420, %dma_start3A_421] : memref<20000x128xf32, #tpu.memory_space<hbm>> -> memref<20000x128xf32, #tpu.memory_space<hbm>>
        tpu.enqueue_indirect_dma source(%dma_start3A_422 : memref<20000x128xf32, #tpu.memory_space<hbm>>) target(%arg10 : memref<80x128xf32, #tpu.memory_space<vmem>>) offsets(%dma_start3A_419 : memref<80xi32, #tpu.memory_space<vmem>>) semaphore(%arg13 : memref<!tpu.dma_semaphore, #tpu.memory_space<semaphore_mem>>)
        %dma_wait3A_423 = arith.constant 7 : i32
        %dma_wait3A_424 = arith.constant 0 : i32
        %dma_wait3A_425 = tpu.memref_slice %arg8[%rem3A_157, %dma_wait3A_423, %dma_wait3A_424] : memref<2x10x80xi32, #tpu.memory_space<vmem>> -> memref<1x1x80xi32, #tpu.memory_space<vmem>>
        %dma_wait3A_426 = tpu.memref_squeeze %dma_wait3A_425 : memref<1x1x80xi32, #tpu.memory_space<vmem>> -> memref<80xi32, #tpu.memory_space<vmem>>
        %dma_wait3A_427 = arith.constant 0 : i32
        %dma_wait3A_428 = arith.constant 0 : i32
        %dma_wait3A_429 = tpu.memref_slice %arg2[%dma_wait3A_427, %dma_wait3A_428] : memref<20000x128xf32, #tpu.memory_space<hbm>> -> memref<20000x128xf32, #tpu.memory_space<hbm>>
        tpu.wait_indirect_dma semaphore(%arg14 : memref<!tpu.dma_semaphore, #tpu.memory_space<semaphore_mem>>) src(%dma_wait3A_429 : memref<20000x128xf32, #tpu.memory_space<hbm>>) dst(%arg11 : memref<80x128xf32, #tpu.memory_space<vmem>>)
        %dma_start3A_430 = arith.constant 7 : i32
        %dma_start3A_431 = arith.constant 0 : i32
        %dma_start3A_432 = tpu.memref_slice %arg9[%rem3A_157, %dma_start3A_430, %dma_start3A_431] : memref<2x10x80xi32, #tpu.memory_space<vmem>> -> memref<1x1x80xi32, #tpu.memory_space<vmem>>
        %dma_start3A_433 = tpu.memref_squeeze %dma_start3A_432 : memref<1x1x80xi32, #tpu.memory_space<vmem>> -> memref<80xi32, #tpu.memory_space<vmem>>
        %dma_start3A_434 = arith.constant 0 : i32
        %dma_start3A_435 = arith.constant 0 : i32
        %dma_start3A_436 = tpu.memref_slice %arg12[%dma_start3A_434, %dma_start3A_435] : memref<10000x128xf32, #tpu.memory_space<vmem_shared>> -> memref<10000x128xf32, #tpu.memory_space<vmem_shared>>
        tpu.enqueue_indirect_dma source(%arg11 : memref<80x128xf32, #tpu.memory_space<vmem>>) target(%dma_start3A_436 : memref<10000x128xf32, #tpu.memory_space<vmem_shared>>) offsets(%dma_start3A_433 : memref<80xi32, #tpu.memory_space<vmem>>) semaphore(%arg16 : memref<!tpu.dma_semaphore, #tpu.memory_space<semaphore_mem>>) {add = true}
        %dma_wait3A_437 = arith.constant 7 : i32
        %dma_wait3A_438 = arith.constant 0 : i32
        %dma_wait3A_439 = tpu.memref_slice %arg9[%rem3A_157, %dma_wait3A_437, %dma_wait3A_438] : memref<2x10x80xi32, #tpu.memory_space<vmem>> -> memref<1x1x80xi32, #tpu.memory_space<vmem>>
        %dma_wait3A_440 = tpu.memref_squeeze %dma_wait3A_439 : memref<1x1x80xi32, #tpu.memory_space<vmem>> -> memref<80xi32, #tpu.memory_space<vmem>>
        %dma_wait3A_441 = arith.constant 0 : i32
        %dma_wait3A_442 = arith.constant 0 : i32
        %dma_wait3A_443 = tpu.memref_slice %arg12[%dma_wait3A_441, %dma_wait3A_442] : memref<10000x128xf32, #tpu.memory_space<vmem_shared>> -> memref<10000x128xf32, #tpu.memory_space<vmem_shared>>
        tpu.wait_indirect_dma semaphore(%arg16 : memref<!tpu.dma_semaphore, #tpu.memory_space<semaphore_mem>>) src(%arg11 : memref<80x128xf32, #tpu.memory_space<vmem>>) dst(%dma_wait3A_443 : memref<10000x128xf32, #tpu.memory_space<vmem_shared>>)
        %dma_start3A_444 = arith.constant 9 : i32
        %dma_start3A_445 = arith.constant 0 : i32
        %dma_start3A_446 = tpu.memref_slice %arg8[%rem3A_157, %dma_start3A_444, %dma_start3A_445] : memref<2x10x80xi32, #tpu.memory_space<vmem>> -> memref<1x1x80xi32, #tpu.memory_space<vmem>>
        %dma_start3A_447 = tpu.memref_squeeze %dma_start3A_446 : memref<1x1x80xi32, #tpu.memory_space<vmem>> -> memref<80xi32, #tpu.memory_space<vmem>>
        %dma_start3A_448 = arith.constant 0 : i32
        %dma_start3A_449 = arith.constant 0 : i32
        %dma_start3A_450 = tpu.memref_slice %arg2[%dma_start3A_448, %dma_start3A_449] : memref<20000x128xf32, #tpu.memory_space<hbm>> -> memref<20000x128xf32, #tpu.memory_space<hbm>>
        tpu.enqueue_indirect_dma source(%dma_start3A_450 : memref<20000x128xf32, #tpu.memory_space<hbm>>) target(%arg11 : memref<80x128xf32, #tpu.memory_space<vmem>>) offsets(%dma_start3A_447 : memref<80xi32, #tpu.memory_space<vmem>>) semaphore(%arg14 : memref<!tpu.dma_semaphore, #tpu.memory_space<semaphore_mem>>)
        %dma_wait3A_451 = arith.constant 8 : i32
        %dma_wait3A_452 = arith.constant 0 : i32
        %dma_wait3A_453 = tpu.memref_slice %arg8[%rem3A_157, %dma_wait3A_451, %dma_wait3A_452] : memref<2x10x80xi32, #tpu.memory_space<vmem>> -> memref<1x1x80xi32, #tpu.memory_space<vmem>>
        %dma_wait3A_454 = tpu.memref_squeeze %dma_wait3A_453 : memref<1x1x80xi32, #tpu.memory_space<vmem>> -> memref<80xi32, #tpu.memory_space<vmem>>
        %dma_wait3A_455 = arith.constant 0 : i32
        %dma_wait3A_456 = arith.constant 0 : i32
        %dma_wait3A_457 = tpu.memref_slice %arg2[%dma_wait3A_455, %dma_wait3A_456] : memref<20000x128xf32, #tpu.memory_space<hbm>> -> memref<20000x128xf32, #tpu.memory_space<hbm>>
        tpu.wait_indirect_dma semaphore(%arg13 : memref<!tpu.dma_semaphore, #tpu.memory_space<semaphore_mem>>) src(%dma_wait3A_457 : memref<20000x128xf32, #tpu.memory_space<hbm>>) dst(%arg10 : memref<80x128xf32, #tpu.memory_space<vmem>>)
        %dma_start3A_458 = arith.constant 8 : i32
        %dma_start3A_459 = arith.constant 0 : i32
        %dma_start3A_460 = tpu.memref_slice %arg9[%rem3A_157, %dma_start3A_458, %dma_start3A_459] : memref<2x10x80xi32, #tpu.memory_space<vmem>> -> memref<1x1x80xi32, #tpu.memory_space<vmem>>
        %dma_start3A_461 = tpu.memref_squeeze %dma_start3A_460 : memref<1x1x80xi32, #tpu.memory_space<vmem>> -> memref<80xi32, #tpu.memory_space<vmem>>
        %dma_start3A_462 = arith.constant 0 : i32
        %dma_start3A_463 = arith.constant 0 : i32
        %dma_start3A_464 = tpu.memref_slice %arg12[%dma_start3A_462, %dma_start3A_463] : memref<10000x128xf32, #tpu.memory_space<vmem_shared>> -> memref<10000x128xf32, #tpu.memory_space<vmem_shared>>
        tpu.enqueue_indirect_dma source(%arg10 : memref<80x128xf32, #tpu.memory_space<vmem>>) target(%dma_start3A_464 : memref<10000x128xf32, #tpu.memory_space<vmem_shared>>) offsets(%dma_start3A_461 : memref<80xi32, #tpu.memory_space<vmem>>) semaphore(%arg15 : memref<!tpu.dma_semaphore, #tpu.memory_space<semaphore_mem>>) {add = true}
        %scan3A_465 = arith.constant 0 : i32
        scf.yield %scan3A_465 : i32
      }
      %scan3A_122 = arith.constant 25 : i32
      %dma_wait3A = arith.constant 0 : i32
      %dma_wait3A_123 = arith.constant 9 : i32
      %dma_wait3A_124 = arith.constant 0 : i32
      %dma_wait3A_125 = tpu.memref_slice %arg8[%dma_wait3A, %dma_wait3A_123, %dma_wait3A_124] : memref<2x10x80xi32, #tpu.memory_space<vmem>> -> memref<1x1x80xi32, #tpu.memory_space<vmem>>
      %dma_wait3A_126 = tpu.memref_squeeze %dma_wait3A_125 : memref<1x1x80xi32, #tpu.memory_space<vmem>> -> memref<80xi32, #tpu.memory_space<vmem>>
      %dma_wait3A_127 = arith.constant 0 : i32
      %dma_wait3A_128 = arith.constant 0 : i32
      %dma_wait3A_129 = tpu.memref_slice %arg2[%dma_wait3A_127, %dma_wait3A_128] : memref<20000x128xf32, #tpu.memory_space<hbm>> -> memref<20000x128xf32, #tpu.memory_space<hbm>>
      tpu.wait_indirect_dma semaphore(%arg14 : memref<!tpu.dma_semaphore, #tpu.memory_space<semaphore_mem>>) src(%dma_wait3A_129 : memref<20000x128xf32, #tpu.memory_space<hbm>>) dst(%arg11 : memref<80x128xf32, #tpu.memory_space<vmem>>)
      %dma_start3A_130 = arith.constant 0 : i32
      %dma_start3A_131 = arith.constant 9 : i32
      %dma_start3A_132 = arith.constant 0 : i32
      %dma_start3A_133 = tpu.memref_slice %arg9[%dma_start3A_130, %dma_start3A_131, %dma_start3A_132] : memref<2x10x80xi32, #tpu.memory_space<vmem>> -> memref<1x1x80xi32, #tpu.memory_space<vmem>>
      %dma_start3A_134 = tpu.memref_squeeze %dma_start3A_133 : memref<1x1x80xi32, #tpu.memory_space<vmem>> -> memref<80xi32, #tpu.memory_space<vmem>>
      %dma_start3A_135 = arith.constant 0 : i32
      %dma_start3A_136 = arith.constant 0 : i32
      %dma_start3A_137 = tpu.memref_slice %arg12[%dma_start3A_135, %dma_start3A_136] : memref<10000x128xf32, #tpu.memory_space<vmem_shared>> -> memref<10000x128xf32, #tpu.memory_space<vmem_shared>>
      tpu.enqueue_indirect_dma source(%arg11 : memref<80x128xf32, #tpu.memory_space<vmem>>) target(%dma_start3A_137 : memref<10000x128xf32, #tpu.memory_space<vmem_shared>>) offsets(%dma_start3A_134 : memref<80xi32, #tpu.memory_space<vmem>>) semaphore(%arg16 : memref<!tpu.dma_semaphore, #tpu.memory_space<semaphore_mem>>) {add = true}
      %dma_wait3A_138 = arith.constant 0 : i32
      %dma_wait3A_139 = arith.constant 8 : i32
      %dma_wait3A_140 = arith.constant 0 : i32
      %dma_wait3A_141 = tpu.memref_slice %arg9[%dma_wait3A_138, %dma_wait3A_139, %dma_wait3A_140] : memref<2x10x80xi32, #tpu.memory_space<vmem>> -> memref<1x1x80xi32, #tpu.memory_space<vmem>>
      %dma_wait3A_142 = tpu.memref_squeeze %dma_wait3A_141 : memref<1x1x80xi32, #tpu.memory_space<vmem>> -> memref<80xi32, #tpu.memory_space<vmem>>
      %dma_wait3A_143 = arith.constant 0 : i32
      %dma_wait3A_144 = arith.constant 0 : i32
      %dma_wait3A_145 = tpu.memref_slice %arg12[%dma_wait3A_143, %dma_wait3A_144] : memref<10000x128xf32, #tpu.memory_space<vmem_shared>> -> memref<10000x128xf32, #tpu.memory_space<vmem_shared>>
      tpu.wait_indirect_dma semaphore(%arg15 : memref<!tpu.dma_semaphore, #tpu.memory_space<semaphore_mem>>) src(%arg10 : memref<80x128xf32, #tpu.memory_space<vmem>>) dst(%dma_wait3A_145 : memref<10000x128xf32, #tpu.memory_space<vmem_shared>>)
      %dma_wait3A_146 = arith.constant 0 : i32
      %dma_wait3A_147 = arith.constant 9 : i32
      %dma_wait3A_148 = arith.constant 0 : i32
      %dma_wait3A_149 = tpu.memref_slice %arg9[%dma_wait3A_146, %dma_wait3A_147, %dma_wait3A_148] : memref<2x10x80xi32, #tpu.memory_space<vmem>> -> memref<1x1x80xi32, #tpu.memory_space<vmem>>
      %dma_wait3A_150 = tpu.memref_squeeze %dma_wait3A_149 : memref<1x1x80xi32, #tpu.memory_space<vmem>> -> memref<80xi32, #tpu.memory_space<vmem>>
      %dma_wait3A_151 = arith.constant 0 : i32
      %dma_wait3A_152 = arith.constant 0 : i32
      %dma_wait3A_153 = tpu.memref_slice %arg12[%dma_wait3A_151, %dma_wait3A_152] : memref<10000x128xf32, #tpu.memory_space<vmem_shared>> -> memref<10000x128xf32, #tpu.memory_space<vmem_shared>>
      tpu.wait_indirect_dma semaphore(%arg16 : memref<!tpu.dma_semaphore, #tpu.memory_space<semaphore_mem>>) src(%arg11 : memref<80x128xf32, #tpu.memory_space<vmem>>) dst(%dma_wait3A_153 : memref<10000x128xf32, #tpu.memory_space<vmem_shared>>)
    } else {
    }
    %eq3A_53 = arith.constant 1 : i32
    %eq3A_54 = arith.cmpi eq, %arg0, %eq3A_53 : i32
    %convert_element_type3A_55 = arith.extui %eq3A_54 : i1 to i32
    %cond3A_56 = arith.constant 0 : i32
    %cond3A_57 = arith.cmpi ne, %convert_element_type3A_55, %cond3A_56 : i32
    scf.if %cond3A_57 {
      %dma_start3A = arith.constant 0 : i32
      %dma_start3A_83 = arith.constant 0 : i32
      %dma_start3A_84 = arith.constant 0 : i32
      %dma_start3A_85 = tpu.memref_slice %arg8[%dma_start3A, %dma_start3A_83, %dma_start3A_84] : memref<2x10x80xi32, #tpu.memory_space<vmem>> -> memref<1x10x80xi32, #tpu.memory_space<vmem>>
      %dma_start3A_86 = tpu.memref_squeeze %dma_start3A_85 : memref<1x10x80xi32, #tpu.memory_space<vmem>> -> memref<10x80xi32, #tpu.memory_space<vmem>>
      %dma_start3A_87 = arith.constant 0 : i32
      %dma_start3A_88 = arith.constant 0 : i32
      %dma_start3A_89 = tpu.memref_slice %arg5[%arg1, %dma_start3A_87, %dma_start3A_88] : memref<16x250x80xi32, #tpu.memory_space<hbm>> -> memref<1x10x80xi32, #tpu.memory_space<hbm>>
      %dma_start3A_90 = tpu.memref_squeeze %dma_start3A_89 : memref<1x10x80xi32, #tpu.memory_space<hbm>> -> memref<10x80xi32, #tpu.memory_space<hbm>>
      %dma_start3A_91 = arith.constant 0 : i32
      %dma_start3A_92 = arith.constant 0 : i32
      %dma_start3A_93 = tpu.memref_slice %arg8[%dma_start3A, %dma_start3A_91, %dma_start3A_92] : memref<2x10x80xi32, #tpu.memory_space<vmem>> -> memref<1x10x80xi32, #tpu.memory_space<vmem>>
      %dma_start3A_94 = tpu.memref_squeeze %dma_start3A_93 : memref<1x10x80xi32, #tpu.memory_space<vmem>> -> memref<10x80xi32, #tpu.memory_space<vmem>>
      %dma_start3A_95 = arith.constant 0 : i32
      %dma_start3A_96 = arith.constant 0 : i32
      %dma_start3A_97 = tpu.memref_slice %arg5[%arg1, %dma_start3A_95, %dma_start3A_96] : memref<16x250x80xi32, #tpu.memory_space<hbm>> -> memref<1x10x80xi32, #tpu.memory_space<hbm>>
      %dma_start3A_98 = tpu.memref_squeeze %dma_start3A_97 : memref<1x10x80xi32, #tpu.memory_space<hbm>> -> memref<10x80xi32, #tpu.memory_space<hbm>>
      tpu.enqueue_dma source(%dma_start3A_98 : memref<10x80xi32, #tpu.memory_space<hbm>>) target(%dma_start3A_94 : memref<10x80xi32, #tpu.memory_space<vmem>>) target_semaphore(%arg17 : memref<!tpu.dma_semaphore, #tpu.memory_space<semaphore_mem>>)
      %dma_start3A_99 = arith.constant 0 : i32
      %dma_start3A_100 = arith.constant 0 : i32
      %dma_start3A_101 = arith.constant 0 : i32
      %dma_start3A_102 = tpu.memref_slice %arg9[%dma_start3A_99, %dma_start3A_100, %dma_start3A_101] : memref<2x10x80xi32, #tpu.memory_space<vmem>> -> memref<1x10x80xi32, #tpu.memory_space<vmem>>
      %dma_start3A_103 = tpu.memref_squeeze %dma_start3A_102 : memref<1x10x80xi32, #tpu.memory_space<vmem>> -> memref<10x80xi32, #tpu.memory_space<vmem>>
      %dma_start3A_104 = arith.constant 0 : i32
      %dma_start3A_105 = arith.constant 0 : i32
      %dma_start3A_106 = tpu.memref_slice %arg6[%arg1, %dma_start3A_104, %dma_start3A_105] : memref<16x250x80xi32, #tpu.memory_space<hbm>> -> memref<1x10x80xi32, #tpu.memory_space<hbm>>
      %dma_start3A_107 = tpu.memref_squeeze %dma_start3A_106 : memref<1x10x80xi32, #tpu.memory_space<hbm>> -> memref<10x80xi32, #tpu.memory_space<hbm>>
      %dma_start3A_108 = arith.constant 0 : i32
      %dma_start3A_109 = arith.constant 0 : i32
      %dma_start3A_110 = tpu.memref_slice %arg9[%dma_start3A_99, %dma_start3A_108, %dma_start3A_109] : memref<2x10x80xi32, #tpu.memory_space<vmem>> -> memref<1x10x80xi32, #tpu.memory_space<vmem>>
      %dma_start3A_111 = tpu.memref_squeeze %dma_start3A_110 : memref<1x10x80xi32, #tpu.memory_space<vmem>> -> memref<10x80xi32, #tpu.memory_space<vmem>>
      %dma_start3A_112 = arith.constant 0 : i32
      %dma_start3A_113 = arith.constant 0 : i32
      %dma_start3A_114 = tpu.memref_slice %arg6[%arg1, %dma_start3A_112, %dma_start3A_113] : memref<16x250x80xi32, #tpu.memory_space<hbm>> -> memref<1x10x80xi32, #tpu.memory_space<hbm>>
      %dma_start3A_115 = tpu.memref_squeeze %dma_start3A_114 : memref<1x10x80xi32, #tpu.memory_space<hbm>> -> memref<10x80xi32, #tpu.memory_space<hbm>>
      tpu.enqueue_dma source(%dma_start3A_115 : memref<10x80xi32, #tpu.memory_space<hbm>>) target(%dma_start3A_111 : memref<10x80xi32, #tpu.memory_space<vmem>>) target_semaphore(%arg18 : memref<!tpu.dma_semaphore, #tpu.memory_space<semaphore_mem>>)
      %scan3A_116 = arith.constant 0 : i32
      %scan3A_117 = arith.constant 0 : i32
      %scan3A_118 = arith.constant 25 : i32
      %scan3A_119 = arith.addi %scan3A_117, %scan3A_118 : i32
      %scan3A_120 = arith.constant 1 : i32
      %scan3A_121 = scf.for %scan3A_154 = %scan3A_117 to %scan3A_119 step %scan3A_120 iter_args(%scan3A_155 = %scan3A_116) -> (i32)  : i32 {
        %rem3A_156 = arith.constant 2 : i32
        %rem3A_157 = arith.remsi %scan3A_154, %rem3A_156 : i32
        %add3A_158 = arith.constant 1 : i32
        %add3A_159 = arith.addi %scan3A_154, %add3A_158 : i32
        %rem3A_160 = arith.constant 2 : i32
        %rem3A_161 = arith.remsi %add3A_159, %rem3A_160 : i32
        %mul3A = arith.constant 10 : i32
        %mul3A_162 = arith.muli %scan3A_154, %mul3A : i32
        %dma_wait3A_163 = arith.constant 0 : i32
        %dma_wait3A_164 = arith.constant 0 : i32
        %dma_wait3A_165 = tpu.memref_slice %arg8[%rem3A_157, %dma_wait3A_163, %dma_wait3A_164] : memref<2x10x80xi32, #tpu.memory_space<vmem>> -> memref<1x10x80xi32, #tpu.memory_space<vmem>>
        %dma_wait3A_166 = tpu.memref_squeeze %dma_wait3A_165 : memref<1x10x80xi32, #tpu.memory_space<vmem>> -> memref<10x80xi32, #tpu.memory_space<vmem>>
        %dma_wait3A_167 = arith.constant 0 : i32
        %dma_wait3A_168 = tpu.memref_slice %arg5[%arg1, %mul3A_162, %dma_wait3A_167] : memref<16x250x80xi32, #tpu.memory_space<hbm>> -> memref<1x10x80xi32, #tpu.memory_space<hbm>>
        %dma_wait3A_169 = tpu.memref_squeeze %dma_wait3A_168 : memref<1x10x80xi32, #tpu.memory_space<hbm>> -> memref<10x80xi32, #tpu.memory_space<hbm>>
        %dma_wait3A_170 = arith.constant 0 : i32
        %dma_wait3A_171 = arith.constant 0 : i32
        %dma_wait3A_172 = tpu.memref_slice %arg8[%rem3A_157, %dma_wait3A_170, %dma_wait3A_171] : memref<2x10x80xi32, #tpu.memory_space<vmem>> -> memref<1x10x80xi32, #tpu.memory_space<vmem>>
        %dma_wait3A_173 = tpu.memref_squeeze %dma_wait3A_172 : memref<1x10x80xi32, #tpu.memory_space<vmem>> -> memref<10x80xi32, #tpu.memory_space<vmem>>
        %dma_wait3A_174 = arith.constant 0 : i32
        %dma_wait3A_175 = tpu.memref_slice %arg5[%arg1, %mul3A_162, %dma_wait3A_174] : memref<16x250x80xi32, #tpu.memory_space<hbm>> -> memref<1x10x80xi32, #tpu.memory_space<hbm>>
        %dma_wait3A_176 = tpu.memref_squeeze %dma_wait3A_175 : memref<1x10x80xi32, #tpu.memory_space<hbm>> -> memref<10x80xi32, #tpu.memory_space<hbm>>
        tpu.wait_dma2 semaphore(%arg17 : memref<!tpu.dma_semaphore, #tpu.memory_space<semaphore_mem>>) src(%dma_wait3A_176 : memref<10x80xi32, #tpu.memory_space<hbm>>) dst(%dma_wait3A_173 : memref<10x80xi32, #tpu.memory_space<vmem>>)
        %mul3A_177 = arith.constant 10 : i32
        %mul3A_178 = arith.muli %scan3A_154, %mul3A_177 : i32
        %dma_wait3A_179 = arith.constant 0 : i32
        %dma_wait3A_180 = arith.constant 0 : i32
        %dma_wait3A_181 = tpu.memref_slice %arg9[%rem3A_157, %dma_wait3A_179, %dma_wait3A_180] : memref<2x10x80xi32, #tpu.memory_space<vmem>> -> memref<1x10x80xi32, #tpu.memory_space<vmem>>
        %dma_wait3A_182 = tpu.memref_squeeze %dma_wait3A_181 : memref<1x10x80xi32, #tpu.memory_space<vmem>> -> memref<10x80xi32, #tpu.memory_space<vmem>>
        %dma_wait3A_183 = arith.constant 0 : i32
        %dma_wait3A_184 = tpu.memref_slice %arg6[%arg1, %mul3A_178, %dma_wait3A_183] : memref<16x250x80xi32, #tpu.memory_space<hbm>> -> memref<1x10x80xi32, #tpu.memory_space<hbm>>
        %dma_wait3A_185 = tpu.memref_squeeze %dma_wait3A_184 : memref<1x10x80xi32, #tpu.memory_space<hbm>> -> memref<10x80xi32, #tpu.memory_space<hbm>>
        %dma_wait3A_186 = arith.constant 0 : i32
        %dma_wait3A_187 = arith.constant 0 : i32
        %dma_wait3A_188 = tpu.memref_slice %arg9[%rem3A_157, %dma_wait3A_186, %dma_wait3A_187] : memref<2x10x80xi32, #tpu.memory_space<vmem>> -> memref<1x10x80xi32, #tpu.memory_space<vmem>>
        %dma_wait3A_189 = tpu.memref_squeeze %dma_wait3A_188 : memref<1x10x80xi32, #tpu.memory_space<vmem>> -> memref<10x80xi32, #tpu.memory_space<vmem>>
        %dma_wait3A_190 = arith.constant 0 : i32
        %dma_wait3A_191 = tpu.memref_slice %arg6[%arg1, %mul3A_178, %dma_wait3A_190] : memref<16x250x80xi32, #tpu.memory_space<hbm>> -> memref<1x10x80xi32, #tpu.memory_space<hbm>>
        %dma_wait3A_192 = tpu.memref_squeeze %dma_wait3A_191 : memref<1x10x80xi32, #tpu.memory_space<hbm>> -> memref<10x80xi32, #tpu.memory_space<hbm>>
        tpu.wait_dma2 semaphore(%arg18 : memref<!tpu.dma_semaphore, #tpu.memory_space<semaphore_mem>>) src(%dma_wait3A_192 : memref<10x80xi32, #tpu.memory_space<hbm>>) dst(%dma_wait3A_189 : memref<10x80xi32, #tpu.memory_space<vmem>>)
        %gt3A = arith.constant 0 : i32
        %gt3A_193 = arith.cmpi sgt, %scan3A_154, %gt3A : i32
        %convert_element_type3A_194 = arith.extui %gt3A_193 : i1 to i32
        %cond3A_195 = arith.constant 0 : i32
        %cond3A_196 = arith.cmpi ne, %convert_element_type3A_194, %cond3A_195 : i32
        scf.if %cond3A_196 {
          %dma_wait3A_466 = arith.constant 8 : i32
          %dma_wait3A_467 = arith.constant 0 : i32
          %dma_wait3A_468 = tpu.memref_slice %arg9[%rem3A_161, %dma_wait3A_466, %dma_wait3A_467] : memref<2x10x80xi32, #tpu.memory_space<vmem>> -> memref<1x1x80xi32, #tpu.memory_space<vmem>>
          %dma_wait3A_469 = tpu.memref_squeeze %dma_wait3A_468 : memref<1x1x80xi32, #tpu.memory_space<vmem>> -> memref<80xi32, #tpu.memory_space<vmem>>
          %dma_wait3A_470 = arith.constant 0 : i32
          %dma_wait3A_471 = arith.constant 0 : i32
          %dma_wait3A_472 = tpu.memref_slice %arg12[%dma_wait3A_470, %dma_wait3A_471] : memref<10000x128xf32, #tpu.memory_space<vmem_shared>> -> memref<10000x128xf32, #tpu.memory_space<vmem_shared>>
          tpu.wait_indirect_dma semaphore(%arg15 : memref<!tpu.dma_semaphore, #tpu.memory_space<semaphore_mem>>) src(%arg10 : memref<80x128xf32, #tpu.memory_space<vmem>>) dst(%dma_wait3A_472 : memref<10000x128xf32, #tpu.memory_space<vmem_shared>>)
        } else {
        }
        %dma_start3A_197 = arith.constant 0 : i32
        %dma_start3A_198 = arith.constant 0 : i32
        %dma_start3A_199 = tpu.memref_slice %arg8[%rem3A_157, %dma_start3A_197, %dma_start3A_198] : memref<2x10x80xi32, #tpu.memory_space<vmem>> -> memref<1x1x80xi32, #tpu.memory_space<vmem>>
        %dma_start3A_200 = tpu.memref_squeeze %dma_start3A_199 : memref<1x1x80xi32, #tpu.memory_space<vmem>> -> memref<80xi32, #tpu.memory_space<vmem>>
        %dma_start3A_201 = arith.constant 0 : i32
        %dma_start3A_202 = arith.constant 0 : i32
        %dma_start3A_203 = tpu.memref_slice %arg2[%dma_start3A_201, %dma_start3A_202] : memref<20000x128xf32, #tpu.memory_space<hbm>> -> memref<20000x128xf32, #tpu.memory_space<hbm>>
        tpu.enqueue_indirect_dma source(%dma_start3A_203 : memref<20000x128xf32, #tpu.memory_space<hbm>>) target(%arg10 : memref<80x128xf32, #tpu.memory_space<vmem>>) offsets(%dma_start3A_200 : memref<80xi32, #tpu.memory_space<vmem>>) semaphore(%arg13 : memref<!tpu.dma_semaphore, #tpu.memory_space<semaphore_mem>>)
        %gt3A_204 = arith.constant 0 : i32
        %gt3A_205 = arith.cmpi sgt, %scan3A_154, %gt3A_204 : i32
        %convert_element_type3A_206 = arith.extui %gt3A_205 : i1 to i32
        %cond3A_207 = arith.constant 0 : i32
        %cond3A_208 = arith.cmpi ne, %convert_element_type3A_206, %cond3A_207 : i32
        scf.if %cond3A_208 {
          %dma_wait3A_466 = arith.constant 9 : i32
          %dma_wait3A_467 = arith.constant 0 : i32
          %dma_wait3A_468 = tpu.memref_slice %arg8[%rem3A_161, %dma_wait3A_466, %dma_wait3A_467] : memref<2x10x80xi32, #tpu.memory_space<vmem>> -> memref<1x1x80xi32, #tpu.memory_space<vmem>>
          %dma_wait3A_469 = tpu.memref_squeeze %dma_wait3A_468 : memref<1x1x80xi32, #tpu.memory_space<vmem>> -> memref<80xi32, #tpu.memory_space<vmem>>
          %dma_wait3A_470 = arith.constant 0 : i32
          %dma_wait3A_471 = arith.constant 0 : i32
          %dma_wait3A_472 = tpu.memref_slice %arg2[%dma_wait3A_470, %dma_wait3A_471] : memref<20000x128xf32, #tpu.memory_space<hbm>> -> memref<20000x128xf32, #tpu.memory_space<hbm>>
          tpu.wait_indirect_dma semaphore(%arg14 : memref<!tpu.dma_semaphore, #tpu.memory_space<semaphore_mem>>) src(%dma_wait3A_472 : memref<20000x128xf32, #tpu.memory_space<hbm>>) dst(%arg11 : memref<80x128xf32, #tpu.memory_space<vmem>>)
          %dma_start3A_473 = arith.constant 9 : i32
          %dma_start3A_474 = arith.constant 0 : i32
          %dma_start3A_475 = tpu.memref_slice %arg9[%rem3A_161, %dma_start3A_473, %dma_start3A_474] : memref<2x10x80xi32, #tpu.memory_space<vmem>> -> memref<1x1x80xi32, #tpu.memory_space<vmem>>
          %dma_start3A_476 = tpu.memref_squeeze %dma_start3A_475 : memref<1x1x80xi32, #tpu.memory_space<vmem>> -> memref<80xi32, #tpu.memory_space<vmem>>
          %dma_start3A_477 = arith.constant 0 : i32
          %dma_start3A_478 = arith.constant 0 : i32
          %dma_start3A_479 = tpu.memref_slice %arg12[%dma_start3A_477, %dma_start3A_478] : memref<10000x128xf32, #tpu.memory_space<vmem_shared>> -> memref<10000x128xf32, #tpu.memory_space<vmem_shared>>
          tpu.enqueue_indirect_dma source(%arg11 : memref<80x128xf32, #tpu.memory_space<vmem>>) target(%dma_start3A_479 : memref<10000x128xf32, #tpu.memory_space<vmem_shared>>) offsets(%dma_start3A_476 : memref<80xi32, #tpu.memory_space<vmem>>) semaphore(%arg16 : memref<!tpu.dma_semaphore, #tpu.memory_space<semaphore_mem>>) {add = true}
        } else {
        }
        %gt3A_209 = arith.constant 0 : i32
        %gt3A_210 = arith.cmpi sgt, %scan3A_154, %gt3A_209 : i32
        %convert_element_type3A_211 = arith.extui %gt3A_210 : i1 to i32
        %cond3A_212 = arith.constant 0 : i32
        %cond3A_213 = arith.cmpi ne, %convert_element_type3A_211, %cond3A_212 : i32
        scf.if %cond3A_213 {
          %dma_wait3A_466 = arith.constant 9 : i32
          %dma_wait3A_467 = arith.constant 0 : i32
          %dma_wait3A_468 = tpu.memref_slice %arg9[%rem3A_161, %dma_wait3A_466, %dma_wait3A_467] : memref<2x10x80xi32, #tpu.memory_space<vmem>> -> memref<1x1x80xi32, #tpu.memory_space<vmem>>
          %dma_wait3A_469 = tpu.memref_squeeze %dma_wait3A_468 : memref<1x1x80xi32, #tpu.memory_space<vmem>> -> memref<80xi32, #tpu.memory_space<vmem>>
          %dma_wait3A_470 = arith.constant 0 : i32
          %dma_wait3A_471 = arith.constant 0 : i32
          %dma_wait3A_472 = tpu.memref_slice %arg12[%dma_wait3A_470, %dma_wait3A_471] : memref<10000x128xf32, #tpu.memory_space<vmem_shared>> -> memref<10000x128xf32, #tpu.memory_space<vmem_shared>>
          tpu.wait_indirect_dma semaphore(%arg16 : memref<!tpu.dma_semaphore, #tpu.memory_space<semaphore_mem>>) src(%arg11 : memref<80x128xf32, #tpu.memory_space<vmem>>) dst(%dma_wait3A_472 : memref<10000x128xf32, #tpu.memory_space<vmem_shared>>)
        } else {
        }
        %dma_start3A_214 = arith.constant 1 : i32
        %dma_start3A_215 = arith.constant 0 : i32
        %dma_start3A_216 = tpu.memref_slice %arg8[%rem3A_157, %dma_start3A_214, %dma_start3A_215] : memref<2x10x80xi32, #tpu.memory_space<vmem>> -> memref<1x1x80xi32, #tpu.memory_space<vmem>>
        %dma_start3A_217 = tpu.memref_squeeze %dma_start3A_216 : memref<1x1x80xi32, #tpu.memory_space<vmem>> -> memref<80xi32, #tpu.memory_space<vmem>>
        %dma_start3A_218 = arith.constant 0 : i32
        %dma_start3A_219 = arith.constant 0 : i32
        %dma_start3A_220 = tpu.memref_slice %arg2[%dma_start3A_218, %dma_start3A_219] : memref<20000x128xf32, #tpu.memory_space<hbm>> -> memref<20000x128xf32, #tpu.memory_space<hbm>>
        tpu.enqueue_indirect_dma source(%dma_start3A_220 : memref<20000x128xf32, #tpu.memory_space<hbm>>) target(%arg11 : memref<80x128xf32, #tpu.memory_space<vmem>>) offsets(%dma_start3A_217 : memref<80xi32, #tpu.memory_space<vmem>>) semaphore(%arg14 : memref<!tpu.dma_semaphore, #tpu.memory_space<semaphore_mem>>)
        %dma_wait3A_221 = arith.constant 0 : i32
        %dma_wait3A_222 = arith.constant 0 : i32
        %dma_wait3A_223 = tpu.memref_slice %arg8[%rem3A_157, %dma_wait3A_221, %dma_wait3A_222] : memref<2x10x80xi32, #tpu.memory_space<vmem>> -> memref<1x1x80xi32, #tpu.memory_space<vmem>>
        %dma_wait3A_224 = tpu.memref_squeeze %dma_wait3A_223 : memref<1x1x80xi32, #tpu.memory_space<vmem>> -> memref<80xi32, #tpu.memory_space<vmem>>
        %dma_wait3A_225 = arith.constant 0 : i32
        %dma_wait3A_226 = arith.constant 0 : i32
        %dma_wait3A_227 = tpu.memref_slice %arg2[%dma_wait3A_225, %dma_wait3A_226] : memref<20000x128xf32, #tpu.memory_space<hbm>> -> memref<20000x128xf32, #tpu.memory_space<hbm>>
        tpu.wait_indirect_dma semaphore(%arg13 : memref<!tpu.dma_semaphore, #tpu.memory_space<semaphore_mem>>) src(%dma_wait3A_227 : memref<20000x128xf32, #tpu.memory_space<hbm>>) dst(%arg10 : memref<80x128xf32, #tpu.memory_space<vmem>>)
        %dma_start3A_228 = arith.constant 0 : i32
        %dma_start3A_229 = arith.constant 0 : i32
        %dma_start3A_230 = tpu.memref_slice %arg9[%rem3A_157, %dma_start3A_228, %dma_start3A_229] : memref<2x10x80xi32, #tpu.memory_space<vmem>> -> memref<1x1x80xi32, #tpu.memory_space<vmem>>
        %dma_start3A_231 = tpu.memref_squeeze %dma_start3A_230 : memref<1x1x80xi32, #tpu.memory_space<vmem>> -> memref<80xi32, #tpu.memory_space<vmem>>
        %dma_start3A_232 = arith.constant 0 : i32
        %dma_start3A_233 = arith.constant 0 : i32
        %dma_start3A_234 = tpu.memref_slice %arg12[%dma_start3A_232, %dma_start3A_233] : memref<10000x128xf32, #tpu.memory_space<vmem_shared>> -> memref<10000x128xf32, #tpu.memory_space<vmem_shared>>
        tpu.enqueue_indirect_dma source(%arg10 : memref<80x128xf32, #tpu.memory_space<vmem>>) target(%dma_start3A_234 : memref<10000x128xf32, #tpu.memory_space<vmem_shared>>) offsets(%dma_start3A_231 : memref<80xi32, #tpu.memory_space<vmem>>) semaphore(%arg15 : memref<!tpu.dma_semaphore, #tpu.memory_space<semaphore_mem>>) {add = true}
        %dma_wait3A_235 = arith.constant 0 : i32
        %dma_wait3A_236 = arith.constant 0 : i32
        %dma_wait3A_237 = tpu.memref_slice %arg9[%rem3A_157, %dma_wait3A_235, %dma_wait3A_236] : memref<2x10x80xi32, #tpu.memory_space<vmem>> -> memref<1x1x80xi32, #tpu.memory_space<vmem>>
        %dma_wait3A_238 = tpu.memref_squeeze %dma_wait3A_237 : memref<1x1x80xi32, #tpu.memory_space<vmem>> -> memref<80xi32, #tpu.memory_space<vmem>>
        %dma_wait3A_239 = arith.constant 0 : i32
        %dma_wait3A_240 = arith.constant 0 : i32
        %dma_wait3A_241 = tpu.memref_slice %arg12[%dma_wait3A_239, %dma_wait3A_240] : memref<10000x128xf32, #tpu.memory_space<vmem_shared>> -> memref<10000x128xf32, #tpu.memory_space<vmem_shared>>
        tpu.wait_indirect_dma semaphore(%arg15 : memref<!tpu.dma_semaphore, #tpu.memory_space<semaphore_mem>>) src(%arg10 : memref<80x128xf32, #tpu.memory_space<vmem>>) dst(%dma_wait3A_241 : memref<10000x128xf32, #tpu.memory_space<vmem_shared>>)
        %dma_start3A_242 = arith.constant 2 : i32
        %dma_start3A_243 = arith.constant 0 : i32
        %dma_start3A_244 = tpu.memref_slice %arg8[%rem3A_157, %dma_start3A_242, %dma_start3A_243] : memref<2x10x80xi32, #tpu.memory_space<vmem>> -> memref<1x1x80xi32, #tpu.memory_space<vmem>>
        %dma_start3A_245 = tpu.memref_squeeze %dma_start3A_244 : memref<1x1x80xi32, #tpu.memory_space<vmem>> -> memref<80xi32, #tpu.memory_space<vmem>>
        %dma_start3A_246 = arith.constant 0 : i32
        %dma_start3A_247 = arith.constant 0 : i32
        %dma_start3A_248 = tpu.memref_slice %arg2[%dma_start3A_246, %dma_start3A_247] : memref<20000x128xf32, #tpu.memory_space<hbm>> -> memref<20000x128xf32, #tpu.memory_space<hbm>>
        tpu.enqueue_indirect_dma source(%dma_start3A_248 : memref<20000x128xf32, #tpu.memory_space<hbm>>) target(%arg10 : memref<80x128xf32, #tpu.memory_space<vmem>>) offsets(%dma_start3A_245 : memref<80xi32, #tpu.memory_space<vmem>>) semaphore(%arg13 : memref<!tpu.dma_semaphore, #tpu.memory_space<semaphore_mem>>)
        %dma_wait3A_249 = arith.constant 1 : i32
        %dma_wait3A_250 = arith.constant 0 : i32
        %dma_wait3A_251 = tpu.memref_slice %arg8[%rem3A_157, %dma_wait3A_249, %dma_wait3A_250] : memref<2x10x80xi32, #tpu.memory_space<vmem>> -> memref<1x1x80xi32, #tpu.memory_space<vmem>>
        %dma_wait3A_252 = tpu.memref_squeeze %dma_wait3A_251 : memref<1x1x80xi32, #tpu.memory_space<vmem>> -> memref<80xi32, #tpu.memory_space<vmem>>
        %dma_wait3A_253 = arith.constant 0 : i32
        %dma_wait3A_254 = arith.constant 0 : i32
        %dma_wait3A_255 = tpu.memref_slice %arg2[%dma_wait3A_253, %dma_wait3A_254] : memref<20000x128xf32, #tpu.memory_space<hbm>> -> memref<20000x128xf32, #tpu.memory_space<hbm>>
        tpu.wait_indirect_dma semaphore(%arg14 : memref<!tpu.dma_semaphore, #tpu.memory_space<semaphore_mem>>) src(%dma_wait3A_255 : memref<20000x128xf32, #tpu.memory_space<hbm>>) dst(%arg11 : memref<80x128xf32, #tpu.memory_space<vmem>>)
        %dma_start3A_256 = arith.constant 1 : i32
        %dma_start3A_257 = arith.constant 0 : i32
        %dma_start3A_258 = tpu.memref_slice %arg9[%rem3A_157, %dma_start3A_256, %dma_start3A_257] : memref<2x10x80xi32, #tpu.memory_space<vmem>> -> memref<1x1x80xi32, #tpu.memory_space<vmem>>
        %dma_start3A_259 = tpu.memref_squeeze %dma_start3A_258 : memref<1x1x80xi32, #tpu.memory_space<vmem>> -> memref<80xi32, #tpu.memory_space<vmem>>
        %dma_start3A_260 = arith.constant 0 : i32
        %dma_start3A_261 = arith.constant 0 : i32
        %dma_start3A_262 = tpu.memref_slice %arg12[%dma_start3A_260, %dma_start3A_261] : memref<10000x128xf32, #tpu.memory_space<vmem_shared>> -> memref<10000x128xf32, #tpu.memory_space<vmem_shared>>
        tpu.enqueue_indirect_dma source(%arg11 : memref<80x128xf32, #tpu.memory_space<vmem>>) target(%dma_start3A_262 : memref<10000x128xf32, #tpu.memory_space<vmem_shared>>) offsets(%dma_start3A_259 : memref<80xi32, #tpu.memory_space<vmem>>) semaphore(%arg16 : memref<!tpu.dma_semaphore, #tpu.memory_space<semaphore_mem>>) {add = true}
        %dma_wait3A_263 = arith.constant 1 : i32
        %dma_wait3A_264 = arith.constant 0 : i32
        %dma_wait3A_265 = tpu.memref_slice %arg9[%rem3A_157, %dma_wait3A_263, %dma_wait3A_264] : memref<2x10x80xi32, #tpu.memory_space<vmem>> -> memref<1x1x80xi32, #tpu.memory_space<vmem>>
        %dma_wait3A_266 = tpu.memref_squeeze %dma_wait3A_265 : memref<1x1x80xi32, #tpu.memory_space<vmem>> -> memref<80xi32, #tpu.memory_space<vmem>>
        %dma_wait3A_267 = arith.constant 0 : i32
        %dma_wait3A_268 = arith.constant 0 : i32
        %dma_wait3A_269 = tpu.memref_slice %arg12[%dma_wait3A_267, %dma_wait3A_268] : memref<10000x128xf32, #tpu.memory_space<vmem_shared>> -> memref<10000x128xf32, #tpu.memory_space<vmem_shared>>
        tpu.wait_indirect_dma semaphore(%arg16 : memref<!tpu.dma_semaphore, #tpu.memory_space<semaphore_mem>>) src(%arg11 : memref<80x128xf32, #tpu.memory_space<vmem>>) dst(%dma_wait3A_269 : memref<10000x128xf32, #tpu.memory_space<vmem_shared>>)
        %dma_start3A_270 = arith.constant 3 : i32
        %dma_start3A_271 = arith.constant 0 : i32
        %dma_start3A_272 = tpu.memref_slice %arg8[%rem3A_157, %dma_start3A_270, %dma_start3A_271] : memref<2x10x80xi32, #tpu.memory_space<vmem>> -> memref<1x1x80xi32, #tpu.memory_space<vmem>>
        %dma_start3A_273 = tpu.memref_squeeze %dma_start3A_272 : memref<1x1x80xi32, #tpu.memory_space<vmem>> -> memref<80xi32, #tpu.memory_space<vmem>>
        %dma_start3A_274 = arith.constant 0 : i32
        %dma_start3A_275 = arith.constant 0 : i32
        %dma_start3A_276 = tpu.memref_slice %arg2[%dma_start3A_274, %dma_start3A_275] : memref<20000x128xf32, #tpu.memory_space<hbm>> -> memref<20000x128xf32, #tpu.memory_space<hbm>>
        tpu.enqueue_indirect_dma source(%dma_start3A_276 : memref<20000x128xf32, #tpu.memory_space<hbm>>) target(%arg11 : memref<80x128xf32, #tpu.memory_space<vmem>>) offsets(%dma_start3A_273 : memref<80xi32, #tpu.memory_space<vmem>>) semaphore(%arg14 : memref<!tpu.dma_semaphore, #tpu.memory_space<semaphore_mem>>)
        %add3A_277 = arith.constant 1 : i32
        %add3A_278 = arith.addi %scan3A_154, %add3A_277 : i32
        %lt3A = arith.constant 25 : i32
        %lt3A_279 = arith.cmpi slt, %add3A_278, %lt3A : i32
        %convert_element_type3A_280 = arith.extui %lt3A_279 : i1 to i32
        %cond3A_281 = arith.constant 0 : i32
        %cond3A_282 = arith.cmpi ne, %convert_element_type3A_280, %cond3A_281 : i32
        scf.if %cond3A_282 {
          %add3A_466 = arith.constant 1 : i32
          %add3A_467 = arith.addi %scan3A_154, %add3A_466 : i32
          %mul3A_468 = arith.constant 10 : i32
          %mul3A_469 = arith.muli %add3A_467, %mul3A_468 : i32
          %dma_start3A_470 = arith.constant 0 : i32
          %dma_start3A_471 = arith.constant 0 : i32
          %dma_start3A_472 = tpu.memref_slice %arg8[%rem3A_161, %dma_start3A_470, %dma_start3A_471] : memref<2x10x80xi32, #tpu.memory_space<vmem>> -> memref<1x10x80xi32, #tpu.memory_space<vmem>>
          %dma_start3A_473 = tpu.memref_squeeze %dma_start3A_472 : memref<1x10x80xi32, #tpu.memory_space<vmem>> -> memref<10x80xi32, #tpu.memory_space<vmem>>
          %dma_start3A_474 = arith.constant 0 : i32
          %dma_start3A_475 = tpu.memref_slice %arg5[%arg1, %mul3A_469, %dma_start3A_474] : memref<16x250x80xi32, #tpu.memory_space<hbm>> -> memref<1x10x80xi32, #tpu.memory_space<hbm>>
          %dma_start3A_476 = tpu.memref_squeeze %dma_start3A_475 : memref<1x10x80xi32, #tpu.memory_space<hbm>> -> memref<10x80xi32, #tpu.memory_space<hbm>>
          %dma_start3A_477 = arith.constant 0 : i32
          %dma_start3A_478 = arith.constant 0 : i32
          %dma_start3A_479 = tpu.memref_slice %arg8[%rem3A_161, %dma_start3A_477, %dma_start3A_478] : memref<2x10x80xi32, #tpu.memory_space<vmem>> -> memref<1x10x80xi32, #tpu.memory_space<vmem>>
          %dma_start3A_480 = tpu.memref_squeeze %dma_start3A_479 : memref<1x10x80xi32, #tpu.memory_space<vmem>> -> memref<10x80xi32, #tpu.memory_space<vmem>>
          %dma_start3A_481 = arith.constant 0 : i32
          %dma_start3A_482 = tpu.memref_slice %arg5[%arg1, %mul3A_469, %dma_start3A_481] : memref<16x250x80xi32, #tpu.memory_space<hbm>> -> memref<1x10x80xi32, #tpu.memory_space<hbm>>
          %dma_start3A_483 = tpu.memref_squeeze %dma_start3A_482 : memref<1x10x80xi32, #tpu.memory_space<hbm>> -> memref<10x80xi32, #tpu.memory_space<hbm>>
          tpu.enqueue_dma source(%dma_start3A_483 : memref<10x80xi32, #tpu.memory_space<hbm>>) target(%dma_start3A_480 : memref<10x80xi32, #tpu.memory_space<vmem>>) target_semaphore(%arg17 : memref<!tpu.dma_semaphore, #tpu.memory_space<semaphore_mem>>)
          %add3A_484 = arith.constant 1 : i32
          %add3A_485 = arith.addi %scan3A_154, %add3A_484 : i32
          %mul3A_486 = arith.constant 10 : i32
          %mul3A_487 = arith.muli %add3A_485, %mul3A_486 : i32
          %dma_start3A_488 = arith.constant 0 : i32
          %dma_start3A_489 = arith.constant 0 : i32
          %dma_start3A_490 = tpu.memref_slice %arg9[%rem3A_161, %dma_start3A_488, %dma_start3A_489] : memref<2x10x80xi32, #tpu.memory_space<vmem>> -> memref<1x10x80xi32, #tpu.memory_space<vmem>>
          %dma_start3A_491 = tpu.memref_squeeze %dma_start3A_490 : memref<1x10x80xi32, #tpu.memory_space<vmem>> -> memref<10x80xi32, #tpu.memory_space<vmem>>
          %dma_start3A_492 = arith.constant 0 : i32
          %dma_start3A_493 = tpu.memref_slice %arg6[%arg1, %mul3A_487, %dma_start3A_492] : memref<16x250x80xi32, #tpu.memory_space<hbm>> -> memref<1x10x80xi32, #tpu.memory_space<hbm>>
          %dma_start3A_494 = tpu.memref_squeeze %dma_start3A_493 : memref<1x10x80xi32, #tpu.memory_space<hbm>> -> memref<10x80xi32, #tpu.memory_space<hbm>>
          %dma_start3A_495 = arith.constant 0 : i32
          %dma_start3A_496 = arith.constant 0 : i32
          %dma_start3A_497 = tpu.memref_slice %arg9[%rem3A_161, %dma_start3A_495, %dma_start3A_496] : memref<2x10x80xi32, #tpu.memory_space<vmem>> -> memref<1x10x80xi32, #tpu.memory_space<vmem>>
          %dma_start3A_498 = tpu.memref_squeeze %dma_start3A_497 : memref<1x10x80xi32, #tpu.memory_space<vmem>> -> memref<10x80xi32, #tpu.memory_space<vmem>>
          %dma_start3A_499 = arith.constant 0 : i32
          %dma_start3A_500 = tpu.memref_slice %arg6[%arg1, %mul3A_487, %dma_start3A_499] : memref<16x250x80xi32, #tpu.memory_space<hbm>> -> memref<1x10x80xi32, #tpu.memory_space<hbm>>
          %dma_start3A_501 = tpu.memref_squeeze %dma_start3A_500 : memref<1x10x80xi32, #tpu.memory_space<hbm>> -> memref<10x80xi32, #tpu.memory_space<hbm>>
          tpu.enqueue_dma source(%dma_start3A_501 : memref<10x80xi32, #tpu.memory_space<hbm>>) target(%dma_start3A_498 : memref<10x80xi32, #tpu.memory_space<vmem>>) target_semaphore(%arg18 : memref<!tpu.dma_semaphore, #tpu.memory_space<semaphore_mem>>)
        } else {
        }
        %dma_wait3A_283 = arith.constant 2 : i32
        %dma_wait3A_284 = arith.constant 0 : i32
        %dma_wait3A_285 = tpu.memref_slice %arg8[%rem3A_157, %dma_wait3A_283, %dma_wait3A_284] : memref<2x10x80xi32, #tpu.memory_space<vmem>> -> memref<1x1x80xi32, #tpu.memory_space<vmem>>
        %dma_wait3A_286 = tpu.memref_squeeze %dma_wait3A_285 : memref<1x1x80xi32, #tpu.memory_space<vmem>> -> memref<80xi32, #tpu.memory_space<vmem>>
        %dma_wait3A_287 = arith.constant 0 : i32
        %dma_wait3A_288 = arith.constant 0 : i32
        %dma_wait3A_289 = tpu.memref_slice %arg2[%dma_wait3A_287, %dma_wait3A_288] : memref<20000x128xf32, #tpu.memory_space<hbm>> -> memref<20000x128xf32, #tpu.memory_space<hbm>>
        tpu.wait_indirect_dma semaphore(%arg13 : memref<!tpu.dma_semaphore, #tpu.memory_space<semaphore_mem>>) src(%dma_wait3A_289 : memref<20000x128xf32, #tpu.memory_space<hbm>>) dst(%arg10 : memref<80x128xf32, #tpu.memory_space<vmem>>)
        %dma_start3A_290 = arith.constant 2 : i32
        %dma_start3A_291 = arith.constant 0 : i32
        %dma_start3A_292 = tpu.memref_slice %arg9[%rem3A_157, %dma_start3A_290, %dma_start3A_291] : memref<2x10x80xi32, #tpu.memory_space<vmem>> -> memref<1x1x80xi32, #tpu.memory_space<vmem>>
        %dma_start3A_293 = tpu.memref_squeeze %dma_start3A_292 : memref<1x1x80xi32, #tpu.memory_space<vmem>> -> memref<80xi32, #tpu.memory_space<vmem>>
        %dma_start3A_294 = arith.constant 0 : i32
        %dma_start3A_295 = arith.constant 0 : i32
        %dma_start3A_296 = tpu.memref_slice %arg12[%dma_start3A_294, %dma_start3A_295] : memref<10000x128xf32, #tpu.memory_space<vmem_shared>> -> memref<10000x128xf32, #tpu.memory_space<vmem_shared>>
        tpu.enqueue_indirect_dma source(%arg10 : memref<80x128xf32, #tpu.memory_space<vmem>>) target(%dma_start3A_296 : memref<10000x128xf32, #tpu.memory_space<vmem_shared>>) offsets(%dma_start3A_293 : memref<80xi32, #tpu.memory_space<vmem>>) semaphore(%arg15 : memref<!tpu.dma_semaphore, #tpu.memory_space<semaphore_mem>>) {add = true}
        %dma_wait3A_297 = arith.constant 2 : i32
        %dma_wait3A_298 = arith.constant 0 : i32
        %dma_wait3A_299 = tpu.memref_slice %arg9[%rem3A_157, %dma_wait3A_297, %dma_wait3A_298] : memref<2x10x80xi32, #tpu.memory_space<vmem>> -> memref<1x1x80xi32, #tpu.memory_space<vmem>>
        %dma_wait3A_300 = tpu.memref_squeeze %dma_wait3A_299 : memref<1x1x80xi32, #tpu.memory_space<vmem>> -> memref<80xi32, #tpu.memory_space<vmem>>
        %dma_wait3A_301 = arith.constant 0 : i32
        %dma_wait3A_302 = arith.constant 0 : i32
        %dma_wait3A_303 = tpu.memref_slice %arg12[%dma_wait3A_301, %dma_wait3A_302] : memref<10000x128xf32, #tpu.memory_space<vmem_shared>> -> memref<10000x128xf32, #tpu.memory_space<vmem_shared>>
        tpu.wait_indirect_dma semaphore(%arg15 : memref<!tpu.dma_semaphore, #tpu.memory_space<semaphore_mem>>) src(%arg10 : memref<80x128xf32, #tpu.memory_space<vmem>>) dst(%dma_wait3A_303 : memref<10000x128xf32, #tpu.memory_space<vmem_shared>>)
        %dma_start3A_304 = arith.constant 4 : i32
        %dma_start3A_305 = arith.constant 0 : i32
        %dma_start3A_306 = tpu.memref_slice %arg8[%rem3A_157, %dma_start3A_304, %dma_start3A_305] : memref<2x10x80xi32, #tpu.memory_space<vmem>> -> memref<1x1x80xi32, #tpu.memory_space<vmem>>
        %dma_start3A_307 = tpu.memref_squeeze %dma_start3A_306 : memref<1x1x80xi32, #tpu.memory_space<vmem>> -> memref<80xi32, #tpu.memory_space<vmem>>
        %dma_start3A_308 = arith.constant 0 : i32
        %dma_start3A_309 = arith.constant 0 : i32
        %dma_start3A_310 = tpu.memref_slice %arg2[%dma_start3A_308, %dma_start3A_309] : memref<20000x128xf32, #tpu.memory_space<hbm>> -> memref<20000x128xf32, #tpu.memory_space<hbm>>
        tpu.enqueue_indirect_dma source(%dma_start3A_310 : memref<20000x128xf32, #tpu.memory_space<hbm>>) target(%arg10 : memref<80x128xf32, #tpu.memory_space<vmem>>) offsets(%dma_start3A_307 : memref<80xi32, #tpu.memory_space<vmem>>) semaphore(%arg13 : memref<!tpu.dma_semaphore, #tpu.memory_space<semaphore_mem>>)
        %dma_wait3A_311 = arith.constant 3 : i32
        %dma_wait3A_312 = arith.constant 0 : i32
        %dma_wait3A_313 = tpu.memref_slice %arg8[%rem3A_157, %dma_wait3A_311, %dma_wait3A_312] : memref<2x10x80xi32, #tpu.memory_space<vmem>> -> memref<1x1x80xi32, #tpu.memory_space<vmem>>
        %dma_wait3A_314 = tpu.memref_squeeze %dma_wait3A_313 : memref<1x1x80xi32, #tpu.memory_space<vmem>> -> memref<80xi32, #tpu.memory_space<vmem>>
        %dma_wait3A_315 = arith.constant 0 : i32
        %dma_wait3A_316 = arith.constant 0 : i32
        %dma_wait3A_317 = tpu.memref_slice %arg2[%dma_wait3A_315, %dma_wait3A_316] : memref<20000x128xf32, #tpu.memory_space<hbm>> -> memref<20000x128xf32, #tpu.memory_space<hbm>>
        tpu.wait_indirect_dma semaphore(%arg14 : memref<!tpu.dma_semaphore, #tpu.memory_space<semaphore_mem>>) src(%dma_wait3A_317 : memref<20000x128xf32, #tpu.memory_space<hbm>>) dst(%arg11 : memref<80x128xf32, #tpu.memory_space<vmem>>)
        %dma_start3A_318 = arith.constant 3 : i32
        %dma_start3A_319 = arith.constant 0 : i32
        %dma_start3A_320 = tpu.memref_slice %arg9[%rem3A_157, %dma_start3A_318, %dma_start3A_319] : memref<2x10x80xi32, #tpu.memory_space<vmem>> -> memref<1x1x80xi32, #tpu.memory_space<vmem>>
        %dma_start3A_321 = tpu.memref_squeeze %dma_start3A_320 : memref<1x1x80xi32, #tpu.memory_space<vmem>> -> memref<80xi32, #tpu.memory_space<vmem>>
        %dma_start3A_322 = arith.constant 0 : i32
        %dma_start3A_323 = arith.constant 0 : i32
        %dma_start3A_324 = tpu.memref_slice %arg12[%dma_start3A_322, %dma_start3A_323] : memref<10000x128xf32, #tpu.memory_space<vmem_shared>> -> memref<10000x128xf32, #tpu.memory_space<vmem_shared>>
        tpu.enqueue_indirect_dma source(%arg11 : memref<80x128xf32, #tpu.memory_space<vmem>>) target(%dma_start3A_324 : memref<10000x128xf32, #tpu.memory_space<vmem_shared>>) offsets(%dma_start3A_321 : memref<80xi32, #tpu.memory_space<vmem>>) semaphore(%arg16 : memref<!tpu.dma_semaphore, #tpu.memory_space<semaphore_mem>>) {add = true}
        %dma_wait3A_325 = arith.constant 3 : i32
        %dma_wait3A_326 = arith.constant 0 : i32
        %dma_wait3A_327 = tpu.memref_slice %arg9[%rem3A_157, %dma_wait3A_325, %dma_wait3A_326] : memref<2x10x80xi32, #tpu.memory_space<vmem>> -> memref<1x1x80xi32, #tpu.memory_space<vmem>>
        %dma_wait3A_328 = tpu.memref_squeeze %dma_wait3A_327 : memref<1x1x80xi32, #tpu.memory_space<vmem>> -> memref<80xi32, #tpu.memory_space<vmem>>
        %dma_wait3A_329 = arith.constant 0 : i32
        %dma_wait3A_330 = arith.constant 0 : i32
        %dma_wait3A_331 = tpu.memref_slice %arg12[%dma_wait3A_329, %dma_wait3A_330] : memref<10000x128xf32, #tpu.memory_space<vmem_shared>> -> memref<10000x128xf32, #tpu.memory_space<vmem_shared>>
        tpu.wait_indirect_dma semaphore(%arg16 : memref<!tpu.dma_semaphore, #tpu.memory_space<semaphore_mem>>) src(%arg11 : memref<80x128xf32, #tpu.memory_space<vmem>>) dst(%dma_wait3A_331 : memref<10000x128xf32, #tpu.memory_space<vmem_shared>>)
        %dma_start3A_332 = arith.constant 5 : i32
        %dma_start3A_333 = arith.constant 0 : i32
        %dma_start3A_334 = tpu.memref_slice %arg8[%rem3A_157, %dma_start3A_332, %dma_start3A_333] : memref<2x10x80xi32, #tpu.memory_space<vmem>> -> memref<1x1x80xi32, #tpu.memory_space<vmem>>
        %dma_start3A_335 = tpu.memref_squeeze %dma_start3A_334 : memref<1x1x80xi32, #tpu.memory_space<vmem>> -> memref<80xi32, #tpu.memory_space<vmem>>
        %dma_start3A_336 = arith.constant 0 : i32
        %dma_start3A_337 = arith.constant 0 : i32
        %dma_start3A_338 = tpu.memref_slice %arg2[%dma_start3A_336, %dma_start3A_337] : memref<20000x128xf32, #tpu.memory_space<hbm>> -> memref<20000x128xf32, #tpu.memory_space<hbm>>
        tpu.enqueue_indirect_dma source(%dma_start3A_338 : memref<20000x128xf32, #tpu.memory_space<hbm>>) target(%arg11 : memref<80x128xf32, #tpu.memory_space<vmem>>) offsets(%dma_start3A_335 : memref<80xi32, #tpu.memory_space<vmem>>) semaphore(%arg14 : memref<!tpu.dma_semaphore, #tpu.memory_space<semaphore_mem>>)
        %dma_wait3A_339 = arith.constant 4 : i32
        %dma_wait3A_340 = arith.constant 0 : i32
        %dma_wait3A_341 = tpu.memref_slice %arg8[%rem3A_157, %dma_wait3A_339, %dma_wait3A_340] : memref<2x10x80xi32, #tpu.memory_space<vmem>> -> memref<1x1x80xi32, #tpu.memory_space<vmem>>
        %dma_wait3A_342 = tpu.memref_squeeze %dma_wait3A_341 : memref<1x1x80xi32, #tpu.memory_space<vmem>> -> memref<80xi32, #tpu.memory_space<vmem>>
        %dma_wait3A_343 = arith.constant 0 : i32
        %dma_wait3A_344 = arith.constant 0 : i32
        %dma_wait3A_345 = tpu.memref_slice %arg2[%dma_wait3A_343, %dma_wait3A_344] : memref<20000x128xf32, #tpu.memory_space<hbm>> -> memref<20000x128xf32, #tpu.memory_space<hbm>>
        tpu.wait_indirect_dma semaphore(%arg13 : memref<!tpu.dma_semaphore, #tpu.memory_space<semaphore_mem>>) src(%dma_wait3A_345 : memref<20000x128xf32, #tpu.memory_space<hbm>>) dst(%arg10 : memref<80x128xf32, #tpu.memory_space<vmem>>)
        %dma_start3A_346 = arith.constant 4 : i32
        %dma_start3A_347 = arith.constant 0 : i32
        %dma_start3A_348 = tpu.memref_slice %arg9[%rem3A_157, %dma_start3A_346, %dma_start3A_347] : memref<2x10x80xi32, #tpu.memory_space<vmem>> -> memref<1x1x80xi32, #tpu.memory_space<vmem>>
        %dma_start3A_349 = tpu.memref_squeeze %dma_start3A_348 : memref<1x1x80xi32, #tpu.memory_space<vmem>> -> memref<80xi32, #tpu.memory_space<vmem>>
        %dma_start3A_350 = arith.constant 0 : i32
        %dma_start3A_351 = arith.constant 0 : i32
        %dma_start3A_352 = tpu.memref_slice %arg12[%dma_start3A_350, %dma_start3A_351] : memref<10000x128xf32, #tpu.memory_space<vmem_shared>> -> memref<10000x128xf32, #tpu.memory_space<vmem_shared>>
        tpu.enqueue_indirect_dma source(%arg10 : memref<80x128xf32, #tpu.memory_space<vmem>>) target(%dma_start3A_352 : memref<10000x128xf32, #tpu.memory_space<vmem_shared>>) offsets(%dma_start3A_349 : memref<80xi32, #tpu.memory_space<vmem>>) semaphore(%arg15 : memref<!tpu.dma_semaphore, #tpu.memory_space<semaphore_mem>>) {add = true}
        %dma_wait3A_353 = arith.constant 4 : i32
        %dma_wait3A_354 = arith.constant 0 : i32
        %dma_wait3A_355 = tpu.memref_slice %arg9[%rem3A_157, %dma_wait3A_353, %dma_wait3A_354] : memref<2x10x80xi32, #tpu.memory_space<vmem>> -> memref<1x1x80xi32, #tpu.memory_space<vmem>>
        %dma_wait3A_356 = tpu.memref_squeeze %dma_wait3A_355 : memref<1x1x80xi32, #tpu.memory_space<vmem>> -> memref<80xi32, #tpu.memory_space<vmem>>
        %dma_wait3A_357 = arith.constant 0 : i32
        %dma_wait3A_358 = arith.constant 0 : i32
        %dma_wait3A_359 = tpu.memref_slice %arg12[%dma_wait3A_357, %dma_wait3A_358] : memref<10000x128xf32, #tpu.memory_space<vmem_shared>> -> memref<10000x128xf32, #tpu.memory_space<vmem_shared>>
        tpu.wait_indirect_dma semaphore(%arg15 : memref<!tpu.dma_semaphore, #tpu.memory_space<semaphore_mem>>) src(%arg10 : memref<80x128xf32, #tpu.memory_space<vmem>>) dst(%dma_wait3A_359 : memref<10000x128xf32, #tpu.memory_space<vmem_shared>>)
        %dma_start3A_360 = arith.constant 6 : i32
        %dma_start3A_361 = arith.constant 0 : i32
        %dma_start3A_362 = tpu.memref_slice %arg8[%rem3A_157, %dma_start3A_360, %dma_start3A_361] : memref<2x10x80xi32, #tpu.memory_space<vmem>> -> memref<1x1x80xi32, #tpu.memory_space<vmem>>
        %dma_start3A_363 = tpu.memref_squeeze %dma_start3A_362 : memref<1x1x80xi32, #tpu.memory_space<vmem>> -> memref<80xi32, #tpu.memory_space<vmem>>
        %dma_start3A_364 = arith.constant 0 : i32
        %dma_start3A_365 = arith.constant 0 : i32
        %dma_start3A_366 = tpu.memref_slice %arg2[%dma_start3A_364, %dma_start3A_365] : memref<20000x128xf32, #tpu.memory_space<hbm>> -> memref<20000x128xf32, #tpu.memory_space<hbm>>
        tpu.enqueue_indirect_dma source(%dma_start3A_366 : memref<20000x128xf32, #tpu.memory_space<hbm>>) target(%arg10 : memref<80x128xf32, #tpu.memory_space<vmem>>) offsets(%dma_start3A_363 : memref<80xi32, #tpu.memory_space<vmem>>) semaphore(%arg13 : memref<!tpu.dma_semaphore, #tpu.memory_space<semaphore_mem>>)
        %dma_wait3A_367 = arith.constant 5 : i32
        %dma_wait3A_368 = arith.constant 0 : i32
        %dma_wait3A_369 = tpu.memref_slice %arg8[%rem3A_157, %dma_wait3A_367, %dma_wait3A_368] : memref<2x10x80xi32, #tpu.memory_space<vmem>> -> memref<1x1x80xi32, #tpu.memory_space<vmem>>
        %dma_wait3A_370 = tpu.memref_squeeze %dma_wait3A_369 : memref<1x1x80xi32, #tpu.memory_space<vmem>> -> memref<80xi32, #tpu.memory_space<vmem>>
        %dma_wait3A_371 = arith.constant 0 : i32
        %dma_wait3A_372 = arith.constant 0 : i32
        %dma_wait3A_373 = tpu.memref_slice %arg2[%dma_wait3A_371, %dma_wait3A_372] : memref<20000x128xf32, #tpu.memory_space<hbm>> -> memref<20000x128xf32, #tpu.memory_space<hbm>>
        tpu.wait_indirect_dma semaphore(%arg14 : memref<!tpu.dma_semaphore, #tpu.memory_space<semaphore_mem>>) src(%dma_wait3A_373 : memref<20000x128xf32, #tpu.memory_space<hbm>>) dst(%arg11 : memref<80x128xf32, #tpu.memory_space<vmem>>)
        %dma_start3A_374 = arith.constant 5 : i32
        %dma_start3A_375 = arith.constant 0 : i32
        %dma_start3A_376 = tpu.memref_slice %arg9[%rem3A_157, %dma_start3A_374, %dma_start3A_375] : memref<2x10x80xi32, #tpu.memory_space<vmem>> -> memref<1x1x80xi32, #tpu.memory_space<vmem>>
        %dma_start3A_377 = tpu.memref_squeeze %dma_start3A_376 : memref<1x1x80xi32, #tpu.memory_space<vmem>> -> memref<80xi32, #tpu.memory_space<vmem>>
        %dma_start3A_378 = arith.constant 0 : i32
        %dma_start3A_379 = arith.constant 0 : i32
        %dma_start3A_380 = tpu.memref_slice %arg12[%dma_start3A_378, %dma_start3A_379] : memref<10000x128xf32, #tpu.memory_space<vmem_shared>> -> memref<10000x128xf32, #tpu.memory_space<vmem_shared>>
        tpu.enqueue_indirect_dma source(%arg11 : memref<80x128xf32, #tpu.memory_space<vmem>>) target(%dma_start3A_380 : memref<10000x128xf32, #tpu.memory_space<vmem_shared>>) offsets(%dma_start3A_377 : memref<80xi32, #tpu.memory_space<vmem>>) semaphore(%arg16 : memref<!tpu.dma_semaphore, #tpu.memory_space<semaphore_mem>>) {add = true}
        %dma_wait3A_381 = arith.constant 5 : i32
        %dma_wait3A_382 = arith.constant 0 : i32
        %dma_wait3A_383 = tpu.memref_slice %arg9[%rem3A_157, %dma_wait3A_381, %dma_wait3A_382] : memref<2x10x80xi32, #tpu.memory_space<vmem>> -> memref<1x1x80xi32, #tpu.memory_space<vmem>>
        %dma_wait3A_384 = tpu.memref_squeeze %dma_wait3A_383 : memref<1x1x80xi32, #tpu.memory_space<vmem>> -> memref<80xi32, #tpu.memory_space<vmem>>
        %dma_wait3A_385 = arith.constant 0 : i32
        %dma_wait3A_386 = arith.constant 0 : i32
        %dma_wait3A_387 = tpu.memref_slice %arg12[%dma_wait3A_385, %dma_wait3A_386] : memref<10000x128xf32, #tpu.memory_space<vmem_shared>> -> memref<10000x128xf32, #tpu.memory_space<vmem_shared>>
        tpu.wait_indirect_dma semaphore(%arg16 : memref<!tpu.dma_semaphore, #tpu.memory_space<semaphore_mem>>) src(%arg11 : memref<80x128xf32, #tpu.memory_space<vmem>>) dst(%dma_wait3A_387 : memref<10000x128xf32, #tpu.memory_space<vmem_shared>>)
        %dma_start3A_388 = arith.constant 7 : i32
        %dma_start3A_389 = arith.constant 0 : i32
        %dma_start3A_390 = tpu.memref_slice %arg8[%rem3A_157, %dma_start3A_388, %dma_start3A_389] : memref<2x10x80xi32, #tpu.memory_space<vmem>> -> memref<1x1x80xi32, #tpu.memory_space<vmem>>
        %dma_start3A_391 = tpu.memref_squeeze %dma_start3A_390 : memref<1x1x80xi32, #tpu.memory_space<vmem>> -> memref<80xi32, #tpu.memory_space<vmem>>
        %dma_start3A_392 = arith.constant 0 : i32
        %dma_start3A_393 = arith.constant 0 : i32
        %dma_start3A_394 = tpu.memref_slice %arg2[%dma_start3A_392, %dma_start3A_393] : memref<20000x128xf32, #tpu.memory_space<hbm>> -> memref<20000x128xf32, #tpu.memory_space<hbm>>
        tpu.enqueue_indirect_dma source(%dma_start3A_394 : memref<20000x128xf32, #tpu.memory_space<hbm>>) target(%arg11 : memref<80x128xf32, #tpu.memory_space<vmem>>) offsets(%dma_start3A_391 : memref<80xi32, #tpu.memory_space<vmem>>) semaphore(%arg14 : memref<!tpu.dma_semaphore, #tpu.memory_space<semaphore_mem>>)
        %dma_wait3A_395 = arith.constant 6 : i32
        %dma_wait3A_396 = arith.constant 0 : i32
        %dma_wait3A_397 = tpu.memref_slice %arg8[%rem3A_157, %dma_wait3A_395, %dma_wait3A_396] : memref<2x10x80xi32, #tpu.memory_space<vmem>> -> memref<1x1x80xi32, #tpu.memory_space<vmem>>
        %dma_wait3A_398 = tpu.memref_squeeze %dma_wait3A_397 : memref<1x1x80xi32, #tpu.memory_space<vmem>> -> memref<80xi32, #tpu.memory_space<vmem>>
        %dma_wait3A_399 = arith.constant 0 : i32
        %dma_wait3A_400 = arith.constant 0 : i32
        %dma_wait3A_401 = tpu.memref_slice %arg2[%dma_wait3A_399, %dma_wait3A_400] : memref<20000x128xf32, #tpu.memory_space<hbm>> -> memref<20000x128xf32, #tpu.memory_space<hbm>>
        tpu.wait_indirect_dma semaphore(%arg13 : memref<!tpu.dma_semaphore, #tpu.memory_space<semaphore_mem>>) src(%dma_wait3A_401 : memref<20000x128xf32, #tpu.memory_space<hbm>>) dst(%arg10 : memref<80x128xf32, #tpu.memory_space<vmem>>)
        %dma_start3A_402 = arith.constant 6 : i32
        %dma_start3A_403 = arith.constant 0 : i32
        %dma_start3A_404 = tpu.memref_slice %arg9[%rem3A_157, %dma_start3A_402, %dma_start3A_403] : memref<2x10x80xi32, #tpu.memory_space<vmem>> -> memref<1x1x80xi32, #tpu.memory_space<vmem>>
        %dma_start3A_405 = tpu.memref_squeeze %dma_start3A_404 : memref<1x1x80xi32, #tpu.memory_space<vmem>> -> memref<80xi32, #tpu.memory_space<vmem>>
        %dma_start3A_406 = arith.constant 0 : i32
        %dma_start3A_407 = arith.constant 0 : i32
        %dma_start3A_408 = tpu.memref_slice %arg12[%dma_start3A_406, %dma_start3A_407] : memref<10000x128xf32, #tpu.memory_space<vmem_shared>> -> memref<10000x128xf32, #tpu.memory_space<vmem_shared>>
        tpu.enqueue_indirect_dma source(%arg10 : memref<80x128xf32, #tpu.memory_space<vmem>>) target(%dma_start3A_408 : memref<10000x128xf32, #tpu.memory_space<vmem_shared>>) offsets(%dma_start3A_405 : memref<80xi32, #tpu.memory_space<vmem>>) semaphore(%arg15 : memref<!tpu.dma_semaphore, #tpu.memory_space<semaphore_mem>>) {add = true}
        %dma_wait3A_409 = arith.constant 6 : i32
        %dma_wait3A_410 = arith.constant 0 : i32
        %dma_wait3A_411 = tpu.memref_slice %arg9[%rem3A_157, %dma_wait3A_409, %dma_wait3A_410] : memref<2x10x80xi32, #tpu.memory_space<vmem>> -> memref<1x1x80xi32, #tpu.memory_space<vmem>>
        %dma_wait3A_412 = tpu.memref_squeeze %dma_wait3A_411 : memref<1x1x80xi32, #tpu.memory_space<vmem>> -> memref<80xi32, #tpu.memory_space<vmem>>
        %dma_wait3A_413 = arith.constant 0 : i32
        %dma_wait3A_414 = arith.constant 0 : i32
        %dma_wait3A_415 = tpu.memref_slice %arg12[%dma_wait3A_413, %dma_wait3A_414] : memref<10000x128xf32, #tpu.memory_space<vmem_shared>> -> memref<10000x128xf32, #tpu.memory_space<vmem_shared>>
        tpu.wait_indirect_dma semaphore(%arg15 : memref<!tpu.dma_semaphore, #tpu.memory_space<semaphore_mem>>) src(%arg10 : memref<80x128xf32, #tpu.memory_space<vmem>>) dst(%dma_wait3A_415 : memref<10000x128xf32, #tpu.memory_space<vmem_shared>>)
        %dma_start3A_416 = arith.constant 8 : i32
        %dma_start3A_417 = arith.constant 0 : i32
        %dma_start3A_418 = tpu.memref_slice %arg8[%rem3A_157, %dma_start3A_416, %dma_start3A_417] : memref<2x10x80xi32, #tpu.memory_space<vmem>> -> memref<1x1x80xi32, #tpu.memory_space<vmem>>
        %dma_start3A_419 = tpu.memref_squeeze %dma_start3A_418 : memref<1x1x80xi32, #tpu.memory_space<vmem>> -> memref<80xi32, #tpu.memory_space<vmem>>
        %dma_start3A_420 = arith.constant 0 : i32
        %dma_start3A_421 = arith.constant 0 : i32
        %dma_start3A_422 = tpu.memref_slice %arg2[%dma_start3A_420, %dma_start3A_421] : memref<20000x128xf32, #tpu.memory_space<hbm>> -> memref<20000x128xf32, #tpu.memory_space<hbm>>
        tpu.enqueue_indirect_dma source(%dma_start3A_422 : memref<20000x128xf32, #tpu.memory_space<hbm>>) target(%arg10 : memref<80x128xf32, #tpu.memory_space<vmem>>) offsets(%dma_start3A_419 : memref<80xi32, #tpu.memory_space<vmem>>) semaphore(%arg13 : memref<!tpu.dma_semaphore, #tpu.memory_space<semaphore_mem>>)
        %dma_wait3A_423 = arith.constant 7 : i32
        %dma_wait3A_424 = arith.constant 0 : i32
        %dma_wait3A_425 = tpu.memref_slice %arg8[%rem3A_157, %dma_wait3A_423, %dma_wait3A_424] : memref<2x10x80xi32, #tpu.memory_space<vmem>> -> memref<1x1x80xi32, #tpu.memory_space<vmem>>
        %dma_wait3A_426 = tpu.memref_squeeze %dma_wait3A_425 : memref<1x1x80xi32, #tpu.memory_space<vmem>> -> memref<80xi32, #tpu.memory_space<vmem>>
        %dma_wait3A_427 = arith.constant 0 : i32
        %dma_wait3A_428 = arith.constant 0 : i32
        %dma_wait3A_429 = tpu.memref_slice %arg2[%dma_wait3A_427, %dma_wait3A_428] : memref<20000x128xf32, #tpu.memory_space<hbm>> -> memref<20000x128xf32, #tpu.memory_space<hbm>>
        tpu.wait_indirect_dma semaphore(%arg14 : memref<!tpu.dma_semaphore, #tpu.memory_space<semaphore_mem>>) src(%dma_wait3A_429 : memref<20000x128xf32, #tpu.memory_space<hbm>>) dst(%arg11 : memref<80x128xf32, #tpu.memory_space<vmem>>)
        %dma_start3A_430 = arith.constant 7 : i32
        %dma_start3A_431 = arith.constant 0 : i32
        %dma_start3A_432 = tpu.memref_slice %arg9[%rem3A_157, %dma_start3A_430, %dma_start3A_431] : memref<2x10x80xi32, #tpu.memory_space<vmem>> -> memref<1x1x80xi32, #tpu.memory_space<vmem>>
        %dma_start3A_433 = tpu.memref_squeeze %dma_start3A_432 : memref<1x1x80xi32, #tpu.memory_space<vmem>> -> memref<80xi32, #tpu.memory_space<vmem>>
        %dma_start3A_434 = arith.constant 0 : i32
        %dma_start3A_435 = arith.constant 0 : i32
        %dma_start3A_436 = tpu.memref_slice %arg12[%dma_start3A_434, %dma_start3A_435] : memref<10000x128xf32, #tpu.memory_space<vmem_shared>> -> memref<10000x128xf32, #tpu.memory_space<vmem_shared>>
        tpu.enqueue_indirect_dma source(%arg11 : memref<80x128xf32, #tpu.memory_space<vmem>>) target(%dma_start3A_436 : memref<10000x128xf32, #tpu.memory_space<vmem_shared>>) offsets(%dma_start3A_433 : memref<80xi32, #tpu.memory_space<vmem>>) semaphore(%arg16 : memref<!tpu.dma_semaphore, #tpu.memory_space<semaphore_mem>>) {add = true}
        %dma_wait3A_437 = arith.constant 7 : i32
        %dma_wait3A_438 = arith.constant 0 : i32
        %dma_wait3A_439 = tpu.memref_slice %arg9[%rem3A_157, %dma_wait3A_437, %dma_wait3A_438] : memref<2x10x80xi32, #tpu.memory_space<vmem>> -> memref<1x1x80xi32, #tpu.memory_space<vmem>>
        %dma_wait3A_440 = tpu.memref_squeeze %dma_wait3A_439 : memref<1x1x80xi32, #tpu.memory_space<vmem>> -> memref<80xi32, #tpu.memory_space<vmem>>
        %dma_wait3A_441 = arith.constant 0 : i32
        %dma_wait3A_442 = arith.constant 0 : i32
        %dma_wait3A_443 = tpu.memref_slice %arg12[%dma_wait3A_441, %dma_wait3A_442] : memref<10000x128xf32, #tpu.memory_space<vmem_shared>> -> memref<10000x128xf32, #tpu.memory_space<vmem_shared>>
        tpu.wait_indirect_dma semaphore(%arg16 : memref<!tpu.dma_semaphore, #tpu.memory_space<semaphore_mem>>) src(%arg11 : memref<80x128xf32, #tpu.memory_space<vmem>>) dst(%dma_wait3A_443 : memref<10000x128xf32, #tpu.memory_space<vmem_shared>>)
        %dma_start3A_444 = arith.constant 9 : i32
        %dma_start3A_445 = arith.constant 0 : i32
        %dma_start3A_446 = tpu.memref_slice %arg8[%rem3A_157, %dma_start3A_444, %dma_start3A_445] : memref<2x10x80xi32, #tpu.memory_space<vmem>> -> memref<1x1x80xi32, #tpu.memory_space<vmem>>
        %dma_start3A_447 = tpu.memref_squeeze %dma_start3A_446 : memref<1x1x80xi32, #tpu.memory_space<vmem>> -> memref<80xi32, #tpu.memory_space<vmem>>
        %dma_start3A_448 = arith.constant 0 : i32
        %dma_start3A_449 = arith.constant 0 : i32
        %dma_start3A_450 = tpu.memref_slice %arg2[%dma_start3A_448, %dma_start3A_449] : memref<20000x128xf32, #tpu.memory_space<hbm>> -> memref<20000x128xf32, #tpu.memory_space<hbm>>
        tpu.enqueue_indirect_dma source(%dma_start3A_450 : memref<20000x128xf32, #tpu.memory_space<hbm>>) target(%arg11 : memref<80x128xf32, #tpu.memory_space<vmem>>) offsets(%dma_start3A_447 : memref<80xi32, #tpu.memory_space<vmem>>) semaphore(%arg14 : memref<!tpu.dma_semaphore, #tpu.memory_space<semaphore_mem>>)
        %dma_wait3A_451 = arith.constant 8 : i32
        %dma_wait3A_452 = arith.constant 0 : i32
        %dma_wait3A_453 = tpu.memref_slice %arg8[%rem3A_157, %dma_wait3A_451, %dma_wait3A_452] : memref<2x10x80xi32, #tpu.memory_space<vmem>> -> memref<1x1x80xi32, #tpu.memory_space<vmem>>
        %dma_wait3A_454 = tpu.memref_squeeze %dma_wait3A_453 : memref<1x1x80xi32, #tpu.memory_space<vmem>> -> memref<80xi32, #tpu.memory_space<vmem>>
        %dma_wait3A_455 = arith.constant 0 : i32
        %dma_wait3A_456 = arith.constant 0 : i32
        %dma_wait3A_457 = tpu.memref_slice %arg2[%dma_wait3A_455, %dma_wait3A_456] : memref<20000x128xf32, #tpu.memory_space<hbm>> -> memref<20000x128xf32, #tpu.memory_space<hbm>>
        tpu.wait_indirect_dma semaphore(%arg13 : memref<!tpu.dma_semaphore, #tpu.memory_space<semaphore_mem>>) src(%dma_wait3A_457 : memref<20000x128xf32, #tpu.memory_space<hbm>>) dst(%arg10 : memref<80x128xf32, #tpu.memory_space<vmem>>)
        %dma_start3A_458 = arith.constant 8 : i32
        %dma_start3A_459 = arith.constant 0 : i32
        %dma_start3A_460 = tpu.memref_slice %arg9[%rem3A_157, %dma_start3A_458, %dma_start3A_459] : memref<2x10x80xi32, #tpu.memory_space<vmem>> -> memref<1x1x80xi32, #tpu.memory_space<vmem>>
        %dma_start3A_461 = tpu.memref_squeeze %dma_start3A_460 : memref<1x1x80xi32, #tpu.memory_space<vmem>> -> memref<80xi32, #tpu.memory_space<vmem>>
        %dma_start3A_462 = arith.constant 0 : i32
        %dma_start3A_463 = arith.constant 0 : i32
        %dma_start3A_464 = tpu.memref_slice %arg12[%dma_start3A_462, %dma_start3A_463] : memref<10000x128xf32, #tpu.memory_space<vmem_shared>> -> memref<10000x128xf32, #tpu.memory_space<vmem_shared>>
        tpu.enqueue_indirect_dma source(%arg10 : memref<80x128xf32, #tpu.memory_space<vmem>>) target(%dma_start3A_464 : memref<10000x128xf32, #tpu.memory_space<vmem_shared>>) offsets(%dma_start3A_461 : memref<80xi32, #tpu.memory_space<vmem>>) semaphore(%arg15 : memref<!tpu.dma_semaphore, #tpu.memory_space<semaphore_mem>>) {add = true}
        %scan3A_465 = arith.constant 0 : i32
        scf.yield %scan3A_465 : i32
      }
      %scan3A_122 = arith.constant 25 : i32
      %dma_wait3A = arith.constant 0 : i32
      %dma_wait3A_123 = arith.constant 9 : i32
      %dma_wait3A_124 = arith.constant 0 : i32
      %dma_wait3A_125 = tpu.memref_slice %arg8[%dma_wait3A, %dma_wait3A_123, %dma_wait3A_124] : memref<2x10x80xi32, #tpu.memory_space<vmem>> -> memref<1x1x80xi32, #tpu.memory_space<vmem>>
      %dma_wait3A_126 = tpu.memref_squeeze %dma_wait3A_125 : memref<1x1x80xi32, #tpu.memory_space<vmem>> -> memref<80xi32, #tpu.memory_space<vmem>>
      %dma_wait3A_127 = arith.constant 0 : i32
      %dma_wait3A_128 = arith.constant 0 : i32
      %dma_wait3A_129 = tpu.memref_slice %arg2[%dma_wait3A_127, %dma_wait3A_128] : memref<20000x128xf32, #tpu.memory_space<hbm>> -> memref<20000x128xf32, #tpu.memory_space<hbm>>
      tpu.wait_indirect_dma semaphore(%arg14 : memref<!tpu.dma_semaphore, #tpu.memory_space<semaphore_mem>>) src(%dma_wait3A_129 : memref<20000x128xf32, #tpu.memory_space<hbm>>) dst(%arg11 : memref<80x128xf32, #tpu.memory_space<vmem>>)
      %dma_start3A_130 = arith.constant 0 : i32
      %dma_start3A_131 = arith.constant 9 : i32
      %dma_start3A_132 = arith.constant 0 : i32
      %dma_start3A_133 = tpu.memref_slice %arg9[%dma_start3A_130, %dma_start3A_131, %dma_start3A_132] : memref<2x10x80xi32, #tpu.memory_space<vmem>> -> memref<1x1x80xi32, #tpu.memory_space<vmem>>
      %dma_start3A_134 = tpu.memref_squeeze %dma_start3A_133 : memref<1x1x80xi32, #tpu.memory_space<vmem>> -> memref<80xi32, #tpu.memory_space<vmem>>
      %dma_start3A_135 = arith.constant 0 : i32
      %dma_start3A_136 = arith.constant 0 : i32
      %dma_start3A_137 = tpu.memref_slice %arg12[%dma_start3A_135, %dma_start3A_136] : memref<10000x128xf32, #tpu.memory_space<vmem_shared>> -> memref<10000x128xf32, #tpu.memory_space<vmem_shared>>
      tpu.enqueue_indirect_dma source(%arg11 : memref<80x128xf32, #tpu.memory_space<vmem>>) target(%dma_start3A_137 : memref<10000x128xf32, #tpu.memory_space<vmem_shared>>) offsets(%dma_start3A_134 : memref<80xi32, #tpu.memory_space<vmem>>) semaphore(%arg16 : memref<!tpu.dma_semaphore, #tpu.memory_space<semaphore_mem>>) {add = true}
      %dma_wait3A_138 = arith.constant 0 : i32
      %dma_wait3A_139 = arith.constant 8 : i32
      %dma_wait3A_140 = arith.constant 0 : i32
      %dma_wait3A_141 = tpu.memref_slice %arg9[%dma_wait3A_138, %dma_wait3A_139, %dma_wait3A_140] : memref<2x10x80xi32, #tpu.memory_space<vmem>> -> memref<1x1x80xi32, #tpu.memory_space<vmem>>
      %dma_wait3A_142 = tpu.memref_squeeze %dma_wait3A_141 : memref<1x1x80xi32, #tpu.memory_space<vmem>> -> memref<80xi32, #tpu.memory_space<vmem>>
      %dma_wait3A_143 = arith.constant 0 : i32
      %dma_wait3A_144 = arith.constant 0 : i32
      %dma_wait3A_145 = tpu.memref_slice %arg12[%dma_wait3A_143, %dma_wait3A_144] : memref<10000x128xf32, #tpu.memory_space<vmem_shared>> -> memref<10000x128xf32, #tpu.memory_space<vmem_shared>>
      tpu.wait_indirect_dma semaphore(%arg15 : memref<!tpu.dma_semaphore, #tpu.memory_space<semaphore_mem>>) src(%arg10 : memref<80x128xf32, #tpu.memory_space<vmem>>) dst(%dma_wait3A_145 : memref<10000x128xf32, #tpu.memory_space<vmem_shared>>)
      %dma_wait3A_146 = arith.constant 0 : i32
      %dma_wait3A_147 = arith.constant 9 : i32
      %dma_wait3A_148 = arith.constant 0 : i32
      %dma_wait3A_149 = tpu.memref_slice %arg9[%dma_wait3A_146, %dma_wait3A_147, %dma_wait3A_148] : memref<2x10x80xi32, #tpu.memory_space<vmem>> -> memref<1x1x80xi32, #tpu.memory_space<vmem>>
      %dma_wait3A_150 = tpu.memref_squeeze %dma_wait3A_149 : memref<1x1x80xi32, #tpu.memory_space<vmem>> -> memref<80xi32, #tpu.memory_space<vmem>>
      %dma_wait3A_151 = arith.constant 0 : i32
      %dma_wait3A_152 = arith.constant 0 : i32
      %dma_wait3A_153 = tpu.memref_slice %arg12[%dma_wait3A_151, %dma_wait3A_152] : memref<10000x128xf32, #tpu.memory_space<vmem_shared>> -> memref<10000x128xf32, #tpu.memory_space<vmem_shared>>
      tpu.wait_indirect_dma semaphore(%arg16 : memref<!tpu.dma_semaphore, #tpu.memory_space<semaphore_mem>>) src(%arg11 : memref<80x128xf32, #tpu.memory_space<vmem>>) dst(%dma_wait3A_153 : memref<10000x128xf32, #tpu.memory_space<vmem_shared>>)
    } else {
    }
    %barrier3A_58 = arith.constant 0 : index
    tpu.barrier barrier_id(%barrier3A_58)
    %while3A_59 = arith.constant 0 : i32
    %while3A_60 = arith.constant 0 : i32
    %while3A_61 = arith.subi %select_n3A, %while3A_59 : i32
    %while3A_62 = arith.addi %while3A_59, %while3A_61 : i32
    %while3A_63 = arith.constant 1 : i32
    %while3A_64 = arith.divsi %while3A_61, %while3A_63 : i32
    %while3A_65 = arith.muli %while3A_64, %while3A_63 : i32
    %while3A_66 = arith.addi %while3A_59, %while3A_65 : i32
    %while3A_67 = arith.constant 1 : i32
    %while3A_68 = scf.for %while3A_83 = %while3A_59 to %while3A_66 step %while3A_67 iter_args(%while3A_84 = %while3A_60) -> (i32)  : i32 {
      %mul3A = arith.constant 16 : i32
      %mul3A_85 = arith.muli %while3A_83, %mul3A : i32
      %add3A_86 = arith.addi %arg1, %mul3A_85 : i32
      %mul3A_87 = arith.constant 80 : i32
      %mul3A_88 = arith.muli %add3A_86, %mul3A_87 : i32
      %mul3A_89 = arith.constant 10000 : i32
      %mul3A_90 = arith.muli %arg0, %mul3A_89 : i32
      %mul3A_91 = arith.constant 80 : i32
      %mul3A_92 = arith.muli %add3A_86, %mul3A_91 : i32
      %add3A_93 = arith.addi %mul3A_90, %mul3A_92 : i32
      %dma_start3A = arith.constant 0 : i32
      %dma_start3A_94 = tpu.memref_slice %arg7[%add3A_93, %dma_start3A] : memref<20000x128xf32, #tpu.memory_space<hbm>> -> memref<80x128xf32, #tpu.memory_space<hbm>>
      %dma_start3A_95 = arith.constant 0 : i32
      %dma_start3A_96 = tpu.memref_slice %arg12[%mul3A_88, %dma_start3A_95] : memref<10000x128xf32, #tpu.memory_space<vmem_shared>> -> memref<80x128xf32, #tpu.memory_space<vmem_shared>>
      tpu.enqueue_dma source(%dma_start3A_96 : memref<80x128xf32, #tpu.memory_space<vmem_shared>>) target(%dma_start3A_94 : memref<80x128xf32, #tpu.memory_space<hbm>>) target_semaphore(%arg19 : memref<!tpu.dma_semaphore, #tpu.memory_space<semaphore_mem>>)
      %while3A_97 = arith.constant 0 : i32
      scf.yield %while3A_97 : i32
    }
    %while3A_69 = arith.constant 1 : i32
    %while3A_70 = scf.for %while3A_83 = %while3A_66 to %while3A_62 step %while3A_69 iter_args(%while3A_84 = %while3A_68) -> (i32)  : i32 {
      %mul3A = arith.constant 16 : i32
      %mul3A_85 = arith.muli %while3A_83, %mul3A : i32
      %add3A_86 = arith.addi %arg1, %mul3A_85 : i32
      %mul3A_87 = arith.constant 80 : i32
      %mul3A_88 = arith.muli %add3A_86, %mul3A_87 : i32
      %mul3A_89 = arith.constant 10000 : i32
      %mul3A_90 = arith.muli %arg0, %mul3A_89 : i32
      %mul3A_91 = arith.constant 80 : i32
      %mul3A_92 = arith.muli %add3A_86, %mul3A_91 : i32
      %add3A_93 = arith.addi %mul3A_90, %mul3A_92 : i32
      %dma_start3A = arith.constant 0 : i32
      %dma_start3A_94 = tpu.memref_slice %arg7[%add3A_93, %dma_start3A] : memref<20000x128xf32, #tpu.memory_space<hbm>> -> memref<80x128xf32, #tpu.memory_space<hbm>>
      %dma_start3A_95 = arith.constant 0 : i32
      %dma_start3A_96 = tpu.memref_slice %arg12[%mul3A_88, %dma_start3A_95] : memref<10000x128xf32, #tpu.memory_space<vmem_shared>> -> memref<80x128xf32, #tpu.memory_space<vmem_shared>>
      tpu.enqueue_dma source(%dma_start3A_96 : memref<80x128xf32, #tpu.memory_space<vmem_shared>>) target(%dma_start3A_94 : memref<80x128xf32, #tpu.memory_space<hbm>>) target_semaphore(%arg19 : memref<!tpu.dma_semaphore, #tpu.memory_space<semaphore_mem>>)
      %while3A_97 = arith.constant 0 : i32
      scf.yield %while3A_97 : i32
    }
    %while3A_71 = arith.constant 0 : i32
    %while3A_72 = arith.constant 0 : i32
    %while3A_73 = arith.subi %select_n3A, %while3A_71 : i32
    %while3A_74 = arith.addi %while3A_71, %while3A_73 : i32
    %while3A_75 = arith.constant 1 : i32
    %while3A_76 = arith.divsi %while3A_73, %while3A_75 : i32
    %while3A_77 = arith.muli %while3A_76, %while3A_75 : i32
    %while3A_78 = arith.addi %while3A_71, %while3A_77 : i32
    %while3A_79 = arith.constant 1 : i32
    %while3A_80 = scf.for %while3A_83 = %while3A_71 to %while3A_78 step %while3A_79 iter_args(%while3A_84 = %while3A_72) -> (i32)  : i32 {
      %mul3A = arith.constant 80 : i32
      %mul3A_85 = arith.muli %arg1, %mul3A : i32
      %mul3A_86 = arith.constant 10000 : i32
      %mul3A_87 = arith.muli %arg0, %mul3A_86 : i32
      %mul3A_88 = arith.constant 80 : i32
      %mul3A_89 = arith.muli %arg1, %mul3A_88 : i32
      %add3A_90 = arith.addi %mul3A_87, %mul3A_89 : i32
      %dma_wait3A = arith.constant 0 : i32
      %dma_wait3A_91 = tpu.memref_slice %arg7[%add3A_90, %dma_wait3A] : memref<20000x128xf32, #tpu.memory_space<hbm>> -> memref<80x128xf32, #tpu.memory_space<hbm>>
      %dma_wait3A_92 = arith.constant 0 : i32
      %dma_wait3A_93 = tpu.memref_slice %arg12[%mul3A_85, %dma_wait3A_92] : memref<10000x128xf32, #tpu.memory_space<vmem_shared>> -> memref<80x128xf32, #tpu.memory_space<vmem_shared>>
      tpu.wait_dma2 semaphore(%arg19 : memref<!tpu.dma_semaphore, #tpu.memory_space<semaphore_mem>>) src(%dma_wait3A_93 : memref<80x128xf32, #tpu.memory_space<vmem_shared>>) dst(%dma_wait3A_91 : memref<80x128xf32, #tpu.memory_space<hbm>>)
      %while3A_94 = arith.constant 0 : i32
      scf.yield %while3A_94 : i32
    }
    %while3A_81 = arith.constant 1 : i32
    %while3A_82 = scf.for %while3A_83 = %while3A_78 to %while3A_74 step %while3A_81 iter_args(%while3A_84 = %while3A_80) -> (i32)  : i32 {
      %mul3A = arith.constant 80 : i32
      %mul3A_85 = arith.muli %arg1, %mul3A : i32
      %mul3A_86 = arith.constant 10000 : i32
      %mul3A_87 = arith.muli %arg0, %mul3A_86 : i32
      %mul3A_88 = arith.constant 80 : i32
      %mul3A_89 = arith.muli %arg1, %mul3A_88 : i32
      %add3A_90 = arith.addi %mul3A_87, %mul3A_89 : i32
      %dma_wait3A = arith.constant 0 : i32
      %dma_wait3A_91 = tpu.memref_slice %arg7[%add3A_90, %dma_wait3A] : memref<20000x128xf32, #tpu.memory_space<hbm>> -> memref<80x128xf32, #tpu.memory_space<hbm>>
      %dma_wait3A_92 = arith.constant 0 : i32
      %dma_wait3A_93 = tpu.memref_slice %arg12[%mul3A_85, %dma_wait3A_92] : memref<10000x128xf32, #tpu.memory_space<vmem_shared>> -> memref<80x128xf32, #tpu.memory_space<vmem_shared>>
      tpu.wait_dma2 semaphore(%arg19 : memref<!tpu.dma_semaphore, #tpu.memory_space<semaphore_mem>>) src(%dma_wait3A_93 : memref<80x128xf32, #tpu.memory_space<vmem_shared>>) dst(%dma_wait3A_91 : memref<80x128xf32, #tpu.memory_space<hbm>>)
      %while3A_94 = arith.constant 0 : i32
      scf.yield %while3A_94 : i32
    }
    return
  }
}

module attributes {stable_mosaic.version = 14 : i64} {
  func.func @_layer1_body(%arg0: i32, %arg1: memref<2000x128xf32, #tpu.memory_space<vmem>>, %arg2: memref<2000x1xf32, #tpu.memory_space<vmem>>, %arg3: memref<2000x128xf32, #tpu.memory_space<vmem>>, %arg4: memref<128x128xf32, #tpu.memory_space<vmem>>, %arg5: memref<1x128xf32, #tpu.memory_space<vmem>>, %arg6: memref<128x128xf32, #tpu.memory_space<vmem>>, %arg7: memref<2000x128xf32, #tpu.memory_space<vmem>>) attributes {dimension_semantics = [#tpu.dimension_semantics<arbitrary>], iteration_bounds = array<i64: 10>, scalar_prefetch = 0 : i64, scratch_operands = 0 : i64, tpu.core_type = #tpu.core_type<tc>, window_params = [{transform_indices = @transform_0, window_bounds = array<i64: 2000, 128>}, {transform_indices = @transform_1, window_bounds = array<i64: 2000, 1>}, {transform_indices = @transform_2, window_bounds = array<i64: 2000, 128>}, {pipeline_mode = #tpu.pipeline_mode<synchronous>, transform_indices = @transform_3, window_bounds = array<i64: 128, 128>}, {pipeline_mode = #tpu.pipeline_mode<synchronous>, transform_indices = @transform_4, window_bounds = array<i64: 1, 128>}, {pipeline_mode = #tpu.pipeline_mode<synchronous>, transform_indices = @transform_5, window_bounds = array<i64: 128, 128>}, {transform_indices = @transform_6, window_bounds = array<i64: 2000, 128>}]} {
    %get3A = arith.constant 0 : index
    %get3A_0 = arith.constant 0 : index
    %get3A_1 = vector.load %arg2[%get3A, %get3A_0] : memref<2000x1xf32, #tpu.memory_space<vmem>>, vector<2000x1xf32>
    %max3A = arith.constant 1.000000e+00 : f32
    %max3A_2 = vector.broadcast %max3A : f32 to vector<2000x1xf32>
    %max3A_3 = arith.maximumf %get3A_1, %max3A_2 : vector<2000x1xf32>
    %get3A_4 = arith.constant 0 : index
    %get3A_5 = arith.constant 0 : index
    %get3A_6 = vector.load %arg1[%get3A_4, %get3A_5] : memref<2000x128xf32, #tpu.memory_space<vmem>>, vector<2000x128xf32>
    %div3A = vector.broadcast %max3A_3 : vector<2000x1xf32> to vector<2000x128xf32>
    %div3A_7 = arith.divf %get3A_6, %div3A : vector<2000x128xf32>
    %get3A_8 = arith.constant 0 : index
    %get3A_9 = arith.constant 0 : index
    %get3A_10 = vector.load %arg4[%get3A_8, %get3A_9] : memref<128x128xf32, #tpu.memory_space<vmem>>, vector<128x128xf32>
    %dot_general3A = arith.constant dense<0.000000e+00> : vector<2000x128xf32>
    %dot_general3A_11 = tpu.matmul %div3A_7, %get3A_10, %dot_general3A {dimension_numbers = #tpu.dot_dimension_numbers<[1], [1], [0], [0], [0, 0, 1, 0], [], []>, transpose_lhs_hint = false} : vector<2000x128xf32>, vector<128x128xf32>, vector<2000x128xf32> -> vector<2000x128xf32>
    %get3A_12 = arith.constant 0 : index
    %get3A_13 = arith.constant 0 : index
    %get3A_14 = vector.load %arg5[%get3A_12, %get3A_13] : memref<1x128xf32, #tpu.memory_space<vmem>>, vector<1x128xf32>
    %add3A = vector.broadcast %get3A_14 : vector<1x128xf32> to vector<2000x128xf32>
    %add3A_15 = arith.addf %dot_general3A_11, %add3A : vector<2000x128xf32>
    %get3A_16 = arith.constant 0 : index
    %get3A_17 = arith.constant 0 : index
    %get3A_18 = vector.load %arg3[%get3A_16, %get3A_17] : memref<2000x128xf32, #tpu.memory_space<vmem>>, vector<2000x128xf32>
    %get3A_19 = arith.constant 0 : index
    %get3A_20 = arith.constant 0 : index
    %get3A_21 = vector.load %arg6[%get3A_19, %get3A_20] : memref<128x128xf32, #tpu.memory_space<vmem>>, vector<128x128xf32>
    %dot_general3A_22 = arith.constant dense<0.000000e+00> : vector<2000x128xf32>
    %dot_general3A_23 = tpu.matmul %get3A_18, %get3A_21, %dot_general3A_22 {dimension_numbers = #tpu.dot_dimension_numbers<[1], [1], [0], [0], [0, 0, 1, 0], [], []>, transpose_lhs_hint = false} : vector<2000x128xf32>, vector<128x128xf32>, vector<2000x128xf32> -> vector<2000x128xf32>
    %add3A_24 = arith.addf %add3A_15, %dot_general3A_23 : vector<2000x128xf32>
    %max3A_25 = arith.constant 0.000000e+00 : f32
    %max3A_26 = vector.broadcast %max3A_25 : f32 to vector<2000x128xf32>
    %max3A_27 = arith.maximumf %add3A_24, %max3A_26 : vector<2000x128xf32>
    %swap3A = arith.constant 0 : index
    %swap3A_28 = arith.constant 0 : index
    %swap3A_29 = vector.load %arg7[%swap3A, %swap3A_28] : memref<2000x128xf32, #tpu.memory_space<vmem>>, vector<2000x128xf32>
    tpu.vector_store %arg7[%swap3A, %swap3A_28], %max3A_27 {strides = array<i32>} : memref<2000x128xf32, #tpu.memory_space<vmem>>, vector<2000x128xf32>,
    return
  }
  func.func @transform_0(%arg0: i32) -> (i32, i32) {
    %c0_i32 = arith.constant 0 : i32
    %c0_i32_0 = arith.constant 0 : i32
    return %arg0, %c0_i32 : i32, i32
  }
  func.func @transform_1(%arg0: i32) -> (i32, i32) {
    %c0_i32 = arith.constant 0 : i32
    %c0_i32_0 = arith.constant 0 : i32
    return %arg0, %c0_i32 : i32, i32
  }
  func.func @transform_2(%arg0: i32) -> (i32, i32) {
    %c0_i32 = arith.constant 0 : i32
    %c0_i32_0 = arith.constant 0 : i32
    return %arg0, %c0_i32 : i32, i32
  }
  func.func @transform_3(%arg0: i32) -> (i32, i32) {
    %c0_i32 = arith.constant 0 : i32
    %c0_i32_0 = arith.constant 0 : i32
    %c0_i32_1 = arith.constant 0 : i32
    return %c0_i32, %c0_i32_0 : i32, i32
  }
  func.func @transform_4(%arg0: i32) -> (i32, i32) {
    %c0_i32 = arith.constant 0 : i32
    %c0_i32_0 = arith.constant 0 : i32
    %c0_i32_1 = arith.constant 0 : i32
    return %c0_i32, %c0_i32_0 : i32, i32
  }
  func.func @transform_5(%arg0: i32) -> (i32, i32) {
    %c0_i32 = arith.constant 0 : i32
    %c0_i32_0 = arith.constant 0 : i32
    %c0_i32_1 = arith.constant 0 : i32
    return %c0_i32, %c0_i32_0 : i32, i32
  }
  func.func @transform_6(%arg0: i32) -> (i32, i32) {
    %c0_i32 = arith.constant 0 : i32
    %c0_i32_0 = arith.constant 0 : i32
    return %arg0, %c0_i32 : i32, i32
  }
}

module attributes {stable_mosaic.version = 14 : i64} {
  func.func @_layer2_body(%arg0: i32, %arg1: memref<2000x128xf32, #tpu.memory_space<vmem>>, %arg2: memref<2000x1xf32, #tpu.memory_space<vmem>>, %arg3: memref<2000x128xf32, #tpu.memory_space<vmem>>, %arg4: memref<128x128xf32, #tpu.memory_space<vmem>>, %arg5: memref<1x128xf32, #tpu.memory_space<vmem>>, %arg6: memref<128x128xf32, #tpu.memory_space<vmem>>, %arg7: memref<2000x128xf32, #tpu.memory_space<vmem>>) attributes {dimension_semantics = [#tpu.dimension_semantics<arbitrary>], iteration_bounds = array<i64: 10>, scalar_prefetch = 0 : i64, scratch_operands = 0 : i64, tpu.core_type = #tpu.core_type<tc>, window_params = [{transform_indices = @transform_0, window_bounds = array<i64: 2000, 128>}, {transform_indices = @transform_1, window_bounds = array<i64: 2000, 1>}, {transform_indices = @transform_2, window_bounds = array<i64: 2000, 128>}, {pipeline_mode = #tpu.pipeline_mode<synchronous>, transform_indices = @transform_3, window_bounds = array<i64: 128, 128>}, {pipeline_mode = #tpu.pipeline_mode<synchronous>, transform_indices = @transform_4, window_bounds = array<i64: 1, 128>}, {pipeline_mode = #tpu.pipeline_mode<synchronous>, transform_indices = @transform_5, window_bounds = array<i64: 128, 128>}, {transform_indices = @transform_6, window_bounds = array<i64: 2000, 128>}]} {
    %get3A = arith.constant 0 : index
    %get3A_0 = arith.constant 0 : index
    %get3A_1 = vector.load %arg2[%get3A, %get3A_0] : memref<2000x1xf32, #tpu.memory_space<vmem>>, vector<2000x1xf32>
    %max3A = arith.constant 1.000000e+00 : f32
    %max3A_2 = vector.broadcast %max3A : f32 to vector<2000x1xf32>
    %max3A_3 = arith.maximumf %get3A_1, %max3A_2 : vector<2000x1xf32>
    %get3A_4 = arith.constant 0 : index
    %get3A_5 = arith.constant 0 : index
    %get3A_6 = vector.load %arg1[%get3A_4, %get3A_5] : memref<2000x128xf32, #tpu.memory_space<vmem>>, vector<2000x128xf32>
    %div3A = vector.broadcast %max3A_3 : vector<2000x1xf32> to vector<2000x128xf32>
    %div3A_7 = arith.divf %get3A_6, %div3A : vector<2000x128xf32>
    %get3A_8 = arith.constant 0 : index
    %get3A_9 = arith.constant 0 : index
    %get3A_10 = vector.load %arg4[%get3A_8, %get3A_9] : memref<128x128xf32, #tpu.memory_space<vmem>>, vector<128x128xf32>
    %dot_general3A = arith.constant dense<0.000000e+00> : vector<2000x128xf32>
    %dot_general3A_11 = tpu.matmul %div3A_7, %get3A_10, %dot_general3A {dimension_numbers = #tpu.dot_dimension_numbers<[1], [1], [0], [0], [0, 0, 1, 0], [], []>, transpose_lhs_hint = false} : vector<2000x128xf32>, vector<128x128xf32>, vector<2000x128xf32> -> vector<2000x128xf32>
    %get3A_12 = arith.constant 0 : index
    %get3A_13 = arith.constant 0 : index
    %get3A_14 = vector.load %arg5[%get3A_12, %get3A_13] : memref<1x128xf32, #tpu.memory_space<vmem>>, vector<1x128xf32>
    %add3A = vector.broadcast %get3A_14 : vector<1x128xf32> to vector<2000x128xf32>
    %add3A_15 = arith.addf %dot_general3A_11, %add3A : vector<2000x128xf32>
    %get3A_16 = arith.constant 0 : index
    %get3A_17 = arith.constant 0 : index
    %get3A_18 = vector.load %arg3[%get3A_16, %get3A_17] : memref<2000x128xf32, #tpu.memory_space<vmem>>, vector<2000x128xf32>
    %get3A_19 = arith.constant 0 : index
    %get3A_20 = arith.constant 0 : index
    %get3A_21 = vector.load %arg6[%get3A_19, %get3A_20] : memref<128x128xf32, #tpu.memory_space<vmem>>, vector<128x128xf32>
    %dot_general3A_22 = arith.constant dense<0.000000e+00> : vector<2000x128xf32>
    %dot_general3A_23 = tpu.matmul %get3A_18, %get3A_21, %dot_general3A_22 {dimension_numbers = #tpu.dot_dimension_numbers<[1], [1], [0], [0], [0, 0, 1, 0], [], []>, transpose_lhs_hint = false} : vector<2000x128xf32>, vector<128x128xf32>, vector<2000x128xf32> -> vector<2000x128xf32>
    %add3A_24 = arith.addf %add3A_15, %dot_general3A_23 : vector<2000x128xf32>
    %mul3A = arith.mulf %add3A_24, %add3A_24 : vector<2000x128xf32>
    %reduce_sum3A = arith.constant dense<0.000000e+00> : vector<2000xf32>
    %reduce_sum3A_25 = vector.multi_reduction <add>, %mul3A, %reduce_sum3A [1] : vector<2000x128xf32> to vector<2000xf32>
    %broadcast_in_dim3A = vector.shape_cast %reduce_sum3A_25 : vector<2000xf32> to vector<2000x1xf32>
    %sqrt3A = math.sqrt %broadcast_in_dim3A : vector<2000x1xf32>
    %max3A_26 = arith.constant 9.99999996E-13 : f32
    %max3A_27 = vector.broadcast %max3A_26 : f32 to vector<2000x1xf32>
    %max3A_28 = arith.maximumf %sqrt3A, %max3A_27 : vector<2000x1xf32>
    %div3A_29 = vector.broadcast %max3A_28 : vector<2000x1xf32> to vector<2000x128xf32>
    %div3A_30 = arith.divf %add3A_24, %div3A_29 : vector<2000x128xf32>
    %swap3A = arith.constant 0 : index
    %swap3A_31 = arith.constant 0 : index
    %swap3A_32 = vector.load %arg7[%swap3A, %swap3A_31] : memref<2000x128xf32, #tpu.memory_space<vmem>>, vector<2000x128xf32>
    tpu.vector_store %arg7[%swap3A, %swap3A_31], %div3A_30 {strides = array<i32>} : memref<2000x128xf32, #tpu.memory_space<vmem>>, vector<2000x128xf32>,
    return
  }
  func.func @transform_0(%arg0: i32) -> (i32, i32) {
    %c0_i32 = arith.constant 0 : i32
    %c0_i32_0 = arith.constant 0 : i32
    return %arg0, %c0_i32 : i32, i32
  }
  func.func @transform_1(%arg0: i32) -> (i32, i32) {
    %c0_i32 = arith.constant 0 : i32
    %c0_i32_0 = arith.constant 0 : i32
    return %arg0, %c0_i32 : i32, i32
  }
  func.func @transform_2(%arg0: i32) -> (i32, i32) {
    %c0_i32 = arith.constant 0 : i32
    %c0_i32_0 = arith.constant 0 : i32
    return %arg0, %c0_i32 : i32, i32
  }
  func.func @transform_3(%arg0: i32) -> (i32, i32) {
    %c0_i32 = arith.constant 0 : i32
    %c0_i32_0 = arith.constant 0 : i32
    %c0_i32_1 = arith.constant 0 : i32
    return %c0_i32, %c0_i32_0 : i32, i32
  }
  func.func @transform_4(%arg0: i32) -> (i32, i32) {
    %c0_i32 = arith.constant 0 : i32
    %c0_i32_0 = arith.constant 0 : i32
    %c0_i32_1 = arith.constant 0 : i32
    return %c0_i32, %c0_i32_0 : i32, i32
  }
  func.func @transform_5(%arg0: i32) -> (i32, i32) {
    %c0_i32 = arith.constant 0 : i32
    %c0_i32_0 = arith.constant 0 : i32
    %c0_i32_1 = arith.constant 0 : i32
    return %c0_i32, %c0_i32_0 : i32, i32
  }
  func.func @transform_6(%arg0: i32) -> (i32, i32) {
    %c0_i32 = arith.constant 0 : i32
    %c0_i32_0 = arith.constant 0 : i32
    return %arg0, %c0_i32 : i32, i32
  }
}

</mosaic_0001>

<sc_bundles>
// kernel: kernel.6.cloned.1.call-start
scs
__scs_entry_jumppad:
0x0: {  	(pc) =	sbr.rel $0x88, $3  }
0x1: {  	(tag) =	ssettag $0x0;
	lr =	simm.s32 $0x1  }
0x2: {  	[smem:$0x3F97] =	sst lr;
	_ =	strace $0xD0000000  }
0x3: {  	_ = 	snop  }
0x4: {  	_ = 	snop  }
0x5: {  	_ = 	snop  }
0x6: {  	_ = 	snop  }
0x7: {  	_ = 	snop  }
__scs_overlays_trampoline_lowered:
0x8: {  	[smem:$0x3FA6] =	sst s0  }
0x9: {  	[smem:$0x3FA7] =	sst s1  }
0xa: {  	[smem:$0x3FA8] =	sst s2  }
0xb: {  	[smem:$0x3FA9] =	sst s3  }
0xc: {  	[smem:$0x3FAA] =	sst s4  }
0xd: {  	[smem:$0x3FAB] =	sst s5  }
0xe: {  	[smem:$0x3FAC] =	sst s6  }
0xf: {  	[smem:$0x3FAD] =	sst s7  }
0x10: {  	[smem:$0x3FAE] =	sst s8  }
0x11: {  	[smem:$0x3FAF] =	sst s9;
	s0 =	simm.s32 @!p0 $0x0  }
0x12: {  	s1 =	sld [smem:$0x3F95];
	s0 =	simm.s32 @p0 $0x1  }
0x13: {  	[smem:$0x3FB0] =	sst s0;
	s0 =	simm.s32 @!p1 $0x0  }
0x14: {  	s2 =	sld [smem:$0x3F94];
	s0 =	simm.s32 @p1 $0x1  }
0x15: {  	[smem:$0x3FB1] =	sst s0;
	s0 =	simm.s32 @!p2 $0x0  }
0x16: {  	s3 =	sld [smem:$0x3FDB];
	s0 =	simm.s32 @p2 $0x1  }
0x17: {  	s4 =	simm.s32 $0x1BF5;
	[smem:$0x3FB3] =	sst s0  }
0x18: {  	s0 =	sld [smem:$0x3F96];
	_ =	swait.ge [sflag:s4], $0x0  }
0x19: {  	s7 =	sld [smem:$0x3F97]  }
0x1a: {  	s8 =	sadd.s32 $0xFFFFE003, lr  }
0x1b: {  	s9 =	sadd.s32 $0xFFFFFEF7, lr;
	s5 =	simm.s32 $0xFFFFFFFF;
	p2 =	slt.u32 s8, $0xFFFFF086  }
0x1c: {  	p1 =	slt.u32 s9, $0xF7A;
	s5 =	simm.s32 @!p2 $0x0  }
0x1d: {  	s5 =	simm.s32 @p1 $0x1;
	p0 =	seq.s32 s7, s2  }
0x1e: {  	s7 =	smul.u32 @!p0 $0xF7A, s2;
	p2 =	seq.s32 @!p0 s5, $0x0  }
0x1f: {  	s9 =	smul.u32 $0xF7A, s1;
	s8 =	simm.s32 @!p0 $0x1BF5;
	p2 =	por !p2, p0  }
0x20: {  	[sflag:s8] =	ssyncset.s32 @!p0 $0xFFFFF086;
	s6 =	sadd.s32 @!p0 s3, s7;
	s7 =	simm.s32 @!p0 $0x108  }
0x21: {  	s3 =	sadd.s32 s3, s9;
	s6 =	sadd.s32 @!p0 $0x88, s6;
	s7 =	simm.s32 @p2 $0x1082  }
0x22: {  	[simem:s7], [sflag:s8] =	dma.local @!p0 [hbm:s6], $0xF7A  }
0x23: {  	s9 =	sor.u32 $0xD0000000, s2;
	s6 =	simm.s32 $0x108;
	_ =	swait.ge @!p0 [sflag:s8], $0x0  }
0x24: {  	s3 =	sadd.s32 $0x88, s3;
	s6 =	simm.s32 @!p1 $0x1082;
	[sflag:s4] =	ssyncset.s32 $0xFFFFF086  }
0x25: {  	[simem:s6], [sflag:s4] =	dma.local [hbm:s3], $0xF7A  }
0x26: {  	[smem:$0x3F97] =	sst s1;
	(tag) =	ssettag s2;
	_ =	strace s9  }
0x27: {  	s1 =	sld [smem:$0x3FA7]  }
0x28: {  	s2 =	sld [smem:$0x3FA8]  }
0x29: {  	s4 =	sld [smem:$0x3FAA]  }
0x2a: {  	p0 =	seq.s32 s5, $0x0;
	s5 =	sld [smem:$0x3FAB]  }
0x2b: {  	s6 =	sld [smem:$0x3FAC]  }
0x2c: {  	s7 =	sld [smem:$0x3FAD]  }
0x2d: {  	s3 =	simm.s32 $0x108;
	s8 =	sld [smem:$0x3FAE]  }
0x2e: {  	s3 =	simm.s32 @!p0 $0x1082;
	s9 =	sld [smem:$0x3FAF]  }
0x2f: {  	lr =	sadd.s32 s0, s3;
	s0 =	sld [smem:$0x3FA6]  }
0x30: {  	s3 =	sld [smem:$0x3FA9]  }
0x31: {  	[smem:$0x3FB2] =	sst s10  }
0x32: {  	s10 =	sld [smem:$0x3FB0];
	_ =	sdelay $0x3  }
0x33: {  	p0 =	seq.s32 s10, $0x1;
	s10 =	sld [smem:$0x3FB2];
	_ =	sdelay $0x3  }
0x34: {  	[smem:$0x3FB2] =	sst s10  }
0x35: {  	s10 =	sld [smem:$0x3FB1];
	_ =	sdelay $0x3  }
0x36: {  	p1 =	seq.s32 s10, $0x1;
	s10 =	sld [smem:$0x3FB2];
	_ =	sdelay $0x3  }
0x37: {  	[smem:$0x3FB2] =	sst s10  }
0x38: {  	s10 =	sld [smem:$0x3FB3]  }
0x39: {  	_ = 	snop;
	(pc) =	sbr.ind lr, $3  }
0x3a: {  	_ = 	snop  }
0x3b: {  	_ = 	snop  }
0x3c: {  	p2 =	seq.s32 s10, $0x1;
	s10 =	sld [smem:$0x3FB2]  }
0x3d: {  	_ =	shalt  }
0x3e: {  	_ =	shalt  }
0x3f: {  	_ =	shalt  }
0x40: {  	_ =	shalt  }
0x41: {  	_ =	shalt  }
0x42: {  	_ =	shalt  }
0x43: {  	_ =	shalt  }
0x44: {  	_ =	shalt  }
0x45: {  	_ =	shalt  }
0x46: {  	_ =	shalt  }
0x47: {  	_ =	shalt  }
0x48: {  	_ =	shalt  }
0x49: {  	_ =	shalt  }
0x4a: {  	_ =	shalt  }
0x4b: {  	_ =	shalt  }
0x4c: {  	_ =	shalt  }
0x4d: {  	_ =	shalt  }
0x4e: {  	_ =	shalt  }
0x4f: {  	_ =	shalt  }
0x50: {  	_ =	shalt  }
0x51: {  	_ =	shalt  }
0x52: {  	_ =	shalt  }
0x53: {  	_ =	shalt  }
0x54: {  	_ =	shalt  }
0x55: {  	_ =	shalt  }
0x56: {  	_ =	shalt  }
0x57: {  	_ =	shalt  }
0x58: {  	_ =	shalt  }
0x59: {  	_ =	shalt  }
0x5a: {  	_ =	shalt  }
0x5b: {  	_ =	shalt  }
0x5c: {  	_ =	shalt  }
0x5d: {  	_ =	shalt  }
0x5e: {  	_ =	shalt  }
0x5f: {  	_ =	shalt  }
0x60: {  	_ =	shalt  }
0x61: {  	_ =	shalt  }
0x62: {  	_ =	shalt  }
0x63: {  	_ =	shalt  }
0x64: {  	_ =	shalt  }
0x65: {  	_ =	shalt  }
0x66: {  	_ =	shalt  }
0x67: {  	_ =	shalt  }
0x68: {  	_ =	shalt  }
0x69: {  	_ =	shalt  }
0x6a: {  	_ =	shalt  }
0x6b: {  	_ =	shalt  }
0x6c: {  	_ =	shalt  }
0x6d: {  	_ =	shalt  }
0x6e: {  	_ =	shalt  }
0x6f: {  	_ =	shalt  }
0x70: {  	_ =	shalt  }
0x71: {  	_ =	shalt  }
0x72: {  	_ =	shalt  }
0x73: {  	_ =	shalt  }
0x74: {  	_ =	shalt  }
0x75: {  	_ =	shalt  }
0x76: {  	_ =	shalt  }
0x77: {  	_ =	shalt  }
0x78: {  	_ =	shalt  }
0x79: {  	_ =	shalt  }
0x7a: {  	_ =	shalt  }
0x7b: {  	_ =	shalt  }
0x7c: {  	_ =	shalt  }
0x7d: {  	_ =	shalt  }
0x7e: {  	_ =	shalt  }
0x7f: {  	_ =	shalt  }
0x80: {  	_ =	shalt  }
0x81: {  	_ =	shalt  }
0x82: {  	_ =	shalt  }
0x83: {  	_ =	shalt  }
0x84: {  	_ =	shalt  }
0x85: {  	_ =	shalt  }
0x86: {  	_ =	shalt  }
0x87: {  	_ =	shalt  }
.Lfunc_end0:
.L_simem_size_0:
called_computation_lowered:
.L_overlay_start_0:
0x88: {  	s2 =	sld [smem:$0x3FD9]  }
0x89: {  	s3 =	sld [smem:$0x3FFE];
	_ =	sdelay $0x1  }
0x8a: {  	s1 =	srdreg.scid  }
0x8b: {  	s0 =	sand.u32 $0x1, s1  }
0x8c: {  	s14 =	sshll.u32 s0, $0xA;
	s2 =	sadd.s32 s3, s2  }
0x8d: {  	s2 =	sadd.s32 s2, s14  }
0x8e: {  	[smem:$0x3FBE] =	sst s2  }
0x8f: {  	_ = 	snop  }
0x90: {  	s2 =	sld [smem:$0x3FD0];
	_ =	sdelay $0x2  }
0x91: {  	s15 =	simm.s32 $0xA;
	s4 =	simm.s32 $0x10  }
0x92: {  	[smem:s4], [sflag:s15] =	dma.local [hbm:s2], $0x1  }
0x93: {  	_ =	swait.eq [sflag:s15], $0x1  }
0x94: {  	[sflag:s15] =	ssyncset.done $0x0  }
0x95: {  	s16 =	sld [smem:$0x10];
	[sflag:s15] =	ssyncadd.s32 $0xFFFFFFFF  }
0x96: {  	s17 =	sld [smem:$0x11];
	(tm) =	ssettm $0x1  }
0x97: {  	s18 =	sld [smem:$0x3FFB];
	_ =	sdelay $0x3  }
0x98: {  	_ =	strace s18  }
0x99: {  	s4 =	sld [smem:$0x3FFC];
	_ =	sdelay $0x3  }
0x9a: {  	_ =	strace s4  }
0x9b: {  	s4 =	sld [smem:$0x3FFD];
	_ =	sdelay $0x3  }
0x9c: {  	_ =	strace s4  }
0x9d: {  	_ =	strace $0x8FFFFFFF  }
0x9e: {  	s19 =	sld [smem:$0x3FDB];
	_ =	sdelay $0x1  }
0x9f: {  	s5 =	simm.s32 $_scs_section_size  }
0xa0: {  	s6 =	simm.s32 $_size__tile_overlayer_lowered;
	s7 =	simm.s32 $_tile_overlayer_lowered  }
0xa1: {  	s22 =	simm.s32 $0x1BFF;
	s21 =	sshll.u32 s7, $0x1;
	s4 =	sadd.s32 s5, s19  }
0xa2: {  	s8 =	simm.s32 $0x0;
	s20 =	sshll.u32 s6, $0x1;
	s6 =	sadd.s32 s21, s4  }
0xa3: {  	[timem:s8], [sflag:s22] =	dma.local [hbm:s6], s20  }
0xa4: {  	_ =	swait.ge [sflag:s22], s20  }
0xa5: {  	s5 =	ssub.s32 $0x0, s20;
	[sflag:s22] =	ssyncset.done $0x0  }
0xa6: {  	[sflag:s22] =	ssyncadd.s32 s5;
	_ =	sdelay $0x1  }
0xa7: {  	s23 =	simm.s32 $0x1B8B  }
0xa8: {  	_ =	swait.ge [sflag:s23], $0x1  }
0xa9: {  	[sflag:s23] =	ssyncset.done $0x0  }
0xaa: {  	s25 =	simm.s32 $0x1B8E;
	s24 =	sld [smem:$0x3FFE];
	[sflag:s23] =	ssyncadd.s32 $0xFFFFFFFF  }
0xab: {  	s26 =	simm.s32 $execute0_lowered;
	[smem:$0x3FD2] =	sst s25  }
0xac: {  	s6 =	sshll.u32 s26, $0x1;
	_ =	strace $0x80000046;
	[dreg:$0x1] =	wrdreg $0xFFFFFFFF  }
0xad: {  	s28 =	simm.s32 $_size_execute0_lowered;
	s4 =	sadd.s32 s4, s6;
	[dreg:$0x0] =	wrdreg $0x0  }
0xae: {  	s6 =	sshll.u32 s28, $0x1;
	[dreg:$0x2] =	wrdreg s4  }
0xaf: {  	[dreg:$0x3] =	wrdreg s6  }
0xb0: {  	[dreg:$0x4] =	wrdreg $0xC0  }
0xb1: {  	_ =	task [dreg:s8], $0x5FFFF  }
0xb2: {  	[dreg:$0x1] =	wrdreg $0xFFFFFFFF  }
0xb3: {  	[dreg:$0x0] =	wrdreg $0x60  }
0xb4: {  	[dreg:$0x2] =	wrdreg s24  }
0xb5: {  	[dreg:$0x3] =	wrdreg s17  }
0xb6: {  	[dreg:$0x4] =	wrdreg s16  }
0xb7: {  	[dreg:$0x5] =	wrdreg $0x5C800  }
0xb8: {  	[dreg:$0x6] =	wrdreg $0x19A000  }
0xb9: {  	[dreg:$0x7] =	wrdreg $0x9  }
0xba: {  	_ =	task.clear_ibuf [dreg:s8], $0x8FFFF;
	_ =	strace $0x90000046  }
0xbb: {  	s29 =	simm.s32 $0x9;
	_ =	strace $0x80000048  }
0xbc: {  	_ =	swait.ge [sflag:s29], $0x1  }
0xbd: {  	[sflag:s29] =	ssyncadd.s32 $0xFFFFFFFF  }
0xbe: {  	_ =	strace $0x90000048  }
0xbf: {  	_ =	sfence  }
0xc0: {  	s30 =	sld [smem:$0x0];
	_ =	sdelay $0x2  }
0xc1: {  	s31 =	sshll.u32 s1, $0xD;
	s1 =	sshrl.u32 s1, $0x2  }
0xc2: {  	s3 =	sand.u32 $0x4000, s31;
	s1 =	sadd.s32 s1, s30  }
0xc3: {  	s0 =	sor.u32 s3, s0;
	s1 =	sshll.u32 s1, $0x11  }
0xc4: {  	s0 =	sor.u32 s1, s0  }
0xc5: {  	s0 =	sadd.s32 $0x8F2B, s0  }
0xc6: {  	[sflag:s0] =	ssyncadd.remote.s32 $0x1  }
0xc7: {  	_ =	sfence.sel $0xFFFF  }
0xc8: {  	[dreg:$0x0] =	wrdreg $0xFFFFFFFF;
	(pc) =	sbr.abs _section_cstart, $3  }
0xc9: {  	[dreg:$0x1] =	wrdreg $0xFFFFFFFF  }
0xca: {  	_ =	task.clear_ibuf [dreg:s8], $0x2FFFF;
	_ =	strace $0x9FFFFFFF  }
0xcb: {  	(tm) =	ssettm $0x7FFFFFFF  }
tec
execute0_lowered:
.L_overlay_start_1:
0x0: {  	(tag) =	ssettag $0x1  }
0x1: {  	s0 =	rddreg [dreg:$0x0]  }
0x2: {  	s5 =	rddreg [dreg:$0x1]  }
0x3: {  	s7 =	rddreg [dreg:$0x2]  }
0x4: {  	s1 =	rddreg [dreg:$0x3]  }
0x5: {  	s2 =	rddreg [dreg:$0x4];
	s3 =	simm.s32 $0x0;
	s16 =	stileid.u32  }
0x6: {  	s4 =	srdreg.scid;
	s28 =	simm.s32 $0x3480;
	s12 =	smul.u32 $0x4E20, s16  }
0x7: {  	s29 =	simm.s32 $0x1;
	s30 =	simm.s32 $0x3;
	s15 =	smul.u32 $0xA000, s16  }
0x8: {  	s31 =	simm.s32 $0x8;
	[smem:$0x7FF] =	sst s3;
	s19 =	smul.u32 $0x1400, s16  }
0x9: {  	s8 =	sand.u32 $0x1, s4;
	s4 =	sadd.s32 $0x15E00, s0;
	s21 =	smul.u32 $0xA0, s16  }
0xa: {  	s9 =	sadd.s32 $0xC000, s0;
	s10 =	sadd.s32 $0x2200, s0;
	s22 =	smul.u32 $0x500, s16  }
0xb: {  	s13 =	ssub.s32 $0x8C, s16;
	_ =	strace $0x80000047;
	s6 =	smul.u32 $0x27100, s8  }
0xc: {  	s11 =	smul.u32 $0x4E20, s8;
	s25 =	ssub.s32 $0x2, s8;
	p0 =	seq.s32 s8, $0x1  }
0xd: {  	s26 =	sshrl.u32 s25, $0x1;
	s12 =	sshrl.u32 s12, $0x3;
	s8 =	sshrl.u32 s15, $0x2  }
0xe: {  	s14 =	sadd.s32 s6, s0;
	s6 =	sshrl.u32 s13, $0x4;
	s13 =	sadd.s32 s5, s12  }
0xf: {  	s15 =	smul.u32 $0x9C4, s16;
	s17 =	sadd.s32 s7, s12;
	[dreg:$0x6] =	wrdreg s13  }
0x10: {  	s0 =	sadd.s32 s11, s0;
	s18 =	sadd.s32 s9, s12;
	[dreg:$0x7] =	wrdreg s17  }
0x11: {  	s11 =	ssub.s32 s25, s26;
	s12 =	sadd.s32 s10, s12;
	[dreg:$0x8] =	wrdreg s18  }
0x12: {  	s20 =	sshrl.u32 s19, $0x2;
	[dreg:$0x9] =	wrdreg s12;
	s11 =	smax.u32 s11, $0x1  }
0x13: {  	s12 =	sadd.s32 s8, s1;
	s13 =	sadd.s32 s20, s2;
	s7 =	sadd.s32 s15, s7  }
0x14: {  	s5 =	sadd.s32 s15, s5;
	s10 =	sadd.s32 s15, s10;
	s24 =	sadd.s32 s15, s9  }
0x15: {  	s0 =	sadd.s32 s21, s0;
	[dreg:$0xa] =	wrdreg s11;
	s7 =	sadd.s32 $0x64, s7  }
0x16: {  	s25 =	sadd.s32 s22, s14;
	s5 =	sadd.s32 $0x64, s5;
	[dreg:$0xb] =	wrdreg s7  }
0x17: {  	s20 =	simm.s32 $0xC80;
	s23 =	sadd.s32 $0x64, s10;
	[dreg:$0xc] =	wrdreg s5  }
0x18: {  	s21 =	simm.s32 $0x19500;
	s0 =	sadd.s32 $0x64000, s0;
	[dreg:$0xd] =	wrdreg s23  }
0x19: {  	s22 =	simm.s32 $0x7;
	s26 =	sadd.s32 $0x6DE00, s25;
	[dreg:$0xf] =	wrdreg s0  }
0x1a: {  	s25 =	simm.s32 $0x6;
	s5 =	sadd.s32 $0x64, s24;
	[dreg:$0x10] =	wrdreg s26  }
0x1b: {  	s24 =	simm.s32 $0x5;
	s26 =	simm.s32 $0x50;
	s0 =	simm.s32 $0x2  }
0x1c: {  	v0 =	vimm.f32 $0.0e+00;
	v1 =	vimm.f32 $1.000000000e+00;
	s23 =	simm.s32 $0x4;
	s7 =	simm.s32 $0x9;
	[dreg:$0xe] =	wrdreg s5  }
.LBB2_1:
0x1d: {  	s8 =	simm.s32 $0x70;
	s9 =	simm.s32 $0x3C0  }
.LBB2_2:
0x1e: {  	p1 =	sne.s32 s9, $0x9FC0;
	[tilespmem:s8+$0xC80] =	vst v0  }
0x1f: {  	[tilespmem:s8+$0xC10] =	vst v0  }
0x20: {  	[tilespmem:s8+$0xC20] =	vst v0  }
.Ltmp0:
0x21: {  	[tilespmem:s8+$0xC30] =	vst v0;
	(pc) =	sbr.rel @p1 .LBB2_2-.Ltmp0, $4  }
0x22: {  	[tilespmem:s8+$0xC40] =	vst v0  }
0x23: {  	[tilespmem:s8+$0xC50] =	vst v0  }
0x24: {  	[tilespmem:s8+$0xC60] =	vst v0  }
0x25: {  	[tilespmem:s8+$0xC70] =	vst v0;
	s8 =	sshra.s32 s9, $0x2;
	s9 =	sadd.s32 $0x200, s9  }
0x26: {  	[tilespmem:s8+$0xC80] =	vst v0  }
0x27: {  	[tilespmem:s8+$0xC10] =	vst v0  }
0x28: {  	[tilespmem:s8+$0xC20] =	vst v0  }
0x29: {  	[tilespmem:s8+$0xC30] =	vst v0  }
0x2a: {  	[tilespmem:s8+$0xC40] =	vst v0  }
0x2b: {  	[tilespmem:s8+$0xC50] =	vst v0  }
0x2c: {  	[tilespmem:s8+$0xC60] =	vst v0  }
0x2d: {  	[tilespmem:s8+$0xC70] =	vst v0;
	s8 =	smov.u32 s12;
	s9 =	smov.u32 s6  }
.LBB2_4:
0x2e: {  	p1 =	sne.s32 s9, $0x1  }
.Ltmp1:
0x2f: {  	_ = 	snop;
	(pc) =	sbr.rel @p1 .LBB2_4-.Ltmp1, $3  }
0x30: {  	_ =	sdelay $0x1  }
0x31: {  	[spmem:s8] =	stream.linear.scatter [tilespmem:s20], [sflag:$0x7], $0x2800, $0x38;
	[tilespmem:$0x1C110] =	vst v63  }
0x32: {  	s8 =	sadd.s32 $0x28000, s8;
	s9 =	sadd.s32 $0xFFFFFFFF, s9  }
0x33: {  	s8 =	simm.s32 $0x40;
	s9 =	simm.s32 $0x0  }
.LBB2_6:
0x34: {  	p1 =	sne.s32 s8, $0x13C0;
	[tilespmem:s9+$0x19500] =	vst v0;
	s9 =	smov.u32 s8;
	s8 =	sadd.s32 $0x40, s8  }
.Ltmp2:
0x35: {  	(pc) =	sbr.rel @p1 .LBB2_6-.Ltmp2, $2  }
0x36: {  	_ =	sdelay $0x2  }
0x37: {  	s9 =	sshra.s32 s9, $0x2  }
0x38: {  	p1 =	sne.s32 s6, $0x1  }
.Ltmp3:
0x39: {  	_ = 	snop;
	(pc) =	sbr.rel @!p1 .LBB2_9-.Ltmp3, $3  }
0x3a: {  	_ =	sdelay $0x1  }
0x3b: {  	[tilespmem:s9+$0x19500] =	vst v0;
	s8 =	sadd.s32 $0xFFFFFFFF, s6;
	s9 =	smov.u32 s13  }
0x3c: {  	[spmem:s13] =	stream.linear.scatter [tilespmem:s21], [sflag:$0x7], $0x500, $0x38;
	[tilespmem:$0x1C110] =	vst v63  }
.LBB2_8:
0x3d: {  	p2 =	sne.s32 s8, $0x1  }
.Ltmp4:
0x3e: {  	_ = 	snop;
	(pc) =	sbr.rel @p2 .LBB2_8-.Ltmp4, $3  }
0x3f: {  	_ = 	snop  }
0x40: {  	s8 =	sadd.s32 $0xFFFFFFFF, s8;
	s9 =	sadd.s32 $0x5000, s9;
	_ =	sdelay $0x1  }
0x41: {  	[spmem:s9] =	stream.linear.scatter [tilespmem:s21], [sflag:$0x7], $0x500, $0x38;
	[tilespmem:$0x1C110] =	vst v63  }
.LBB2_9:
.Ltmp5:
0x42: {  	(pc) =	sbr.rel @!p1 .LBB2_11-.Ltmp5, $3  }
0x43: {  	_ =	sdelay $0x1  }
0x44: {  	_ =	swait.ge [sflag:s22], $0x2800  }
0x45: {  	s8 =	sadd.s32 $0xFFFFFFFF, s6;
	[sflag:s22] =	ssyncset.done $0x0  }
.LBB2_10:
0x46: {  	p2 =	sne.s32 s8, $0x1;
	s8 =	sadd.s32 $0xFFFFFFFF, s8;
	[sflag:s22] =	ssyncadd.s32 $0xFFFFD800  }
.Ltmp6:
0x47: {  	(pc) =	sbr.rel @p2 .LBB2_10-.Ltmp6, $3  }
0x48: {  	_ =	sdelay $0x1  }
0x49: {  	_ =	swait.ge [sflag:s22], $0x2800  }
0x4a: {  	[sflag:s22] =	ssyncset.done $0x0  }
.LBB2_11:
0x4b: {  	[sflag:s22] =	ssyncadd.s32 $0xFFFFD800;
	s8 =	smov.u32 s6  }
.LBB2_12:
0x4c: {  	p2 =	sne.s32 s8, $0x1  }
.Ltmp7:
0x4d: {  	_ = 	snop;
	(pc) =	sbr.rel @p2 .LBB2_12-.Ltmp7, $4  }
0x4e: {  	_ = 	snop  }
0x4f: {  	_ =	swait.ge [sflag:s22], $0x500  }
0x50: {  	[sflag:s22] =	ssyncset.done $0x0  }
0x51: {  	s8 =	sadd.s32 $0xFFFFFFFF, s8;
	[sflag:s22] =	ssyncadd.s32 $0xFFFFFB00  }
0x52: {  	s8 =	simm.s32 $0x40;
	s9 =	simm.s32 $0x0  }
.LBB2_14:
0x53: {  	p2 =	sne.s32 s8, $0x13C0;
	[tilespmem:s9+$0x19500] =	vst v1;
	s9 =	smov.u32 s8;
	s8 =	sadd.s32 $0x40, s8  }
.Ltmp8:
0x54: {  	(pc) =	sbr.rel @p2 .LBB2_14-.Ltmp8, $2  }
0x55: {  	_ =	sdelay $0x2  }
0x56: {  	s9 =	sshra.s32 s9, $0x2  }
.Ltmp9:
0x57: {  	(pc) =	sbr.rel @!p0 .LBB2_16-.Ltmp9, $4  }
0x58: {  	_ = 	snop  }
0x59: {  	[tilespmem:s9+$0x19500] =	vst v1  }
0x5a: {  	[bflag:$0x0] =	sbarrier.arrive $0xFFFF  }
0x5b: {  	s8 =	simm.s32 $0x0  }
0x5c: {  	s5 =	rddreg [dreg:$0x8]  }
0x5d: {  	[tilespmem:s8], [sflag:$0x5] =	stream.linear.gather [hbm4b:s5+s8], $0x320, $0x38;
	[tilespmem:$0x1C110] =	vst v63  }
0x5e: {  	s14 =	rddreg [dreg:$0x9];
	s9 =	simm.s32 $0x640  }
0x5f: {  	[tilespmem:s9], [sflag:$0x6] =	stream.linear.gather [hbm4b:s14+s8], $0x320, $0x38;
	[tilespmem:$0x1C110] =	vst v63  }
0x60: {  	_ =	swait.ge [sflag:s24], $0x320  }
0x61: {  	[sflag:s24] =	ssyncset.done $0x0  }
0x62: {  	[sflag:s24] =	ssyncadd.s32 $0xFFFFFCE0  }
0x63: {  	_ =	swait.ge [sflag:s25], $0x320  }
0x64: {  	p2 =	por $0x0, $0x0;
	[sflag:s25] =	ssyncset.done $0x0  }
0x65: {  	s10 =	simm.s32 @p2 $0x3;
	[sflag:s25] =	ssyncadd.s32 $0xFFFFFCE0  }
0x66: {  	_ =	swait.ge @p2 [sflag:s10], $0x2800  }
0x67: {  	s11 =	simm.s32 @p2 $0x320;
	s8 =	sand.u32 @p2 $0x1, s8;
	[sflag:s10] =	ssyncset.done @p2 $0x0  }
0x68: {  	p3 =	seq.s32 @p2 s8, $0x1;
	s8 =	simm.s32 @p2 $0x8;
	[sflag:s10] =	ssyncadd.s32 @p2 $0xFFFFD800  }
0x69: {  	s9 =	simm.s32 $0x1;
	p3 =	por !p3, !p2;
	_ =	swait.ge @p2 [sflag:s8], $0x500  }
0x6a: {  	s14 =	simm.s32 @p2 $0xC80;
	s11 =	simm.s32 @p3 $0x0;
	[sflag:s8] =	ssyncset.done @p2 $0x0  }
0x6b: {  	s10 =	sand.u32 $0x1, s9;
	[sflag:s8] =	ssyncadd.s32 @p2 $0xFFFFFB00;
	s8 =	simm.s32 @p2 $0x50  }
0x6c: {  	[tilespmem:s14], [sflag:$0x1] =	stream.indirect.gather @p2 [hbm4b:s4+s8], $0x80, s11, s8, $0xb8;
	[tilespmem:$0x1C110] =	vst v63  }
0x6d: {  	s15 =	simm.s32 @p2 $0x2;
	s14 =	smul.u32 @p2 $0xC80, s10  }
0x6e: {  	_ =	swait.ge @p2 [sflag:s15], $0x2800  }
0x6f: {  	s14 =	sshrl.u32 @p2 s14, $0x2;
	[sflag:s15] =	ssyncset.done @p2 $0x0  }
0x70: {  	[sflag:s15] =	ssyncadd.s32 @p2 $0xFFFFD800;
	s14 =	sadd.s32 @p2 $0x910, s14;
	s15 =	simm.s32 @p2 $0x3480  }
0x71: {  	[spmem:s1] =	stream.indirect.scatter.add.f32 @p2 [tilespmem:s15], [sflag:$0x4], $0x80, s14, s8, $0xb8;
	[tilespmem:$0x1C110] =	vst v63  }
0x72: {  	s15 =	simm.s32 @p2 $0x19500  }
0x73: {  	[spmem:s2] =	stream.indirect.scatter.add.f32 @p2 [tilespmem:s15], [sflag:$0x9], $0x10, s14, s8, $0xb8;
	[tilespmem:$0x1C110] =	vst v63  }
0x74: {  	s8 =	simm.s32 @p2 $0x4  }
0x75: {  	_ =	swait.ge @p2 [sflag:s8], $0x2800  }
0x76: {  	[sflag:s8] =	ssyncset.done @p2 $0x0  }
0x77: {  	[sflag:s8] =	ssyncadd.s32 @p2 $0xFFFFD800;
	s8 =	simm.s32 @p2 $0x9  }
0x78: {  	_ =	swait.ge @p2 [sflag:s8], $0x500  }
0x79: {  	s11 =	simm.s32 @!p2 $0x0;
	s14 =	simm.s32 @!p2 $0xC80;
	[sflag:s8] =	ssyncset.done @p2 $0x0  }
0x7a: {  	s15 =	simm.s32 @!p2 $0x0;
	[sflag:s8] =	ssyncadd.s32 @p2 $0xFFFFFB00;
	s8 =	simm.s32 @!p2 $0x50  }
0x7b: {  	[tilespmem:s14], [sflag:$0x1] =	stream.indirect.gather @!p2 [hbm4b:s4+s8], $0x80, s15, s8, $0xb8;
	[tilespmem:$0x1C110] =	vst v63  }
0x7c: {  	s15 =	sor.u32 $0x50, s11  }
0x7d: {  	[tilespmem:s28], [sflag:$0x2] =	stream.indirect.gather [hbm4b:s4+s26], $0x80, s15, s26, $0xb8;
	[tilespmem:$0x1C110] =	vst v63  }
0x7e: {  	_ =	swait.ge [sflag:s29], $0x2800  }
0x7f: {  	[sflag:s29] =	ssyncset.done $0x0  }
0x80: {  	s16 =	sadd.s32 $0x640, s11;
	[sflag:s29] =	ssyncadd.s32 $0xFFFFD800  }
0x81: {  	[spmem:s1] =	stream.indirect.scatter.add.f32 [tilespmem:s20], [sflag:$0x3], $0x80, s16, s26, $0xb8;
	[tilespmem:$0x1C110] =	vst v63  }
0x82: {  	_ = 	snop  }
0x83: {  	[spmem:s2] =	stream.indirect.scatter.add.f32 [tilespmem:s21], [sflag:$0x8], $0x10, s16, s26, $0xb8;
	[tilespmem:$0x1C110] =	vst v63  }
0x84: {  	_ =	swait.ge [sflag:s30], $0x2800  }
0x85: {  	[sflag:s30] =	ssyncset.done $0x0  }
0x86: {  	[sflag:s30] =	ssyncadd.s32 $0xFFFFD800  }
0x87: {  	_ =	swait.ge [sflag:s31], $0x500  }
0x88: {  	[sflag:s31] =	ssyncset.done $0x0  }
0x89: {  	s17 =	sadd.s32 $0xA0, s11;
	[sflag:s31] =	ssyncadd.s32 $0xFFFFFB00  }
0x8a: {  	[tilespmem:s20], [sflag:$0x1] =	stream.indirect.gather [hbm4b:s4+s26], $0x80, s17, s26, $0xb8;
	[tilespmem:$0x1C110] =	vst v63  }
0x8b: {  	_ =	swait.ge [sflag:s0], $0x2800  }
0x8c: {  	[sflag:s0] =	ssyncset.done $0x0  }
0x8d: {  	s18 =	sadd.s32 $0x690, s11;
	[sflag:s0] =	ssyncadd.s32 $0xFFFFD800  }
0x8e: {  	[spmem:s1] =	stream.indirect.scatter.add.f32 [tilespmem:s28], [sflag:$0x4], $0x80, s18, s26, $0xb8;
	[tilespmem:$0x1C110] =	vst v63  }
0x8f: {  	_ = 	snop  }
0x90: {  	[spmem:s2] =	stream.indirect.scatter.add.f32 [tilespmem:s21], [sflag:$0x9], $0x10, s18, s26, $0xb8;
	[tilespmem:$0x1C110] =	vst v63  }
0x91: {  	_ =	swait.ge [sflag:s23], $0x2800  }
0x92: {  	[sflag:s23] =	ssyncset.done $0x0  }
0x93: {  	[sflag:s23] =	ssyncadd.s32 $0xFFFFD800  }
0x94: {  	_ =	swait.ge [sflag:s7], $0x500  }
0x95: {  	p2 =	por $0x0, $0x0;
	[sflag:s7] =	ssyncset.done $0x0  }
0x96: {  	s19 =	sadd.s32 $0xF0, s11;
	s10 =	smul.u32 @!p2 $0x320, s10;
	[sflag:s7] =	ssyncadd.s32 $0xFFFFFB00  }
0x97: {  	[tilespmem:s28], [sflag:$0x2] =	stream.indirect.gather [hbm4b:s4+s26], $0x80, s19, s26, $0xb8;
	[tilespmem:$0x1C110] =	vst v63  }
0x98: {  	s15 =	simm.s32 @!p2 $0x0;
	s16 =	rddreg [dreg:$0xe]  }
0x99: {  	[tilespmem:s10], [sflag:$0x5] =	stream.linear.gather @!p2 [hbm4b:s16+s15], $0x320, $0x38;
	[tilespmem:$0x1C110] =	vst v63  }
0x9a: {  	s5 =	rddreg [dreg:$0xd];
	s10 =	sadd.s32 @!p2 $0x640, s10  }
0x9b: {  	[tilespmem:s10], [sflag:$0x6] =	stream.linear.gather @!p2 [hbm4b:s5+s15], $0x320, $0x38;
	[tilespmem:$0x1C110] =	vst v63  }
0x9c: {  	_ =	swait.ge [sflag:s29], $0x2800  }
0x9d: {  	[sflag:s29] =	ssyncset.done $0x0  }
0x9e: {  	s8 =	sadd.s32 $0x640, s17;
	[sflag:s29] =	ssyncadd.s32 $0xFFFFD800  }
0x9f: {  	[spmem:s1] =	stream.indirect.scatter.add.f32 [tilespmem:s20], [sflag:$0x3], $0x80, s8, s26, $0xb8;
	[tilespmem:$0x1C110] =	vst v63  }
0xa0: {  	_ = 	snop  }
0xa1: {  	[spmem:s2] =	stream.indirect.scatter.add.f32 [tilespmem:s21], [sflag:$0x8], $0x10, s8, s26, $0xb8;
	[tilespmem:$0x1C110] =	vst v63  }
0xa2: {  	_ =	swait.ge [sflag:s30], $0x2800  }
0xa3: {  	[sflag:s30] =	ssyncset.done $0x0  }
0xa4: {  	[sflag:s30] =	ssyncadd.s32 $0xFFFFD800  }
0xa5: {  	_ =	swait.ge [sflag:s31], $0x500  }
0xa6: {  	[sflag:s31] =	ssyncset.done $0x0  }
0xa7: {  	s10 =	sadd.s32 $0x140, s11;
	[sflag:s31] =	ssyncadd.s32 $0xFFFFFB00  }
0xa8: {  	[tilespmem:s20], [sflag:$0x1] =	stream.indirect.gather [hbm4b:s4+s26], $0x80, s10, s26, $0xb8;
	[tilespmem:$0x1C110] =	vst v63  }
0xa9: {  	_ =	swait.ge [sflag:s0], $0x2800  }
0xaa: {  	[sflag:s0] =	ssyncset.done $0x0  }
0xab: {  	s15 =	sadd.s32 $0x640, s19;
	[sflag:s0] =	ssyncadd.s32 $0xFFFFD800  }
0xac: {  	[spmem:s1] =	stream.indirect.scatter.add.f32 [tilespmem:s28], [sflag:$0x4], $0x80, s15, s26, $0xb8;
	[tilespmem:$0x1C110] =	vst v63  }
0xad: {  	_ = 	snop  }
0xae: {  	[spmem:s2] =	stream.indirect.scatter.add.f32 [tilespmem:s21], [sflag:$0x9], $0x10, s15, s26, $0xb8;
	[tilespmem:$0x1C110] =	vst v63  }
0xaf: {  	_ =	swait.ge [sflag:s23], $0x2800  }
0xb0: {  	[sflag:s23] =	ssyncset.done $0x0  }
0xb1: {  	[sflag:s23] =	ssyncadd.s32 $0xFFFFD800  }
0xb2: {  	_ =	swait.ge [sflag:s7], $0x500  }
0xb3: {  	[sflag:s7] =	ssyncset.done $0x0  }
0xb4: {  	s17 =	sadd.s32 $0x190, s11;
	[sflag:s7] =	ssyncadd.s32 $0xFFFFFB00  }
0xb5: {  	[tilespmem:s28], [sflag:$0x2] =	stream.indirect.gather [hbm4b:s4+s26], $0x80, s17, s26, $0xb8;
	[tilespmem:$0x1C110] =	vst v63  }
0xb6: {  	_ =	swait.ge [sflag:s29], $0x2800  }
0xb7: {  	[sflag:s29] =	ssyncset.done $0x0  }
0xb8: {  	s18 =	sadd.s32 $0x780, s11;
	[sflag:s29] =	ssyncadd.s32 $0xFFFFD800  }
0xb9: {  	[spmem:s1] =	stream.indirect.scatter.add.f32 [tilespmem:s20], [sflag:$0x3], $0x80, s18, s26, $0xb8;
	[tilespmem:$0x1C110] =	vst v63  }
0xba: {  	_ = 	snop  }
0xbb: {  	[spmem:s2] =	stream.indirect.scatter.add.f32 [tilespmem:s21], [sflag:$0x8], $0x10, s18, s26, $0xb8;
	[tilespmem:$0x1C110] =	vst v63  }
0xbc: {  	_ =	swait.ge [sflag:s30], $0x2800  }
0xbd: {  	[sflag:s30] =	ssyncset.done $0x0  }
0xbe: {  	[sflag:s30] =	ssyncadd.s32 $0xFFFFD800  }
0xbf: {  	_ =	swait.ge [sflag:s31], $0x500  }
0xc0: {  	[sflag:s31] =	ssyncset.done $0x0  }
0xc1: {  	s19 =	sadd.s32 $0x1E0, s11;
	[sflag:s31] =	ssyncadd.s32 $0xFFFFFB00  }
0xc2: {  	[tilespmem:s20], [sflag:$0x1] =	stream.indirect.gather [hbm4b:s4+s26], $0x80, s19, s26, $0xb8;
	[tilespmem:$0x1C110] =	vst v63  }
0xc3: {  	_ =	swait.ge [sflag:s0], $0x2800  }
0xc4: {  	[sflag:s0] =	ssyncset.done $0x0  }
0xc5: {  	s10 =	sadd.s32 $0x7D0, s11;
	[sflag:s0] =	ssyncadd.s32 $0xFFFFD800  }
0xc6: {  	[spmem:s1] =	stream.indirect.scatter.add.f32 [tilespmem:s28], [sflag:$0x4], $0x80, s10, s26, $0xb8;
	[tilespmem:$0x1C110] =	vst v63  }
0xc7: {  	_ = 	snop  }
0xc8: {  	[spmem:s2] =	stream.indirect.scatter.add.f32 [tilespmem:s21], [sflag:$0x9], $0x10, s10, s26, $0xb8;
	[tilespmem:$0x1C110] =	vst v63  }
0xc9: {  	_ =	swait.ge [sflag:s23], $0x2800  }
0xca: {  	[sflag:s23] =	ssyncset.done $0x0  }
0xcb: {  	[sflag:s23] =	ssyncadd.s32 $0xFFFFD800  }
0xcc: {  	_ =	swait.ge [sflag:s7], $0x500  }
0xcd: {  	[sflag:s7] =	ssyncset.done $0x0  }
0xce: {  	s14 =	sadd.s32 $0x230, s11;
	[sflag:s7] =	ssyncadd.s32 $0xFFFFFB00  }
0xcf: {  	[tilespmem:s28], [sflag:$0x2] =	stream.indirect.gather [hbm4b:s4+s26], $0x80, s14, s26, $0xb8;
	[tilespmem:$0x1C110] =	vst v63  }
0xd0: {  	_ =	swait.ge [sflag:s29], $0x2800  }
0xd1: {  	[sflag:s29] =	ssyncset.done $0x0  }
0xd2: {  	s15 =	sadd.s32 $0x820, s11;
	[sflag:s29] =	ssyncadd.s32 $0xFFFFD800  }
0xd3: {  	[spmem:s1] =	stream.indirect.scatter.add.f32 [tilespmem:s20], [sflag:$0x3], $0x80, s15, s26, $0xb8;
	[tilespmem:$0x1C110] =	vst v63  }
0xd4: {  	_ = 	snop  }
0xd5: {  	[spmem:s2] =	stream.indirect.scatter.add.f32 [tilespmem:s21], [sflag:$0x8], $0x10, s15, s26, $0xb8;
	[tilespmem:$0x1C110] =	vst v63  }
0xd6: {  	_ =	swait.ge [sflag:s30], $0x2800  }
0xd7: {  	[sflag:s30] =	ssyncset.done $0x0  }
0xd8: {  	[sflag:s30] =	ssyncadd.s32 $0xFFFFD800  }
0xd9: {  	_ =	swait.ge [sflag:s31], $0x500  }
0xda: {  	[sflag:s31] =	ssyncset.done $0x0  }
0xdb: {  	s17 =	sadd.s32 $0x280, s11;
	[sflag:s31] =	ssyncadd.s32 $0xFFFFFB00  }
0xdc: {  	[tilespmem:s20], [sflag:$0x1] =	stream.indirect.gather [hbm4b:s4+s26], $0x80, s17, s26, $0xb8;
	[tilespmem:$0x1C110] =	vst v63  }
0xdd: {  	_ =	swait.ge [sflag:s0], $0x2800  }
0xde: {  	[sflag:s0] =	ssyncset.done $0x0  }
0xdf: {  	s18 =	sadd.s32 $0x870, s11;
	[sflag:s0] =	ssyncadd.s32 $0xFFFFD800  }
0xe0: {  	[spmem:s1] =	stream.indirect.scatter.add.f32 [tilespmem:s28], [sflag:$0x4], $0x80, s18, s26, $0xb8;
	[tilespmem:$0x1C110] =	vst v63  }
0xe1: {  	_ = 	snop  }
0xe2: {  	[spmem:s2] =	stream.indirect.scatter.add.f32 [tilespmem:s21], [sflag:$0x9], $0x10, s18, s26, $0xb8;
	[tilespmem:$0x1C110] =	vst v63  }
0xe3: {  	_ =	swait.ge [sflag:s23], $0x2800  }
0xe4: {  	[sflag:s23] =	ssyncset.done $0x0  }
0xe5: {  	[sflag:s23] =	ssyncadd.s32 $0xFFFFD800  }
0xe6: {  	_ =	swait.ge [sflag:s7], $0x500  }
0xe7: {  	[sflag:s7] =	ssyncset.done $0x0  }
0xe8: {  	s19 =	sadd.s32 $0x2D0, s11;
	[sflag:s7] =	ssyncadd.s32 $0xFFFFFB00  }
0xe9: {  	[tilespmem:s28], [sflag:$0x2] =	stream.indirect.gather [hbm4b:s4+s26], $0x80, s19, s26, $0xb8;
	[tilespmem:$0x1C110] =	vst v63  }
0xea: {  	_ =	swait.ge [sflag:s29], $0x2800  }
0xeb: {  	s10 =	sadd.s32 $0x8C0, s11;
	[sflag:s29] =	ssyncset.done $0x0  }
0xec: {  	s14 =	smov.u32 s5;
	s15 =	smov.u32 s16;
	[sflag:s29] =	ssyncadd.s32 $0xFFFFD800  }
0xed: {  	[spmem:s1] =	stream.indirect.scatter.add.f32 [tilespmem:s20], [sflag:$0x3], $0x80, s10, s26, $0xb8;
	[tilespmem:$0x1C110] =	vst v63  }
.LBB2_20:
0xee: {  	s14 =	sadd.s32 $0x64, s14  }
0xef: {  	s15 =	sadd.s32 $0x64, s15;
	s8 =	smov.u32 s9;
	s9 =	sadd.s32 $0x1, s9  }
0xf0: {  	[spmem:s2] =	stream.indirect.scatter.add.f32 [tilespmem:s21], [sflag:$0x8], $0x10, s10, s26, $0xb8;
	[tilespmem:$0x1C110] =	vst v63  }
0xf1: {  	s10 =	sand.u32 $0x1, s9;
	p2 =	sne.s32 s9, $0x19;
	_ =	swait.ge [sflag:s24], $0x320  }
0xf2: {  	[sflag:s24] =	ssyncset.done $0x0  }
0xf3: {  	[sflag:s24] =	ssyncadd.s32 $0xFFFFFCE0  }
0xf4: {  	_ =	swait.ge [sflag:s25], $0x320  }
0xf5: {  	p3 =	sne.s32 s8, $0x0;
	[sflag:s25] =	ssyncset.done $0x0  }
0xf6: {  	s16 =	simm.s32 @p3 $0x3;
	s11 =	sand.u32 @p3 $0x1, s8;
	[sflag:s25] =	ssyncadd.s32 $0xFFFFFCE0  }
0xf7: {  	s17 =	smul.u32 @p3 $0xC80, s10;
	p4 =	seq.s32 @p3 s11, $0x1;
	_ =	swait.ge @p3 [sflag:s16], $0x2800  }
0xf8: {  	s11 =	simm.s32 @p3 $0x320;
	p4 =	por !p4, !p3;
	[sflag:s16] =	ssyncset.done @p3 $0x0  }
0xf9: {  	s11 =	simm.s32 @p4 $0x0;
	[sflag:s16] =	ssyncadd.s32 @p3 $0xFFFFD800;
	s16 =	simm.s32 @p3 $0x8  }
0xfa: {  	s17 =	sshrl.u32 @p3 s17, $0x2;
	_ =	swait.ge @p3 [sflag:s16], $0x500  }
0xfb: {  	s18 =	simm.s32 @p3 $0x2;
	[sflag:s16] =	ssyncset.done @p3 $0x0  }
0xfc: {  	s19 =	simm.s32 @p3 $0xC80;
	[sflag:s16] =	ssyncadd.s32 @p3 $0xFFFFFB00;
	s16 =	simm.s32 @p3 $0x50  }
0xfd: {  	[tilespmem:s19], [sflag:$0x1] =	stream.indirect.gather @p3 [hbm4b:s4+s16], $0x80, s11, s16, $0xb8;
	[tilespmem:$0x1C110] =	vst v63  }
0xfe: {  	_ =	swait.ge @p3 [sflag:s18], $0x2800  }
0xff: {  	[sflag:s18] =	ssyncset.done @p3 $0x0  }
0x100: {  	s17 =	sadd.s32 @p3 $0x910, s17;
	[sflag:s18] =	ssyncadd.s32 @p3 $0xFFFFD800;
	s18 =	simm.s32 @p3 $0x3480  }
0x101: {  	[spmem:s1] =	stream.indirect.scatter.add.f32 @p3 [tilespmem:s18], [sflag:$0x4], $0x80, s17, s16, $0xb8;
	[tilespmem:$0x1C110] =	vst v63  }
0x102: {  	s19 =	simm.s32 @p3 $0x4;
	s18 =	simm.s32 @p3 $0x19500  }
0x103: {  	[spmem:s2] =	stream.indirect.scatter.add.f32 @p3 [tilespmem:s18], [sflag:$0x9], $0x10, s17, s16, $0xb8;
	[tilespmem:$0x1C110] =	vst v63  }
0x104: {  	_ =	swait.ge @p3 [sflag:s19], $0x2800  }
0x105: {  	[sflag:s19] =	ssyncset.done @p3 $0x0  }
0x106: {  	s16 =	simm.s32 @p3 $0x9;
	[sflag:s19] =	ssyncadd.s32 @p3 $0xFFFFD800  }
0x107: {  	_ =	swait.ge @p3 [sflag:s16], $0x500  }
0x108: {  	s11 =	simm.s32 @!p3 $0x0;
	s17 =	simm.s32 @!p3 $0xC80;
	[sflag:s16] =	ssyncset.done @p3 $0x0  }
0x109: {  	s18 =	simm.s32 @!p3 $0x0;
	[sflag:s16] =	ssyncadd.s32 @p3 $0xFFFFFB00;
	s16 =	simm.s32 @!p3 $0x50  }
0x10a: {  	[tilespmem:s17], [sflag:$0x1] =	stream.indirect.gather @!p3 [hbm4b:s4+s16], $0x80, s18, s16, $0xb8;
	[tilespmem:$0x1C110] =	vst v63  }
0x10b: {  	s16 =	sor.u32 $0x50, s11  }
0x10c: {  	[tilespmem:s28], [sflag:$0x2] =	stream.indirect.gather [hbm4b:s4+s26], $0x80, s16, s26, $0xb8;
	[tilespmem:$0x1C110] =	vst v63  }
0x10d: {  	_ =	swait.ge [sflag:s29], $0x2800  }
0x10e: {  	[sflag:s29] =	ssyncset.done $0x0  }
0x10f: {  	s16 =	sadd.s32 $0x640, s11;
	[sflag:s29] =	ssyncadd.s32 $0xFFFFD800  }
0x110: {  	[spmem:s1] =	stream.indirect.scatter.add.f32 [tilespmem:s20], [sflag:$0x3], $0x80, s16, s26, $0xb8;
	[tilespmem:$0x1C110] =	vst v63  }
0x111: {  	_ = 	snop  }
0x112: {  	[spmem:s2] =	stream.indirect.scatter.add.f32 [tilespmem:s21], [sflag:$0x8], $0x10, s16, s26, $0xb8;
	[tilespmem:$0x1C110] =	vst v63  }
0x113: {  	_ =	swait.ge [sflag:s30], $0x2800  }
0x114: {  	[sflag:s30] =	ssyncset.done $0x0  }
0x115: {  	[sflag:s30] =	ssyncadd.s32 $0xFFFFD800  }
0x116: {  	_ =	swait.ge [sflag:s31], $0x500  }
0x117: {  	[sflag:s31] =	ssyncset.done $0x0  }
0x118: {  	s16 =	sadd.s32 $0xA0, s11;
	[sflag:s31] =	ssyncadd.s32 $0xFFFFFB00  }
0x119: {  	[tilespmem:s20], [sflag:$0x1] =	stream.indirect.gather [hbm4b:s4+s26], $0x80, s16, s26, $0xb8;
	[tilespmem:$0x1C110] =	vst v63  }
0x11a: {  	_ =	swait.ge [sflag:s0], $0x2800  }
0x11b: {  	[sflag:s0] =	ssyncset.done $0x0  }
0x11c: {  	s17 =	sadd.s32 $0x690, s11;
	[sflag:s0] =	ssyncadd.s32 $0xFFFFD800  }
0x11d: {  	[spmem:s1] =	stream.indirect.scatter.add.f32 [tilespmem:s28], [sflag:$0x4], $0x80, s17, s26, $0xb8;
	[tilespmem:$0x1C110] =	vst v63  }
0x11e: {  	_ = 	snop  }
0x11f: {  	[spmem:s2] =	stream.indirect.scatter.add.f32 [tilespmem:s21], [sflag:$0x9], $0x10, s17, s26, $0xb8;
	[tilespmem:$0x1C110] =	vst v63  }
0x120: {  	_ =	swait.ge [sflag:s23], $0x2800  }
0x121: {  	[sflag:s23] =	ssyncset.done $0x0  }
0x122: {  	[sflag:s23] =	ssyncadd.s32 $0xFFFFD800  }
0x123: {  	_ =	swait.ge [sflag:s7], $0x500  }
0x124: {  	[sflag:s7] =	ssyncset.done $0x0  }
0x125: {  	p3 =	seq.s32 s8, $0x18;
	s17 =	sadd.s32 $0xF0, s11;
	[sflag:s7] =	ssyncadd.s32 $0xFFFFFB00  }
0x126: {  	[tilespmem:s28], [sflag:$0x2] =	stream.indirect.gather [hbm4b:s4+s26], $0x80, s17, s26, $0xb8;
	[tilespmem:$0x1C110] =	vst v63  }
0x127: {  	s8 =	smul.u32 @!p3 $0x320, s10;
	s10 =	simm.s32 @!p3 $0x0;
	_ =	sdelay $0x1  }
0x128: {  	[tilespmem:s8], [sflag:$0x5] =	stream.linear.gather @!p3 [hbm4b:s15+s10], $0x320, $0x38;
	[tilespmem:$0x1C110] =	vst v63  }
0x129: {  	s8 =	sadd.s32 @!p3 $0x640, s8  }
0x12a: {  	[tilespmem:s8], [sflag:$0x6] =	stream.linear.gather @!p3 [hbm4b:s14+s10], $0x320, $0x38;
	[tilespmem:$0x1C110] =	vst v63  }
0x12b: {  	_ =	swait.ge [sflag:s29], $0x2800  }
0x12c: {  	s8 =	sadd.s32 $0x640, s16;
	[sflag:s29] =	ssyncset.done $0x0  }
0x12d: {  	[sflag:s29] =	ssyncadd.s32 $0xFFFFD800  }
0x12e: {  	[spmem:s1] =	stream.indirect.scatter.add.f32 [tilespmem:s20], [sflag:$0x3], $0x80, s8, s26, $0xb8;
	[tilespmem:$0x1C110] =	vst v63  }
0x12f: {  	_ = 	snop  }
0x130: {  	[spmem:s2] =	stream.indirect.scatter.add.f32 [tilespmem:s21], [sflag:$0x8], $0x10, s8, s26, $0xb8;
	[tilespmem:$0x1C110] =	vst v63  }
0x131: {  	_ =	swait.ge [sflag:s30], $0x2800  }
0x132: {  	[sflag:s30] =	ssyncset.done $0x0  }
0x133: {  	[sflag:s30] =	ssyncadd.s32 $0xFFFFD800  }
0x134: {  	_ =	swait.ge [sflag:s31], $0x500  }
0x135: {  	s8 =	sadd.s32 $0x140, s11;
	[sflag:s31] =	ssyncset.done $0x0  }
0x136: {  	[sflag:s31] =	ssyncadd.s32 $0xFFFFFB00  }
0x137: {  	[tilespmem:s20], [sflag:$0x1] =	stream.indirect.gather [hbm4b:s4+s26], $0x80, s8, s26, $0xb8;
	[tilespmem:$0x1C110] =	vst v63  }
0x138: {  	_ =	swait.ge [sflag:s0], $0x2800  }
0x139: {  	s8 =	sadd.s32 $0x640, s17;
	[sflag:s0] =	ssyncset.done $0x0  }
0x13a: {  	[sflag:s0] =	ssyncadd.s32 $0xFFFFD800  }
0x13b: {  	[spmem:s1] =	stream.indirect.scatter.add.f32 [tilespmem:s28], [sflag:$0x4], $0x80, s8, s26, $0xb8;
	[tilespmem:$0x1C110] =	vst v63  }
0x13c: {  	_ = 	snop  }
0x13d: {  	[spmem:s2] =	stream.indirect.scatter.add.f32 [tilespmem:s21], [sflag:$0x9], $0x10, s8, s26, $0xb8;
	[tilespmem:$0x1C110] =	vst v63  }
0x13e: {  	_ =	swait.ge [sflag:s23], $0x2800  }
0x13f: {  	[sflag:s23] =	ssyncset.done $0x0  }
0x140: {  	[sflag:s23] =	ssyncadd.s32 $0xFFFFD800  }
0x141: {  	_ =	swait.ge [sflag:s7], $0x500  }
0x142: {  	s8 =	sadd.s32 $0x190, s11;
	[sflag:s7] =	ssyncset.done $0x0  }
0x143: {  	[sflag:s7] =	ssyncadd.s32 $0xFFFFFB00  }
0x144: {  	[tilespmem:s28], [sflag:$0x2] =	stream.indirect.gather [hbm4b:s4+s26], $0x80, s8, s26, $0xb8;
	[tilespmem:$0x1C110] =	vst v63  }
0x145: {  	_ =	swait.ge [sflag:s29], $0x2800  }
0x146: {  	s8 =	sadd.s32 $0x780, s11;
	[sflag:s29] =	ssyncset.done $0x0  }
0x147: {  	[sflag:s29] =	ssyncadd.s32 $0xFFFFD800  }
0x148: {  	[spmem:s1] =	stream.indirect.scatter.add.f32 [tilespmem:s20], [sflag:$0x3], $0x80, s8, s26, $0xb8;
	[tilespmem:$0x1C110] =	vst v63  }
0x149: {  	_ = 	snop  }
0x14a: {  	[spmem:s2] =	stream.indirect.scatter.add.f32 [tilespmem:s21], [sflag:$0x8], $0x10, s8, s26, $0xb8;
	[tilespmem:$0x1C110] =	vst v63  }
0x14b: {  	_ =	swait.ge [sflag:s30], $0x2800  }
0x14c: {  	[sflag:s30] =	ssyncset.done $0x0  }
0x14d: {  	[sflag:s30] =	ssyncadd.s32 $0xFFFFD800  }
0x14e: {  	_ =	swait.ge [sflag:s31], $0x500  }
0x14f: {  	s8 =	sadd.s32 $0x1E0, s11;
	[sflag:s31] =	ssyncset.done $0x0  }
0x150: {  	[sflag:s31] =	ssyncadd.s32 $0xFFFFFB00  }
0x151: {  	[tilespmem:s20], [sflag:$0x1] =	stream.indirect.gather [hbm4b:s4+s26], $0x80, s8, s26, $0xb8;
	[tilespmem:$0x1C110] =	vst v63  }
0x152: {  	_ =	swait.ge [sflag:s0], $0x2800  }
0x153: {  	s8 =	sadd.s32 $0x7D0, s11;
	[sflag:s0] =	ssyncset.done $0x0  }
0x154: {  	[sflag:s0] =	ssyncadd.s32 $0xFFFFD800  }
0x155: {  	[spmem:s1] =	stream.indirect.scatter.add.f32 [tilespmem:s28], [sflag:$0x4], $0x80, s8, s26, $0xb8;
	[tilespmem:$0x1C110] =	vst v63  }
0x156: {  	_ = 	snop  }
0x157: {  	[spmem:s2] =	stream.indirect.scatter.add.f32 [tilespmem:s21], [sflag:$0x9], $0x10, s8, s26, $0xb8;
	[tilespmem:$0x1C110] =	vst v63  }
0x158: {  	_ =	swait.ge [sflag:s23], $0x2800  }
0x159: {  	[sflag:s23] =	ssyncset.done $0x0  }
0x15a: {  	[sflag:s23] =	ssyncadd.s32 $0xFFFFD800  }
0x15b: {  	_ =	swait.ge [sflag:s7], $0x500  }
0x15c: {  	s8 =	sadd.s32 $0x230, s11;
	[sflag:s7] =	ssyncset.done $0x0  }
0x15d: {  	[sflag:s7] =	ssyncadd.s32 $0xFFFFFB00  }
0x15e: {  	[tilespmem:s28], [sflag:$0x2] =	stream.indirect.gather [hbm4b:s4+s26], $0x80, s8, s26, $0xb8;
	[tilespmem:$0x1C110] =	vst v63  }
0x15f: {  	_ =	swait.ge [sflag:s29], $0x2800  }
0x160: {  	s8 =	sadd.s32 $0x820, s11;
	[sflag:s29] =	ssyncset.done $0x0  }
0x161: {  	[sflag:s29] =	ssyncadd.s32 $0xFFFFD800  }
0x162: {  	[spmem:s1] =	stream.indirect.scatter.add.f32 [tilespmem:s20], [sflag:$0x3], $0x80, s8, s26, $0xb8;
	[tilespmem:$0x1C110] =	vst v63  }
0x163: {  	_ = 	snop  }
0x164: {  	[spmem:s2] =	stream.indirect.scatter.add.f32 [tilespmem:s21], [sflag:$0x8], $0x10, s8, s26, $0xb8;
	[tilespmem:$0x1C110] =	vst v63  }
0x165: {  	_ =	swait.ge [sflag:s30], $0x2800  }
0x166: {  	[sflag:s30] =	ssyncset.done $0x0  }
0x167: {  	[sflag:s30] =	ssyncadd.s32 $0xFFFFD800  }
0x168: {  	_ =	swait.ge [sflag:s31], $0x500  }
0x169: {  	s8 =	sadd.s32 $0x280, s11;
	[sflag:s31] =	ssyncset.done $0x0  }
0x16a: {  	[sflag:s31] =	ssyncadd.s32 $0xFFFFFB00  }
0x16b: {  	[tilespmem:s20], [sflag:$0x1] =	stream.indirect.gather [hbm4b:s4+s26], $0x80, s8, s26, $0xb8;
	[tilespmem:$0x1C110] =	vst v63  }
0x16c: {  	_ =	swait.ge [sflag:s0], $0x2800  }
0x16d: {  	s8 =	sadd.s32 $0x870, s11;
	[sflag:s0] =	ssyncset.done $0x0  }
0x16e: {  	[sflag:s0] =	ssyncadd.s32 $0xFFFFD800  }
0x16f: {  	[spmem:s1] =	stream.indirect.scatter.add.f32 [tilespmem:s28], [sflag:$0x4], $0x80, s8, s26, $0xb8;
	[tilespmem:$0x1C110] =	vst v63  }
0x170: {  	_ = 	snop  }
0x171: {  	[spmem:s2] =	stream.indirect.scatter.add.f32 [tilespmem:s21], [sflag:$0x9], $0x10, s8, s26, $0xb8;
	[tilespmem:$0x1C110] =	vst v63  }
0x172: {  	_ =	swait.ge [sflag:s23], $0x2800  }
0x173: {  	[sflag:s23] =	ssyncset.done $0x0  }
0x174: {  	[sflag:s23] =	ssyncadd.s32 $0xFFFFD800  }
0x175: {  	_ =	swait.ge [sflag:s7], $0x500  }
0x176: {  	s8 =	sadd.s32 $0x2D0, s11;
	[sflag:s7] =	ssyncset.done $0x0  }
0x177: {  	[sflag:s7] =	ssyncadd.s32 $0xFFFFFB00  }
0x178: {  	[tilespmem:s28], [sflag:$0x2] =	stream.indirect.gather [hbm4b:s4+s26], $0x80, s8, s26, $0xb8;
	[tilespmem:$0x1C110] =	vst v63  }
.Ltmp10:
0x179: {  	_ = 	snop;
	(pc) =	sbr.rel @p2 .LBB2_20-.Ltmp10, $4  }
0x17a: {  	_ =	swait.ge [sflag:s29], $0x2800  }
0x17b: {  	s10 =	sadd.s32 $0x8C0, s11;
	[sflag:s29] =	ssyncset.done $0x0  }
0x17c: {  	[sflag:s29] =	ssyncadd.s32 $0xFFFFD800  }
0x17d: {  	[spmem:s1] =	stream.indirect.scatter.add.f32 [tilespmem:s20], [sflag:$0x3], $0x80, s10, s26, $0xb8;
	[tilespmem:$0x1C110] =	vst v63  }
.Ltmp11:
0x17e: {  	(pc) =	sbr.rel .LBB2_22-.Ltmp11, $2  }
0x17f: {  	_ =	sdelay $0x2  }
0x180: {  	[spmem:s2] =	stream.indirect.scatter.add.f32 [tilespmem:s21], [sflag:$0x8], $0x10, s10, s26, $0xb8;
	[tilespmem:$0x1C110] =	vst v63  }
.LBB2_16:
0x181: {  	s5 =	rddreg [dreg:$0x6]  }
0x182: {  	[tilespmem:s8], [sflag:$0x5] =	stream.linear.gather [hbm4b:s5+s8], $0x320, $0x38;
	[tilespmem:$0x1C110] =	vst v63  }
0x183: {  	s14 =	rddreg [dreg:$0x7];
	s9 =	simm.s32 $0x640  }
0x184: {  	[tilespmem:s9], [sflag:$0x6] =	stream.linear.gather [hbm4b:s14+s8], $0x320, $0x38;
	[tilespmem:$0x1C110] =	vst v63  }
0x185: {  	_ =	swait.ge [sflag:s24], $0x320  }
0x186: {  	[sflag:s24] =	ssyncset.done $0x0  }
0x187: {  	[sflag:s24] =	ssyncadd.s32 $0xFFFFFCE0  }
0x188: {  	_ =	swait.ge [sflag:s25], $0x320  }
0x189: {  	p2 =	por $0x0, $0x0;
	[sflag:s25] =	ssyncset.done $0x0  }
0x18a: {  	s10 =	simm.s32 @p2 $0x3;
	[sflag:s25] =	ssyncadd.s32 $0xFFFFFCE0  }
0x18b: {  	_ =	swait.ge @p2 [sflag:s10], $0x2800  }
0x18c: {  	s11 =	simm.s32 @p2 $0x320;
	s8 =	sand.u32 @p2 $0x1, s8;
	[sflag:s10] =	ssyncset.done @p2 $0x0  }
0x18d: {  	p3 =	seq.s32 @p2 s8, $0x1;
	s8 =	simm.s32 @p2 $0x8;
	[sflag:s10] =	ssyncadd.s32 @p2 $0xFFFFD800  }
0x18e: {  	s9 =	simm.s32 $0x1;
	p3 =	por !p3, !p2;
	_ =	swait.ge @p2 [sflag:s8], $0x500  }
0x18f: {  	s14 =	simm.s32 @p2 $0xC80;
	s11 =	simm.s32 @p3 $0x0;
	[sflag:s8] =	ssyncset.done @p2 $0x0  }
0x190: {  	s10 =	sand.u32 $0x1, s9;
	[sflag:s8] =	ssyncadd.s32 @p2 $0xFFFFFB00;
	s8 =	simm.s32 @p2 $0x50  }
0x191: {  	[tilespmem:s14], [sflag:$0x1] =	stream.indirect.gather @p2 [hbm4b:s4+s8], $0x80, s11, s8, $0xb8;
	[tilespmem:$0x1C110] =	vst v63  }
0x192: {  	s15 =	simm.s32 @p2 $0x2;
	s14 =	smul.u32 @p2 $0xC80, s10  }
0x193: {  	_ =	swait.ge @p2 [sflag:s15], $0x2800  }
0x194: {  	s14 =	sshrl.u32 @p2 s14, $0x2;
	[sflag:s15] =	ssyncset.done @p2 $0x0  }
0x195: {  	[sflag:s15] =	ssyncadd.s32 @p2 $0xFFFFD800;
	s14 =	sadd.s32 @p2 $0x910, s14;
	s15 =	simm.s32 @p2 $0x3480  }
0x196: {  	[spmem:s1] =	stream.indirect.scatter.add.f32 @p2 [tilespmem:s15], [sflag:$0x4], $0x80, s14, s8, $0xb8;
	[tilespmem:$0x1C110] =	vst v63  }
0x197: {  	s15 =	simm.s32 @p2 $0x19500  }
0x198: {  	[spmem:s2] =	stream.indirect.scatter.add.f32 @p2 [tilespmem:s15], [sflag:$0x9], $0x10, s14, s8, $0xb8;
	[tilespmem:$0x1C110] =	vst v63  }
0x199: {  	s8 =	simm.s32 @p2 $0x4  }
0x19a: {  	_ =	swait.ge @p2 [sflag:s8], $0x2800  }
0x19b: {  	[sflag:s8] =	ssyncset.done @p2 $0x0  }
0x19c: {  	[sflag:s8] =	ssyncadd.s32 @p2 $0xFFFFD800;
	s8 =	simm.s32 @p2 $0x9  }
0x19d: {  	_ =	swait.ge @p2 [sflag:s8], $0x500  }
0x19e: {  	s11 =	simm.s32 @!p2 $0x0;
	s14 =	simm.s32 @!p2 $0xC80;
	[sflag:s8] =	ssyncset.done @p2 $0x0  }
0x19f: {  	s15 =	simm.s32 @!p2 $0x0;
	[sflag:s8] =	ssyncadd.s32 @p2 $0xFFFFFB00;
	s8 =	simm.s32 @!p2 $0x50  }
0x1a0: {  	[tilespmem:s14], [sflag:$0x1] =	stream.indirect.gather @!p2 [hbm4b:s4+s8], $0x80, s15, s8, $0xb8;
	[tilespmem:$0x1C110] =	vst v63  }
0x1a1: {  	s15 =	sor.u32 $0x50, s11  }
0x1a2: {  	[tilespmem:s28], [sflag:$0x2] =	stream.indirect.gather [hbm4b:s4+s26], $0x80, s15, s26, $0xb8;
	[tilespmem:$0x1C110] =	vst v63  }
0x1a3: {  	_ =	swait.ge [sflag:s29], $0x2800  }
0x1a4: {  	[sflag:s29] =	ssyncset.done $0x0  }
0x1a5: {  	s16 =	sadd.s32 $0x640, s11;
	[sflag:s29] =	ssyncadd.s32 $0xFFFFD800  }
0x1a6: {  	[spmem:s1] =	stream.indirect.scatter.add.f32 [tilespmem:s20], [sflag:$0x3], $0x80, s16, s26, $0xb8;
	[tilespmem:$0x1C110] =	vst v63  }
0x1a7: {  	_ = 	snop  }
0x1a8: {  	[spmem:s2] =	stream.indirect.scatter.add.f32 [tilespmem:s21], [sflag:$0x8], $0x10, s16, s26, $0xb8;
	[tilespmem:$0x1C110] =	vst v63  }
0x1a9: {  	_ =	swait.ge [sflag:s30], $0x2800  }
0x1aa: {  	[sflag:s30] =	ssyncset.done $0x0  }
0x1ab: {  	[sflag:s30] =	ssyncadd.s32 $0xFFFFD800  }
0x1ac: {  	_ =	swait.ge [sflag:s31], $0x500  }
0x1ad: {  	[sflag:s31] =	ssyncset.done $0x0  }
0x1ae: {  	s17 =	sadd.s32 $0xA0, s11;
	[sflag:s31] =	ssyncadd.s32 $0xFFFFFB00  }
0x1af: {  	[tilespmem:s20], [sflag:$0x1] =	stream.indirect.gather [hbm4b:s4+s26], $0x80, s17, s26, $0xb8;
	[tilespmem:$0x1C110] =	vst v63  }
0x1b0: {  	_ =	swait.ge [sflag:s0], $0x2800  }
0x1b1: {  	[sflag:s0] =	ssyncset.done $0x0  }
0x1b2: {  	s18 =	sadd.s32 $0x690, s11;
	[sflag:s0] =	ssyncadd.s32 $0xFFFFD800  }
0x1b3: {  	[spmem:s1] =	stream.indirect.scatter.add.f32 [tilespmem:s28], [sflag:$0x4], $0x80, s18, s26, $0xb8;
	[tilespmem:$0x1C110] =	vst v63  }
0x1b4: {  	_ = 	snop  }
0x1b5: {  	[spmem:s2] =	stream.indirect.scatter.add.f32 [tilespmem:s21], [sflag:$0x9], $0x10, s18, s26, $0xb8;
	[tilespmem:$0x1C110] =	vst v63  }
0x1b6: {  	_ =	swait.ge [sflag:s23], $0x2800  }
0x1b7: {  	[sflag:s23] =	ssyncset.done $0x0  }
0x1b8: {  	[sflag:s23] =	ssyncadd.s32 $0xFFFFD800  }
0x1b9: {  	_ =	swait.ge [sflag:s7], $0x500  }
0x1ba: {  	p2 =	por $0x0, $0x0;
	[sflag:s7] =	ssyncset.done $0x0  }
0x1bb: {  	s19 =	sadd.s32 $0xF0, s11;
	s10 =	smul.u32 @!p2 $0x320, s10;
	[sflag:s7] =	ssyncadd.s32 $0xFFFFFB00  }
0x1bc: {  	[tilespmem:s28], [sflag:$0x2] =	stream.indirect.gather [hbm4b:s4+s26], $0x80, s19, s26, $0xb8;
	[tilespmem:$0x1C110] =	vst v63  }
0x1bd: {  	s15 =	simm.s32 @!p2 $0x0;
	s16 =	rddreg [dreg:$0xc]  }
0x1be: {  	[tilespmem:s10], [sflag:$0x5] =	stream.linear.gather @!p2 [hbm4b:s16+s15], $0x320, $0x38;
	[tilespmem:$0x1C110] =	vst v63  }
0x1bf: {  	s5 =	rddreg [dreg:$0xb];
	s10 =	sadd.s32 @!p2 $0x640, s10  }
0x1c0: {  	[tilespmem:s10], [sflag:$0x6] =	stream.linear.gather @!p2 [hbm4b:s5+s15], $0x320, $0x38;
	[tilespmem:$0x1C110] =	vst v63  }
0x1c1: {  	_ =	swait.ge [sflag:s29], $0x2800  }
0x1c2: {  	[sflag:s29] =	ssyncset.done $0x0  }
0x1c3: {  	s8 =	sadd.s32 $0x640, s17;
	[sflag:s29] =	ssyncadd.s32 $0xFFFFD800  }
0x1c4: {  	[spmem:s1] =	stream.indirect.scatter.add.f32 [tilespmem:s20], [sflag:$0x3], $0x80, s8, s26, $0xb8;
	[tilespmem:$0x1C110] =	vst v63  }
0x1c5: {  	_ = 	snop  }
0x1c6: {  	[spmem:s2] =	stream.indirect.scatter.add.f32 [tilespmem:s21], [sflag:$0x8], $0x10, s8, s26, $0xb8;
	[tilespmem:$0x1C110] =	vst v63  }
0x1c7: {  	_ =	swait.ge [sflag:s30], $0x2800  }
0x1c8: {  	[sflag:s30] =	ssyncset.done $0x0  }
0x1c9: {  	[sflag:s30] =	ssyncadd.s32 $0xFFFFD800  }
0x1ca: {  	_ =	swait.ge [sflag:s31], $0x500  }
0x1cb: {  	[sflag:s31] =	ssyncset.done $0x0  }
0x1cc: {  	s10 =	sadd.s32 $0x140, s11;
	[sflag:s31] =	ssyncadd.s32 $0xFFFFFB00  }
0x1cd: {  	[tilespmem:s20], [sflag:$0x1] =	stream.indirect.gather [hbm4b:s4+s26], $0x80, s10, s26, $0xb8;
	[tilespmem:$0x1C110] =	vst v63  }
0x1ce: {  	_ =	swait.ge [sflag:s0], $0x2800  }
0x1cf: {  	[sflag:s0] =	ssyncset.done $0x0  }
0x1d0: {  	s15 =	sadd.s32 $0x640, s19;
	[sflag:s0] =	ssyncadd.s32 $0xFFFFD800  }
0x1d1: {  	[spmem:s1] =	stream.indirect.scatter.add.f32 [tilespmem:s28], [sflag:$0x4], $0x80, s15, s26, $0xb8;
	[tilespmem:$0x1C110] =	vst v63  }
0x1d2: {  	_ = 	snop  }
0x1d3: {  	[spmem:s2] =	stream.indirect.scatter.add.f32 [tilespmem:s21], [sflag:$0x9], $0x10, s15, s26, $0xb8;
	[tilespmem:$0x1C110] =	vst v63  }
0x1d4: {  	_ =	swait.ge [sflag:s23], $0x2800  }
0x1d5: {  	[sflag:s23] =	ssyncset.done $0x0  }
0x1d6: {  	[sflag:s23] =	ssyncadd.s32 $0xFFFFD800  }
0x1d7: {  	_ =	swait.ge [sflag:s7], $0x500  }
0x1d8: {  	[sflag:s7] =	ssyncset.done $0x0  }
0x1d9: {  	s17 =	sadd.s32 $0x190, s11;
	[sflag:s7] =	ssyncadd.s32 $0xFFFFFB00  }
0x1da: {  	[tilespmem:s28], [sflag:$0x2] =	stream.indirect.gather [hbm4b:s4+s26], $0x80, s17, s26, $0xb8;
	[tilespmem:$0x1C110] =	vst v63  }
0x1db: {  	_ =	swait.ge [sflag:s29], $0x2800  }
0x1dc: {  	[sflag:s29] =	ssyncset.done $0x0  }
0x1dd: {  	s18 =	sadd.s32 $0x780, s11;
	[sflag:s29] =	ssyncadd.s32 $0xFFFFD800  }
0x1de: {  	[spmem:s1] =	stream.indirect.scatter.add.f32 [tilespmem:s20], [sflag:$0x3], $0x80, s18, s26, $0xb8;
	[tilespmem:$0x1C110] =	vst v63  }
0x1df: {  	_ = 	snop  }
0x1e0: {  	[spmem:s2] =	stream.indirect.scatter.add.f32 [tilespmem:s21], [sflag:$0x8], $0x10, s18, s26, $0xb8;
	[tilespmem:$0x1C110] =	vst v63  }
0x1e1: {  	_ =	swait.ge [sflag:s30], $0x2800  }
0x1e2: {  	[sflag:s30] =	ssyncset.done $0x0  }
0x1e3: {  	[sflag:s30] =	ssyncadd.s32 $0xFFFFD800  }
0x1e4: {  	_ =	swait.ge [sflag:s31], $0x500  }
0x1e5: {  	[sflag:s31] =	ssyncset.done $0x0  }
0x1e6: {  	s19 =	sadd.s32 $0x1E0, s11;
	[sflag:s31] =	ssyncadd.s32 $0xFFFFFB00  }
0x1e7: {  	[tilespmem:s20], [sflag:$0x1] =	stream.indirect.gather [hbm4b:s4+s26], $0x80, s19, s26, $0xb8;
	[tilespmem:$0x1C110] =	vst v63  }
0x1e8: {  	_ =	swait.ge [sflag:s0], $0x2800  }
0x1e9: {  	[sflag:s0] =	ssyncset.done $0x0  }
0x1ea: {  	s10 =	sadd.s32 $0x7D0, s11;
	[sflag:s0] =	ssyncadd.s32 $0xFFFFD800  }
0x1eb: {  	[spmem:s1] =	stream.indirect.scatter.add.f32 [tilespmem:s28], [sflag:$0x4], $0x80, s10, s26, $0xb8;
	[tilespmem:$0x1C110] =	vst v63  }
0x1ec: {  	_ = 	snop  }
0x1ed: {  	[spmem:s2] =	stream.indirect.scatter.add.f32 [tilespmem:s21], [sflag:$0x9], $0x10, s10, s26, $0xb8;
	[tilespmem:$0x1C110] =	vst v63  }
0x1ee: {  	_ =	swait.ge [sflag:s23], $0x2800  }
0x1ef: {  	[sflag:s23] =	ssyncset.done $0x0  }
0x1f0: {  	[sflag:s23] =	ssyncadd.s32 $0xFFFFD800  }
0x1f1: {  	_ =	swait.ge [sflag:s7], $0x500  }
0x1f2: {  	[sflag:s7] =	ssyncset.done $0x0  }
0x1f3: {  	s14 =	sadd.s32 $0x230, s11;
	[sflag:s7] =	ssyncadd.s32 $0xFFFFFB00  }
0x1f4: {  	[tilespmem:s28], [sflag:$0x2] =	stream.indirect.gather [hbm4b:s4+s26], $0x80, s14, s26, $0xb8;
	[tilespmem:$0x1C110] =	vst v63  }
0x1f5: {  	_ =	swait.ge [sflag:s29], $0x2800  }
0x1f6: {  	[sflag:s29] =	ssyncset.done $0x0  }
0x1f7: {  	s15 =	sadd.s32 $0x820, s11;
	[sflag:s29] =	ssyncadd.s32 $0xFFFFD800  }
0x1f8: {  	[spmem:s1] =	stream.indirect.scatter.add.f32 [tilespmem:s20], [sflag:$0x3], $0x80, s15, s26, $0xb8;
	[tilespmem:$0x1C110] =	vst v63  }
0x1f9: {  	_ = 	snop  }
0x1fa: {  	[spmem:s2] =	stream.indirect.scatter.add.f32 [tilespmem:s21], [sflag:$0x8], $0x10, s15, s26, $0xb8;
	[tilespmem:$0x1C110] =	vst v63  }
0x1fb: {  	_ =	swait.ge [sflag:s30], $0x2800  }
0x1fc: {  	[sflag:s30] =	ssyncset.done $0x0  }
0x1fd: {  	[sflag:s30] =	ssyncadd.s32 $0xFFFFD800  }
0x1fe: {  	_ =	swait.ge [sflag:s31], $0x500  }
0x1ff: {  	[sflag:s31] =	ssyncset.done $0x0  }
0x200: {  	s17 =	sadd.s32 $0x280, s11;
	[sflag:s31] =	ssyncadd.s32 $0xFFFFFB00  }
0x201: {  	[tilespmem:s20], [sflag:$0x1] =	stream.indirect.gather [hbm4b:s4+s26], $0x80, s17, s26, $0xb8;
	[tilespmem:$0x1C110] =	vst v63  }
0x202: {  	_ =	swait.ge [sflag:s0], $0x2800  }
0x203: {  	[sflag:s0] =	ssyncset.done $0x0  }
0x204: {  	s18 =	sadd.s32 $0x870, s11;
	[sflag:s0] =	ssyncadd.s32 $0xFFFFD800  }
0x205: {  	[spmem:s1] =	stream.indirect.scatter.add.f32 [tilespmem:s28], [sflag:$0x4], $0x80, s18, s26, $0xb8;
	[tilespmem:$0x1C110] =	vst v63  }
0x206: {  	_ = 	snop  }
0x207: {  	[spmem:s2] =	stream.indirect.scatter.add.f32 [tilespmem:s21], [sflag:$0x9], $0x10, s18, s26, $0xb8;
	[tilespmem:$0x1C110] =	vst v63  }
0x208: {  	_ =	swait.ge [sflag:s23], $0x2800  }
0x209: {  	[sflag:s23] =	ssyncset.done $0x0  }
0x20a: {  	[sflag:s23] =	ssyncadd.s32 $0xFFFFD800  }
0x20b: {  	_ =	swait.ge [sflag:s7], $0x500  }
0x20c: {  	[sflag:s7] =	ssyncset.done $0x0  }
0x20d: {  	s19 =	sadd.s32 $0x2D0, s11;
	[sflag:s7] =	ssyncadd.s32 $0xFFFFFB00  }
0x20e: {  	[tilespmem:s28], [sflag:$0x2] =	stream.indirect.gather [hbm4b:s4+s26], $0x80, s19, s26, $0xb8;
	[tilespmem:$0x1C110] =	vst v63  }
0x20f: {  	_ =	swait.ge [sflag:s29], $0x2800  }
0x210: {  	s10 =	sadd.s32 $0x8C0, s11;
	[sflag:s29] =	ssyncset.done $0x0  }
0x211: {  	s14 =	smov.u32 s5;
	s15 =	smov.u32 s16;
	[sflag:s29] =	ssyncadd.s32 $0xFFFFD800  }
0x212: {  	[spmem:s1] =	stream.indirect.scatter.add.f32 [tilespmem:s20], [sflag:$0x3], $0x80, s10, s26, $0xb8;
	[tilespmem:$0x1C110] =	vst v63  }
.LBB2_17:
0x213: {  	s14 =	sadd.s32 $0x64, s14  }
0x214: {  	s15 =	sadd.s32 $0x64, s15;
	s8 =	smov.u32 s9;
	s9 =	sadd.s32 $0x1, s9  }
0x215: {  	[spmem:s2] =	stream.indirect.scatter.add.f32 [tilespmem:s21], [sflag:$0x8], $0x10, s10, s26, $0xb8;
	[tilespmem:$0x1C110] =	vst v63  }
0x216: {  	s10 =	sand.u32 $0x1, s9;
	p2 =	seq.s32 s9, $0x19;
	_ =	swait.ge [sflag:s24], $0x320  }
0x217: {  	[sflag:s24] =	ssyncset.done $0x0  }
0x218: {  	[sflag:s24] =	ssyncadd.s32 $0xFFFFFCE0  }
0x219: {  	_ =	swait.ge [sflag:s25], $0x320  }
0x21a: {  	p3 =	sne.s32 s8, $0x0;
	[sflag:s25] =	ssyncset.done $0x0  }
0x21b: {  	s16 =	simm.s32 @p3 $0x3;
	s11 =	sand.u32 @p3 $0x1, s8;
	[sflag:s25] =	ssyncadd.s32 $0xFFFFFCE0  }
0x21c: {  	s18 =	smul.u32 @p3 $0xC80, s10;
	p4 =	seq.s32 @p3 s11, $0x1;
	_ =	swait.ge @p3 [sflag:s16], $0x2800  }
0x21d: {  	s11 =	simm.s32 @p3 $0x320;
	p4 =	por !p4, !p3;
	[sflag:s16] =	ssyncset.done @p3 $0x0  }
0x21e: {  	s11 =	simm.s32 @p4 $0x0;
	[sflag:s16] =	ssyncadd.s32 @p3 $0xFFFFD800;
	s16 =	simm.s32 @p3 $0x8  }
0x21f: {  	s18 =	sshrl.u32 @p3 s18, $0x2;
	_ =	swait.ge @p3 [sflag:s16], $0x500  }
0x220: {  	s17 =	simm.s32 @p3 $0x2;
	[sflag:s16] =	ssyncset.done @p3 $0x0  }
0x221: {  	s19 =	simm.s32 @p3 $0xC80;
	[sflag:s16] =	ssyncadd.s32 @p3 $0xFFFFFB00;
	s16 =	simm.s32 @p3 $0x50  }
0x222: {  	[tilespmem:s19], [sflag:$0x1] =	stream.indirect.gather @p3 [hbm4b:s4+s16], $0x80, s11, s16, $0xb8;
	[tilespmem:$0x1C110] =	vst v63  }
0x223: {  	_ =	swait.ge @p3 [sflag:s17], $0x2800  }
0x224: {  	[sflag:s17] =	ssyncset.done @p3 $0x0  }
0x225: {  	[sflag:s17] =	ssyncadd.s32 @p3 $0xFFFFD800;
	s17 =	sadd.s32 @p3 $0x910, s18;
	s18 =	simm.s32 @p3 $0x3480  }
0x226: {  	[spmem:s1] =	stream.indirect.scatter.add.f32 @p3 [tilespmem:s18], [sflag:$0x4], $0x80, s17, s16, $0xb8;
	[tilespmem:$0x1C110] =	vst v63  }
0x227: {  	s19 =	simm.s32 @p3 $0x4;
	s18 =	simm.s32 @p3 $0x19500  }
0x228: {  	[spmem:s2] =	stream.indirect.scatter.add.f32 @p3 [tilespmem:s18], [sflag:$0x9], $0x10, s17, s16, $0xb8;
	[tilespmem:$0x1C110] =	vst v63  }
0x229: {  	_ =	swait.ge @p3 [sflag:s19], $0x2800  }
0x22a: {  	[sflag:s19] =	ssyncset.done @p3 $0x0  }
0x22b: {  	s16 =	simm.s32 @p3 $0x9;
	[sflag:s19] =	ssyncadd.s32 @p3 $0xFFFFD800  }
0x22c: {  	_ =	swait.ge @p3 [sflag:s16], $0x500  }
0x22d: {  	s11 =	simm.s32 @!p3 $0x0;
	s17 =	simm.s32 @!p3 $0xC80;
	[sflag:s16] =	ssyncset.done @p3 $0x0  }
0x22e: {  	s18 =	simm.s32 @!p3 $0x0;
	[sflag:s16] =	ssyncadd.s32 @p3 $0xFFFFFB00;
	s16 =	simm.s32 @!p3 $0x50  }
0x22f: {  	[tilespmem:s17], [sflag:$0x1] =	stream.indirect.gather @!p3 [hbm4b:s4+s16], $0x80, s18, s16, $0xb8;
	[tilespmem:$0x1C110] =	vst v63  }
0x230: {  	s16 =	sor.u32 $0x50, s11  }
0x231: {  	[tilespmem:s28], [sflag:$0x2] =	stream.indirect.gather [hbm4b:s4+s26], $0x80, s16, s26, $0xb8;
	[tilespmem:$0x1C110] =	vst v63  }
0x232: {  	_ =	swait.ge [sflag:s29], $0x2800  }
0x233: {  	[sflag:s29] =	ssyncset.done $0x0  }
0x234: {  	s16 =	sadd.s32 $0x640, s11;
	[sflag:s29] =	ssyncadd.s32 $0xFFFFD800  }
0x235: {  	[spmem:s1] =	stream.indirect.scatter.add.f32 [tilespmem:s20], [sflag:$0x3], $0x80, s16, s26, $0xb8;
	[tilespmem:$0x1C110] =	vst v63  }
0x236: {  	_ = 	snop  }
0x237: {  	[spmem:s2] =	stream.indirect.scatter.add.f32 [tilespmem:s21], [sflag:$0x8], $0x10, s16, s26, $0xb8;
	[tilespmem:$0x1C110] =	vst v63  }
0x238: {  	_ =	swait.ge [sflag:s30], $0x2800  }
0x239: {  	[sflag:s30] =	ssyncset.done $0x0  }
0x23a: {  	[sflag:s30] =	ssyncadd.s32 $0xFFFFD800  }
0x23b: {  	_ =	swait.ge [sflag:s31], $0x500  }
0x23c: {  	[sflag:s31] =	ssyncset.done $0x0  }
0x23d: {  	s16 =	sadd.s32 $0xA0, s11;
	[sflag:s31] =	ssyncadd.s32 $0xFFFFFB00  }
0x23e: {  	[tilespmem:s20], [sflag:$0x1] =	stream.indirect.gather [hbm4b:s4+s26], $0x80, s16, s26, $0xb8;
	[tilespmem:$0x1C110] =	vst v63  }
0x23f: {  	_ =	swait.ge [sflag:s0], $0x2800  }
0x240: {  	[sflag:s0] =	ssyncset.done $0x0  }
0x241: {  	s17 =	sadd.s32 $0x690, s11;
	[sflag:s0] =	ssyncadd.s32 $0xFFFFD800  }
0x242: {  	[spmem:s1] =	stream.indirect.scatter.add.f32 [tilespmem:s28], [sflag:$0x4], $0x80, s17, s26, $0xb8;
	[tilespmem:$0x1C110] =	vst v63  }
0x243: {  	_ = 	snop  }
0x244: {  	[spmem:s2] =	stream.indirect.scatter.add.f32 [tilespmem:s21], [sflag:$0x9], $0x10, s17, s26, $0xb8;
	[tilespmem:$0x1C110] =	vst v63  }
0x245: {  	_ =	swait.ge [sflag:s23], $0x2800  }
0x246: {  	[sflag:s23] =	ssyncset.done $0x0  }
0x247: {  	[sflag:s23] =	ssyncadd.s32 $0xFFFFD800  }
0x248: {  	_ =	swait.ge [sflag:s7], $0x500  }
0x249: {  	[sflag:s7] =	ssyncset.done $0x0  }
0x24a: {  	p3 =	seq.s32 s8, $0x18;
	s17 =	sadd.s32 $0xF0, s11;
	[sflag:s7] =	ssyncadd.s32 $0xFFFFFB00  }
0x24b: {  	[tilespmem:s28], [sflag:$0x2] =	stream.indirect.gather [hbm4b:s4+s26], $0x80, s17, s26, $0xb8;
	[tilespmem:$0x1C110] =	vst v63  }
0x24c: {  	s8 =	smul.u32 @!p3 $0x320, s10;
	s10 =	simm.s32 @!p3 $0x0;
	_ =	sdelay $0x1  }
0x24d: {  	[tilespmem:s8], [sflag:$0x5] =	stream.linear.gather @!p3 [hbm4b:s15+s10], $0x320, $0x38;
	[tilespmem:$0x1C110] =	vst v63  }
0x24e: {  	s8 =	sadd.s32 @!p3 $0x640, s8  }
0x24f: {  	[tilespmem:s8], [sflag:$0x6] =	stream.linear.gather @!p3 [hbm4b:s14+s10], $0x320, $0x38;
	[tilespmem:$0x1C110] =	vst v63  }
0x250: {  	_ =	swait.ge [sflag:s29], $0x2800  }
0x251: {  	s8 =	sadd.s32 $0x640, s16;
	[sflag:s29] =	ssyncset.done $0x0  }
0x252: {  	[sflag:s29] =	ssyncadd.s32 $0xFFFFD800  }
0x253: {  	[spmem:s1] =	stream.indirect.scatter.add.f32 [tilespmem:s20], [sflag:$0x3], $0x80, s8, s26, $0xb8;
	[tilespmem:$0x1C110] =	vst v63  }
0x254: {  	_ = 	snop  }
0x255: {  	[spmem:s2] =	stream.indirect.scatter.add.f32 [tilespmem:s21], [sflag:$0x8], $0x10, s8, s26, $0xb8;
	[tilespmem:$0x1C110] =	vst v63  }
0x256: {  	_ =	swait.ge [sflag:s30], $0x2800  }
0x257: {  	[sflag:s30] =	ssyncset.done $0x0  }
0x258: {  	[sflag:s30] =	ssyncadd.s32 $0xFFFFD800  }
0x259: {  	_ =	swait.ge [sflag:s31], $0x500  }
0x25a: {  	s8 =	sadd.s32 $0x140, s11;
	[sflag:s31] =	ssyncset.done $0x0  }
0x25b: {  	[sflag:s31] =	ssyncadd.s32 $0xFFFFFB00  }
0x25c: {  	[tilespmem:s20], [sflag:$0x1] =	stream.indirect.gather [hbm4b:s4+s26], $0x80, s8, s26, $0xb8;
	[tilespmem:$0x1C110] =	vst v63  }
0x25d: {  	_ =	swait.ge [sflag:s0], $0x2800  }
0x25e: {  	s8 =	sadd.s32 $0x640, s17;
	[sflag:s0] =	ssyncset.done $0x0  }
0x25f: {  	[sflag:s0] =	ssyncadd.s32 $0xFFFFD800  }
0x260: {  	[spmem:s1] =	stream.indirect.scatter.add.f32 [tilespmem:s28], [sflag:$0x4], $0x80, s8, s26, $0xb8;
	[tilespmem:$0x1C110] =	vst v63  }
0x261: {  	_ = 	snop  }
0x262: {  	[spmem:s2] =	stream.indirect.scatter.add.f32 [tilespmem:s21], [sflag:$0x9], $0x10, s8, s26, $0xb8;
	[tilespmem:$0x1C110] =	vst v63  }
0x263: {  	_ =	swait.ge [sflag:s23], $0x2800  }
0x264: {  	[sflag:s23] =	ssyncset.done $0x0  }
0x265: {  	[sflag:s23] =	ssyncadd.s32 $0xFFFFD800  }
0x266: {  	_ =	swait.ge [sflag:s7], $0x500  }
0x267: {  	s8 =	sadd.s32 $0x190, s11;
	[sflag:s7] =	ssyncset.done $0x0  }
0x268: {  	[sflag:s7] =	ssyncadd.s32 $0xFFFFFB00  }
0x269: {  	[tilespmem:s28], [sflag:$0x2] =	stream.indirect.gather [hbm4b:s4+s26], $0x80, s8, s26, $0xb8;
	[tilespmem:$0x1C110] =	vst v63  }
0x26a: {  	_ =	swait.ge [sflag:s29], $0x2800  }
0x26b: {  	s8 =	sadd.s32 $0x780, s11;
	[sflag:s29] =	ssyncset.done $0x0  }
0x26c: {  	[sflag:s29] =	ssyncadd.s32 $0xFFFFD800  }
0x26d: {  	[spmem:s1] =	stream.indirect.scatter.add.f32 [tilespmem:s20], [sflag:$0x3], $0x80, s8, s26, $0xb8;
	[tilespmem:$0x1C110] =	vst v63  }
0x26e: {  	_ = 	snop  }
0x26f: {  	[spmem:s2] =	stream.indirect.scatter.add.f32 [tilespmem:s21], [sflag:$0x8], $0x10, s8, s26, $0xb8;
	[tilespmem:$0x1C110] =	vst v63  }
0x270: {  	_ =	swait.ge [sflag:s30], $0x2800  }
0x271: {  	[sflag:s30] =	ssyncset.done $0x0  }
0x272: {  	[sflag:s30] =	ssyncadd.s32 $0xFFFFD800  }
0x273: {  	_ =	swait.ge [sflag:s31], $0x500  }
0x274: {  	s8 =	sadd.s32 $0x1E0, s11;
	[sflag:s31] =	ssyncset.done $0x0  }
0x275: {  	[sflag:s31] =	ssyncadd.s32 $0xFFFFFB00  }
0x276: {  	[tilespmem:s20], [sflag:$0x1] =	stream.indirect.gather [hbm4b:s4+s26], $0x80, s8, s26, $0xb8;
	[tilespmem:$0x1C110] =	vst v63  }
0x277: {  	_ =	swait.ge [sflag:s0], $0x2800  }
0x278: {  	s8 =	sadd.s32 $0x7D0, s11;
	[sflag:s0] =	ssyncset.done $0x0  }
0x279: {  	[sflag:s0] =	ssyncadd.s32 $0xFFFFD800  }
0x27a: {  	[spmem:s1] =	stream.indirect.scatter.add.f32 [tilespmem:s28], [sflag:$0x4], $0x80, s8, s26, $0xb8;
	[tilespmem:$0x1C110] =	vst v63  }
0x27b: {  	_ = 	snop  }
0x27c: {  	[spmem:s2] =	stream.indirect.scatter.add.f32 [tilespmem:s21], [sflag:$0x9], $0x10, s8, s26, $0xb8;
	[tilespmem:$0x1C110] =	vst v63  }
0x27d: {  	_ =	swait.ge [sflag:s23], $0x2800  }
0x27e: {  	[sflag:s23] =	ssyncset.done $0x0  }
0x27f: {  	[sflag:s23] =	ssyncadd.s32 $0xFFFFD800  }
0x280: {  	_ =	swait.ge [sflag:s7], $0x500  }
0x281: {  	s8 =	sadd.s32 $0x230, s11;
	[sflag:s7] =	ssyncset.done $0x0  }
0x282: {  	[sflag:s7] =	ssyncadd.s32 $0xFFFFFB00  }
0x283: {  	[tilespmem:s28], [sflag:$0x2] =	stream.indirect.gather [hbm4b:s4+s26], $0x80, s8, s26, $0xb8;
	[tilespmem:$0x1C110] =	vst v63  }
0x284: {  	_ =	swait.ge [sflag:s29], $0x2800  }
0x285: {  	s8 =	sadd.s32 $0x820, s11;
	[sflag:s29] =	ssyncset.done $0x0  }
0x286: {  	[sflag:s29] =	ssyncadd.s32 $0xFFFFD800  }
0x287: {  	[spmem:s1] =	stream.indirect.scatter.add.f32 [tilespmem:s20], [sflag:$0x3], $0x80, s8, s26, $0xb8;
	[tilespmem:$0x1C110] =	vst v63  }
0x288: {  	_ = 	snop  }
0x289: {  	[spmem:s2] =	stream.indirect.scatter.add.f32 [tilespmem:s21], [sflag:$0x8], $0x10, s8, s26, $0xb8;
	[tilespmem:$0x1C110] =	vst v63  }
0x28a: {  	_ =	swait.ge [sflag:s30], $0x2800  }
0x28b: {  	[sflag:s30] =	ssyncset.done $0x0  }
0x28c: {  	[sflag:s30] =	ssyncadd.s32 $0xFFFFD800  }
0x28d: {  	_ =	swait.ge [sflag:s31], $0x500  }
0x28e: {  	s8 =	sadd.s32 $0x280, s11;
	[sflag:s31] =	ssyncset.done $0x0  }
0x28f: {  	[sflag:s31] =	ssyncadd.s32 $0xFFFFFB00  }
0x290: {  	[tilespmem:s20], [sflag:$0x1] =	stream.indirect.gather [hbm4b:s4+s26], $0x80, s8, s26, $0xb8;
	[tilespmem:$0x1C110] =	vst v63  }
0x291: {  	_ =	swait.ge [sflag:s0], $0x2800  }
0x292: {  	s8 =	sadd.s32 $0x870, s11;
	[sflag:s0] =	ssyncset.done $0x0  }
0x293: {  	[sflag:s0] =	ssyncadd.s32 $0xFFFFD800  }
0x294: {  	[spmem:s1] =	stream.indirect.scatter.add.f32 [tilespmem:s28], [sflag:$0x4], $0x80, s8, s26, $0xb8;
	[tilespmem:$0x1C110] =	vst v63  }
0x295: {  	_ = 	snop  }
0x296: {  	[spmem:s2] =	stream.indirect.scatter.add.f32 [tilespmem:s21], [sflag:$0x9], $0x10, s8, s26, $0xb8;
	[tilespmem:$0x1C110] =	vst v63  }
0x297: {  	_ =	swait.ge [sflag:s23], $0x2800  }
0x298: {  	[sflag:s23] =	ssyncset.done $0x0  }
0x299: {  	[sflag:s23] =	ssyncadd.s32 $0xFFFFD800  }
0x29a: {  	_ =	swait.ge [sflag:s7], $0x500  }
0x29b: {  	s8 =	sadd.s32 $0x2D0, s11;
	[sflag:s7] =	ssyncset.done $0x0  }
0x29c: {  	[sflag:s7] =	ssyncadd.s32 $0xFFFFFB00  }
0x29d: {  	[tilespmem:s28], [sflag:$0x2] =	stream.indirect.gather [hbm4b:s4+s26], $0x80, s8, s26, $0xb8;
	[tilespmem:$0x1C110] =	vst v63  }
.Ltmp12:
0x29e: {  	_ = 	snop;
	(pc) =	sbr.rel @!p2 .LBB2_17-.Ltmp12, $4  }
0x29f: {  	_ =	swait.ge [sflag:s29], $0x2800  }
0x2a0: {  	s10 =	sadd.s32 $0x8C0, s11;
	[sflag:s29] =	ssyncset.done $0x0  }
0x2a1: {  	[sflag:s29] =	ssyncadd.s32 $0xFFFFD800  }
0x2a2: {  	[spmem:s1] =	stream.indirect.scatter.add.f32 [tilespmem:s20], [sflag:$0x3], $0x80, s10, s26, $0xb8;
	[tilespmem:$0x1C110] =	vst v63  }
0x2a3: {  	[spmem:s2] =	stream.indirect.scatter.add.f32 [tilespmem:s21], [sflag:$0x8], $0x10, s10, s26, $0xb8;
	[tilespmem:$0x1C110] =	vst v63  }
.LBB2_22:
0x2a4: {  	_ =	swait.ge [sflag:s0], $0x2800  }
0x2a5: {  	[sflag:s0] =	ssyncset.done $0x0  }
0x2a6: {  	s5 =	simm.s32 $0x910;
	[sflag:s0] =	ssyncadd.s32 $0xFFFFD800  }
0x2a7: {  	[spmem:s1] =	stream.indirect.scatter.add.f32 [tilespmem:s28], [sflag:$0x4], $0x80, s5, s26, $0xb8;
	[tilespmem:$0x1C110] =	vst v63  }
0x2a8: {  	_ = 	snop  }
0x2a9: {  	[spmem:s2] =	stream.indirect.scatter.add.f32 [tilespmem:s21], [sflag:$0x9], $0x10, s5, s26, $0xb8;
	[tilespmem:$0x1C110] =	vst v63  }
0x2aa: {  	_ =	swait.ge [sflag:s30], $0x2800  }
0x2ab: {  	[sflag:s30] =	ssyncset.done $0x0  }
0x2ac: {  	[sflag:s30] =	ssyncadd.s32 $0xFFFFD800  }
0x2ad: {  	_ =	swait.ge [sflag:s23], $0x2800  }
0x2ae: {  	[sflag:s23] =	ssyncset.done $0x0  }
0x2af: {  	[sflag:s23] =	ssyncadd.s32 $0xFFFFD800  }
0x2b0: {  	_ =	swait.ge [sflag:s31], $0x500  }
0x2b1: {  	[sflag:s31] =	ssyncset.done $0x0  }
0x2b2: {  	[sflag:s31] =	ssyncadd.s32 $0xFFFFFB00  }
0x2b3: {  	_ =	swait.ge [sflag:s7], $0x500  }
0x2b4: {  	[sflag:s7] =	ssyncset.done $0x0  }
0x2b5: {  	s18 =	stileid.u32;
	s9 =	sshrl.u32 s12, $0x3;
	[sflag:s7] =	ssyncadd.s32 $0xFFFFFB00  }
.Ltmp13:
0x2b6: {  	s8 =	sshll.u32 s18, $0x6;
	[bflag:$0x0] =	sbarrier.arrive $0xFFFF;
	(pc) =	sbr.rel @!p1 .LBB2_23-.Ltmp13, $4  }
0x2b7: {  	s10 =	sadd.s32 $0x28000, s12;
	s8 =	sor.u32 $0x1C07, s8;
	s19 =	rddreg [dreg:$0x10]  }
0x2b8: {  	[hbm:s19], [sflag:s8] =	dma.local [spmem:s9], $0x500  }
0x2b9: {  	s11 =	sadd.s32 $0x5000, s13;
	s16 =	sshrl.u32 s13, $0x3;
	s18 =	rddreg [dreg:$0xf]  }
0x2ba: {  	s9 =	sadd.s32 $0xFFFFFFFF, s6;
	s15 =	sadd.s32 $0x5000, s19;
	s14 =	sadd.s32 $0xA00, s18  }
.LBB2_24:
0x2bb: {  	[hbm:s18], [sflag:s8] =	dma.local [spmem:s16], $0xA0  }
0x2bc: {  	s16 =	smov.u32 s10  }
0x2bd: {  	s17 =	smov.u32 s11;
	s18 =	smov.u32 s14;
	p2 =	sne.s32 s9, $0x1  }
.Ltmp14:
0x2be: {  	s9 =	sadd.s32 $0xFFFFFFFF, s9;
	(pc) =	sbr.rel @p2 .LBB2_24-.Ltmp14, $4  }
0x2bf: {  	s10 =	sadd.s32 $0x28000, s10;
	s11 =	sadd.s32 $0x5000, s11;
	s19 =	smov.u32 s15  }
0x2c0: {  	s14 =	sadd.s32 $0xA00, s14;
	s15 =	sadd.s32 $0x5000, s15  }
0x2c1: {  	s5 =	sshrl.u32 s16, $0x3;
	s16 =	sshrl.u32 s17, $0x3  }
0x2c2: {  	[hbm:s19], [sflag:s8] =	dma.local [spmem:s5], $0x500  }
.LBB2_25:
0x2c3: {  	[hbm:s18], [sflag:s8] =	dma.local [spmem:s16], $0xA0  }
.Ltmp15:
0x2c4: {  	_ =	swait.ge [sflag:s22], $0x500;
	(pc) =	sbr.rel @!p1 .LBB2_27-.Ltmp15, $4  }
0x2c5: {  	[sflag:s22] =	ssyncset.done $0x0  }
0x2c6: {  	[sflag:s22] =	ssyncadd.s32 $0xFFFFFB00  }
0x2c7: {  	_ =	swait.ge [sflag:s22], $0xA0  }
0x2c8: {  	s8 =	sadd.s32 $0xFFFFFFFF, s6;
	[sflag:s22] =	ssyncset.done $0x0  }
.LBB2_26:
0x2c9: {  	p1 =	sne.s32 s8, $0x1;
	s8 =	sadd.s32 $0xFFFFFFFF, s8;
	[sflag:s22] =	ssyncadd.s32 $0xFFFFFF60  }
.Ltmp16:
0x2ca: {  	_ =	swait.ge [sflag:s22], $0x500;
	(pc) =	sbr.rel @p1 .LBB2_26-.Ltmp16, $4  }
0x2cb: {  	[sflag:s22] =	ssyncset.done $0x0  }
0x2cc: {  	[sflag:s22] =	ssyncadd.s32 $0xFFFFFB00  }
0x2cd: {  	_ =	swait.ge [sflag:s22], $0xA0  }
0x2ce: {  	[sflag:s22] =	ssyncset.done $0x0  }
.LBB2_27:
0x2cf: {  	s3 =	sadd.s32 $0x1, s3;
	s5 =	rddreg [dreg:$0xa]  }
0x2d0: {  	p1 =	sne.s32 s3, s5  }
.Ltmp17:
0x2d1: {  	_ = 	snop;
	(pc) =	sbr.rel @p1 .LBB2_1-.Ltmp17, $4  }
.Ltmp18:
0x2d2: {  	_ = 	snop;
	(pc) =	sbr.rel @!p1 .LBB2_28-.Ltmp18, $4  }
0x2d3: {  	_ = 	snop  }
0x2d4: {  	_ = 	snop  }
0x2d5: {  	[sflag:s22] =	ssyncadd.s32 $0xFFFFFF60  }
0x2d6: {  	_ = 	snop  }
.LBB2_23:
.Ltmp19:
0x2d7: {  	(pc) =	sbr.rel .LBB2_25-.Ltmp19, $2  }
0x2d8: {  	_ =	sdelay $0x2  }
0x2d9: {  	s18 =	rddreg [dreg:$0xf]  }
.LBB2_28:
0x2da: {  	_ =	sfence.sel $0x180000  }
0x2db: {  	[bflag:$0x0] =	sbarrier.arrive $0xFFFF  }
0x2dc: {  	_ =	strace $0x90000047  }
0x2dd: {  	s0 =	stileid.u32;
	[bflag:$0x2] =	sbarrier.arrive $0xFFFF  }
0x2de: {  	p0 =	sne.s32 s0, $0x0;
	s0 =	rddreg [dreg:$0x5]  }
0x2df: {  	s0 =	sadd.s32 @!p0 $0x100000, s0  }
0x2e0: {  	[sflag:s0] =	ssyncadd.tile.s32 @!p0 $0x1;
	_ =	shalt  }
.Lfunc_end2:
_tile_overlayer_lowered:
.L_overlay_start_2:
0x2e1: {  	(tag) =	ssettag $0x2  }
0x2e2: {  	s0 =	rddreg [dreg:$0x0];
	s2 =	stileid.u32  }
0x2e3: {  	s1 =	rddreg [dreg:$0x1];
	p0 =	sne.s32 s2, $0x0  }
0x2e4: {  	s3 =	rddreg [dreg:$0x2];
	[bflag:$0x3] =	sbarrier.arrive $0xFFFF;
	s2 =	simm.s32 @!p0 $0x1C0A  }
0x2e5: {  	[timem:s3], [sflag:s2] =	dma.local @!p0 [hbm:s0], s1  }
0x2e6: {  	s0 =	simm.s32 @!p0 $0xA  }
0x2e7: {  	_ =	swait.ge @!p0 [sflag:s0], s1  }
0x2e8: {  	s1 =	ssub.s32 @!p0 $0x0, s1;
	[sflag:s0] =	ssyncset.done @!p0 $0x0  }
0x2e9: {  	[sflag:s0] =	ssyncadd.s32 @!p0 s1  }
0x2ea: {  	[bflag:$0x3] =	sbarrier.arrive $0xFFFF  }
0x2eb: {  	_ =	shalt  }

// kernel: kernel.9.cloned.1.call-start
scs
__scs_entry_jumppad:
0x0: {  	(pc) =	sbr.rel $0x88, $3  }
0x1: {  	(tag) =	ssettag $0x0;
	lr =	simm.s32 $0x1  }
0x2: {  	[smem:$0x3F97] =	sst lr;
	_ =	strace $0xD0000000  }
0x3: {  	_ = 	snop  }
0x4: {  	_ = 	snop  }
0x5: {  	_ = 	snop  }
0x6: {  	_ = 	snop  }
0x7: {  	_ = 	snop  }
__scs_overlays_trampoline_lowered:
0x8: {  	[smem:$0x3FA6] =	sst s0  }
0x9: {  	[smem:$0x3FA7] =	sst s1  }
0xa: {  	[smem:$0x3FA8] =	sst s2  }
0xb: {  	[smem:$0x3FA9] =	sst s3  }
0xc: {  	[smem:$0x3FAA] =	sst s4  }
0xd: {  	[smem:$0x3FAB] =	sst s5  }
0xe: {  	[smem:$0x3FAC] =	sst s6  }
0xf: {  	[smem:$0x3FAD] =	sst s7  }
0x10: {  	[smem:$0x3FAE] =	sst s8  }
0x11: {  	[smem:$0x3FAF] =	sst s9;
	s0 =	simm.s32 @!p0 $0x0  }
0x12: {  	s1 =	sld [smem:$0x3F95];
	s0 =	simm.s32 @p0 $0x1  }
0x13: {  	[smem:$0x3FB0] =	sst s0;
	s0 =	simm.s32 @!p1 $0x0  }
0x14: {  	s2 =	sld [smem:$0x3F94];
	s0 =	simm.s32 @p1 $0x1  }
0x15: {  	[smem:$0x3FB1] =	sst s0;
	s0 =	simm.s32 @!p2 $0x0  }
0x16: {  	s3 =	sld [smem:$0x3FDB];
	s0 =	simm.s32 @p2 $0x1  }
0x17: {  	s4 =	simm.s32 $0x1BF5;
	[smem:$0x3FB3] =	sst s0  }
0x18: {  	s0 =	sld [smem:$0x3F96];
	_ =	swait.ge [sflag:s4], $0x0  }
0x19: {  	s7 =	sld [smem:$0x3F97]  }
0x1a: {  	s8 =	sadd.s32 $0xFFFFE003, lr  }
0x1b: {  	s9 =	sadd.s32 $0xFFFFFEF7, lr;
	s5 =	simm.s32 $0xFFFFFFFF;
	p2 =	slt.u32 s8, $0xFFFFF086  }
0x1c: {  	p1 =	slt.u32 s9, $0xF7A;
	s5 =	simm.s32 @!p2 $0x0  }
0x1d: {  	s5 =	simm.s32 @p1 $0x1;
	p0 =	seq.s32 s7, s2  }
0x1e: {  	s7 =	smul.u32 @!p0 $0xF7A, s2;
	p2 =	seq.s32 @!p0 s5, $0x0  }
0x1f: {  	s9 =	smul.u32 $0xF7A, s1;
	s8 =	simm.s32 @!p0 $0x1BF5;
	p2 =	por !p2, p0  }
0x20: {  	[sflag:s8] =	ssyncset.s32 @!p0 $0xFFFFF086;
	s6 =	sadd.s32 @!p0 s3, s7;
	s7 =	simm.s32 @!p0 $0x108  }
0x21: {  	s3 =	sadd.s32 s3, s9;
	s6 =	sadd.s32 @!p0 $0x88, s6;
	s7 =	simm.s32 @p2 $0x1082  }
0x22: {  	[simem:s7], [sflag:s8] =	dma.local @!p0 [hbm:s6], $0xF7A  }
0x23: {  	s9 =	sor.u32 $0xD0000000, s2;
	s6 =	simm.s32 $0x108;
	_ =	swait.ge @!p0 [sflag:s8], $0x0  }
0x24: {  	s3 =	sadd.s32 $0x88, s3;
	s6 =	simm.s32 @!p1 $0x1082;
	[sflag:s4] =	ssyncset.s32 $0xFFFFF086  }
0x25: {  	[simem:s6], [sflag:s4] =	dma.local [hbm:s3], $0xF7A  }
0x26: {  	[smem:$0x3F97] =	sst s1;
	(tag) =	ssettag s2;
	_ =	strace s9  }
0x27: {  	s1 =	sld [smem:$0x3FA7]  }
0x28: {  	s2 =	sld [smem:$0x3FA8]  }
0x29: {  	s4 =	sld [smem:$0x3FAA]  }
0x2a: {  	p0 =	seq.s32 s5, $0x0;
	s5 =	sld [smem:$0x3FAB]  }
0x2b: {  	s6 =	sld [smem:$0x3FAC]  }
0x2c: {  	s7 =	sld [smem:$0x3FAD]  }
0x2d: {  	s3 =	simm.s32 $0x108;
	s8 =	sld [smem:$0x3FAE]  }
0x2e: {  	s3 =	simm.s32 @!p0 $0x1082;
	s9 =	sld [smem:$0x3FAF]  }
0x2f: {  	lr =	sadd.s32 s0, s3;
	s0 =	sld [smem:$0x3FA6]  }
0x30: {  	s3 =	sld [smem:$0x3FA9]  }
0x31: {  	[smem:$0x3FB2] =	sst s10  }
0x32: {  	s10 =	sld [smem:$0x3FB0];
	_ =	sdelay $0x3  }
0x33: {  	p0 =	seq.s32 s10, $0x1;
	s10 =	sld [smem:$0x3FB2];
	_ =	sdelay $0x3  }
0x34: {  	[smem:$0x3FB2] =	sst s10  }
0x35: {  	s10 =	sld [smem:$0x3FB1];
	_ =	sdelay $0x3  }
0x36: {  	p1 =	seq.s32 s10, $0x1;
	s10 =	sld [smem:$0x3FB2];
	_ =	sdelay $0x3  }
0x37: {  	[smem:$0x3FB2] =	sst s10  }
0x38: {  	s10 =	sld [smem:$0x3FB3]  }
0x39: {  	_ = 	snop;
	(pc) =	sbr.ind lr, $3  }
0x3a: {  	_ = 	snop  }
0x3b: {  	_ = 	snop  }
0x3c: {  	p2 =	seq.s32 s10, $0x1;
	s10 =	sld [smem:$0x3FB2]  }
0x3d: {  	_ =	shalt  }
0x3e: {  	_ =	shalt  }
0x3f: {  	_ =	shalt  }
0x40: {  	_ =	shalt  }
0x41: {  	_ =	shalt  }
0x42: {  	_ =	shalt  }
0x43: {  	_ =	shalt  }
0x44: {  	_ =	shalt  }
0x45: {  	_ =	shalt  }
0x46: {  	_ =	shalt  }
0x47: {  	_ =	shalt  }
0x48: {  	_ =	shalt  }
0x49: {  	_ =	shalt  }
0x4a: {  	_ =	shalt  }
0x4b: {  	_ =	shalt  }
0x4c: {  	_ =	shalt  }
0x4d: {  	_ =	shalt  }
0x4e: {  	_ =	shalt  }
0x4f: {  	_ =	shalt  }
0x50: {  	_ =	shalt  }
0x51: {  	_ =	shalt  }
0x52: {  	_ =	shalt  }
0x53: {  	_ =	shalt  }
0x54: {  	_ =	shalt  }
0x55: {  	_ =	shalt  }
0x56: {  	_ =	shalt  }
0x57: {  	_ =	shalt  }
0x58: {  	_ =	shalt  }
0x59: {  	_ =	shalt  }
0x5a: {  	_ =	shalt  }
0x5b: {  	_ =	shalt  }
0x5c: {  	_ =	shalt  }
0x5d: {  	_ =	shalt  }
0x5e: {  	_ =	shalt  }
0x5f: {  	_ =	shalt  }
0x60: {  	_ =	shalt  }
0x61: {  	_ =	shalt  }
0x62: {  	_ =	shalt  }
0x63: {  	_ =	shalt  }
0x64: {  	_ =	shalt  }
0x65: {  	_ =	shalt  }
0x66: {  	_ =	shalt  }
0x67: {  	_ =	shalt  }
0x68: {  	_ =	shalt  }
0x69: {  	_ =	shalt  }
0x6a: {  	_ =	shalt  }
0x6b: {  	_ =	shalt  }
0x6c: {  	_ =	shalt  }
0x6d: {  	_ =	shalt  }
0x6e: {  	_ =	shalt  }
0x6f: {  	_ =	shalt  }
0x70: {  	_ =	shalt  }
0x71: {  	_ =	shalt  }
0x72: {  	_ =	shalt  }
0x73: {  	_ =	shalt  }
0x74: {  	_ =	shalt  }
0x75: {  	_ =	shalt  }
0x76: {  	_ =	shalt  }
0x77: {  	_ =	shalt  }
0x78: {  	_ =	shalt  }
0x79: {  	_ =	shalt  }
0x7a: {  	_ =	shalt  }
0x7b: {  	_ =	shalt  }
0x7c: {  	_ =	shalt  }
0x7d: {  	_ =	shalt  }
0x7e: {  	_ =	shalt  }
0x7f: {  	_ =	shalt  }
0x80: {  	_ =	shalt  }
0x81: {  	_ =	shalt  }
0x82: {  	_ =	shalt  }
0x83: {  	_ =	shalt  }
0x84: {  	_ =	shalt  }
0x85: {  	_ =	shalt  }
0x86: {  	_ =	shalt  }
0x87: {  	_ =	shalt  }
.Lfunc_end0:
.L_simem_size_0:
called_computation.1_lowered:
.L_overlay_start_0:
0x88: {  	s2 =	sld [smem:$0x3FD9]  }
0x89: {  	s3 =	sld [smem:$0x3FFE];
	_ =	sdelay $0x1  }
0x8a: {  	s1 =	srdreg.scid  }
0x8b: {  	s0 =	sand.u32 $0x1, s1  }
0x8c: {  	s14 =	sshll.u32 s0, $0xA;
	s2 =	sadd.s32 s3, s2  }
0x8d: {  	s2 =	sadd.s32 s2, s14  }
0x8e: {  	[smem:$0x3FBE] =	sst s2  }
0x8f: {  	_ = 	snop  }
0x90: {  	s2 =	sld [smem:$0x3FD0];
	_ =	sdelay $0x2  }
0x91: {  	s15 =	simm.s32 $0xA;
	s4 =	simm.s32 $0x10  }
0x92: {  	[smem:s4], [sflag:s15] =	dma.local [hbm:s2], $0x1  }
0x93: {  	_ =	swait.eq [sflag:s15], $0x1  }
0x94: {  	[sflag:s15] =	ssyncset.done $0x0  }
0x95: {  	s16 =	sld [smem:$0x10];
	[sflag:s15] =	ssyncadd.s32 $0xFFFFFFFF  }
0x96: {  	s17 =	sld [smem:$0x11];
	(tm) =	ssettm $0x1  }
0x97: {  	s18 =	sld [smem:$0x3FFB];
	_ =	sdelay $0x3  }
0x98: {  	_ =	strace s18  }
0x99: {  	s4 =	sld [smem:$0x3FFC];
	_ =	sdelay $0x3  }
0x9a: {  	_ =	strace s4  }
0x9b: {  	s4 =	sld [smem:$0x3FFD];
	_ =	sdelay $0x3  }
0x9c: {  	_ =	strace s4  }
0x9d: {  	_ =	strace $0x8FFFFFFF  }
0x9e: {  	s19 =	sld [smem:$0x3FDB];
	_ =	sdelay $0x1  }
0x9f: {  	s5 =	simm.s32 $_scs_section_size  }
0xa0: {  	s6 =	simm.s32 $_size__tile_overlayer_lowered;
	s7 =	simm.s32 $_tile_overlayer_lowered  }
0xa1: {  	s22 =	simm.s32 $0x1BFF;
	s21 =	sshll.u32 s7, $0x1;
	s4 =	sadd.s32 s5, s19  }
0xa2: {  	s8 =	simm.s32 $0x0;
	s20 =	sshll.u32 s6, $0x1;
	s6 =	sadd.s32 s21, s4  }
0xa3: {  	[timem:s8], [sflag:s22] =	dma.local [hbm:s6], s20  }
0xa4: {  	_ =	swait.ge [sflag:s22], s20  }
0xa5: {  	s5 =	ssub.s32 $0x0, s20;
	[sflag:s22] =	ssyncset.done $0x0  }
0xa6: {  	[sflag:s22] =	ssyncadd.s32 s5;
	_ =	sdelay $0x1  }
0xa7: {  	s23 =	simm.s32 $0x1B8B  }
0xa8: {  	_ =	swait.ge [sflag:s23], $0x1  }
0xa9: {  	[sflag:s23] =	ssyncset.done $0x0  }
0xaa: {  	s25 =	simm.s32 $0x1B8E;
	s24 =	sld [smem:$0x3FFE];
	[sflag:s23] =	ssyncadd.s32 $0xFFFFFFFF  }
0xab: {  	s26 =	simm.s32 $execute0_lowered;
	[smem:$0x3FD2] =	sst s25  }
0xac: {  	s6 =	sshll.u32 s26, $0x1;
	_ =	strace $0x80000049;
	[dreg:$0x1] =	wrdreg $0xFFFFFFFF  }
0xad: {  	s28 =	simm.s32 $_size_execute0_lowered;
	s4 =	sadd.s32 s4, s6;
	[dreg:$0x0] =	wrdreg $0x0  }
0xae: {  	s6 =	sshll.u32 s28, $0x1;
	[dreg:$0x2] =	wrdreg s4  }
0xaf: {  	[dreg:$0x3] =	wrdreg s6  }
0xb0: {  	[dreg:$0x4] =	wrdreg $0xC0  }
0xb1: {  	_ =	task [dreg:s8], $0x5FFFF  }
0xb2: {  	[dreg:$0x1] =	wrdreg $0xFFFFFFFF  }
0xb3: {  	[dreg:$0x0] =	wrdreg $0x60  }
0xb4: {  	[dreg:$0x2] =	wrdreg s24  }
0xb5: {  	[dreg:$0x3] =	wrdreg s17  }
0xb6: {  	[dreg:$0x4] =	wrdreg s16  }
0xb7: {  	[dreg:$0x5] =	wrdreg $0x5C800  }
0xb8: {  	[dreg:$0x6] =	wrdreg $0x9  }
0xb9: {  	_ =	task.clear_ibuf [dreg:s8], $0x7FFFF;
	_ =	strace $0x90000049  }
0xba: {  	s29 =	simm.s32 $0x9;
	_ =	strace $0x8000004B  }
0xbb: {  	_ =	swait.ge [sflag:s29], $0x1  }
0xbc: {  	[sflag:s29] =	ssyncadd.s32 $0xFFFFFFFF  }
0xbd: {  	_ =	strace $0x9000004B  }
0xbe: {  	_ =	sfence  }
0xbf: {  	s30 =	sld [smem:$0x0];
	_ =	sdelay $0x2  }
0xc0: {  	s31 =	sshll.u32 s1, $0xD;
	s1 =	sshrl.u32 s1, $0x2  }
0xc1: {  	s3 =	sand.u32 $0x4000, s31;
	s1 =	sadd.s32 s1, s30  }
0xc2: {  	s0 =	sor.u32 s3, s0;
	s1 =	sshll.u32 s1, $0x11  }
0xc3: {  	s0 =	sor.u32 s1, s0  }
0xc4: {  	s0 =	sadd.s32 $0x8F2B, s0  }
0xc5: {  	[sflag:s0] =	ssyncadd.remote.s32 $0x1  }
0xc6: {  	_ =	sfence.sel $0xFFFF  }
0xc7: {  	[dreg:$0x0] =	wrdreg $0xFFFFFFFF;
	(pc) =	sbr.abs _section_cstart, $3  }
0xc8: {  	[dreg:$0x1] =	wrdreg $0xFFFFFFFF  }
0xc9: {  	_ =	task.clear_ibuf [dreg:s8], $0x2FFFF;
	_ =	strace $0x9FFFFFFF  }
0xca: {  	(tm) =	ssettm $0x7FFFFFFF  }
0xcb: {  	_ =	shalt  }
tec
execute0_lowered:
.L_overlay_start_1:
0x0: {  	(tag) =	ssettag $0x1  }
0x1: {  	s0 =	rddreg [dreg:$0x0]  }
0x2: {  	s6 =	rddreg [dreg:$0x1]  }
0x3: {  	s7 =	rddreg [dreg:$0x2]  }
0x4: {  	s1 =	rddreg [dreg:$0x3];
	s2 =	simm.s32 $0x0;
	s18 =	stileid.u32  }
0x5: {  	s3 =	srdreg.scid;
	s28 =	simm.s32 $0x4;
	s10 =	smul.u32 $0x4E20, s18  }
0x6: {  	[smem:$0x7FF] =	sst s2;
	s4 =	sadd.s32 $0x15E00, s0;
	s11 =	smul.u32 $0xA000, s18  }
0x7: {  	s8 =	sand.u32 $0x1, s3;
	s12 =	sadd.s32 $0xC000, s0;
	s16 =	smul.u32 $0x9C4, s18  }
0x8: {  	s14 =	sadd.s32 $0x2200, s0;
	s20 =	ssub.s32 $0x8C, s18;
	s17 =	smul.u32 $0x500, s18  }
0x9: {  	s18 =	simm.s32 $0x7;
	_ =	strace $0x8000004A;
	s9 =	ssub.s32 $0x2, s8  }
0xa: {  	s5 =	smul.u32 $0x27100, s8;
	p0 =	seq.s32 s8, $0x1;
	s19 =	sshrl.u32 s9, $0x1  }
0xb: {  	s21 =	sshrl.u32 s10, $0x3;
	s26 =	sshrl.u32 s11, $0x2;
	s29 =	sadd.s32 s16, s14  }
0xc: {  	s30 =	sadd.s32 s16, s12;
	s15 =	sadd.s32 s5, s0;
	s0 =	ssub.s32 s9, s19  }
0xd: {  	s5 =	sshrl.u32 s20, $0x4;
	s22 =	sadd.s32 s6, s21;
	s23 =	sadd.s32 s7, s21  }
0xe: {  	s24 =	sadd.s32 s12, s21;
	s25 =	sadd.s32 s14, s21;
	s7 =	sadd.s32 s16, s7  }
0xf: {  	s6 =	sadd.s32 s16, s6;
	s11 =	sadd.s32 s26, s1;
	[dreg:$0x5] =	wrdreg s22  }
0x10: {  	s14 =	sadd.s32 $0x64, s29;
	s20 =	simm.s32 $0x5;
	[dreg:$0x6] =	wrdreg s23  }
0x11: {  	s21 =	simm.s32 $0x6;
	s26 =	simm.s32 $0x2;
	[dreg:$0x7] =	wrdreg s24  }
0x12: {  	[dreg:$0x8] =	wrdreg s25;
	s10 =	smax.u32 s0, $0x1;
	s0 =	sadd.s32 $0x64, s7  }
0x13: {  	s13 =	sadd.s32 $0x64, s6;
	s31 =	sadd.s32 s17, s15;
	s15 =	sadd.s32 $0x64, s30  }
0x14: {  	s17 =	simm.s32 $0xC80;
	s22 =	simm.s32 $0x50;
	s23 =	simm.s32 $0x3480  }
0x15: {  	v0 =	vimm.f32 $0.0e+00;
	s24 =	simm.s32 $0x1;
	s25 =	simm.s32 $0x3;
	s16 =	sadd.s32 $0x64000, s31  }
.LBB2_1:
0x16: {  	s6 =	simm.s32 $0x70;
	s7 =	simm.s32 $0x3C0  }
.LBB2_2:
0x17: {  	p1 =	sne.s32 s7, $0x9FC0;
	[tilespmem:s6+$0xC80] =	vst v0  }
0x18: {  	[tilespmem:s6+$0xC10] =	vst v0  }
0x19: {  	[tilespmem:s6+$0xC20] =	vst v0  }
.Ltmp0:
0x1a: {  	[tilespmem:s6+$0xC30] =	vst v0;
	(pc) =	sbr.rel @p1 .LBB2_2-.Ltmp0, $4  }
0x1b: {  	[tilespmem:s6+$0xC40] =	vst v0  }
0x1c: {  	[tilespmem:s6+$0xC50] =	vst v0  }
0x1d: {  	[tilespmem:s6+$0xC60] =	vst v0  }
0x1e: {  	[tilespmem:s6+$0xC70] =	vst v0;
	s6 =	sshra.s32 s7, $0x2;
	s7 =	sadd.s32 $0x200, s7  }
0x1f: {  	[tilespmem:s6+$0xC80] =	vst v0  }
0x20: {  	[tilespmem:s6+$0xC10] =	vst v0  }
0x21: {  	[tilespmem:s6+$0xC20] =	vst v0  }
0x22: {  	[tilespmem:s6+$0xC30] =	vst v0;
	p1 =	sne.s32 s5, $0x1  }
.Ltmp1:
0x23: {  	[tilespmem:s6+$0xC40] =	vst v0;
	(pc) =	sbr.rel @!p1 .LBB2_5-.Ltmp1, $4  }
0x24: {  	[tilespmem:s6+$0xC50] =	vst v0  }
0x25: {  	[tilespmem:s6+$0xC60] =	vst v0  }
0x26: {  	[tilespmem:s6+$0xC70] =	vst v0;
	s6 =	sadd.s32 $0xFFFFFFFF, s5;
	s7 =	smov.u32 s11  }
0x27: {  	[spmem:s11] =	stream.linear.scatter [tilespmem:s17], [sflag:$0x7], $0x2800, $0x38;
	[tilespmem:$0x19500] =	vst v63  }
.LBB2_4:
0x28: {  	p2 =	sne.s32 s6, $0x1  }
.Ltmp2:
0x29: {  	_ = 	snop;
	(pc) =	sbr.rel @p2 .LBB2_4-.Ltmp2, $3  }
0x2a: {  	_ = 	snop  }
0x2b: {  	s6 =	sadd.s32 $0xFFFFFFFF, s6;
	s7 =	sadd.s32 $0x28000, s7;
	_ =	sdelay $0x1  }
0x2c: {  	[spmem:s7] =	stream.linear.scatter [tilespmem:s17], [sflag:$0x7], $0x2800, $0x38;
	[tilespmem:$0x19500] =	vst v63  }
.LBB2_5:
.Ltmp3:
0x2d: {  	(pc) =	sbr.rel @!p1 .LBB2_7-.Ltmp3, $3  }
0x2e: {  	_ =	sdelay $0x1  }
0x2f: {  	_ =	swait.ge [sflag:s18], $0x2800  }
0x30: {  	s6 =	sadd.s32 $0xFFFFFFFF, s5;
	[sflag:s18] =	ssyncset.done $0x0  }
.LBB2_6:
0x31: {  	p2 =	sne.s32 s6, $0x1;
	s6 =	sadd.s32 $0xFFFFFFFF, s6;
	[sflag:s18] =	ssyncadd.s32 $0xFFFFD800  }
.Ltmp4:
0x32: {  	(pc) =	sbr.rel @p2 .LBB2_6-.Ltmp4, $3  }
0x33: {  	_ =	sdelay $0x1  }
0x34: {  	_ =	swait.ge [sflag:s18], $0x2800  }
0x35: {  	[sflag:s18] =	ssyncset.done $0x0  }
.LBB2_7:
.Ltmp5:
0x36: {  	(pc) =	sbr.rel @!p0 .LBB2_8-.Ltmp5, $3  }
0x37: {  	_ = 	snop  }
0x38: {  	[sflag:s18] =	ssyncadd.s32 $0xFFFFD800  }
0x39: {  	[bflag:$0x0] =	sbarrier.arrive $0xFFFF;
	_ =	sdelay $0x1  }
0x3a: {  	s3 =	simm.s32 $0x0;
	s6 =	rddreg [dreg:$0x7]  }
0x3b: {  	[tilespmem:s3], [sflag:$0x5] =	stream.linear.gather [hbm4b:s6+s3], $0x320, $0x38;
	[tilespmem:$0x19500] =	vst v63  }
0x3c: {  	s29 =	rddreg [dreg:$0x8];
	s7 =	simm.s32 $0x640  }
0x3d: {  	[tilespmem:s7], [sflag:$0x6] =	stream.linear.gather [hbm4b:s29+s3], $0x320, $0x38;
	[tilespmem:$0x19500] =	vst v63  }
0x3e: {  	_ =	swait.ge [sflag:s20], $0x320  }
0x3f: {  	[sflag:s20] =	ssyncset.done $0x0  }
0x40: {  	s30 =	simm.s32 $0x1;
	[sflag:s20] =	ssyncadd.s32 $0xFFFFFCE0  }
0x41: {  	p2 =	por $0x0, $0x0;
	s6 =	sand.u32 $0x1, s30;
	_ =	swait.ge [sflag:s21], $0x320  }
0x42: {  	s12 =	simm.s32 @p2 $0x320;
	s9 =	simm.s32 @p2 $0x50;
	[sflag:s21] =	ssyncset.done $0x0  }
0x43: {  	s7 =	simm.s32 @p2 $0x3;
	s3 =	sand.u32 @p2 $0x1, s3;
	[sflag:s21] =	ssyncadd.s32 $0xFFFFFCE0  }
0x44: {  	s8 =	smul.u32 @p2 $0xC80, s6;
	p3 =	seq.s32 @p2 s3, $0x1;
	_ =	swait.ge @p2 [sflag:s7], $0x2800  }
0x45: {  	s3 =	simm.s32 @p2 $0xC80;
	p3 =	por !p3, !p2;
	[sflag:s7] =	ssyncset.done @p2 $0x0  }
0x46: {  	s12 =	simm.s32 @p3 $0x0;
	[sflag:s7] =	ssyncadd.s32 @p2 $0xFFFFD800;
	s7 =	simm.s32 @p2 $0x2  }
0x47: {  	[tilespmem:s3], [sflag:$0x1] =	stream.indirect.gather @p2 [hbm4b:s4+s9], $0x80, s12, s9, $0xb8;
	[tilespmem:$0x19500] =	vst v63  }
0x48: {  	_ =	swait.ge @p2 [sflag:s7], $0x2800  }
0x49: {  	s3 =	sshrl.u32 @p2 s8, $0x2;
	s8 =	simm.s32 @p2 $0x3480;
	[sflag:s7] =	ssyncset.done @p2 $0x0  }
0x4a: {  	s3 =	sadd.s32 @p2 $0x910, s3;
	[sflag:s7] =	ssyncadd.s32 @p2 $0xFFFFD800;
	s7 =	simm.s32 @p2 $0x4  }
0x4b: {  	[spmem:s1] =	stream.indirect.scatter.add.f32 @p2 [tilespmem:s8], [sflag:$0x4], $0x80, s3, s9, $0xb8;
	[tilespmem:$0x19500] =	vst v63  }
0x4c: {  	_ =	swait.ge @p2 [sflag:s7], $0x2800  }
0x4d: {  	s12 =	simm.s32 @!p2 $0x0;
	s3 =	simm.s32 @!p2 $0xC80;
	[sflag:s7] =	ssyncset.done @p2 $0x0  }
0x4e: {  	s8 =	simm.s32 @!p2 $0x50;
	s9 =	simm.s32 @!p2 $0x0;
	[sflag:s7] =	ssyncadd.s32 @p2 $0xFFFFD800  }
0x4f: {  	[tilespmem:s3], [sflag:$0x1] =	stream.indirect.gather @!p2 [hbm4b:s4+s8], $0x80, s9, s8, $0xb8;
	[tilespmem:$0x19500] =	vst v63  }
0x50: {  	s7 =	sor.u32 $0x50, s12  }
0x51: {  	[tilespmem:s23], [sflag:$0x2] =	stream.indirect.gather [hbm4b:s4+s22], $0x80, s7, s22, $0xb8;
	[tilespmem:$0x19500] =	vst v63  }
0x52: {  	_ =	swait.ge [sflag:s24], $0x2800  }
0x53: {  	[sflag:s24] =	ssyncset.done $0x0  }
0x54: {  	s8 =	sadd.s32 $0x640, s12;
	[sflag:s24] =	ssyncadd.s32 $0xFFFFD800  }
0x55: {  	[spmem:s1] =	stream.indirect.scatter.add.f32 [tilespmem:s17], [sflag:$0x3], $0x80, s8, s22, $0xb8;
	[tilespmem:$0x19500] =	vst v63  }
0x56: {  	_ =	swait.ge [sflag:s25], $0x2800  }
0x57: {  	[sflag:s25] =	ssyncset.done $0x0  }
0x58: {  	s9 =	sadd.s32 $0xA0, s12;
	[sflag:s25] =	ssyncadd.s32 $0xFFFFD800  }
0x59: {  	[tilespmem:s17], [sflag:$0x1] =	stream.indirect.gather [hbm4b:s4+s22], $0x80, s9, s22, $0xb8;
	[tilespmem:$0x19500] =	vst v63  }
0x5a: {  	_ =	swait.ge [sflag:s26], $0x2800  }
0x5b: {  	[sflag:s26] =	ssyncset.done $0x0  }
0x5c: {  	s19 =	sadd.s32 $0x690, s12;
	[sflag:s26] =	ssyncadd.s32 $0xFFFFD800  }
0x5d: {  	[spmem:s1] =	stream.indirect.scatter.add.f32 [tilespmem:s23], [sflag:$0x4], $0x80, s19, s22, $0xb8;
	[tilespmem:$0x19500] =	vst v63  }
0x5e: {  	_ =	swait.ge [sflag:s28], $0x2800  }
0x5f: {  	p2 =	por $0x0, $0x0;
	[sflag:s28] =	ssyncset.done $0x0  }
0x60: {  	s29 =	sadd.s32 $0xF0, s12;
	s6 =	smul.u32 @!p2 $0x320, s6;
	[sflag:s28] =	ssyncadd.s32 $0xFFFFD800  }
0x61: {  	[tilespmem:s23], [sflag:$0x2] =	stream.indirect.gather [hbm4b:s4+s22], $0x80, s29, s22, $0xb8;
	[tilespmem:$0x19500] =	vst v63  }
0x62: {  	s8 =	simm.s32 @!p2 $0x0  }
0x63: {  	[tilespmem:s6], [sflag:$0x5] =	stream.linear.gather @!p2 [hbm4b:s15+s8], $0x320, $0x38;
	[tilespmem:$0x19500] =	vst v63  }
0x64: {  	s6 =	sadd.s32 @!p2 $0x640, s6  }
0x65: {  	[tilespmem:s6], [sflag:$0x6] =	stream.linear.gather @!p2 [hbm4b:s14+s8], $0x320, $0x38;
	[tilespmem:$0x19500] =	vst v63  }
0x66: {  	_ =	swait.ge [sflag:s24], $0x2800  }
0x67: {  	[sflag:s24] =	ssyncset.done $0x0  }
0x68: {  	s3 =	sadd.s32 $0x640, s9;
	[sflag:s24] =	ssyncadd.s32 $0xFFFFD800  }
0x69: {  	[spmem:s1] =	stream.indirect.scatter.add.f32 [tilespmem:s17], [sflag:$0x3], $0x80, s3, s22, $0xb8;
	[tilespmem:$0x19500] =	vst v63  }
0x6a: {  	_ =	swait.ge [sflag:s25], $0x2800  }
0x6b: {  	[sflag:s25] =	ssyncset.done $0x0  }
0x6c: {  	s6 =	sadd.s32 $0x140, s12;
	[sflag:s25] =	ssyncadd.s32 $0xFFFFD800  }
0x6d: {  	[tilespmem:s17], [sflag:$0x1] =	stream.indirect.gather [hbm4b:s4+s22], $0x80, s6, s22, $0xb8;
	[tilespmem:$0x19500] =	vst v63  }
0x6e: {  	_ =	swait.ge [sflag:s26], $0x2800  }
0x6f: {  	[sflag:s26] =	ssyncset.done $0x0  }
0x70: {  	s8 =	sadd.s32 $0x640, s29;
	[sflag:s26] =	ssyncadd.s32 $0xFFFFD800  }
0x71: {  	[spmem:s1] =	stream.indirect.scatter.add.f32 [tilespmem:s23], [sflag:$0x4], $0x80, s8, s22, $0xb8;
	[tilespmem:$0x19500] =	vst v63  }
0x72: {  	_ =	swait.ge [sflag:s28], $0x2800  }
0x73: {  	[sflag:s28] =	ssyncset.done $0x0  }
0x74: {  	s9 =	sadd.s32 $0x190, s12;
	[sflag:s28] =	ssyncadd.s32 $0xFFFFD800  }
0x75: {  	[tilespmem:s23], [sflag:$0x2] =	stream.indirect.gather [hbm4b:s4+s22], $0x80, s9, s22, $0xb8;
	[tilespmem:$0x19500] =	vst v63  }
0x76: {  	_ =	swait.ge [sflag:s24], $0x2800  }
0x77: {  	[sflag:s24] =	ssyncset.done $0x0  }
0x78: {  	s19 =	sadd.s32 $0x780, s12;
	[sflag:s24] =	ssyncadd.s32 $0xFFFFD800  }
0x79: {  	[spmem:s1] =	stream.indirect.scatter.add.f32 [tilespmem:s17], [sflag:$0x3], $0x80, s19, s22, $0xb8;
	[tilespmem:$0x19500] =	vst v63  }
0x7a: {  	_ =	swait.ge [sflag:s25], $0x2800  }
0x7b: {  	[sflag:s25] =	ssyncset.done $0x0  }
0x7c: {  	s29 =	sadd.s32 $0x1E0, s12;
	[sflag:s25] =	ssyncadd.s32 $0xFFFFD800  }
0x7d: {  	[tilespmem:s17], [sflag:$0x1] =	stream.indirect.gather [hbm4b:s4+s22], $0x80, s29, s22, $0xb8;
	[tilespmem:$0x19500] =	vst v63  }
0x7e: {  	_ =	swait.ge [sflag:s26], $0x2800  }
0x7f: {  	[sflag:s26] =	ssyncset.done $0x0  }
0x80: {  	s6 =	sadd.s32 $0x7D0, s12;
	[sflag:s26] =	ssyncadd.s32 $0xFFFFD800  }
0x81: {  	[spmem:s1] =	stream.indirect.scatter.add.f32 [tilespmem:s23], [sflag:$0x4], $0x80, s6, s22, $0xb8;
	[tilespmem:$0x19500] =	vst v63  }
0x82: {  	_ =	swait.ge [sflag:s28], $0x2800  }
0x83: {  	[sflag:s28] =	ssyncset.done $0x0  }
0x84: {  	s7 =	sadd.s32 $0x230, s12;
	[sflag:s28] =	ssyncadd.s32 $0xFFFFD800  }
0x85: {  	[tilespmem:s23], [sflag:$0x2] =	stream.indirect.gather [hbm4b:s4+s22], $0x80, s7, s22, $0xb8;
	[tilespmem:$0x19500] =	vst v63  }
0x86: {  	_ =	swait.ge [sflag:s24], $0x2800  }
0x87: {  	[sflag:s24] =	ssyncset.done $0x0  }
0x88: {  	s8 =	sadd.s32 $0x820, s12;
	[sflag:s24] =	ssyncadd.s32 $0xFFFFD800  }
0x89: {  	[spmem:s1] =	stream.indirect.scatter.add.f32 [tilespmem:s17], [sflag:$0x3], $0x80, s8, s22, $0xb8;
	[tilespmem:$0x19500] =	vst v63  }
0x8a: {  	_ =	swait.ge [sflag:s25], $0x2800  }
0x8b: {  	[sflag:s25] =	ssyncset.done $0x0  }
0x8c: {  	s9 =	sadd.s32 $0x280, s12;
	[sflag:s25] =	ssyncadd.s32 $0xFFFFD800  }
0x8d: {  	[tilespmem:s17], [sflag:$0x1] =	stream.indirect.gather [hbm4b:s4+s22], $0x80, s9, s22, $0xb8;
	[tilespmem:$0x19500] =	vst v63  }
0x8e: {  	_ =	swait.ge [sflag:s26], $0x2800  }
0x8f: {  	[sflag:s26] =	ssyncset.done $0x0  }
0x90: {  	s19 =	sadd.s32 $0x870, s12;
	[sflag:s26] =	ssyncadd.s32 $0xFFFFD800  }
0x91: {  	[spmem:s1] =	stream.indirect.scatter.add.f32 [tilespmem:s23], [sflag:$0x4], $0x80, s19, s22, $0xb8;
	[tilespmem:$0x19500] =	vst v63  }
0x92: {  	_ =	swait.ge [sflag:s28], $0x2800  }
0x93: {  	[sflag:s28] =	ssyncset.done $0x0  }
0x94: {  	s29 =	sadd.s32 $0x2D0, s12;
	[sflag:s28] =	ssyncadd.s32 $0xFFFFD800  }
0x95: {  	[tilespmem:s23], [sflag:$0x2] =	stream.indirect.gather [hbm4b:s4+s22], $0x80, s29, s22, $0xb8;
	[tilespmem:$0x19500] =	vst v63  }
0x96: {  	s31 =	sadd.s32 $0x64, s15;
	_ =	swait.ge [sflag:s24], $0x2800  }
0x97: {  	s7 =	sadd.s32 $0x8C0, s12;
	s12 =	smov.u32 s14;
	[sflag:s24] =	ssyncset.done $0x0  }
.LBB2_12:
0x98: {  	[sflag:s24] =	ssyncadd.s32 $0xFFFFD800  }
0x99: {  	s12 =	sadd.s32 $0x64, s12;
	s6 =	smov.u32 s30;
	s30 =	sadd.s32 $0x1, s30  }
0x9a: {  	[spmem:s1] =	stream.indirect.scatter.add.f32 [tilespmem:s17], [sflag:$0x3], $0x80, s7, s22, $0xb8;
	[tilespmem:$0x19500] =	vst v63  }
0x9b: {  	s7 =	sand.u32 $0x1, s30;
	p2 =	sne.s32 s30, $0x19;
	_ =	swait.ge [sflag:s20], $0x320  }
0x9c: {  	[sflag:s20] =	ssyncset.done $0x0  }
0x9d: {  	[sflag:s20] =	ssyncadd.s32 $0xFFFFFCE0  }
0x9e: {  	p3 =	sne.s32 s6, $0x0;
	_ =	swait.ge [sflag:s21], $0x320  }
0x9f: {  	s3 =	simm.s32 @p3 $0x3;
	s19 =	simm.s32 @p3 $0x320;
	[sflag:s21] =	ssyncset.done $0x0  }
0xa0: {  	s8 =	sand.u32 @p3 $0x1, s6;
	s9 =	smul.u32 @p3 $0xC80, s7;
	[sflag:s21] =	ssyncadd.s32 $0xFFFFFCE0  }
0xa1: {  	p4 =	seq.s32 @p3 s8, $0x1;
	s8 =	simm.s32 @p3 $0xC80;
	_ =	swait.ge @p3 [sflag:s3], $0x2800  }
0xa2: {  	s29 =	simm.s32 @p3 $0x50;
	p4 =	por !p4, !p3;
	[sflag:s3] =	ssyncset.done @p3 $0x0  }
0xa3: {  	s19 =	simm.s32 @p4 $0x0;
	[sflag:s3] =	ssyncadd.s32 @p3 $0xFFFFD800;
	s3 =	simm.s32 @p3 $0x2  }
0xa4: {  	[tilespmem:s8], [sflag:$0x1] =	stream.indirect.gather @p3 [hbm4b:s4+s29], $0x80, s19, s29, $0xb8;
	[tilespmem:$0x19500] =	vst v63  }
0xa5: {  	s8 =	sshrl.u32 @p3 s9, $0x2;
	_ =	swait.ge @p3 [sflag:s3], $0x2800  }
0xa6: {  	s9 =	simm.s32 @p3 $0x3480;
	s8 =	sadd.s32 @p3 $0x910, s8;
	[sflag:s3] =	ssyncset.done @p3 $0x0  }
0xa7: {  	[sflag:s3] =	ssyncadd.s32 @p3 $0xFFFFD800;
	s3 =	simm.s32 @p3 $0x4  }
0xa8: {  	[spmem:s1] =	stream.indirect.scatter.add.f32 @p3 [tilespmem:s9], [sflag:$0x4], $0x80, s8, s29, $0xb8;
	[tilespmem:$0x19500] =	vst v63  }
0xa9: {  	s19 =	simm.s32 @!p3 $0x0;
	s8 =	simm.s32 @!p3 $0xC80;
	_ =	swait.ge @p3 [sflag:s3], $0x2800  }
0xaa: {  	s9 =	simm.s32 @!p3 $0x50;
	s29 =	simm.s32 @!p3 $0x0;
	[sflag:s3] =	ssyncset.done @p3 $0x0  }
0xab: {  	[sflag:s3] =	ssyncadd.s32 @p3 $0xFFFFD800;
	s3 =	sor.u32 $0x50, s19  }
0xac: {  	[tilespmem:s8], [sflag:$0x1] =	stream.indirect.gather @!p3 [hbm4b:s4+s9], $0x80, s29, s9, $0xb8;
	[tilespmem:$0x19500] =	vst v63  }
0xad: {  	_ = 	snop  }
0xae: {  	[tilespmem:s23], [sflag:$0x2] =	stream.indirect.gather [hbm4b:s4+s22], $0x80, s3, s22, $0xb8;
	[tilespmem:$0x19500] =	vst v63  }
0xaf: {  	_ =	swait.ge [sflag:s24], $0x2800  }
0xb0: {  	s3 =	sadd.s32 $0x640, s19;
	[sflag:s24] =	ssyncset.done $0x0  }
0xb1: {  	[sflag:s24] =	ssyncadd.s32 $0xFFFFD800  }
0xb2: {  	[spmem:s1] =	stream.indirect.scatter.add.f32 [tilespmem:s17], [sflag:$0x3], $0x80, s3, s22, $0xb8;
	[tilespmem:$0x19500] =	vst v63  }
0xb3: {  	_ =	swait.ge [sflag:s25], $0x2800  }
0xb4: {  	s3 =	sadd.s32 $0xA0, s19;
	[sflag:s25] =	ssyncset.done $0x0  }
0xb5: {  	[sflag:s25] =	ssyncadd.s32 $0xFFFFD800  }
0xb6: {  	[tilespmem:s17], [sflag:$0x1] =	stream.indirect.gather [hbm4b:s4+s22], $0x80, s3, s22, $0xb8;
	[tilespmem:$0x19500] =	vst v63  }
0xb7: {  	_ =	swait.ge [sflag:s26], $0x2800  }
0xb8: {  	s8 =	sadd.s32 $0x690, s19;
	[sflag:s26] =	ssyncset.done $0x0  }
0xb9: {  	[sflag:s26] =	ssyncadd.s32 $0xFFFFD800  }
0xba: {  	[spmem:s1] =	stream.indirect.scatter.add.f32 [tilespmem:s23], [sflag:$0x4], $0x80, s8, s22, $0xb8;
	[tilespmem:$0x19500] =	vst v63  }
0xbb: {  	_ =	swait.ge [sflag:s28], $0x2800  }
0xbc: {  	p3 =	seq.s32 s6, $0x18;
	s8 =	sadd.s32 $0xF0, s19;
	[sflag:s28] =	ssyncset.done $0x0  }
0xbd: {  	s6 =	smul.u32 @!p3 $0x320, s7;
	s7 =	simm.s32 @!p3 $0x0;
	[sflag:s28] =	ssyncadd.s32 $0xFFFFD800  }
0xbe: {  	[tilespmem:s23], [sflag:$0x2] =	stream.indirect.gather [hbm4b:s4+s22], $0x80, s8, s22, $0xb8;
	[tilespmem:$0x19500] =	vst v63  }
0xbf: {  	s9 =	sadd.s32 @!p3 $0x640, s6  }
0xc0: {  	[tilespmem:s6], [sflag:$0x5] =	stream.linear.gather @!p3 [hbm4b:s31+s7], $0x320, $0x38;
	[tilespmem:$0x19500] =	vst v63  }
0xc1: {  	_ = 	snop  }
0xc2: {  	[tilespmem:s9], [sflag:$0x6] =	stream.linear.gather @!p3 [hbm4b:s12+s7], $0x320, $0x38;
	[tilespmem:$0x19500] =	vst v63  }
0xc3: {  	_ =	swait.ge [sflag:s24], $0x2800  }
0xc4: {  	s3 =	sadd.s32 $0x640, s3;
	[sflag:s24] =	ssyncset.done $0x0  }
0xc5: {  	[sflag:s24] =	ssyncadd.s32 $0xFFFFD800  }
0xc6: {  	[spmem:s1] =	stream.indirect.scatter.add.f32 [tilespmem:s17], [sflag:$0x3], $0x80, s3, s22, $0xb8;
	[tilespmem:$0x19500] =	vst v63  }
0xc7: {  	_ =	swait.ge [sflag:s25], $0x2800  }
0xc8: {  	s3 =	sadd.s32 $0x140, s19;
	[sflag:s25] =	ssyncset.done $0x0  }
0xc9: {  	[sflag:s25] =	ssyncadd.s32 $0xFFFFD800  }
0xca: {  	[tilespmem:s17], [sflag:$0x1] =	stream.indirect.gather [hbm4b:s4+s22], $0x80, s3, s22, $0xb8;
	[tilespmem:$0x19500] =	vst v63  }
0xcb: {  	_ =	swait.ge [sflag:s26], $0x2800  }
0xcc: {  	s3 =	sadd.s32 $0x640, s8;
	[sflag:s26] =	ssyncset.done $0x0  }
0xcd: {  	[sflag:s26] =	ssyncadd.s32 $0xFFFFD800  }
0xce: {  	[spmem:s1] =	stream.indirect.scatter.add.f32 [tilespmem:s23], [sflag:$0x4], $0x80, s3, s22, $0xb8;
	[tilespmem:$0x19500] =	vst v63  }
0xcf: {  	_ =	swait.ge [sflag:s28], $0x2800  }
0xd0: {  	s3 =	sadd.s32 $0x190, s19;
	[sflag:s28] =	ssyncset.done $0x0  }
0xd1: {  	[sflag:s28] =	ssyncadd.s32 $0xFFFFD800  }
0xd2: {  	[tilespmem:s23], [sflag:$0x2] =	stream.indirect.gather [hbm4b:s4+s22], $0x80, s3, s22, $0xb8;
	[tilespmem:$0x19500] =	vst v63  }
0xd3: {  	_ =	swait.ge [sflag:s24], $0x2800  }
0xd4: {  	s3 =	sadd.s32 $0x780, s19;
	[sflag:s24] =	ssyncset.done $0x0  }
0xd5: {  	[sflag:s24] =	ssyncadd.s32 $0xFFFFD800  }
0xd6: {  	[spmem:s1] =	stream.indirect.scatter.add.f32 [tilespmem:s17], [sflag:$0x3], $0x80, s3, s22, $0xb8;
	[tilespmem:$0x19500] =	vst v63  }
0xd7: {  	_ =	swait.ge [sflag:s25], $0x2800  }
0xd8: {  	s3 =	sadd.s32 $0x1E0, s19;
	[sflag:s25] =	ssyncset.done $0x0  }
0xd9: {  	[sflag:s25] =	ssyncadd.s32 $0xFFFFD800  }
0xda: {  	[tilespmem:s17], [sflag:$0x1] =	stream.indirect.gather [hbm4b:s4+s22], $0x80, s3, s22, $0xb8;
	[tilespmem:$0x19500] =	vst v63  }
0xdb: {  	_ =	swait.ge [sflag:s26], $0x2800  }
0xdc: {  	s3 =	sadd.s32 $0x7D0, s19;
	[sflag:s26] =	ssyncset.done $0x0  }
0xdd: {  	[sflag:s26] =	ssyncadd.s32 $0xFFFFD800  }
0xde: {  	[spmem:s1] =	stream.indirect.scatter.add.f32 [tilespmem:s23], [sflag:$0x4], $0x80, s3, s22, $0xb8;
	[tilespmem:$0x19500] =	vst v63  }
0xdf: {  	_ =	swait.ge [sflag:s28], $0x2800  }
0xe0: {  	s3 =	sadd.s32 $0x230, s19;
	[sflag:s28] =	ssyncset.done $0x0  }
0xe1: {  	[sflag:s28] =	ssyncadd.s32 $0xFFFFD800  }
0xe2: {  	[tilespmem:s23], [sflag:$0x2] =	stream.indirect.gather [hbm4b:s4+s22], $0x80, s3, s22, $0xb8;
	[tilespmem:$0x19500] =	vst v63  }
0xe3: {  	_ =	swait.ge [sflag:s24], $0x2800  }
0xe4: {  	s3 =	sadd.s32 $0x820, s19;
	[sflag:s24] =	ssyncset.done $0x0  }
0xe5: {  	[sflag:s24] =	ssyncadd.s32 $0xFFFFD800  }
0xe6: {  	[spmem:s1] =	stream.indirect.scatter.add.f32 [tilespmem:s17], [sflag:$0x3], $0x80, s3, s22, $0xb8;
	[tilespmem:$0x19500] =	vst v63  }
0xe7: {  	_ =	swait.ge [sflag:s25], $0x2800  }
0xe8: {  	s3 =	sadd.s32 $0x280, s19;
	[sflag:s25] =	ssyncset.done $0x0  }
0xe9: {  	[sflag:s25] =	ssyncadd.s32 $0xFFFFD800  }
0xea: {  	[tilespmem:s17], [sflag:$0x1] =	stream.indirect.gather [hbm4b:s4+s22], $0x80, s3, s22, $0xb8;
	[tilespmem:$0x19500] =	vst v63  }
0xeb: {  	_ =	swait.ge [sflag:s26], $0x2800  }
0xec: {  	s3 =	sadd.s32 $0x870, s19;
	[sflag:s26] =	ssyncset.done $0x0  }
0xed: {  	[sflag:s26] =	ssyncadd.s32 $0xFFFFD800  }
0xee: {  	[spmem:s1] =	stream.indirect.scatter.add.f32 [tilespmem:s23], [sflag:$0x4], $0x80, s3, s22, $0xb8;
	[tilespmem:$0x19500] =	vst v63  }
0xef: {  	_ =	swait.ge [sflag:s28], $0x2800  }
.Ltmp6:
0xf0: {  	s3 =	sadd.s32 $0x2D0, s19;
	[sflag:s28] =	ssyncset.done $0x0;
	(pc) =	sbr.rel @p2 .LBB2_12-.Ltmp6, $4  }
0xf1: {  	[sflag:s28] =	ssyncadd.s32 $0xFFFFD800  }
0xf2: {  	[tilespmem:s23], [sflag:$0x2] =	stream.indirect.gather [hbm4b:s4+s22], $0x80, s3, s22, $0xb8;
	[tilespmem:$0x19500] =	vst v63  }
0xf3: {  	_ =	swait.ge [sflag:s24], $0x2800  }
0xf4: {  	s31 =	sadd.s32 $0x64, s31;
	s7 =	sadd.s32 $0x8C0, s19;
	[sflag:s24] =	ssyncset.done $0x0  }
.Ltmp7:
0xf5: {  	(pc) =	sbr.rel .LBB2_14-.Ltmp7, $3  }
0xf6: {  	_ =	sdelay $0x1  }
0xf7: {  	[sflag:s24] =	ssyncadd.s32 $0xFFFFD800  }
0xf8: {  	[spmem:s1] =	stream.indirect.scatter.add.f32 [tilespmem:s17], [sflag:$0x3], $0x80, s7, s22, $0xb8;
	[tilespmem:$0x19500] =	vst v63  }
.LBB2_8:
0xf9: {  	s6 =	simm.s32 $0x0;
	s3 =	rddreg [dreg:$0x5]  }
0xfa: {  	[tilespmem:s6], [sflag:$0x5] =	stream.linear.gather [hbm4b:s3+s6], $0x320, $0x38;
	[tilespmem:$0x19500] =	vst v63  }
0xfb: {  	s29 =	rddreg [dreg:$0x6];
	s7 =	simm.s32 $0x640  }
0xfc: {  	[tilespmem:s7], [sflag:$0x6] =	stream.linear.gather [hbm4b:s29+s6], $0x320, $0x38;
	[tilespmem:$0x19500] =	vst v63  }
0xfd: {  	_ =	swait.ge [sflag:s20], $0x320  }
0xfe: {  	[sflag:s20] =	ssyncset.done $0x0  }
0xff: {  	p2 =	por $0x0, $0x0;
	[sflag:s20] =	ssyncadd.s32 $0xFFFFFCE0  }
0x100: {  	s30 =	simm.s32 $0x1;
	s19 =	simm.s32 @p2 $0x3;
	_ =	swait.ge [sflag:s21], $0x320  }
0x101: {  	s12 =	simm.s32 @p2 $0x320;
	s8 =	simm.s32 @p2 $0x50;
	[sflag:s21] =	ssyncset.done $0x0  }
0x102: {  	s7 =	sand.u32 $0x1, s30;
	s6 =	sand.u32 @p2 $0x1, s6;
	[sflag:s21] =	ssyncadd.s32 $0xFFFFFCE0  }
0x103: {  	s31 =	smul.u32 @p2 $0xC80, s7;
	p3 =	seq.s32 @p2 s6, $0x1;
	_ =	swait.ge @p2 [sflag:s19], $0x2800  }
0x104: {  	s6 =	simm.s32 @p2 $0xC80;
	p3 =	por !p3, !p2;
	[sflag:s19] =	ssyncset.done @p2 $0x0  }
0x105: {  	s12 =	simm.s32 @p3 $0x0;
	[sflag:s19] =	ssyncadd.s32 @p2 $0xFFFFD800;
	s19 =	simm.s32 @p2 $0x2  }
0x106: {  	[tilespmem:s6], [sflag:$0x1] =	stream.indirect.gather @p2 [hbm4b:s4+s8], $0x80, s12, s8, $0xb8;
	[tilespmem:$0x19500] =	vst v63  }
0x107: {  	_ =	swait.ge @p2 [sflag:s19], $0x2800  }
0x108: {  	s6 =	sshrl.u32 @p2 s31, $0x2;
	s31 =	simm.s32 @p2 $0x3480;
	[sflag:s19] =	ssyncset.done @p2 $0x0  }
0x109: {  	s6 =	sadd.s32 @p2 $0x910, s6;
	[sflag:s19] =	ssyncadd.s32 @p2 $0xFFFFD800;
	s19 =	simm.s32 @p2 $0x4  }
0x10a: {  	[spmem:s1] =	stream.indirect.scatter.add.f32 @p2 [tilespmem:s31], [sflag:$0x4], $0x80, s6, s8, $0xb8;
	[tilespmem:$0x19500] =	vst v63  }
0x10b: {  	_ =	swait.ge @p2 [sflag:s19], $0x2800  }
0x10c: {  	s12 =	simm.s32 @!p2 $0x0;
	s6 =	simm.s32 @!p2 $0xC80;
	[sflag:s19] =	ssyncset.done @p2 $0x0  }
0x10d: {  	s8 =	simm.s32 @!p2 $0x50;
	s31 =	simm.s32 @!p2 $0x0;
	[sflag:s19] =	ssyncadd.s32 @p2 $0xFFFFD800  }
0x10e: {  	[tilespmem:s6], [sflag:$0x1] =	stream.indirect.gather @!p2 [hbm4b:s4+s8], $0x80, s31, s8, $0xb8;
	[tilespmem:$0x19500] =	vst v63  }
0x10f: {  	s3 =	sor.u32 $0x50, s12  }
0x110: {  	[tilespmem:s23], [sflag:$0x2] =	stream.indirect.gather [hbm4b:s4+s22], $0x80, s3, s22, $0xb8;
	[tilespmem:$0x19500] =	vst v63  }
0x111: {  	_ =	swait.ge [sflag:s24], $0x2800  }
0x112: {  	[sflag:s24] =	ssyncset.done $0x0  }
0x113: {  	s8 =	sadd.s32 $0x640, s12;
	[sflag:s24] =	ssyncadd.s32 $0xFFFFD800  }
0x114: {  	[spmem:s1] =	stream.indirect.scatter.add.f32 [tilespmem:s17], [sflag:$0x3], $0x80, s8, s22, $0xb8;
	[tilespmem:$0x19500] =	vst v63  }
0x115: {  	_ =	swait.ge [sflag:s25], $0x2800  }
0x116: {  	[sflag:s25] =	ssyncset.done $0x0  }
0x117: {  	s9 =	sadd.s32 $0xA0, s12;
	[sflag:s25] =	ssyncadd.s32 $0xFFFFD800  }
0x118: {  	[tilespmem:s17], [sflag:$0x1] =	stream.indirect.gather [hbm4b:s4+s22], $0x80, s9, s22, $0xb8;
	[tilespmem:$0x19500] =	vst v63  }
0x119: {  	_ =	swait.ge [sflag:s26], $0x2800  }
0x11a: {  	[sflag:s26] =	ssyncset.done $0x0  }
0x11b: {  	s29 =	sadd.s32 $0x690, s12;
	[sflag:s26] =	ssyncadd.s32 $0xFFFFD800  }
0x11c: {  	[spmem:s1] =	stream.indirect.scatter.add.f32 [tilespmem:s23], [sflag:$0x4], $0x80, s29, s22, $0xb8;
	[tilespmem:$0x19500] =	vst v63  }
0x11d: {  	_ =	swait.ge [sflag:s28], $0x2800  }
0x11e: {  	p2 =	por $0x0, $0x0;
	[sflag:s28] =	ssyncset.done $0x0  }
0x11f: {  	s7 =	smul.u32 @!p2 $0x320, s7;
	s3 =	sadd.s32 $0xF0, s12;
	[sflag:s28] =	ssyncadd.s32 $0xFFFFD800  }
0x120: {  	[tilespmem:s23], [sflag:$0x2] =	stream.indirect.gather [hbm4b:s4+s22], $0x80, s3, s22, $0xb8;
	[tilespmem:$0x19500] =	vst v63  }
0x121: {  	s19 =	simm.s32 @!p2 $0x0  }
0x122: {  	[tilespmem:s7], [sflag:$0x5] =	stream.linear.gather @!p2 [hbm4b:s13+s19], $0x320, $0x38;
	[tilespmem:$0x19500] =	vst v63  }
0x123: {  	s7 =	sadd.s32 @!p2 $0x640, s7  }
0x124: {  	[tilespmem:s7], [sflag:$0x6] =	stream.linear.gather @!p2 [hbm4b:s0+s19], $0x320, $0x38;
	[tilespmem:$0x19500] =	vst v63  }
0x125: {  	_ =	swait.ge [sflag:s24], $0x2800  }
0x126: {  	[sflag:s24] =	ssyncset.done $0x0  }
0x127: {  	s6 =	sadd.s32 $0x640, s9;
	[sflag:s24] =	ssyncadd.s32 $0xFFFFD800  }
0x128: {  	[spmem:s1] =	stream.indirect.scatter.add.f32 [tilespmem:s17], [sflag:$0x3], $0x80, s6, s22, $0xb8;
	[tilespmem:$0x19500] =	vst v63  }
0x129: {  	_ =	swait.ge [sflag:s25], $0x2800  }
0x12a: {  	[sflag:s25] =	ssyncset.done $0x0  }
0x12b: {  	s7 =	sadd.s32 $0x140, s12;
	[sflag:s25] =	ssyncadd.s32 $0xFFFFD800  }
0x12c: {  	[tilespmem:s17], [sflag:$0x1] =	stream.indirect.gather [hbm4b:s4+s22], $0x80, s7, s22, $0xb8;
	[tilespmem:$0x19500] =	vst v63  }
0x12d: {  	_ =	swait.ge [sflag:s26], $0x2800  }
0x12e: {  	[sflag:s26] =	ssyncset.done $0x0  }
0x12f: {  	s8 =	sadd.s32 $0x640, s3;
	[sflag:s26] =	ssyncadd.s32 $0xFFFFD800  }
0x130: {  	[spmem:s1] =	stream.indirect.scatter.add.f32 [tilespmem:s23], [sflag:$0x4], $0x80, s8, s22, $0xb8;
	[tilespmem:$0x19500] =	vst v63  }
0x131: {  	_ =	swait.ge [sflag:s28], $0x2800  }
0x132: {  	[sflag:s28] =	ssyncset.done $0x0  }
0x133: {  	s9 =	sadd.s32 $0x190, s12;
	[sflag:s28] =	ssyncadd.s32 $0xFFFFD800  }
0x134: {  	[tilespmem:s23], [sflag:$0x2] =	stream.indirect.gather [hbm4b:s4+s22], $0x80, s9, s22, $0xb8;
	[tilespmem:$0x19500] =	vst v63  }
0x135: {  	_ =	swait.ge [sflag:s24], $0x2800  }
0x136: {  	[sflag:s24] =	ssyncset.done $0x0  }
0x137: {  	s19 =	sadd.s32 $0x780, s12;
	[sflag:s24] =	ssyncadd.s32 $0xFFFFD800  }
0x138: {  	[spmem:s1] =	stream.indirect.scatter.add.f32 [tilespmem:s17], [sflag:$0x3], $0x80, s19, s22, $0xb8;
	[tilespmem:$0x19500] =	vst v63  }
0x139: {  	_ =	swait.ge [sflag:s25], $0x2800  }
0x13a: {  	[sflag:s25] =	ssyncset.done $0x0  }
0x13b: {  	s29 =	sadd.s32 $0x1E0, s12;
	[sflag:s25] =	ssyncadd.s32 $0xFFFFD800  }
0x13c: {  	[tilespmem:s17], [sflag:$0x1] =	stream.indirect.gather [hbm4b:s4+s22], $0x80, s29, s22, $0xb8;
	[tilespmem:$0x19500] =	vst v63  }
0x13d: {  	_ =	swait.ge [sflag:s26], $0x2800  }
0x13e: {  	[sflag:s26] =	ssyncset.done $0x0  }
0x13f: {  	s3 =	sadd.s32 $0x7D0, s12;
	[sflag:s26] =	ssyncadd.s32 $0xFFFFD800  }
0x140: {  	[spmem:s1] =	stream.indirect.scatter.add.f32 [tilespmem:s23], [sflag:$0x4], $0x80, s3, s22, $0xb8;
	[tilespmem:$0x19500] =	vst v63  }
0x141: {  	_ =	swait.ge [sflag:s28], $0x2800  }
0x142: {  	[sflag:s28] =	ssyncset.done $0x0  }
0x143: {  	s7 =	sadd.s32 $0x230, s12;
	[sflag:s28] =	ssyncadd.s32 $0xFFFFD800  }
0x144: {  	[tilespmem:s23], [sflag:$0x2] =	stream.indirect.gather [hbm4b:s4+s22], $0x80, s7, s22, $0xb8;
	[tilespmem:$0x19500] =	vst v63  }
0x145: {  	_ =	swait.ge [sflag:s24], $0x2800  }
0x146: {  	[sflag:s24] =	ssyncset.done $0x0  }
0x147: {  	s8 =	sadd.s32 $0x820, s12;
	[sflag:s24] =	ssyncadd.s32 $0xFFFFD800  }
0x148: {  	[spmem:s1] =	stream.indirect.scatter.add.f32 [tilespmem:s17], [sflag:$0x3], $0x80, s8, s22, $0xb8;
	[tilespmem:$0x19500] =	vst v63  }
0x149: {  	_ =	swait.ge [sflag:s25], $0x2800  }
0x14a: {  	[sflag:s25] =	ssyncset.done $0x0  }
0x14b: {  	s9 =	sadd.s32 $0x280, s12;
	[sflag:s25] =	ssyncadd.s32 $0xFFFFD800  }
0x14c: {  	[tilespmem:s17], [sflag:$0x1] =	stream.indirect.gather [hbm4b:s4+s22], $0x80, s9, s22, $0xb8;
	[tilespmem:$0x19500] =	vst v63  }
0x14d: {  	_ =	swait.ge [sflag:s26], $0x2800  }
0x14e: {  	[sflag:s26] =	ssyncset.done $0x0  }
0x14f: {  	s19 =	sadd.s32 $0x870, s12;
	[sflag:s26] =	ssyncadd.s32 $0xFFFFD800  }
0x150: {  	[spmem:s1] =	stream.indirect.scatter.add.f32 [tilespmem:s23], [sflag:$0x4], $0x80, s19, s22, $0xb8;
	[tilespmem:$0x19500] =	vst v63  }
0x151: {  	_ =	swait.ge [sflag:s28], $0x2800  }
0x152: {  	[sflag:s28] =	ssyncset.done $0x0  }
0x153: {  	s29 =	sadd.s32 $0x2D0, s12;
	[sflag:s28] =	ssyncadd.s32 $0xFFFFD800  }
0x154: {  	[tilespmem:s23], [sflag:$0x2] =	stream.indirect.gather [hbm4b:s4+s22], $0x80, s29, s22, $0xb8;
	[tilespmem:$0x19500] =	vst v63  }
0x155: {  	s31 =	sadd.s32 $0x64, s13;
	_ =	swait.ge [sflag:s24], $0x2800  }
0x156: {  	s7 =	sadd.s32 $0x8C0, s12;
	s12 =	smov.u32 s0;
	[sflag:s24] =	ssyncset.done $0x0  }
.LBB2_9:
0x157: {  	[sflag:s24] =	ssyncadd.s32 $0xFFFFD800  }
0x158: {  	s12 =	sadd.s32 $0x64, s12;
	s6 =	smov.u32 s30;
	s30 =	sadd.s32 $0x1, s30  }
0x159: {  	[spmem:s1] =	stream.indirect.scatter.add.f32 [tilespmem:s17], [sflag:$0x3], $0x80, s7, s22, $0xb8;
	[tilespmem:$0x19500] =	vst v63  }
0x15a: {  	s7 =	sand.u32 $0x1, s30;
	p2 =	seq.s32 s30, $0x19;
	_ =	swait.ge [sflag:s20], $0x320  }
0x15b: {  	[sflag:s20] =	ssyncset.done $0x0  }
0x15c: {  	[sflag:s20] =	ssyncadd.s32 $0xFFFFFCE0  }
0x15d: {  	p3 =	sne.s32 s6, $0x0;
	_ =	swait.ge [sflag:s21], $0x320  }
0x15e: {  	s8 =	simm.s32 @p3 $0x3;
	s19 =	simm.s32 @p3 $0x320;
	[sflag:s21] =	ssyncset.done $0x0  }
0x15f: {  	s29 =	sand.u32 @p3 $0x1, s6;
	s9 =	smul.u32 @p3 $0xC80, s7;
	[sflag:s21] =	ssyncadd.s32 $0xFFFFFCE0  }
0x160: {  	p4 =	seq.s32 @p3 s29, $0x1;
	s29 =	simm.s32 @p3 $0xC80;
	_ =	swait.ge @p3 [sflag:s8], $0x2800  }
0x161: {  	s3 =	simm.s32 @p3 $0x50;
	p4 =	por !p4, !p3;
	[sflag:s8] =	ssyncset.done @p3 $0x0  }
0x162: {  	s19 =	simm.s32 @p4 $0x0;
	[sflag:s8] =	ssyncadd.s32 @p3 $0xFFFFD800;
	s8 =	simm.s32 @p3 $0x2  }
0x163: {  	[tilespmem:s29], [sflag:$0x1] =	stream.indirect.gather @p3 [hbm4b:s4+s3], $0x80, s19, s3, $0xb8;
	[tilespmem:$0x19500] =	vst v63  }
0x164: {  	s9 =	sshrl.u32 @p3 s9, $0x2;
	_ =	swait.ge @p3 [sflag:s8], $0x2800  }
0x165: {  	s9 =	sadd.s32 @p3 $0x910, s9;
	s29 =	simm.s32 @p3 $0x3480;
	[sflag:s8] =	ssyncset.done @p3 $0x0  }
0x166: {  	[sflag:s8] =	ssyncadd.s32 @p3 $0xFFFFD800;
	s8 =	simm.s32 @p3 $0x4  }
0x167: {  	[spmem:s1] =	stream.indirect.scatter.add.f32 @p3 [tilespmem:s29], [sflag:$0x4], $0x80, s9, s3, $0xb8;
	[tilespmem:$0x19500] =	vst v63  }
0x168: {  	s19 =	simm.s32 @!p3 $0x0;
	s3 =	simm.s32 @!p3 $0xC80;
	_ =	swait.ge @p3 [sflag:s8], $0x2800  }
0x169: {  	s9 =	simm.s32 @!p3 $0x50;
	s29 =	simm.s32 @!p3 $0x0;
	[sflag:s8] =	ssyncset.done @p3 $0x0  }
0x16a: {  	[sflag:s8] =	ssyncadd.s32 @p3 $0xFFFFD800;
	s8 =	sor.u32 $0x50, s19  }
0x16b: {  	[tilespmem:s3], [sflag:$0x1] =	stream.indirect.gather @!p3 [hbm4b:s4+s9], $0x80, s29, s9, $0xb8;
	[tilespmem:$0x19500] =	vst v63  }
0x16c: {  	_ = 	snop  }
0x16d: {  	[tilespmem:s23], [sflag:$0x2] =	stream.indirect.gather [hbm4b:s4+s22], $0x80, s8, s22, $0xb8;
	[tilespmem:$0x19500] =	vst v63  }
0x16e: {  	_ =	swait.ge [sflag:s24], $0x2800  }
0x16f: {  	s3 =	sadd.s32 $0x640, s19;
	[sflag:s24] =	ssyncset.done $0x0  }
0x170: {  	[sflag:s24] =	ssyncadd.s32 $0xFFFFD800  }
0x171: {  	[spmem:s1] =	stream.indirect.scatter.add.f32 [tilespmem:s17], [sflag:$0x3], $0x80, s3, s22, $0xb8;
	[tilespmem:$0x19500] =	vst v63  }
0x172: {  	_ =	swait.ge [sflag:s25], $0x2800  }
0x173: {  	s3 =	sadd.s32 $0xA0, s19;
	[sflag:s25] =	ssyncset.done $0x0  }
0x174: {  	[sflag:s25] =	ssyncadd.s32 $0xFFFFD800  }
0x175: {  	[tilespmem:s17], [sflag:$0x1] =	stream.indirect.gather [hbm4b:s4+s22], $0x80, s3, s22, $0xb8;
	[tilespmem:$0x19500] =	vst v63  }
0x176: {  	_ =	swait.ge [sflag:s26], $0x2800  }
0x177: {  	s8 =	sadd.s32 $0x690, s19;
	[sflag:s26] =	ssyncset.done $0x0  }
0x178: {  	[sflag:s26] =	ssyncadd.s32 $0xFFFFD800  }
0x179: {  	[spmem:s1] =	stream.indirect.scatter.add.f32 [tilespmem:s23], [sflag:$0x4], $0x80, s8, s22, $0xb8;
	[tilespmem:$0x19500] =	vst v63  }
0x17a: {  	_ =	swait.ge [sflag:s28], $0x2800  }
0x17b: {  	p3 =	seq.s32 s6, $0x18;
	s8 =	sadd.s32 $0xF0, s19;
	[sflag:s28] =	ssyncset.done $0x0  }
0x17c: {  	s6 =	smul.u32 @!p3 $0x320, s7;
	s7 =	simm.s32 @!p3 $0x0;
	[sflag:s28] =	ssyncadd.s32 $0xFFFFD800  }
0x17d: {  	[tilespmem:s23], [sflag:$0x2] =	stream.indirect.gather [hbm4b:s4+s22], $0x80, s8, s22, $0xb8;
	[tilespmem:$0x19500] =	vst v63  }
0x17e: {  	s9 =	sadd.s32 @!p3 $0x640, s6  }
0x17f: {  	[tilespmem:s6], [sflag:$0x5] =	stream.linear.gather @!p3 [hbm4b:s31+s7], $0x320, $0x38;
	[tilespmem:$0x19500] =	vst v63  }
0x180: {  	_ = 	snop  }
0x181: {  	[tilespmem:s9], [sflag:$0x6] =	stream.linear.gather @!p3 [hbm4b:s12+s7], $0x320, $0x38;
	[tilespmem:$0x19500] =	vst v63  }
0x182: {  	_ =	swait.ge [sflag:s24], $0x2800  }
0x183: {  	s3 =	sadd.s32 $0x640, s3;
	[sflag:s24] =	ssyncset.done $0x0  }
0x184: {  	[sflag:s24] =	ssyncadd.s32 $0xFFFFD800  }
0x185: {  	[spmem:s1] =	stream.indirect.scatter.add.f32 [tilespmem:s17], [sflag:$0x3], $0x80, s3, s22, $0xb8;
	[tilespmem:$0x19500] =	vst v63  }
0x186: {  	_ =	swait.ge [sflag:s25], $0x2800  }
0x187: {  	s3 =	sadd.s32 $0x140, s19;
	[sflag:s25] =	ssyncset.done $0x0  }
0x188: {  	[sflag:s25] =	ssyncadd.s32 $0xFFFFD800  }
0x189: {  	[tilespmem:s17], [sflag:$0x1] =	stream.indirect.gather [hbm4b:s4+s22], $0x80, s3, s22, $0xb8;
	[tilespmem:$0x19500] =	vst v63  }
0x18a: {  	_ =	swait.ge [sflag:s26], $0x2800  }
0x18b: {  	s3 =	sadd.s32 $0x640, s8;
	[sflag:s26] =	ssyncset.done $0x0  }
0x18c: {  	[sflag:s26] =	ssyncadd.s32 $0xFFFFD800  }
0x18d: {  	[spmem:s1] =	stream.indirect.scatter.add.f32 [tilespmem:s23], [sflag:$0x4], $0x80, s3, s22, $0xb8;
	[tilespmem:$0x19500] =	vst v63  }
0x18e: {  	_ =	swait.ge [sflag:s28], $0x2800  }
0x18f: {  	s3 =	sadd.s32 $0x190, s19;
	[sflag:s28] =	ssyncset.done $0x0  }
0x190: {  	[sflag:s28] =	ssyncadd.s32 $0xFFFFD800  }
0x191: {  	[tilespmem:s23], [sflag:$0x2] =	stream.indirect.gather [hbm4b:s4+s22], $0x80, s3, s22, $0xb8;
	[tilespmem:$0x19500] =	vst v63  }
0x192: {  	_ =	swait.ge [sflag:s24], $0x2800  }
0x193: {  	s3 =	sadd.s32 $0x780, s19;
	[sflag:s24] =	ssyncset.done $0x0  }
0x194: {  	[sflag:s24] =	ssyncadd.s32 $0xFFFFD800  }
0x195: {  	[spmem:s1] =	stream.indirect.scatter.add.f32 [tilespmem:s17], [sflag:$0x3], $0x80, s3, s22, $0xb8;
	[tilespmem:$0x19500] =	vst v63  }
0x196: {  	_ =	swait.ge [sflag:s25], $0x2800  }
0x197: {  	s3 =	sadd.s32 $0x1E0, s19;
	[sflag:s25] =	ssyncset.done $0x0  }
0x198: {  	[sflag:s25] =	ssyncadd.s32 $0xFFFFD800  }
0x199: {  	[tilespmem:s17], [sflag:$0x1] =	stream.indirect.gather [hbm4b:s4+s22], $0x80, s3, s22, $0xb8;
	[tilespmem:$0x19500] =	vst v63  }
0x19a: {  	_ =	swait.ge [sflag:s26], $0x2800  }
0x19b: {  	s3 =	sadd.s32 $0x7D0, s19;
	[sflag:s26] =	ssyncset.done $0x0  }
0x19c: {  	[sflag:s26] =	ssyncadd.s32 $0xFFFFD800  }
0x19d: {  	[spmem:s1] =	stream.indirect.scatter.add.f32 [tilespmem:s23], [sflag:$0x4], $0x80, s3, s22, $0xb8;
	[tilespmem:$0x19500] =	vst v63  }
0x19e: {  	_ =	swait.ge [sflag:s28], $0x2800  }
0x19f: {  	s3 =	sadd.s32 $0x230, s19;
	[sflag:s28] =	ssyncset.done $0x0  }
0x1a0: {  	[sflag:s28] =	ssyncadd.s32 $0xFFFFD800  }
0x1a1: {  	[tilespmem:s23], [sflag:$0x2] =	stream.indirect.gather [hbm4b:s4+s22], $0x80, s3, s22, $0xb8;
	[tilespmem:$0x19500] =	vst v63  }
0x1a2: {  	_ =	swait.ge [sflag:s24], $0x2800  }
0x1a3: {  	s3 =	sadd.s32 $0x820, s19;
	[sflag:s24] =	ssyncset.done $0x0  }
0x1a4: {  	[sflag:s24] =	ssyncadd.s32 $0xFFFFD800  }
0x1a5: {  	[spmem:s1] =	stream.indirect.scatter.add.f32 [tilespmem:s17], [sflag:$0x3], $0x80, s3, s22, $0xb8;
	[tilespmem:$0x19500] =	vst v63  }
0x1a6: {  	_ =	swait.ge [sflag:s25], $0x2800  }
0x1a7: {  	s3 =	sadd.s32 $0x280, s19;
	[sflag:s25] =	ssyncset.done $0x0  }
0x1a8: {  	[sflag:s25] =	ssyncadd.s32 $0xFFFFD800  }
0x1a9: {  	[tilespmem:s17], [sflag:$0x1] =	stream.indirect.gather [hbm4b:s4+s22], $0x80, s3, s22, $0xb8;
	[tilespmem:$0x19500] =	vst v63  }
0x1aa: {  	_ =	swait.ge [sflag:s26], $0x2800  }
0x1ab: {  	s3 =	sadd.s32 $0x870, s19;
	[sflag:s26] =	ssyncset.done $0x0  }
0x1ac: {  	[sflag:s26] =	ssyncadd.s32 $0xFFFFD800  }
0x1ad: {  	[spmem:s1] =	stream.indirect.scatter.add.f32 [tilespmem:s23], [sflag:$0x4], $0x80, s3, s22, $0xb8;
	[tilespmem:$0x19500] =	vst v63  }
0x1ae: {  	_ =	swait.ge [sflag:s28], $0x2800  }
.Ltmp8:
0x1af: {  	s3 =	sadd.s32 $0x2D0, s19;
	[sflag:s28] =	ssyncset.done $0x0;
	(pc) =	sbr.rel @!p2 .LBB2_9-.Ltmp8, $4  }
0x1b0: {  	[sflag:s28] =	ssyncadd.s32 $0xFFFFD800  }
0x1b1: {  	[tilespmem:s23], [sflag:$0x2] =	stream.indirect.gather [hbm4b:s4+s22], $0x80, s3, s22, $0xb8;
	[tilespmem:$0x19500] =	vst v63  }
0x1b2: {  	_ =	swait.ge [sflag:s24], $0x2800  }
0x1b3: {  	s31 =	sadd.s32 $0x64, s31;
	s7 =	sadd.s32 $0x8C0, s19;
	[sflag:s24] =	ssyncset.done $0x0  }
0x1b4: {  	[sflag:s24] =	ssyncadd.s32 $0xFFFFD800  }
0x1b5: {  	[spmem:s1] =	stream.indirect.scatter.add.f32 [tilespmem:s17], [sflag:$0x3], $0x80, s7, s22, $0xb8;
	[tilespmem:$0x19500] =	vst v63  }
.LBB2_14:
0x1b6: {  	_ =	swait.ge [sflag:s26], $0x2800  }
0x1b7: {  	[sflag:s26] =	ssyncset.done $0x0  }
0x1b8: {  	s3 =	simm.s32 $0x910;
	[sflag:s26] =	ssyncadd.s32 $0xFFFFD800  }
0x1b9: {  	[spmem:s1] =	stream.indirect.scatter.add.f32 [tilespmem:s23], [sflag:$0x4], $0x80, s3, s22, $0xb8;
	[tilespmem:$0x19500] =	vst v63  }
0x1ba: {  	_ =	swait.ge [sflag:s25], $0x2800  }
0x1bb: {  	[sflag:s25] =	ssyncset.done $0x0  }
0x1bc: {  	[sflag:s25] =	ssyncadd.s32 $0xFFFFD800  }
.Ltmp9:
0x1bd: {  	s30 =	stileid.u32;
	_ =	swait.ge [sflag:s28], $0x2800;
	(pc) =	sbr.rel @!p1 .LBB2_16-.Ltmp9, $4  }
0x1be: {  	s31 =	sshrl.u32 s11, $0x3;
	s7 =	sadd.s32 $0xFFFFFFFF, s5;
	[sflag:s28] =	ssyncset.done $0x0  }
0x1bf: {  	s12 =	sadd.s32 $0x28000, s11;
	s3 =	sshll.u32 s30, $0x6;
	[sflag:s28] =	ssyncadd.s32 $0xFFFFD800  }
0x1c0: {  	s19 =	smov.u32 s16;
	s6 =	sor.u32 $0x1C07, s3;
	[bflag:$0x0] =	sbarrier.arrive $0xFFFF  }
0x1c1: {  	[hbm:s16], [sflag:s6] =	dma.local [spmem:s31], $0x500  }
.LBB2_15:
0x1c2: {  	p2 =	sne.s32 s7, $0x1;
	s7 =	sadd.s32 $0xFFFFFFFF, s7  }
.Ltmp10:
0x1c3: {  	s3 =	sshrl.u32 s12, $0x3;
	s19 =	sadd.s32 $0x5000, s19;
	(pc) =	sbr.rel @p2 .LBB2_15-.Ltmp10, $3  }
0x1c4: {  	[hbm:s19], [sflag:s6] =	dma.local [spmem:s3], $0x500  }
0x1c5: {  	_ =	sdelay $0x1  }
0x1c6: {  	s12 =	sadd.s32 $0x28000, s12  }
.LBB2_16:
.Ltmp11:
0x1c7: {  	(pc) =	sbr.rel @!p1 .LBB2_18-.Ltmp11, $3  }
0x1c8: {  	_ =	sdelay $0x1  }
0x1c9: {  	_ =	swait.ge [sflag:s18], $0x500  }
0x1ca: {  	s6 =	sadd.s32 $0xFFFFFFFF, s5;
	[sflag:s18] =	ssyncset.done $0x0  }
.LBB2_17:
0x1cb: {  	p1 =	sne.s32 s6, $0x1;
	s6 =	sadd.s32 $0xFFFFFFFF, s6;
	[sflag:s18] =	ssyncadd.s32 $0xFFFFFB00  }
.Ltmp12:
0x1cc: {  	(pc) =	sbr.rel @p1 .LBB2_17-.Ltmp12, $3  }
0x1cd: {  	_ =	sdelay $0x1  }
0x1ce: {  	_ =	swait.ge [sflag:s18], $0x500  }
0x1cf: {  	[sflag:s18] =	ssyncset.done $0x0  }
.LBB2_18:
0x1d0: {  	s2 =	sadd.s32 $0x1, s2  }
0x1d1: {  	p1 =	sne.s32 s2, s10  }
.Ltmp13:
0x1d2: {  	_ = 	snop;
	(pc) =	sbr.rel @p1 .LBB2_1-.Ltmp13, $2  }
0x1d3: {  	_ =	sdelay $0x2  }
0x1d4: {  	[sflag:s18] =	ssyncadd.s32 $0xFFFFFB00  }
0x1d5: {  	_ =	sfence.sel $0x180000  }
0x1d6: {  	[bflag:$0x0] =	sbarrier.arrive $0xFFFF  }
0x1d7: {  	_ =	strace $0x9000004A  }
0x1d8: {  	s0 =	stileid.u32;
	[bflag:$0x2] =	sbarrier.arrive $0xFFFF  }
0x1d9: {  	p0 =	sne.s32 s0, $0x0;
	s0 =	rddreg [dreg:$0x4]  }
0x1da: {  	s0 =	sadd.s32 @!p0 $0x100000, s0  }
0x1db: {  	[sflag:s0] =	ssyncadd.tile.s32 @!p0 $0x1;
	_ =	shalt  }
.Lfunc_end2:
_tile_overlayer_lowered:
.L_overlay_start_2:
0x1dc: {  	(tag) =	ssettag $0x2  }
0x1dd: {  	s0 =	rddreg [dreg:$0x0];
	s2 =	stileid.u32  }
0x1de: {  	s1 =	rddreg [dreg:$0x1];
	p0 =	sne.s32 s2, $0x0  }
0x1df: {  	s3 =	rddreg [dreg:$0x2];
	[bflag:$0x3] =	sbarrier.arrive $0xFFFF;
	s2 =	simm.s32 @!p0 $0x1C08  }
0x1e0: {  	[timem:s3], [sflag:s2] =	dma.local @!p0 [hbm:s0], s1  }
0x1e1: {  	s0 =	simm.s32 @!p0 $0x8  }
0x1e2: {  	_ =	swait.ge @!p0 [sflag:s0], s1  }
0x1e3: {  	s1 =	ssub.s32 @!p0 $0x0, s1;
	[sflag:s0] =	ssyncset.done @!p0 $0x0  }
0x1e4: {  	[sflag:s0] =	ssyncadd.s32 @!p0 s1  }
0x1e5: {  	[bflag:$0x3] =	sbarrier.arrive $0xFFFF  }
0x1e6: {  	_ =	shalt  }

</sc_bundles>
